<compile_context>
chip_gen: v7x
topology: tpu7x:2x2x1
jax: 0.10.2.dev20260603
libtpu: 0.0.44.dev20260713+nightly
codegen_flags: <defaults>
</compile_context>

<pallas_src>
import functools

import jax
import jax.numpy as jnp
from jax import lax
from jax.experimental import pallas as pl
from jax.experimental.pallas import tpu as pltpu
from jax.experimental.pallas import tpu_sc as plsc

S = 20480
SEQ_LEN = 10
H_DIM = 128
EMBD_RANK = 64
N = 320000
B = 2048
N_ENT = 10000
N_REL = 500

NC = 2
NS = 16

AC = 72
SROWS = 20608
SLAB = SROWS // NS
MBLK = 56
NMB = SLAB // MBLK
RPT = N // NS
RB1 = 80
NRB = RPT // RB1
NPAIR = NRB // 2
RB2 = 80
QPT = (B * SEQ_LEN) // NS
NQB = QPT // RB2


def _body(emb, sids, dt_ext, ent_ext, rel_ext, idxf, eidx, ridx, onespad,
          zer, full, dtout, acc, rbufA, rbufB, idxbA, idxbB, mbuf, dtb,
          ebuf, eixb, semL, semAA, semAB, semG2):
    cid = lax.axis_index("c")
    sid = lax.axis_index("s")
    col0 = cid * 64

    pltpu.sync_copy(zer, acc.at[pl.ds(sid * SLAB, SLAB), :])
    pltpu.sync_copy(onespad, rbufA.at[:, 64:AC])
    pltpu.sync_copy(onespad, rbufB.at[:, 64:AC])
    plsc.subcore_barrier()

    def loads(buf, ib, i):
        r0 = sid * RPT + i * RB1
        return (
            pltpu.make_async_copy(
                emb.at[pl.ds(r0, RB1), pl.ds(col0, 64)], buf.at[:, 0:64],
                semL),
            pltpu.make_async_copy(sids.at[pl.ds(r0, RB1)], ib, semL),
        )

    def start_loads(buf, ib, i):
        for d in loads(buf, ib, i):
            d.start()

    def wait_loads(buf, ib, i):
        for d in loads(buf, ib, i):
            d.wait()

    start_loads(rbufA, idxbA, 0)

    def pair(j, _):
        @pl.when(j > 0)
        def _():
            pltpu.make_async_copy(rbufB, acc.at[idxbB], semAB).wait()

        start_loads(rbufB, idxbB, 2 * j + 1)
        wait_loads(rbufA, idxbA, 2 * j)
        pltpu.async_copy(rbufA, acc.at[idxbA], semAA, add=True)
        pltpu.make_async_copy(rbufA, acc.at[idxbA], semAA).wait()

        @pl.when(j < NPAIR - 1)
        def _():
            start_loads(rbufA, idxbA, 2 * j + 2)

        wait_loads(rbufB, idxbB, 2 * j + 1)
        pltpu.async_copy(rbufB, acc.at[idxbB], semAB, add=True)
        return 0

    lax.fori_loop(0, NPAIR, pair, 0)
    pltpu.make_async_copy(rbufB, acc.at[idxbB], semAB).wait()
    plsc.subcore_barrier()

    lanes = lax.iota(jnp.int32, 16)

    def scale_row(r, _):
        v = mbuf[r, 56:72]
        rv = 1.0 / jnp.maximum(v, 1.0)
        s = rv[8]
        for j in range(4):
            mbuf[r, j * 16:(j + 1) * 16] = mbuf[r, j * 16:(j + 1) * 16] * s
        w = mbuf[r, 56:72]
        dtv = dtb[pl.ds(r, 16)]
        mbuf[r, 56:72] = jnp.where(lanes < 8, w, dtv)
        return 0

    for b in range(NMB):
        row0 = sid * SLAB + b * MBLK
        dm = pltpu.async_copy(acc.at[pl.ds(row0, MBLK), :], mbuf, semL)
        dd = pltpu.async_copy(dt_ext.at[pl.ds(row0, MBLK)],
                              dtb.at[pl.ds(8, MBLK)], semG2)
        dm.wait()
        dd.wait()
        lax.fori_loop(0, MBLK, scale_row, 0)
        pltpu.sync_copy(mbuf, acc.at[pl.ds(row0, MBLK), :])
    plsc.subcore_barrier()

    def p2(k, _):
        k0 = sid * QPT + k * RB2
        pltpu.sync_copy(idxf.at[pl.ds(k0, RB2)], idxbA)
        gm = pltpu.async_copy(acc.at[idxbA], rbufA, semL)

        @pl.when(cid == 0)
        def _():
            pltpu.sync_copy(eidx.at[pl.ds(k0, RB2)], eixb)
            pltpu.async_copy(ent_ext.at[eixb], ebuf, semG2)

        @pl.when(cid == 1)
        def _():
            pltpu.sync_copy(ridx.at[pl.ds(k0, RB2)], eixb)
            pltpu.async_copy(rel_ext.at[eixb], ebuf, semG2)

        gm.wait()

        @pl.when(cid == 0)
        def _():
            pltpu.sync_copy(rbufA.at[:, 0:64], full.at[pl.ds(k0, RB2), 0:64])
            pltpu.sync_copy(rbufA.at[:, 64:65], dtout.at[pl.ds(k0, RB2), :])
            pltpu.make_async_copy(ent_ext.at[eixb], ebuf, semG2).wait()
            pltpu.sync_copy(ebuf, full.at[pl.ds(k0, RB2), 128:192])

        @pl.when(cid == 1)
        def _():
            pltpu.sync_copy(rbufA.at[:, 0:64], full.at[pl.ds(k0, RB2), 64:128])
            pltpu.make_async_copy(rel_ext.at[eixb], ebuf, semG2).wait()
            pltpu.sync_copy(ebuf, full.at[pl.ds(k0, RB2), 192:256])

        return 0

    lax.fori_loop(0, NQB, p2, 0)


_sc_call = functools.partial(
    pl.kernel,
    out_type=(
        jax.ShapeDtypeStruct((B * SEQ_LEN, 256), jnp.float32),
        jax.ShapeDtypeStruct((B * SEQ_LEN, 1), jnp.float32),
    ),
    mesh=plsc.VectorSubcoreMesh(core_axis_name="c", subcore_axis_name="s"),
    compiler_params=pltpu.CompilerParams(use_tc_tiling_on_sc=False),
    scratch_types=[
        pltpu.VMEM_SHARED((SROWS, AC), jnp.float32),
        pltpu.VMEM((RB1, AC), jnp.float32),
        pltpu.VMEM((RB1, AC), jnp.float32),
        pltpu.VMEM((RB1,), jnp.int32),
        pltpu.VMEM((RB1,), jnp.int32),
        pltpu.VMEM((MBLK, AC), jnp.float32),
        pltpu.VMEM((MBLK + 24,), jnp.float32),
        pltpu.VMEM((RB2, EMBD_RANK), jnp.float32),
        pltpu.VMEM((RB2,), jnp.int32),
        pltpu.SemaphoreType.DMA,
        pltpu.SemaphoreType.DMA,
        pltpu.SemaphoreType.DMA,
        pltpu.SemaphoreType.DMA,
    ],
)(_body)


def kernel(embeds_stack, ent_embeds, rel_embeds, dt_vals, segment_ids,
           s_len_non_zero, s_tem, r_tem):
    lens = s_len_non_zero.astype(jnp.int32)
    offsets = jnp.concatenate(
        [jnp.zeros((1,), jnp.int32), jnp.cumsum(lens)[:-1]])
    pos = jnp.arange(SEQ_LEN, dtype=jnp.int32)
    idx = offsets[:, None] + pos[None, :]
    mask = pos[None, :] < lens[:, None]
    idxf = jnp.where(mask, idx, S).reshape(-1).astype(jnp.int32)
    eidx = jnp.where(mask, s_tem.astype(jnp.int32)[:, None],
                     N_ENT).reshape(-1)
    ridx = jnp.where(mask, r_tem.astype(jnp.int32)[:, None],
                     N_REL).reshape(-1)

    dt_ext = jnp.zeros((SROWS,), jnp.float32).at[:S].set(dt_vals)
    ent_ext = jnp.zeros((N_ENT + 8, EMBD_RANK), jnp.float32).at[:N_ENT].set(
        ent_embeds)
    rel_ext = jnp.zeros((N_REL + 8, EMBD_RANK), jnp.float32).at[:N_REL].set(
        rel_embeds)
    onespad = jnp.zeros((RB1, AC - 64), jnp.float32).at[:, 0].set(1.0)
    zer = jnp.zeros((SLAB, AC), jnp.float32)

    full, dt = _sc_call(embeds_stack, segment_ids.astype(jnp.int32), dt_ext,
                        ent_ext, rel_ext, idxf, eidx, ridx, onespad, zer)
    return full.reshape(B, SEQ_LEN, 256), dt.reshape(B, SEQ_LEN)

# --- scband reference (transcript-rebuilt; emitter-appended) ---
"""Pipeline reference for scband-mean-aggregator-4114578670327 (READ-ONLY COPY).

The authoritative reference and input builder live on the scoring server;
editing this copy changes nothing except your own understanding.
"""

import jax, jax.numpy as jnp
import numpy as np

S = 20480
SEQ_LEN = 10
H_DIM = 128
EMBD_RANK = 64
N = 320000
B = 2048
N_ENT = 10000
N_REL = 500


def setup_inputs(seed: int = 0) -> dict:
    key = jax.random.key(seed)
    ks = jax.random.split(key, 8)
    embeds_stack = jax.random.normal(ks[0], (N, H_DIM), dtype=jnp.float32)
    segment_ids = jnp.sort(jax.random.randint(ks[1], (N,), 0, S))
    # sorted descending lengths (pack_padded_sequence ordering in original)
    s_len_non_zero = jnp.sort(jax.random.randint(ks[2], (B,), 1, SEQ_LEN + 1))[::-1]
    s_tem = jax.random.randint(ks[3], (B,), 0, N_ENT)
    r_tem = jax.random.randint(ks[4], (B,), 0, N_REL)
    dt_vals = jax.random.uniform(ks[5], (S,), dtype=jnp.float32)
    ent_embeds = jax.random.normal(ks[6], (N_ENT, EMBD_RANK), dtype=jnp.float32)
    rel_embeds = jax.random.normal(ks[7], (N_REL, EMBD_RANK), dtype=jnp.float32)
    return {
        "embeds_stack": embeds_stack,
        "ent_embeds": ent_embeds,
        "rel_embeds": rel_embeds,
        "dt_vals": dt_vals,
        "segment_ids": segment_ids,
        "s_len_non_zero": s_len_non_zero,
        "s_tem": s_tem,
        "r_tem": r_tem,
    }


def reference(embeds_stack, ent_embeds, rel_embeds, dt_vals, segment_ids, s_len_non_zero, s_tem, r_tem):
    # sparse mask-matrix mean aggregation == segment mean over stacked neighbor embeddings
    sums = jax.ops.segment_sum(embeds_stack, segment_ids, num_segments=S)
    counts = jnp.bincount(segment_ids, length=S).astype(jnp.float32)
    counts = jnp.maximum(counts, 1.0)
    embeds_mean = sums / counts[:, None]
    # gcn=False: no linear layer; dropout p=0.0 (identity at eval)
    # split segment means into per-subject histories and right-pad to SEQ_LEN
    offsets = jnp.concatenate([
        jnp.zeros((1,), dtype=s_len_non_zero.dtype),
        jnp.cumsum(s_len_non_zero)[:-1],
    ])
    pos = jnp.arange(SEQ_LEN)
    idx = offsets[:, None] + pos[None, :]
    mask = pos[None, :] < s_len_non_zero[:, None]
    idx_c = jnp.clip(idx, 0, S - 1)
    seq_embeds = embeds_mean[idx_c]  # [B, SEQ_LEN, H_DIM]
    ent_part = jnp.broadcast_to(ent_embeds[s_tem][:, None, :], (B, SEQ_LEN, EMBD_RANK))
    rel_part = jnp.broadcast_to(rel_embeds[r_tem][:, None, :], (B, SEQ_LEN, EMBD_RANK))
    full = jnp.concatenate([seq_embeds, ent_part, rel_part], axis=-1)
    full = full * mask[:, :, None].astype(full.dtype)  # zeros in padded positions
    dt_seq = dt_vals[idx_c] * mask.astype(dt_vals.dtype)
    return full, dt_seq

if __name__ == "__main__":
    import jax
    _d = setup_inputs()
    print(jax.jit(kernel)(*tuple(_d.values())))

</pallas_src>

<mosaic_0001>
#map = affine_map<(d0, d1) -> (0, 0)>
#map1 = affine_map<(d0, d1) -> (0)>
module attributes {stable_mosaic.version = 14 : i64} {
  func.func @_body(%arg0: i32, %arg1: i32, %arg2: memref<320000x128xf32, #tpu.memory_space<hbm>>, %arg3: memref<320000xi32, #tpu.memory_space<hbm>>, %arg4: memref<20608xf32, #tpu.memory_space<hbm>>, %arg5: memref<10008x64xf32, #tpu.memory_space<hbm>>, %arg6: memref<508x64xf32, #tpu.memory_space<hbm>>, %arg7: memref<20480xi32, #tpu.memory_space<hbm>>, %arg8: memref<20480xi32, #tpu.memory_space<hbm>>, %arg9: memref<20480xi32, #tpu.memory_space<hbm>>, %arg10: memref<80x8xf32, #tpu.memory_space<hbm>>, %arg11: memref<1288x72xf32, #tpu.memory_space<hbm>>, %arg12: memref<20480x256xf32, #tpu.memory_space<hbm>>, %arg13: memref<20480x1xf32, #tpu.memory_space<hbm>>, %arg14: memref<20608x72xf32, #tpu.memory_space<vmem_shared>>, %arg15: memref<80x72xf32, #tpu.memory_space<vmem>>, %arg16: memref<80x72xf32, #tpu.memory_space<vmem>>, %arg17: memref<80xi32, #tpu.memory_space<vmem>>, %arg18: memref<80xi32, #tpu.memory_space<vmem>>, %arg19: memref<56x72xf32, #tpu.memory_space<vmem>>, %arg20: memref<80xf32, #tpu.memory_space<vmem>>, %arg21: memref<80x64xf32, #tpu.memory_space<vmem>>, %arg22: memref<80xi32, #tpu.memory_space<vmem>>, %arg23: memref<!tpu.dma_semaphore, #tpu.memory_space<semaphore_mem>>, %arg24: memref<!tpu.dma_semaphore, #tpu.memory_space<semaphore_mem>>, %arg25: memref<!tpu.dma_semaphore, #tpu.memory_space<semaphore_mem>>, %arg26: memref<!tpu.dma_semaphore, #tpu.memory_space<semaphore_mem>>) attributes {dimension_semantics = [#tpu.dimension_semantics<core_parallel>, #tpu.dimension_semantics<subcore_parallel>], iteration_bounds = array<i64: 2, 16>, scalar_prefetch = 0 : i64, scratch_operands = 13 : i64, tpu.core_type = #tpu.core_type<sc_vector_subcore>, window_params = [{transform_indices = #map}, {transform_indices = #map1}, {transform_indices = #map1}, {transform_indices = #map}, {transform_indices = #map}, {transform_indices = #map1}, {transform_indices = #map1}, {transform_indices = #map1}, {transform_indices = #map}, {transform_indices = #map}, {transform_indices = #map}, {transform_indices = #map}]} {
    %mul3A = arith.constant 64 : i32
    %mul3A_0 = arith.muli %arg0, %mul3A : i32
    %mul3A_1 = arith.constant 1288 : i32
    %mul3A_2 = arith.muli %arg1, %mul3A_1 : i32
    "tpu.region"() ({
      %run_scoped3A = tpu.sem_alloc : memref<!tpu.dma_semaphore, #tpu.memory_space<semaphore_mem>>
      %dma_start3A_745 = arith.constant 0 : i32
      %dma_start3A_746 = tpu.memref_slice %arg14[%mul3A_2, %dma_start3A_745] : memref<20608x72xf32, #tpu.memory_space<vmem_shared>> -> memref<1288x72xf32, #tpu.memory_space<vmem_shared>>
      tpu.enqueue_dma source(%arg11 : memref<1288x72xf32, #tpu.memory_space<hbm>>) target(%dma_start3A_746 : memref<1288x72xf32, #tpu.memory_space<vmem_shared>>) target_semaphore(%run_scoped3A : memref<!tpu.dma_semaphore, #tpu.memory_space<semaphore_mem>>)
      %dma_wait3A_747 = arith.constant 0 : i32
      %dma_wait3A_748 = tpu.memref_slice %arg14[%mul3A_2, %dma_wait3A_747] : memref<20608x72xf32, #tpu.memory_space<vmem_shared>> -> memref<1288x72xf32, #tpu.memory_space<vmem_shared>>
      tpu.wait_dma2 semaphore(%run_scoped3A : memref<!tpu.dma_semaphore, #tpu.memory_space<semaphore_mem>>) src(%arg11 : memref<1288x72xf32, #tpu.memory_space<hbm>>) dst(%dma_wait3A_748 : memref<1288x72xf32, #tpu.memory_space<vmem_shared>>)
      tpu.yield
    }) : () -> ()
    "tpu.region"() ({
      %run_scoped3A = tpu.sem_alloc : memref<!tpu.dma_semaphore, #tpu.memory_space<semaphore_mem>>
      %dma_start3A_745 = arith.constant 0 : i32
      %dma_start3A_746 = arith.constant 64 : i32
      %dma_start3A_747 = tpu.memref_slice %arg15[%dma_start3A_745, %dma_start3A_746] : memref<80x72xf32, #tpu.memory_space<vmem>> -> memref<80x8xf32, #tpu.memory_space<vmem>>
      %dma_start3A_748 = arith.constant 0 : i32
      %dma_start3A_749 = arith.constant 64 : i32
      %dma_start3A_750 = tpu.memref_slice %arg15[%dma_start3A_748, %dma_start3A_749] : memref<80x72xf32, #tpu.memory_space<vmem>> -> memref<80x8xf32, #tpu.memory_space<vmem>>
      tpu.enqueue_dma source(%arg10 : memref<80x8xf32, #tpu.memory_space<hbm>>) target(%dma_start3A_750 : memref<80x8xf32, #tpu.memory_space<vmem>>) target_semaphore(%run_scoped3A : memref<!tpu.dma_semaphore, #tpu.memory_space<semaphore_mem>>)
      %dma_wait3A_751 = arith.constant 0 : i32
      %dma_wait3A_752 = arith.constant 64 : i32
      %dma_wait3A_753 = tpu.memref_slice %arg15[%dma_wait3A_751, %dma_wait3A_752] : memref<80x72xf32, #tpu.memory_space<vmem>> -> memref<80x8xf32, #tpu.memory_space<vmem>>
      %dma_wait3A_754 = arith.constant 0 : i32
      %dma_wait3A_755 = arith.constant 64 : i32
      %dma_wait3A_756 = tpu.memref_slice %arg15[%dma_wait3A_754, %dma_wait3A_755] : memref<80x72xf32, #tpu.memory_space<vmem>> -> memref<80x8xf32, #tpu.memory_space<vmem>>
      tpu.wait_dma2 semaphore(%run_scoped3A : memref<!tpu.dma_semaphore, #tpu.memory_space<semaphore_mem>>) src(%arg10 : memref<80x8xf32, #tpu.memory_space<hbm>>) dst(%dma_wait3A_756 : memref<80x8xf32, #tpu.memory_space<vmem>>)
      tpu.yield
    }) : () -> ()
    "tpu.region"() ({
      %run_scoped3A = tpu.sem_alloc : memref<!tpu.dma_semaphore, #tpu.memory_space<semaphore_mem>>
      %dma_start3A_745 = arith.constant 0 : i32
      %dma_start3A_746 = arith.constant 64 : i32
      %dma_start3A_747 = tpu.memref_slice %arg16[%dma_start3A_745, %dma_start3A_746] : memref<80x72xf32, #tpu.memory_space<vmem>> -> memref<80x8xf32, #tpu.memory_space<vmem>>
      %dma_start3A_748 = arith.constant 0 : i32
      %dma_start3A_749 = arith.constant 64 : i32
      %dma_start3A_750 = tpu.memref_slice %arg16[%dma_start3A_748, %dma_start3A_749] : memref<80x72xf32, #tpu.memory_space<vmem>> -> memref<80x8xf32, #tpu.memory_space<vmem>>
      tpu.enqueue_dma source(%arg10 : memref<80x8xf32, #tpu.memory_space<hbm>>) target(%dma_start3A_750 : memref<80x8xf32, #tpu.memory_space<vmem>>) target_semaphore(%run_scoped3A : memref<!tpu.dma_semaphore, #tpu.memory_space<semaphore_mem>>)
      %dma_wait3A_751 = arith.constant 0 : i32
      %dma_wait3A_752 = arith.constant 64 : i32
      %dma_wait3A_753 = tpu.memref_slice %arg16[%dma_wait3A_751, %dma_wait3A_752] : memref<80x72xf32, #tpu.memory_space<vmem>> -> memref<80x8xf32, #tpu.memory_space<vmem>>
      %dma_wait3A_754 = arith.constant 0 : i32
      %dma_wait3A_755 = arith.constant 64 : i32
      %dma_wait3A_756 = tpu.memref_slice %arg16[%dma_wait3A_754, %dma_wait3A_755] : memref<80x72xf32, #tpu.memory_space<vmem>> -> memref<80x8xf32, #tpu.memory_space<vmem>>
      tpu.wait_dma2 semaphore(%run_scoped3A : memref<!tpu.dma_semaphore, #tpu.memory_space<semaphore_mem>>) src(%arg10 : memref<80x8xf32, #tpu.memory_space<hbm>>) dst(%dma_wait3A_756 : memref<80x8xf32, #tpu.memory_space<vmem>>)
      tpu.yield
    }) : () -> ()
    %barrier3A = arith.constant 0 : index
    tpu.barrier barrier_id(%barrier3A)
    %mul3A_3 = arith.constant 20000 : i32
    %mul3A_4 = arith.muli %arg1, %mul3A_3 : i32
    %add3A = arith.constant 0 : i32
    %add3A_5 = arith.addi %mul3A_4, %add3A : i32
    %dma_start3A = arith.constant 0 : i32
    %dma_start3A_6 = arith.constant 0 : i32
    %dma_start3A_7 = tpu.memref_slice %arg15[%dma_start3A, %dma_start3A_6] : memref<80x72xf32, #tpu.memory_space<vmem>> -> memref<80x64xf32, #tpu.memory_space<vmem>>
    %dma_start3A_8 = tpu.memref_slice %arg2[%add3A_5, %mul3A_0] : memref<320000x128xf32, #tpu.memory_space<hbm>> -> memref<80x64xf32, #tpu.memory_space<hbm>>
    %dma_start3A_9 = arith.constant 0 : i32
    %dma_start3A_10 = arith.constant 0 : i32
    %dma_start3A_11 = tpu.memref_slice %arg15[%dma_start3A_9, %dma_start3A_10] : memref<80x72xf32, #tpu.memory_space<vmem>> -> memref<80x64xf32, #tpu.memory_space<vmem>>
    %dma_start3A_12 = tpu.memref_slice %arg2[%add3A_5, %mul3A_0] : memref<320000x128xf32, #tpu.memory_space<hbm>> -> memref<80x64xf32, #tpu.memory_space<hbm>>
    tpu.enqueue_dma source(%dma_start3A_12 : memref<80x64xf32, #tpu.memory_space<hbm>>) target(%dma_start3A_11 : memref<80x64xf32, #tpu.memory_space<vmem>>) target_semaphore(%arg23 : memref<!tpu.dma_semaphore, #tpu.memory_space<semaphore_mem>>)
    %dma_start3A_13 = tpu.memref_slice %arg3[%add3A_5] : memref<320000xi32, #tpu.memory_space<hbm>> -> memref<80xi32, #tpu.memory_space<hbm>>
    %dma_start3A_14 = tpu.memref_slice %arg3[%add3A_5] : memref<320000xi32, #tpu.memory_space<hbm>> -> memref<80xi32, #tpu.memory_space<hbm>>
    tpu.enqueue_dma source(%dma_start3A_14 : memref<80xi32, #tpu.memory_space<hbm>>) target(%arg17 : memref<80xi32, #tpu.memory_space<vmem>>) target_semaphore(%arg23 : memref<!tpu.dma_semaphore, #tpu.memory_space<semaphore_mem>>)
    %scan3A = arith.constant 0 : i32
    %scan3A_15 = arith.constant 0 : i32
    %scan3A_16 = arith.constant 125 : i32
    %scan3A_17 = arith.addi %scan3A_15, %scan3A_16 : i32
    %scan3A_18 = arith.constant 1 : i32
    %scan3A_19 = scf.for %scan3A_745 = %scan3A_15 to %scan3A_17 step %scan3A_18 iter_args(%scan3A_746 = %scan3A) -> (i32)  : i32 {
      %gt3A = arith.constant 0 : i32
      %gt3A_747 = arith.cmpi sgt, %scan3A_745, %gt3A : i32
      %convert_element_type3A = arith.extui %gt3A_747 : i1 to i32
      %cond3A = arith.constant 0 : i32
      %cond3A_748 = arith.cmpi ne, %convert_element_type3A, %cond3A : i32
      scf.if %cond3A_748 {
        %dma_wait3A_818 = arith.constant 0 : i32
        %dma_wait3A_819 = arith.constant 0 : i32
        %dma_wait3A_820 = tpu.memref_slice %arg14[%dma_wait3A_818, %dma_wait3A_819] : memref<20608x72xf32, #tpu.memory_space<vmem_shared>> -> memref<20608x72xf32, #tpu.memory_space<vmem_shared>>
        tpu.wait_indirect_dma semaphore(%arg25 : memref<!tpu.dma_semaphore, #tpu.memory_space<semaphore_mem>>) src(%arg16 : memref<80x72xf32, #tpu.memory_space<vmem>>) dst(%dma_wait3A_820 : memref<20608x72xf32, #tpu.memory_space<vmem_shared>>)
      } else {
      }
      %mul3A_749 = arith.constant 2 : i32
      %mul3A_750 = arith.muli %mul3A_749, %scan3A_745 : i32
      %add3A_751 = arith.constant 1 : i32
      %add3A_752 = arith.addi %mul3A_750, %add3A_751 : i32
      %mul3A_753 = arith.constant 20000 : i32
      %mul3A_754 = arith.muli %arg1, %mul3A_753 : i32
      %mul3A_755 = arith.constant 80 : i32
      %mul3A_756 = arith.muli %add3A_752, %mul3A_755 : i32
      %add3A_757 = arith.addi %mul3A_754, %mul3A_756 : i32
      %dma_start3A_758 = arith.constant 0 : i32
      %dma_start3A_759 = arith.constant 0 : i32
      %dma_start3A_760 = tpu.memref_slice %arg16[%dma_start3A_758, %dma_start3A_759] : memref<80x72xf32, #tpu.memory_space<vmem>> -> memref<80x64xf32, #tpu.memory_space<vmem>>
      %dma_start3A_761 = tpu.memref_slice %arg2[%add3A_757, %mul3A_0] : memref<320000x128xf32, #tpu.memory_space<hbm>> -> memref<80x64xf32, #tpu.memory_space<hbm>>
      %dma_start3A_762 = arith.constant 0 : i32
      %dma_start3A_763 = arith.constant 0 : i32
      %dma_start3A_764 = tpu.memref_slice %arg16[%dma_start3A_762, %dma_start3A_763] : memref<80x72xf32, #tpu.memory_space<vmem>> -> memref<80x64xf32, #tpu.memory_space<vmem>>
      %dma_start3A_765 = tpu.memref_slice %arg2[%add3A_757, %mul3A_0] : memref<320000x128xf32, #tpu.memory_space<hbm>> -> memref<80x64xf32, #tpu.memory_space<hbm>>
      tpu.enqueue_dma source(%dma_start3A_765 : memref<80x64xf32, #tpu.memory_space<hbm>>) target(%dma_start3A_764 : memref<80x64xf32, #tpu.memory_space<vmem>>) target_semaphore(%arg23 : memref<!tpu.dma_semaphore, #tpu.memory_space<semaphore_mem>>)
      %dma_start3A_766 = tpu.memref_slice %arg3[%add3A_757] : memref<320000xi32, #tpu.memory_space<hbm>> -> memref<80xi32, #tpu.memory_space<hbm>>
      %dma_start3A_767 = tpu.memref_slice %arg3[%add3A_757] : memref<320000xi32, #tpu.memory_space<hbm>> -> memref<80xi32, #tpu.memory_space<hbm>>
      tpu.enqueue_dma source(%dma_start3A_767 : memref<80xi32, #tpu.memory_space<hbm>>) target(%arg18 : memref<80xi32, #tpu.memory_space<vmem>>) target_semaphore(%arg23 : memref<!tpu.dma_semaphore, #tpu.memory_space<semaphore_mem>>)
      %mul3A_768 = arith.constant 2 : i32
      %mul3A_769 = arith.muli %mul3A_768, %scan3A_745 : i32
      %mul3A_770 = arith.constant 20000 : i32
      %mul3A_771 = arith.muli %arg1, %mul3A_770 : i32
      %mul3A_772 = arith.constant 80 : i32
      %mul3A_773 = arith.muli %mul3A_769, %mul3A_772 : i32
      %add3A_774 = arith.addi %mul3A_771, %mul3A_773 : i32
      %dma_wait3A_775 = arith.constant 0 : i32
      %dma_wait3A_776 = arith.constant 0 : i32
      %dma_wait3A_777 = tpu.memref_slice %arg15[%dma_wait3A_775, %dma_wait3A_776] : memref<80x72xf32, #tpu.memory_space<vmem>> -> memref<80x64xf32, #tpu.memory_space<vmem>>
      %dma_wait3A_778 = tpu.memref_slice %arg2[%add3A_774, %mul3A_0] : memref<320000x128xf32, #tpu.memory_space<hbm>> -> memref<80x64xf32, #tpu.memory_space<hbm>>
      %dma_wait3A_779 = arith.constant 0 : i32
      %dma_wait3A_780 = arith.constant 0 : i32
      %dma_wait3A_781 = tpu.memref_slice %arg15[%dma_wait3A_779, %dma_wait3A_780] : memref<80x72xf32, #tpu.memory_space<vmem>> -> memref<80x64xf32, #tpu.memory_space<vmem>>
      %dma_wait3A_782 = tpu.memref_slice %arg2[%add3A_774, %mul3A_0] : memref<320000x128xf32, #tpu.memory_space<hbm>> -> memref<80x64xf32, #tpu.memory_space<hbm>>
      tpu.wait_dma2 semaphore(%arg23 : memref<!tpu.dma_semaphore, #tpu.memory_space<semaphore_mem>>) src(%dma_wait3A_782 : memref<80x64xf32, #tpu.memory_space<hbm>>) dst(%dma_wait3A_781 : memref<80x64xf32, #tpu.memory_space<vmem>>)
      %dma_wait3A_783 = tpu.memref_slice %arg3[%add3A_774] : memref<320000xi32, #tpu.memory_space<hbm>> -> memref<80xi32, #tpu.memory_space<hbm>>
      %dma_wait3A_784 = tpu.memref_slice %arg3[%add3A_774] : memref<320000xi32, #tpu.memory_space<hbm>> -> memref<80xi32, #tpu.memory_space<hbm>>
      tpu.wait_dma2 semaphore(%arg23 : memref<!tpu.dma_semaphore, #tpu.memory_space<semaphore_mem>>) src(%dma_wait3A_784 : memref<80xi32, #tpu.memory_space<hbm>>) dst(%arg17 : memref<80xi32, #tpu.memory_space<vmem>>)
      %dma_start3A_785 = arith.constant 0 : i32
      %dma_start3A_786 = arith.constant 0 : i32
      %dma_start3A_787 = tpu.memref_slice %arg14[%dma_start3A_785, %dma_start3A_786] : memref<20608x72xf32, #tpu.memory_space<vmem_shared>> -> memref<20608x72xf32, #tpu.memory_space<vmem_shared>>
      tpu.enqueue_indirect_dma source(%arg15 : memref<80x72xf32, #tpu.memory_space<vmem>>) target(%dma_start3A_787 : memref<20608x72xf32, #tpu.memory_space<vmem_shared>>) offsets(%arg17 : memref<80xi32, #tpu.memory_space<vmem>>) semaphore(%arg24 : memref<!tpu.dma_semaphore, #tpu.memory_space<semaphore_mem>>) {add = true}
      %dma_wait3A_788 = arith.constant 0 : i32
      %dma_wait3A_789 = arith.constant 0 : i32
      %dma_wait3A_790 = tpu.memref_slice %arg14[%dma_wait3A_788, %dma_wait3A_789] : memref<20608x72xf32, #tpu.memory_space<vmem_shared>> -> memref<20608x72xf32, #tpu.memory_space<vmem_shared>>
      tpu.wait_indirect_dma semaphore(%arg24 : memref<!tpu.dma_semaphore, #tpu.memory_space<semaphore_mem>>) src(%arg15 : memref<80x72xf32, #tpu.memory_space<vmem>>) dst(%dma_wait3A_790 : memref<20608x72xf32, #tpu.memory_space<vmem_shared>>)
      %lt3A = arith.constant 124 : i32
      %lt3A_791 = arith.cmpi slt, %scan3A_745, %lt3A : i32
      %convert_element_type3A_792 = arith.extui %lt3A_791 : i1 to i32
      %cond3A_793 = arith.constant 0 : i32
      %cond3A_794 = arith.cmpi ne, %convert_element_type3A_792, %cond3A_793 : i32
      scf.if %cond3A_794 {
        %mul3A_818 = arith.constant 2 : i32
        %mul3A_819 = arith.muli %mul3A_818, %scan3A_745 : i32
        %add3A_820 = arith.constant 2 : i32
        %add3A_821 = arith.addi %mul3A_819, %add3A_820 : i32
        %mul3A_822 = arith.constant 20000 : i32
        %mul3A_823 = arith.muli %arg1, %mul3A_822 : i32
        %mul3A_824 = arith.constant 80 : i32
        %mul3A_825 = arith.muli %add3A_821, %mul3A_824 : i32
        %add3A_826 = arith.addi %mul3A_823, %mul3A_825 : i32
        %dma_start3A_827 = arith.constant 0 : i32
        %dma_start3A_828 = arith.constant 0 : i32
        %dma_start3A_829 = tpu.memref_slice %arg15[%dma_start3A_827, %dma_start3A_828] : memref<80x72xf32, #tpu.memory_space<vmem>> -> memref<80x64xf32, #tpu.memory_space<vmem>>
        %dma_start3A_830 = tpu.memref_slice %arg2[%add3A_826, %mul3A_0] : memref<320000x128xf32, #tpu.memory_space<hbm>> -> memref<80x64xf32, #tpu.memory_space<hbm>>
        %dma_start3A_831 = arith.constant 0 : i32
        %dma_start3A_832 = arith.constant 0 : i32
        %dma_start3A_833 = tpu.memref_slice %arg15[%dma_start3A_831, %dma_start3A_832] : memref<80x72xf32, #tpu.memory_space<vmem>> -> memref<80x64xf32, #tpu.memory_space<vmem>>
        %dma_start3A_834 = tpu.memref_slice %arg2[%add3A_826, %mul3A_0] : memref<320000x128xf32, #tpu.memory_space<hbm>> -> memref<80x64xf32, #tpu.memory_space<hbm>>
        tpu.enqueue_dma source(%dma_start3A_834 : memref<80x64xf32, #tpu.memory_space<hbm>>) target(%dma_start3A_833 : memref<80x64xf32, #tpu.memory_space<vmem>>) target_semaphore(%arg23 : memref<!tpu.dma_semaphore, #tpu.memory_space<semaphore_mem>>)
        %dma_start3A_835 = tpu.memref_slice %arg3[%add3A_826] : memref<320000xi32, #tpu.memory_space<hbm>> -> memref<80xi32, #tpu.memory_space<hbm>>
        %dma_start3A_836 = tpu.memref_slice %arg3[%add3A_826] : memref<320000xi32, #tpu.memory_space<hbm>> -> memref<80xi32, #tpu.memory_space<hbm>>
        tpu.enqueue_dma source(%dma_start3A_836 : memref<80xi32, #tpu.memory_space<hbm>>) target(%arg17 : memref<80xi32, #tpu.memory_space<vmem>>) target_semaphore(%arg23 : memref<!tpu.dma_semaphore, #tpu.memory_space<semaphore_mem>>)
      } else {
      }
      %mul3A_795 = arith.constant 2 : i32
      %mul3A_796 = arith.muli %mul3A_795, %scan3A_745 : i32
      %add3A_797 = arith.constant 1 : i32
      %add3A_798 = arith.addi %mul3A_796, %add3A_797 : i32
      %mul3A_799 = arith.constant 20000 : i32
      %mul3A_800 = arith.muli %arg1, %mul3A_799 : i32
      %mul3A_801 = arith.constant 80 : i32
      %mul3A_802 = arith.muli %add3A_798, %mul3A_801 : i32
      %add3A_803 = arith.addi %mul3A_800, %mul3A_802 : i32
      %dma_wait3A_804 = arith.constant 0 : i32
      %dma_wait3A_805 = arith.constant 0 : i32
      %dma_wait3A_806 = tpu.memref_slice %arg16[%dma_wait3A_804, %dma_wait3A_805] : memref<80x72xf32, #tpu.memory_space<vmem>> -> memref<80x64xf32, #tpu.memory_space<vmem>>
      %dma_wait3A_807 = tpu.memref_slice %arg2[%add3A_803, %mul3A_0] : memref<320000x128xf32, #tpu.memory_space<hbm>> -> memref<80x64xf32, #tpu.memory_space<hbm>>
      %dma_wait3A_808 = arith.constant 0 : i32
      %dma_wait3A_809 = arith.constant 0 : i32
      %dma_wait3A_810 = tpu.memref_slice %arg16[%dma_wait3A_808, %dma_wait3A_809] : memref<80x72xf32, #tpu.memory_space<vmem>> -> memref<80x64xf32, #tpu.memory_space<vmem>>
      %dma_wait3A_811 = tpu.memref_slice %arg2[%add3A_803, %mul3A_0] : memref<320000x128xf32, #tpu.memory_space<hbm>> -> memref<80x64xf32, #tpu.memory_space<hbm>>
      tpu.wait_dma2 semaphore(%arg23 : memref<!tpu.dma_semaphore, #tpu.memory_space<semaphore_mem>>) src(%dma_wait3A_811 : memref<80x64xf32, #tpu.memory_space<hbm>>) dst(%dma_wait3A_810 : memref<80x64xf32, #tpu.memory_space<vmem>>)
      %dma_wait3A_812 = tpu.memref_slice %arg3[%add3A_803] : memref<320000xi32, #tpu.memory_space<hbm>> -> memref<80xi32, #tpu.memory_space<hbm>>
      %dma_wait3A_813 = tpu.memref_slice %arg3[%add3A_803] : memref<320000xi32, #tpu.memory_space<hbm>> -> memref<80xi32, #tpu.memory_space<hbm>>
      tpu.wait_dma2 semaphore(%arg23 : memref<!tpu.dma_semaphore, #tpu.memory_space<semaphore_mem>>) src(%dma_wait3A_813 : memref<80xi32, #tpu.memory_space<hbm>>) dst(%arg18 : memref<80xi32, #tpu.memory_space<vmem>>)
      %dma_start3A_814 = arith.constant 0 : i32
      %dma_start3A_815 = arith.constant 0 : i32
      %dma_start3A_816 = tpu.memref_slice %arg14[%dma_start3A_814, %dma_start3A_815] : memref<20608x72xf32, #tpu.memory_space<vmem_shared>> -> memref<20608x72xf32, #tpu.memory_space<vmem_shared>>
      tpu.enqueue_indirect_dma source(%arg16 : memref<80x72xf32, #tpu.memory_space<vmem>>) target(%dma_start3A_816 : memref<20608x72xf32, #tpu.memory_space<vmem_shared>>) offsets(%arg18 : memref<80xi32, #tpu.memory_space<vmem>>) semaphore(%arg25 : memref<!tpu.dma_semaphore, #tpu.memory_space<semaphore_mem>>) {add = true}
      %scan3A_817 = arith.constant 0 : i32
      scf.yield %scan3A_817 : i32
    }
    %scan3A_20 = arith.constant 125 : i32
    %dma_wait3A = arith.constant 0 : i32
    %dma_wait3A_21 = arith.constant 0 : i32
    %dma_wait3A_22 = tpu.memref_slice %arg14[%dma_wait3A, %dma_wait3A_21] : memref<20608x72xf32, #tpu.memory_space<vmem_shared>> -> memref<20608x72xf32, #tpu.memory_space<vmem_shared>>
    tpu.wait_indirect_dma semaphore(%arg25 : memref<!tpu.dma_semaphore, #tpu.memory_space<semaphore_mem>>) src(%arg16 : memref<80x72xf32, #tpu.memory_space<vmem>>) dst(%dma_wait3A_22 : memref<20608x72xf32, #tpu.memory_space<vmem_shared>>)
    %barrier3A_23 = arith.constant 0 : index
    tpu.barrier barrier_id(%barrier3A_23)
    %iota3A = tpu.iota {dimensions = array<i32: 0>} : vector<16xi32>
    %mul3A_24 = arith.constant 1288 : i32
    %mul3A_25 = arith.muli %arg1, %mul3A_24 : i32
    %add3A_26 = arith.constant 0 : i32
    %add3A_27 = arith.addi %mul3A_25, %add3A_26 : i32
    %dma_start3A_28 = arith.constant 0 : i32
    %dma_start3A_29 = tpu.memref_slice %arg14[%add3A_27, %dma_start3A_28] : memref<20608x72xf32, #tpu.memory_space<vmem_shared>> -> memref<56x72xf32, #tpu.memory_space<vmem_shared>>
    %dma_start3A_30 = arith.constant 0 : i32
    %dma_start3A_31 = tpu.memref_slice %arg14[%add3A_27, %dma_start3A_30] : memref<20608x72xf32, #tpu.memory_space<vmem_shared>> -> memref<56x72xf32, #tpu.memory_space<vmem_shared>>
    tpu.enqueue_dma source(%dma_start3A_31 : memref<56x72xf32, #tpu.memory_space<vmem_shared>>) target(%arg19 : memref<56x72xf32, #tpu.memory_space<vmem>>) target_semaphore(%arg23 : memref<!tpu.dma_semaphore, #tpu.memory_space<semaphore_mem>>)
    %dma_start3A_32 = arith.constant 8 : i32
    %dma_start3A_33 = tpu.memref_slice %arg20[%dma_start3A_32] : memref<80xf32, #tpu.memory_space<vmem>> -> memref<56xf32, #tpu.memory_space<vmem>>
    %dma_start3A_34 = tpu.memref_slice %arg4[%add3A_27] : memref<20608xf32, #tpu.memory_space<hbm>> -> memref<56xf32, #tpu.memory_space<hbm>>
    %dma_start3A_35 = arith.constant 8 : i32
    %dma_start3A_36 = tpu.memref_slice %arg20[%dma_start3A_35] : memref<80xf32, #tpu.memory_space<vmem>> -> memref<56xf32, #tpu.memory_space<vmem>>
    %dma_start3A_37 = tpu.memref_slice %arg4[%add3A_27] : memref<20608xf32, #tpu.memory_space<hbm>> -> memref<56xf32, #tpu.memory_space<hbm>>
    tpu.enqueue_dma source(%dma_start3A_37 : memref<56xf32, #tpu.memory_space<hbm>>) target(%dma_start3A_36 : memref<56xf32, #tpu.memory_space<vmem>>) target_semaphore(%arg26 : memref<!tpu.dma_semaphore, #tpu.memory_space<semaphore_mem>>)
    %dma_wait3A_38 = arith.constant 0 : i32
    %dma_wait3A_39 = tpu.memref_slice %arg14[%add3A_27, %dma_wait3A_38] : memref<20608x72xf32, #tpu.memory_space<vmem_shared>> -> memref<56x72xf32, #tpu.memory_space<vmem_shared>>
    %dma_wait3A_40 = arith.constant 0 : i32
    %dma_wait3A_41 = tpu.memref_slice %arg14[%add3A_27, %dma_wait3A_40] : memref<20608x72xf32, #tpu.memory_space<vmem_shared>> -> memref<56x72xf32, #tpu.memory_space<vmem_shared>>
    tpu.wait_dma2 semaphore(%arg23 : memref<!tpu.dma_semaphore, #tpu.memory_space<semaphore_mem>>) src(%dma_wait3A_41 : memref<56x72xf32, #tpu.memory_space<vmem_shared>>) dst(%arg19 : memref<56x72xf32, #tpu.memory_space<vmem>>)
    %dma_wait3A_42 = arith.constant 8 : i32
    %dma_wait3A_43 = tpu.memref_slice %arg20[%dma_wait3A_42] : memref<80xf32, #tpu.memory_space<vmem>> -> memref<56xf32, #tpu.memory_space<vmem>>
    %dma_wait3A_44 = tpu.memref_slice %arg4[%add3A_27] : memref<20608xf32, #tpu.memory_space<hbm>> -> memref<56xf32, #tpu.memory_space<hbm>>
    %dma_wait3A_45 = arith.constant 8 : i32
    %dma_wait3A_46 = tpu.memref_slice %arg20[%dma_wait3A_45] : memref<80xf32, #tpu.memory_space<vmem>> -> memref<56xf32, #tpu.memory_space<vmem>>
    %dma_wait3A_47 = tpu.memref_slice %arg4[%add3A_27] : memref<20608xf32, #tpu.memory_space<hbm>> -> memref<56xf32, #tpu.memory_space<hbm>>
    tpu.wait_dma2 semaphore(%arg26 : memref<!tpu.dma_semaphore, #tpu.memory_space<semaphore_mem>>) src(%dma_wait3A_47 : memref<56xf32, #tpu.memory_space<hbm>>) dst(%dma_wait3A_46 : memref<56xf32, #tpu.memory_space<vmem>>)
    %scan3A_48 = arith.constant 0 : i32
    %scan3A_49 = arith.constant 0 : i32
    %scan3A_50 = arith.constant 56 : i32
    %scan3A_51 = arith.addi %scan3A_49, %scan3A_50 : i32
    %scan3A_52 = arith.constant 1 : i32
    %scan3A_53 = scf.for %scan3A_745 = %scan3A_49 to %scan3A_51 step %scan3A_52 iter_args(%scan3A_746 = %scan3A_48) -> (i32)  : i32 {
      %get3A = arith.index_cast %scan3A_745 : i32 to index
      %get3A_747 = arith.constant 56 : index
      %get3A_748 = tpu.vector_load %arg19[%get3A, %get3A_747] {strides = array<i32>} : memref<56x72xf32, #tpu.memory_space<vmem>>, vector<1x16xf32>,
      %get3A_749 = vector.shape_cast %get3A_748 : vector<1x16xf32> to vector<16xf32>
      %max3A = arith.constant 1.000000e+00 : f32
      %max3A_750 = vector.broadcast %max3A : f32 to vector<16xf32>
      %max3A_751 = arith.maximumf %get3A_749, %max3A_750 : vector<16xf32>
      %div3A = arith.constant 1.000000e+00 : f32
      %div3A_752 = vector.broadcast %div3A : f32 to vector<16xf32>
      %div3A_753 = arith.divf %div3A_752, %max3A_751 : vector<16xf32>
      %slice3A = vector.extract_strided_slice %div3A_753 {offsets = [8], sizes = [1], strides = [1]} : vector<16xf32> to vector<1xf32>
      %squeeze3A = vector.extract %slice3A[0] : f32 from vector<1xf32>
      %get3A_754 = arith.index_cast %scan3A_745 : i32 to index
      %get3A_755 = arith.constant 0 : index
      %get3A_756 = tpu.vector_load %arg19[%get3A_754, %get3A_755] {strides = array<i32>} : memref<56x72xf32, #tpu.memory_space<vmem>>, vector<1x16xf32>,
      %get3A_757 = vector.shape_cast %get3A_756 : vector<1x16xf32> to vector<16xf32>
      %mul3A_758 = vector.broadcast %squeeze3A : f32 to vector<16xf32>
      %mul3A_759 = arith.mulf %get3A_757, %mul3A_758 : vector<16xf32>
      %swap3A = arith.index_cast %scan3A_745 : i32 to index
      %swap3A_760 = arith.constant 0 : index
      %swap3A_761 = tpu.vector_load %arg19[%swap3A, %swap3A_760] {strides = array<i32>} : memref<56x72xf32, #tpu.memory_space<vmem>>, vector<1x16xf32>,
      %swap3A_762 = vector.shape_cast %swap3A_761 : vector<1x16xf32> to vector<16xf32>
      %swap3A_763 = vector.shape_cast %mul3A_759 : vector<16xf32> to vector<1x16xf32>
      tpu.vector_store %arg19[%swap3A, %swap3A_760], %swap3A_763 {strides = array<i32>} : memref<56x72xf32, #tpu.memory_space<vmem>>, vector<1x16xf32>,
      %get3A_764 = arith.index_cast %scan3A_745 : i32 to index
      %get3A_765 = arith.constant 16 : index
      %get3A_766 = tpu.vector_load %arg19[%get3A_764, %get3A_765] {strides = array<i32>} : memref<56x72xf32, #tpu.memory_space<vmem>>, vector<1x16xf32>,
      %get3A_767 = vector.shape_cast %get3A_766 : vector<1x16xf32> to vector<16xf32>
      %mul3A_768 = vector.broadcast %squeeze3A : f32 to vector<16xf32>
      %mul3A_769 = arith.mulf %get3A_767, %mul3A_768 : vector<16xf32>
      %swap3A_770 = arith.index_cast %scan3A_745 : i32 to index
      %swap3A_771 = arith.constant 16 : index
      %swap3A_772 = tpu.vector_load %arg19[%swap3A_770, %swap3A_771] {strides = array<i32>} : memref<56x72xf32, #tpu.memory_space<vmem>>, vector<1x16xf32>,
      %swap3A_773 = vector.shape_cast %swap3A_772 : vector<1x16xf32> to vector<16xf32>
      %swap3A_774 = vector.shape_cast %mul3A_769 : vector<16xf32> to vector<1x16xf32>
      tpu.vector_store %arg19[%swap3A_770, %swap3A_771], %swap3A_774 {strides = array<i32>} : memref<56x72xf32, #tpu.memory_space<vmem>>, vector<1x16xf32>,
      %get3A_775 = arith.index_cast %scan3A_745 : i32 to index
      %get3A_776 = arith.constant 32 : index
      %get3A_777 = tpu.vector_load %arg19[%get3A_775, %get3A_776] {strides = array<i32>} : memref<56x72xf32, #tpu.memory_space<vmem>>, vector<1x16xf32>,
      %get3A_778 = vector.shape_cast %get3A_777 : vector<1x16xf32> to vector<16xf32>
      %mul3A_779 = vector.broadcast %squeeze3A : f32 to vector<16xf32>
      %mul3A_780 = arith.mulf %get3A_778, %mul3A_779 : vector<16xf32>
      %swap3A_781 = arith.index_cast %scan3A_745 : i32 to index
      %swap3A_782 = arith.constant 32 : index
      %swap3A_783 = tpu.vector_load %arg19[%swap3A_781, %swap3A_782] {strides = array<i32>} : memref<56x72xf32, #tpu.memory_space<vmem>>, vector<1x16xf32>,
      %swap3A_784 = vector.shape_cast %swap3A_783 : vector<1x16xf32> to vector<16xf32>
      %swap3A_785 = vector.shape_cast %mul3A_780 : vector<16xf32> to vector<1x16xf32>
      tpu.vector_store %arg19[%swap3A_781, %swap3A_782], %swap3A_785 {strides = array<i32>} : memref<56x72xf32, #tpu.memory_space<vmem>>, vector<1x16xf32>,
      %get3A_786 = arith.index_cast %scan3A_745 : i32 to index
      %get3A_787 = arith.constant 48 : index
      %get3A_788 = tpu.vector_load %arg19[%get3A_786, %get3A_787] {strides = array<i32>} : memref<56x72xf32, #tpu.memory_space<vmem>>, vector<1x16xf32>,
      %get3A_789 = vector.shape_cast %get3A_788 : vector<1x16xf32> to vector<16xf32>
      %mul3A_790 = vector.broadcast %squeeze3A : f32 to vector<16xf32>
      %mul3A_791 = arith.mulf %get3A_789, %mul3A_790 : vector<16xf32>
      %swap3A_792 = arith.index_cast %scan3A_745 : i32 to index
      %swap3A_793 = arith.constant 48 : index
      %swap3A_794 = tpu.vector_load %arg19[%swap3A_792, %swap3A_793] {strides = array<i32>} : memref<56x72xf32, #tpu.memory_space<vmem>>, vector<1x16xf32>,
      %swap3A_795 = vector.shape_cast %swap3A_794 : vector<1x16xf32> to vector<16xf32>
      %swap3A_796 = vector.shape_cast %mul3A_791 : vector<16xf32> to vector<1x16xf32>
      tpu.vector_store %arg19[%swap3A_792, %swap3A_793], %swap3A_796 {strides = array<i32>} : memref<56x72xf32, #tpu.memory_space<vmem>>, vector<1x16xf32>,
      %get3A_797 = arith.index_cast %scan3A_745 : i32 to index
      %get3A_798 = arith.constant 56 : index
      %get3A_799 = tpu.vector_load %arg19[%get3A_797, %get3A_798] {strides = array<i32>} : memref<56x72xf32, #tpu.memory_space<vmem>>, vector<1x16xf32>,
      %get3A_800 = vector.shape_cast %get3A_799 : vector<1x16xf32> to vector<16xf32>
      %get3A_801 = arith.index_cast %scan3A_745 : i32 to index
      %get3A_802 = tpu.vector_load %arg20[%get3A_801] {strides = array<i32>} : memref<80xf32, #tpu.memory_space<vmem>>, vector<16xf32>,
      %get3A_803 = vector.shape_cast %get3A_802 : vector<16xf32> to vector<16xf32>
      %lt3A = arith.constant 8 : i32
      %lt3A_804 = vector.broadcast %lt3A : i32 to vector<16xi32>
      %lt3A_805 = arith.cmpi slt, %iota3A, %lt3A_804 : vector<16xi32>
      %select_n3A = arith.select %lt3A_805, %get3A_800, %get3A_803 : vector<16xi1>, vector<16xf32>
      %swap3A_806 = arith.index_cast %scan3A_745 : i32 to index
      %swap3A_807 = arith.constant 56 : index
      %swap3A_808 = tpu.vector_load %arg19[%swap3A_806, %swap3A_807] {strides = array<i32>} : memref<56x72xf32, #tpu.memory_space<vmem>>, vector<1x16xf32>,
      %swap3A_809 = vector.shape_cast %swap3A_808 : vector<1x16xf32> to vector<16xf32>
      %swap3A_810 = vector.shape_cast %select_n3A : vector<16xf32> to vector<1x16xf32>
      tpu.vector_store %arg19[%swap3A_806, %swap3A_807], %swap3A_810 {strides = array<i32>} : memref<56x72xf32, #tpu.memory_space<vmem>>, vector<1x16xf32>,
      %scan3A_811 = arith.constant 0 : i32
      scf.yield %scan3A_811 : i32
    }
    %scan3A_54 = arith.constant 56 : i32
    "tpu.region"() ({
      %run_scoped3A = tpu.sem_alloc : memref<!tpu.dma_semaphore, #tpu.memory_space<semaphore_mem>>
      %dma_start3A_745 = arith.constant 0 : i32
      %dma_start3A_746 = tpu.memref_slice %arg14[%add3A_27, %dma_start3A_745] : memref<20608x72xf32, #tpu.memory_space<vmem_shared>> -> memref<56x72xf32, #tpu.memory_space<vmem_shared>>
      %dma_start3A_747 = arith.constant 0 : i32
      %dma_start3A_748 = tpu.memref_slice %arg14[%add3A_27, %dma_start3A_747] : memref<20608x72xf32, #tpu.memory_space<vmem_shared>> -> memref<56x72xf32, #tpu.memory_space<vmem_shared>>
      tpu.enqueue_dma source(%arg19 : memref<56x72xf32, #tpu.memory_space<vmem>>) target(%dma_start3A_748 : memref<56x72xf32, #tpu.memory_space<vmem_shared>>) target_semaphore(%run_scoped3A : memref<!tpu.dma_semaphore, #tpu.memory_space<semaphore_mem>>)
      %dma_wait3A_749 = arith.constant 0 : i32
      %dma_wait3A_750 = tpu.memref_slice %arg14[%add3A_27, %dma_wait3A_749] : memref<20608x72xf32, #tpu.memory_space<vmem_shared>> -> memref<56x72xf32, #tpu.memory_space<vmem_shared>>
      %dma_wait3A_751 = arith.constant 0 : i32
      %dma_wait3A_752 = tpu.memref_slice %arg14[%add3A_27, %dma_wait3A_751] : memref<20608x72xf32, #tpu.memory_space<vmem_shared>> -> memref<56x72xf32, #tpu.memory_space<vmem_shared>>
      tpu.wait_dma2 semaphore(%run_scoped3A : memref<!tpu.dma_semaphore, #tpu.memory_space<semaphore_mem>>) src(%arg19 : memref<56x72xf32, #tpu.memory_space<vmem>>) dst(%dma_wait3A_752 : memref<56x72xf32, #tpu.memory_space<vmem_shared>>)
      tpu.yield
    }) : () -> ()
    %mul3A_55 = arith.constant 1288 : i32
    %mul3A_56 = arith.muli %arg1, %mul3A_55 : i32
    %add3A_57 = arith.constant 56 : i32
    %add3A_58 = arith.addi %mul3A_56, %add3A_57 : i32
    %dma_start3A_59 = arith.constant 0 : i32
    %dma_start3A_60 = tpu.memref_slice %arg14[%add3A_58, %dma_start3A_59] : memref<20608x72xf32, #tpu.memory_space<vmem_shared>> -> memref<56x72xf32, #tpu.memory_space<vmem_shared>>
    %dma_start3A_61 = arith.constant 0 : i32
    %dma_start3A_62 = tpu.memref_slice %arg14[%add3A_58, %dma_start3A_61] : memref<20608x72xf32, #tpu.memory_space<vmem_shared>> -> memref<56x72xf32, #tpu.memory_space<vmem_shared>>
    tpu.enqueue_dma source(%dma_start3A_62 : memref<56x72xf32, #tpu.memory_space<vmem_shared>>) target(%arg19 : memref<56x72xf32, #tpu.memory_space<vmem>>) target_semaphore(%arg23 : memref<!tpu.dma_semaphore, #tpu.memory_space<semaphore_mem>>)
    %dma_start3A_63 = arith.constant 8 : i32
    %dma_start3A_64 = tpu.memref_slice %arg20[%dma_start3A_63] : memref<80xf32, #tpu.memory_space<vmem>> -> memref<56xf32, #tpu.memory_space<vmem>>
    %dma_start3A_65 = tpu.memref_slice %arg4[%add3A_58] : memref<20608xf32, #tpu.memory_space<hbm>> -> memref<56xf32, #tpu.memory_space<hbm>>
    %dma_start3A_66 = arith.constant 8 : i32
    %dma_start3A_67 = tpu.memref_slice %arg20[%dma_start3A_66] : memref<80xf32, #tpu.memory_space<vmem>> -> memref<56xf32, #tpu.memory_space<vmem>>
    %dma_start3A_68 = tpu.memref_slice %arg4[%add3A_58] : memref<20608xf32, #tpu.memory_space<hbm>> -> memref<56xf32, #tpu.memory_space<hbm>>
    tpu.enqueue_dma source(%dma_start3A_68 : memref<56xf32, #tpu.memory_space<hbm>>) target(%dma_start3A_67 : memref<56xf32, #tpu.memory_space<vmem>>) target_semaphore(%arg26 : memref<!tpu.dma_semaphore, #tpu.memory_space<semaphore_mem>>)
    %dma_wait3A_69 = arith.constant 0 : i32
    %dma_wait3A_70 = tpu.memref_slice %arg14[%add3A_58, %dma_wait3A_69] : memref<20608x72xf32, #tpu.memory_space<vmem_shared>> -> memref<56x72xf32, #tpu.memory_space<vmem_shared>>
    %dma_wait3A_71 = arith.constant 0 : i32
    %dma_wait3A_72 = tpu.memref_slice %arg14[%add3A_58, %dma_wait3A_71] : memref<20608x72xf32, #tpu.memory_space<vmem_shared>> -> memref<56x72xf32, #tpu.memory_space<vmem_shared>>
    tpu.wait_dma2 semaphore(%arg23 : memref<!tpu.dma_semaphore, #tpu.memory_space<semaphore_mem>>) src(%dma_wait3A_72 : memref<56x72xf32, #tpu.memory_space<vmem_shared>>) dst(%arg19 : memref<56x72xf32, #tpu.memory_space<vmem>>)
    %dma_wait3A_73 = arith.constant 8 : i32
    %dma_wait3A_74 = tpu.memref_slice %arg20[%dma_wait3A_73] : memref<80xf32, #tpu.memory_space<vmem>> -> memref<56xf32, #tpu.memory_space<vmem>>
    %dma_wait3A_75 = tpu.memref_slice %arg4[%add3A_58] : memref<20608xf32, #tpu.memory_space<hbm>> -> memref<56xf32, #tpu.memory_space<hbm>>
    %dma_wait3A_76 = arith.constant 8 : i32
    %dma_wait3A_77 = tpu.memref_slice %arg20[%dma_wait3A_76] : memref<80xf32, #tpu.memory_space<vmem>> -> memref<56xf32, #tpu.memory_space<vmem>>
    %dma_wait3A_78 = tpu.memref_slice %arg4[%add3A_58] : memref<20608xf32, #tpu.memory_space<hbm>> -> memref<56xf32, #tpu.memory_space<hbm>>
    tpu.wait_dma2 semaphore(%arg26 : memref<!tpu.dma_semaphore, #tpu.memory_space<semaphore_mem>>) src(%dma_wait3A_78 : memref<56xf32, #tpu.memory_space<hbm>>) dst(%dma_wait3A_77 : memref<56xf32, #tpu.memory_space<vmem>>)
    %scan3A_79 = arith.constant 0 : i32
    %scan3A_80 = arith.constant 0 : i32
    %scan3A_81 = arith.constant 56 : i32
    %scan3A_82 = arith.addi %scan3A_80, %scan3A_81 : i32
    %scan3A_83 = arith.constant 1 : i32
    %scan3A_84 = scf.for %scan3A_745 = %scan3A_80 to %scan3A_82 step %scan3A_83 iter_args(%scan3A_746 = %scan3A_79) -> (i32)  : i32 {
      %get3A = arith.index_cast %scan3A_745 : i32 to index
      %get3A_747 = arith.constant 56 : index
      %get3A_748 = tpu.vector_load %arg19[%get3A, %get3A_747] {strides = array<i32>} : memref<56x72xf32, #tpu.memory_space<vmem>>, vector<1x16xf32>,
      %get3A_749 = vector.shape_cast %get3A_748 : vector<1x16xf32> to vector<16xf32>
      %max3A = arith.constant 1.000000e+00 : f32
      %max3A_750 = vector.broadcast %max3A : f32 to vector<16xf32>
      %max3A_751 = arith.maximumf %get3A_749, %max3A_750 : vector<16xf32>
      %div3A = arith.constant 1.000000e+00 : f32
      %div3A_752 = vector.broadcast %div3A : f32 to vector<16xf32>
      %div3A_753 = arith.divf %div3A_752, %max3A_751 : vector<16xf32>
      %slice3A = vector.extract_strided_slice %div3A_753 {offsets = [8], sizes = [1], strides = [1]} : vector<16xf32> to vector<1xf32>
      %squeeze3A = vector.extract %slice3A[0] : f32 from vector<1xf32>
      %get3A_754 = arith.index_cast %scan3A_745 : i32 to index
      %get3A_755 = arith.constant 0 : index
      %get3A_756 = tpu.vector_load %arg19[%get3A_754, %get3A_755] {strides = array<i32>} : memref<56x72xf32, #tpu.memory_space<vmem>>, vector<1x16xf32>,
      %get3A_757 = vector.shape_cast %get3A_756 : vector<1x16xf32> to vector<16xf32>
      %mul3A_758 = vector.broadcast %squeeze3A : f32 to vector<16xf32>
      %mul3A_759 = arith.mulf %get3A_757, %mul3A_758 : vector<16xf32>
      %swap3A = arith.index_cast %scan3A_745 : i32 to index
      %swap3A_760 = arith.constant 0 : index
      %swap3A_761 = tpu.vector_load %arg19[%swap3A, %swap3A_760] {strides = array<i32>} : memref<56x72xf32, #tpu.memory_space<vmem>>, vector<1x16xf32>,
      %swap3A_762 = vector.shape_cast %swap3A_761 : vector<1x16xf32> to vector<16xf32>
      %swap3A_763 = vector.shape_cast %mul3A_759 : vector<16xf32> to vector<1x16xf32>
      tpu.vector_store %arg19[%swap3A, %swap3A_760], %swap3A_763 {strides = array<i32>} : memref<56x72xf32, #tpu.memory_space<vmem>>, vector<1x16xf32>,
      %get3A_764 = arith.index_cast %scan3A_745 : i32 to index
      %get3A_765 = arith.constant 16 : index
      %get3A_766 = tpu.vector_load %arg19[%get3A_764, %get3A_765] {strides = array<i32>} : memref<56x72xf32, #tpu.memory_space<vmem>>, vector<1x16xf32>,
      %get3A_767 = vector.shape_cast %get3A_766 : vector<1x16xf32> to vector<16xf32>
      %mul3A_768 = vector.broadcast %squeeze3A : f32 to vector<16xf32>
      %mul3A_769 = arith.mulf %get3A_767, %mul3A_768 : vector<16xf32>
      %swap3A_770 = arith.index_cast %scan3A_745 : i32 to index
      %swap3A_771 = arith.constant 16 : index
      %swap3A_772 = tpu.vector_load %arg19[%swap3A_770, %swap3A_771] {strides = array<i32>} : memref<56x72xf32, #tpu.memory_space<vmem>>, vector<1x16xf32>,
      %swap3A_773 = vector.shape_cast %swap3A_772 : vector<1x16xf32> to vector<16xf32>
      %swap3A_774 = vector.shape_cast %mul3A_769 : vector<16xf32> to vector<1x16xf32>
      tpu.vector_store %arg19[%swap3A_770, %swap3A_771], %swap3A_774 {strides = array<i32>} : memref<56x72xf32, #tpu.memory_space<vmem>>, vector<1x16xf32>,
      %get3A_775 = arith.index_cast %scan3A_745 : i32 to index
      %get3A_776 = arith.constant 32 : index
      %get3A_777 = tpu.vector_load %arg19[%get3A_775, %get3A_776] {strides = array<i32>} : memref<56x72xf32, #tpu.memory_space<vmem>>, vector<1x16xf32>,
      %get3A_778 = vector.shape_cast %get3A_777 : vector<1x16xf32> to vector<16xf32>
      %mul3A_779 = vector.broadcast %squeeze3A : f32 to vector<16xf32>
      %mul3A_780 = arith.mulf %get3A_778, %mul3A_779 : vector<16xf32>
      %swap3A_781 = arith.index_cast %scan3A_745 : i32 to index
      %swap3A_782 = arith.constant 32 : index
      %swap3A_783 = tpu.vector_load %arg19[%swap3A_781, %swap3A_782] {strides = array<i32>} : memref<56x72xf32, #tpu.memory_space<vmem>>, vector<1x16xf32>,
      %swap3A_784 = vector.shape_cast %swap3A_783 : vector<1x16xf32> to vector<16xf32>
      %swap3A_785 = vector.shape_cast %mul3A_780 : vector<16xf32> to vector<1x16xf32>
      tpu.vector_store %arg19[%swap3A_781, %swap3A_782], %swap3A_785 {strides = array<i32>} : memref<56x72xf32, #tpu.memory_space<vmem>>, vector<1x16xf32>,
      %get3A_786 = arith.index_cast %scan3A_745 : i32 to index
      %get3A_787 = arith.constant 48 : index
      %get3A_788 = tpu.vector_load %arg19[%get3A_786, %get3A_787] {strides = array<i32>} : memref<56x72xf32, #tpu.memory_space<vmem>>, vector<1x16xf32>,
      %get3A_789 = vector.shape_cast %get3A_788 : vector<1x16xf32> to vector<16xf32>
      %mul3A_790 = vector.broadcast %squeeze3A : f32 to vector<16xf32>
      %mul3A_791 = arith.mulf %get3A_789, %mul3A_790 : vector<16xf32>
      %swap3A_792 = arith.index_cast %scan3A_745 : i32 to index
      %swap3A_793 = arith.constant 48 : index
      %swap3A_794 = tpu.vector_load %arg19[%swap3A_792, %swap3A_793] {strides = array<i32>} : memref<56x72xf32, #tpu.memory_space<vmem>>, vector<1x16xf32>,
      %swap3A_795 = vector.shape_cast %swap3A_794 : vector<1x16xf32> to vector<16xf32>
      %swap3A_796 = vector.shape_cast %mul3A_791 : vector<16xf32> to vector<1x16xf32>
      tpu.vector_store %arg19[%swap3A_792, %swap3A_793], %swap3A_796 {strides = array<i32>} : memref<56x72xf32, #tpu.memory_space<vmem>>, vector<1x16xf32>,
      %get3A_797 = arith.index_cast %scan3A_745 : i32 to index
      %get3A_798 = arith.constant 56 : index
      %get3A_799 = tpu.vector_load %arg19[%get3A_797, %get3A_798] {strides = array<i32>} : memref<56x72xf32, #tpu.memory_space<vmem>>, vector<1x16xf32>,
      %get3A_800 = vector.shape_cast %get3A_799 : vector<1x16xf32> to vector<16xf32>
      %get3A_801 = arith.index_cast %scan3A_745 : i32 to index
      %get3A_802 = tpu.vector_load %arg20[%get3A_801] {strides = array<i32>} : memref<80xf32, #tpu.memory_space<vmem>>, vector<16xf32>,
      %get3A_803 = vector.shape_cast %get3A_802 : vector<16xf32> to vector<16xf32>
      %lt3A = arith.constant 8 : i32
      %lt3A_804 = vector.broadcast %lt3A : i32 to vector<16xi32>
      %lt3A_805 = arith.cmpi slt, %iota3A, %lt3A_804 : vector<16xi32>
      %select_n3A = arith.select %lt3A_805, %get3A_800, %get3A_803 : vector<16xi1>, vector<16xf32>
      %swap3A_806 = arith.index_cast %scan3A_745 : i32 to index
      %swap3A_807 = arith.constant 56 : index
      %swap3A_808 = tpu.vector_load %arg19[%swap3A_806, %swap3A_807] {strides = array<i32>} : memref<56x72xf32, #tpu.memory_space<vmem>>, vector<1x16xf32>,
      %swap3A_809 = vector.shape_cast %swap3A_808 : vector<1x16xf32> to vector<16xf32>
      %swap3A_810 = vector.shape_cast %select_n3A : vector<16xf32> to vector<1x16xf32>
      tpu.vector_store %arg19[%swap3A_806, %swap3A_807], %swap3A_810 {strides = array<i32>} : memref<56x72xf32, #tpu.memory_space<vmem>>, vector<1x16xf32>,
      %scan3A_811 = arith.constant 0 : i32
      scf.yield %scan3A_811 : i32
    }
    %scan3A_85 = arith.constant 56 : i32
    "tpu.region"() ({
      %run_scoped3A = tpu.sem_alloc : memref<!tpu.dma_semaphore, #tpu.memory_space<semaphore_mem>>
      %dma_start3A_745 = arith.constant 0 : i32
      %dma_start3A_746 = tpu.memref_slice %arg14[%add3A_58, %dma_start3A_745] : memref<20608x72xf32, #tpu.memory_space<vmem_shared>> -> memref<56x72xf32, #tpu.memory_space<vmem_shared>>
      %dma_start3A_747 = arith.constant 0 : i32
      %dma_start3A_748 = tpu.memref_slice %arg14[%add3A_58, %dma_start3A_747] : memref<20608x72xf32, #tpu.memory_space<vmem_shared>> -> memref<56x72xf32, #tpu.memory_space<vmem_shared>>
      tpu.enqueue_dma source(%arg19 : memref<56x72xf32, #tpu.memory_space<vmem>>) target(%dma_start3A_748 : memref<56x72xf32, #tpu.memory_space<vmem_shared>>) target_semaphore(%run_scoped3A : memref<!tpu.dma_semaphore, #tpu.memory_space<semaphore_mem>>)
      %dma_wait3A_749 = arith.constant 0 : i32
      %dma_wait3A_750 = tpu.memref_slice %arg14[%add3A_58, %dma_wait3A_749] : memref<20608x72xf32, #tpu.memory_space<vmem_shared>> -> memref<56x72xf32, #tpu.memory_space<vmem_shared>>
      %dma_wait3A_751 = arith.constant 0 : i32
      %dma_wait3A_752 = tpu.memref_slice %arg14[%add3A_58, %dma_wait3A_751] : memref<20608x72xf32, #tpu.memory_space<vmem_shared>> -> memref<56x72xf32, #tpu.memory_space<vmem_shared>>
      tpu.wait_dma2 semaphore(%run_scoped3A : memref<!tpu.dma_semaphore, #tpu.memory_space<semaphore_mem>>) src(%arg19 : memref<56x72xf32, #tpu.memory_space<vmem>>) dst(%dma_wait3A_752 : memref<56x72xf32, #tpu.memory_space<vmem_shared>>)
      tpu.yield
    }) : () -> ()
    %mul3A_86 = arith.constant 1288 : i32
    %mul3A_87 = arith.muli %arg1, %mul3A_86 : i32
    %add3A_88 = arith.constant 112 : i32
    %add3A_89 = arith.addi %mul3A_87, %add3A_88 : i32
    %dma_start3A_90 = arith.constant 0 : i32
    %dma_start3A_91 = tpu.memref_slice %arg14[%add3A_89, %dma_start3A_90] : memref<20608x72xf32, #tpu.memory_space<vmem_shared>> -> memref<56x72xf32, #tpu.memory_space<vmem_shared>>
    %dma_start3A_92 = arith.constant 0 : i32
    %dma_start3A_93 = tpu.memref_slice %arg14[%add3A_89, %dma_start3A_92] : memref<20608x72xf32, #tpu.memory_space<vmem_shared>> -> memref<56x72xf32, #tpu.memory_space<vmem_shared>>
    tpu.enqueue_dma source(%dma_start3A_93 : memref<56x72xf32, #tpu.memory_space<vmem_shared>>) target(%arg19 : memref<56x72xf32, #tpu.memory_space<vmem>>) target_semaphore(%arg23 : memref<!tpu.dma_semaphore, #tpu.memory_space<semaphore_mem>>)
    %dma_start3A_94 = arith.constant 8 : i32
    %dma_start3A_95 = tpu.memref_slice %arg20[%dma_start3A_94] : memref<80xf32, #tpu.memory_space<vmem>> -> memref<56xf32, #tpu.memory_space<vmem>>
    %dma_start3A_96 = tpu.memref_slice %arg4[%add3A_89] : memref<20608xf32, #tpu.memory_space<hbm>> -> memref<56xf32, #tpu.memory_space<hbm>>
    %dma_start3A_97 = arith.constant 8 : i32
    %dma_start3A_98 = tpu.memref_slice %arg20[%dma_start3A_97] : memref<80xf32, #tpu.memory_space<vmem>> -> memref<56xf32, #tpu.memory_space<vmem>>
    %dma_start3A_99 = tpu.memref_slice %arg4[%add3A_89] : memref<20608xf32, #tpu.memory_space<hbm>> -> memref<56xf32, #tpu.memory_space<hbm>>
    tpu.enqueue_dma source(%dma_start3A_99 : memref<56xf32, #tpu.memory_space<hbm>>) target(%dma_start3A_98 : memref<56xf32, #tpu.memory_space<vmem>>) target_semaphore(%arg26 : memref<!tpu.dma_semaphore, #tpu.memory_space<semaphore_mem>>)
    %dma_wait3A_100 = arith.constant 0 : i32
    %dma_wait3A_101 = tpu.memref_slice %arg14[%add3A_89, %dma_wait3A_100] : memref<20608x72xf32, #tpu.memory_space<vmem_shared>> -> memref<56x72xf32, #tpu.memory_space<vmem_shared>>
    %dma_wait3A_102 = arith.constant 0 : i32
    %dma_wait3A_103 = tpu.memref_slice %arg14[%add3A_89, %dma_wait3A_102] : memref<20608x72xf32, #tpu.memory_space<vmem_shared>> -> memref<56x72xf32, #tpu.memory_space<vmem_shared>>
    tpu.wait_dma2 semaphore(%arg23 : memref<!tpu.dma_semaphore, #tpu.memory_space<semaphore_mem>>) src(%dma_wait3A_103 : memref<56x72xf32, #tpu.memory_space<vmem_shared>>) dst(%arg19 : memref<56x72xf32, #tpu.memory_space<vmem>>)
    %dma_wait3A_104 = arith.constant 8 : i32
    %dma_wait3A_105 = tpu.memref_slice %arg20[%dma_wait3A_104] : memref<80xf32, #tpu.memory_space<vmem>> -> memref<56xf32, #tpu.memory_space<vmem>>
    %dma_wait3A_106 = tpu.memref_slice %arg4[%add3A_89] : memref<20608xf32, #tpu.memory_space<hbm>> -> memref<56xf32, #tpu.memory_space<hbm>>
    %dma_wait3A_107 = arith.constant 8 : i32
    %dma_wait3A_108 = tpu.memref_slice %arg20[%dma_wait3A_107] : memref<80xf32, #tpu.memory_space<vmem>> -> memref<56xf32, #tpu.memory_space<vmem>>
    %dma_wait3A_109 = tpu.memref_slice %arg4[%add3A_89] : memref<20608xf32, #tpu.memory_space<hbm>> -> memref<56xf32, #tpu.memory_space<hbm>>
    tpu.wait_dma2 semaphore(%arg26 : memref<!tpu.dma_semaphore, #tpu.memory_space<semaphore_mem>>) src(%dma_wait3A_109 : memref<56xf32, #tpu.memory_space<hbm>>) dst(%dma_wait3A_108 : memref<56xf32, #tpu.memory_space<vmem>>)
    %scan3A_110 = arith.constant 0 : i32
    %scan3A_111 = arith.constant 0 : i32
    %scan3A_112 = arith.constant 56 : i32
    %scan3A_113 = arith.addi %scan3A_111, %scan3A_112 : i32
    %scan3A_114 = arith.constant 1 : i32
    %scan3A_115 = scf.for %scan3A_745 = %scan3A_111 to %scan3A_113 step %scan3A_114 iter_args(%scan3A_746 = %scan3A_110) -> (i32)  : i32 {
      %get3A = arith.index_cast %scan3A_745 : i32 to index
      %get3A_747 = arith.constant 56 : index
      %get3A_748 = tpu.vector_load %arg19[%get3A, %get3A_747] {strides = array<i32>} : memref<56x72xf32, #tpu.memory_space<vmem>>, vector<1x16xf32>,
      %get3A_749 = vector.shape_cast %get3A_748 : vector<1x16xf32> to vector<16xf32>
      %max3A = arith.constant 1.000000e+00 : f32
      %max3A_750 = vector.broadcast %max3A : f32 to vector<16xf32>
      %max3A_751 = arith.maximumf %get3A_749, %max3A_750 : vector<16xf32>
      %div3A = arith.constant 1.000000e+00 : f32
      %div3A_752 = vector.broadcast %div3A : f32 to vector<16xf32>
      %div3A_753 = arith.divf %div3A_752, %max3A_751 : vector<16xf32>
      %slice3A = vector.extract_strided_slice %div3A_753 {offsets = [8], sizes = [1], strides = [1]} : vector<16xf32> to vector<1xf32>
      %squeeze3A = vector.extract %slice3A[0] : f32 from vector<1xf32>
      %get3A_754 = arith.index_cast %scan3A_745 : i32 to index
      %get3A_755 = arith.constant 0 : index
      %get3A_756 = tpu.vector_load %arg19[%get3A_754, %get3A_755] {strides = array<i32>} : memref<56x72xf32, #tpu.memory_space<vmem>>, vector<1x16xf32>,
      %get3A_757 = vector.shape_cast %get3A_756 : vector<1x16xf32> to vector<16xf32>
      %mul3A_758 = vector.broadcast %squeeze3A : f32 to vector<16xf32>
      %mul3A_759 = arith.mulf %get3A_757, %mul3A_758 : vector<16xf32>
      %swap3A = arith.index_cast %scan3A_745 : i32 to index
      %swap3A_760 = arith.constant 0 : index
      %swap3A_761 = tpu.vector_load %arg19[%swap3A, %swap3A_760] {strides = array<i32>} : memref<56x72xf32, #tpu.memory_space<vmem>>, vector<1x16xf32>,
      %swap3A_762 = vector.shape_cast %swap3A_761 : vector<1x16xf32> to vector<16xf32>
      %swap3A_763 = vector.shape_cast %mul3A_759 : vector<16xf32> to vector<1x16xf32>
      tpu.vector_store %arg19[%swap3A, %swap3A_760], %swap3A_763 {strides = array<i32>} : memref<56x72xf32, #tpu.memory_space<vmem>>, vector<1x16xf32>,
      %get3A_764 = arith.index_cast %scan3A_745 : i32 to index
      %get3A_765 = arith.constant 16 : index
      %get3A_766 = tpu.vector_load %arg19[%get3A_764, %get3A_765] {strides = array<i32>} : memref<56x72xf32, #tpu.memory_space<vmem>>, vector<1x16xf32>,
      %get3A_767 = vector.shape_cast %get3A_766 : vector<1x16xf32> to vector<16xf32>
      %mul3A_768 = vector.broadcast %squeeze3A : f32 to vector<16xf32>
      %mul3A_769 = arith.mulf %get3A_767, %mul3A_768 : vector<16xf32>
      %swap3A_770 = arith.index_cast %scan3A_745 : i32 to index
      %swap3A_771 = arith.constant 16 : index
      %swap3A_772 = tpu.vector_load %arg19[%swap3A_770, %swap3A_771] {strides = array<i32>} : memref<56x72xf32, #tpu.memory_space<vmem>>, vector<1x16xf32>,
      %swap3A_773 = vector.shape_cast %swap3A_772 : vector<1x16xf32> to vector<16xf32>
      %swap3A_774 = vector.shape_cast %mul3A_769 : vector<16xf32> to vector<1x16xf32>
      tpu.vector_store %arg19[%swap3A_770, %swap3A_771], %swap3A_774 {strides = array<i32>} : memref<56x72xf32, #tpu.memory_space<vmem>>, vector<1x16xf32>,
      %get3A_775 = arith.index_cast %scan3A_745 : i32 to index
      %get3A_776 = arith.constant 32 : index
      %get3A_777 = tpu.vector_load %arg19[%get3A_775, %get3A_776] {strides = array<i32>} : memref<56x72xf32, #tpu.memory_space<vmem>>, vector<1x16xf32>,
      %get3A_778 = vector.shape_cast %get3A_777 : vector<1x16xf32> to vector<16xf32>
      %mul3A_779 = vector.broadcast %squeeze3A : f32 to vector<16xf32>
      %mul3A_780 = arith.mulf %get3A_778, %mul3A_779 : vector<16xf32>
      %swap3A_781 = arith.index_cast %scan3A_745 : i32 to index
      %swap3A_782 = arith.constant 32 : index
      %swap3A_783 = tpu.vector_load %arg19[%swap3A_781, %swap3A_782] {strides = array<i32>} : memref<56x72xf32, #tpu.memory_space<vmem>>, vector<1x16xf32>,
      %swap3A_784 = vector.shape_cast %swap3A_783 : vector<1x16xf32> to vector<16xf32>
      %swap3A_785 = vector.shape_cast %mul3A_780 : vector<16xf32> to vector<1x16xf32>
      tpu.vector_store %arg19[%swap3A_781, %swap3A_782], %swap3A_785 {strides = array<i32>} : memref<56x72xf32, #tpu.memory_space<vmem>>, vector<1x16xf32>,
      %get3A_786 = arith.index_cast %scan3A_745 : i32 to index
      %get3A_787 = arith.constant 48 : index
      %get3A_788 = tpu.vector_load %arg19[%get3A_786, %get3A_787] {strides = array<i32>} : memref<56x72xf32, #tpu.memory_space<vmem>>, vector<1x16xf32>,
      %get3A_789 = vector.shape_cast %get3A_788 : vector<1x16xf32> to vector<16xf32>
      %mul3A_790 = vector.broadcast %squeeze3A : f32 to vector<16xf32>
      %mul3A_791 = arith.mulf %get3A_789, %mul3A_790 : vector<16xf32>
      %swap3A_792 = arith.index_cast %scan3A_745 : i32 to index
      %swap3A_793 = arith.constant 48 : index
      %swap3A_794 = tpu.vector_load %arg19[%swap3A_792, %swap3A_793] {strides = array<i32>} : memref<56x72xf32, #tpu.memory_space<vmem>>, vector<1x16xf32>,
      %swap3A_795 = vector.shape_cast %swap3A_794 : vector<1x16xf32> to vector<16xf32>
      %swap3A_796 = vector.shape_cast %mul3A_791 : vector<16xf32> to vector<1x16xf32>
      tpu.vector_store %arg19[%swap3A_792, %swap3A_793], %swap3A_796 {strides = array<i32>} : memref<56x72xf32, #tpu.memory_space<vmem>>, vector<1x16xf32>,
      %get3A_797 = arith.index_cast %scan3A_745 : i32 to index
      %get3A_798 = arith.constant 56 : index
      %get3A_799 = tpu.vector_load %arg19[%get3A_797, %get3A_798] {strides = array<i32>} : memref<56x72xf32, #tpu.memory_space<vmem>>, vector<1x16xf32>,
      %get3A_800 = vector.shape_cast %get3A_799 : vector<1x16xf32> to vector<16xf32>
      %get3A_801 = arith.index_cast %scan3A_745 : i32 to index
      %get3A_802 = tpu.vector_load %arg20[%get3A_801] {strides = array<i32>} : memref<80xf32, #tpu.memory_space<vmem>>, vector<16xf32>,
      %get3A_803 = vector.shape_cast %get3A_802 : vector<16xf32> to vector<16xf32>
      %lt3A = arith.constant 8 : i32
      %lt3A_804 = vector.broadcast %lt3A : i32 to vector<16xi32>
      %lt3A_805 = arith.cmpi slt, %iota3A, %lt3A_804 : vector<16xi32>
      %select_n3A = arith.select %lt3A_805, %get3A_800, %get3A_803 : vector<16xi1>, vector<16xf32>
      %swap3A_806 = arith.index_cast %scan3A_745 : i32 to index
      %swap3A_807 = arith.constant 56 : index
      %swap3A_808 = tpu.vector_load %arg19[%swap3A_806, %swap3A_807] {strides = array<i32>} : memref<56x72xf32, #tpu.memory_space<vmem>>, vector<1x16xf32>,
      %swap3A_809 = vector.shape_cast %swap3A_808 : vector<1x16xf32> to vector<16xf32>
      %swap3A_810 = vector.shape_cast %select_n3A : vector<16xf32> to vector<1x16xf32>
      tpu.vector_store %arg19[%swap3A_806, %swap3A_807], %swap3A_810 {strides = array<i32>} : memref<56x72xf32, #tpu.memory_space<vmem>>, vector<1x16xf32>,
      %scan3A_811 = arith.constant 0 : i32
      scf.yield %scan3A_811 : i32
    }
    %scan3A_116 = arith.constant 56 : i32
    "tpu.region"() ({
      %run_scoped3A = tpu.sem_alloc : memref<!tpu.dma_semaphore, #tpu.memory_space<semaphore_mem>>
      %dma_start3A_745 = arith.constant 0 : i32
      %dma_start3A_746 = tpu.memref_slice %arg14[%add3A_89, %dma_start3A_745] : memref<20608x72xf32, #tpu.memory_space<vmem_shared>> -> memref<56x72xf32, #tpu.memory_space<vmem_shared>>
      %dma_start3A_747 = arith.constant 0 : i32
      %dma_start3A_748 = tpu.memref_slice %arg14[%add3A_89, %dma_start3A_747] : memref<20608x72xf32, #tpu.memory_space<vmem_shared>> -> memref<56x72xf32, #tpu.memory_space<vmem_shared>>
      tpu.enqueue_dma source(%arg19 : memref<56x72xf32, #tpu.memory_space<vmem>>) target(%dma_start3A_748 : memref<56x72xf32, #tpu.memory_space<vmem_shared>>) target_semaphore(%run_scoped3A : memref<!tpu.dma_semaphore, #tpu.memory_space<semaphore_mem>>)
      %dma_wait3A_749 = arith.constant 0 : i32
      %dma_wait3A_750 = tpu.memref_slice %arg14[%add3A_89, %dma_wait3A_749] : memref<20608x72xf32, #tpu.memory_space<vmem_shared>> -> memref<56x72xf32, #tpu.memory_space<vmem_shared>>
      %dma_wait3A_751 = arith.constant 0 : i32
      %dma_wait3A_752 = tpu.memref_slice %arg14[%add3A_89, %dma_wait3A_751] : memref<20608x72xf32, #tpu.memory_space<vmem_shared>> -> memref<56x72xf32, #tpu.memory_space<vmem_shared>>
      tpu.wait_dma2 semaphore(%run_scoped3A : memref<!tpu.dma_semaphore, #tpu.memory_space<semaphore_mem>>) src(%arg19 : memref<56x72xf32, #tpu.memory_space<vmem>>) dst(%dma_wait3A_752 : memref<56x72xf32, #tpu.memory_space<vmem_shared>>)
      tpu.yield
    }) : () -> ()
    %mul3A_117 = arith.constant 1288 : i32
    %mul3A_118 = arith.muli %arg1, %mul3A_117 : i32
    %add3A_119 = arith.constant 168 : i32
    %add3A_120 = arith.addi %mul3A_118, %add3A_119 : i32
    %dma_start3A_121 = arith.constant 0 : i32
    %dma_start3A_122 = tpu.memref_slice %arg14[%add3A_120, %dma_start3A_121] : memref<20608x72xf32, #tpu.memory_space<vmem_shared>> -> memref<56x72xf32, #tpu.memory_space<vmem_shared>>
    %dma_start3A_123 = arith.constant 0 : i32
    %dma_start3A_124 = tpu.memref_slice %arg14[%add3A_120, %dma_start3A_123] : memref<20608x72xf32, #tpu.memory_space<vmem_shared>> -> memref<56x72xf32, #tpu.memory_space<vmem_shared>>
    tpu.enqueue_dma source(%dma_start3A_124 : memref<56x72xf32, #tpu.memory_space<vmem_shared>>) target(%arg19 : memref<56x72xf32, #tpu.memory_space<vmem>>) target_semaphore(%arg23 : memref<!tpu.dma_semaphore, #tpu.memory_space<semaphore_mem>>)
    %dma_start3A_125 = arith.constant 8 : i32
    %dma_start3A_126 = tpu.memref_slice %arg20[%dma_start3A_125] : memref<80xf32, #tpu.memory_space<vmem>> -> memref<56xf32, #tpu.memory_space<vmem>>
    %dma_start3A_127 = tpu.memref_slice %arg4[%add3A_120] : memref<20608xf32, #tpu.memory_space<hbm>> -> memref<56xf32, #tpu.memory_space<hbm>>
    %dma_start3A_128 = arith.constant 8 : i32
    %dma_start3A_129 = tpu.memref_slice %arg20[%dma_start3A_128] : memref<80xf32, #tpu.memory_space<vmem>> -> memref<56xf32, #tpu.memory_space<vmem>>
    %dma_start3A_130 = tpu.memref_slice %arg4[%add3A_120] : memref<20608xf32, #tpu.memory_space<hbm>> -> memref<56xf32, #tpu.memory_space<hbm>>
    tpu.enqueue_dma source(%dma_start3A_130 : memref<56xf32, #tpu.memory_space<hbm>>) target(%dma_start3A_129 : memref<56xf32, #tpu.memory_space<vmem>>) target_semaphore(%arg26 : memref<!tpu.dma_semaphore, #tpu.memory_space<semaphore_mem>>)
    %dma_wait3A_131 = arith.constant 0 : i32
    %dma_wait3A_132 = tpu.memref_slice %arg14[%add3A_120, %dma_wait3A_131] : memref<20608x72xf32, #tpu.memory_space<vmem_shared>> -> memref<56x72xf32, #tpu.memory_space<vmem_shared>>
    %dma_wait3A_133 = arith.constant 0 : i32
    %dma_wait3A_134 = tpu.memref_slice %arg14[%add3A_120, %dma_wait3A_133] : memref<20608x72xf32, #tpu.memory_space<vmem_shared>> -> memref<56x72xf32, #tpu.memory_space<vmem_shared>>
    tpu.wait_dma2 semaphore(%arg23 : memref<!tpu.dma_semaphore, #tpu.memory_space<semaphore_mem>>) src(%dma_wait3A_134 : memref<56x72xf32, #tpu.memory_space<vmem_shared>>) dst(%arg19 : memref<56x72xf32, #tpu.memory_space<vmem>>)
    %dma_wait3A_135 = arith.constant 8 : i32
    %dma_wait3A_136 = tpu.memref_slice %arg20[%dma_wait3A_135] : memref<80xf32, #tpu.memory_space<vmem>> -> memref<56xf32, #tpu.memory_space<vmem>>
    %dma_wait3A_137 = tpu.memref_slice %arg4[%add3A_120] : memref<20608xf32, #tpu.memory_space<hbm>> -> memref<56xf32, #tpu.memory_space<hbm>>
    %dma_wait3A_138 = arith.constant 8 : i32
    %dma_wait3A_139 = tpu.memref_slice %arg20[%dma_wait3A_138] : memref<80xf32, #tpu.memory_space<vmem>> -> memref<56xf32, #tpu.memory_space<vmem>>
    %dma_wait3A_140 = tpu.memref_slice %arg4[%add3A_120] : memref<20608xf32, #tpu.memory_space<hbm>> -> memref<56xf32, #tpu.memory_space<hbm>>
    tpu.wait_dma2 semaphore(%arg26 : memref<!tpu.dma_semaphore, #tpu.memory_space<semaphore_mem>>) src(%dma_wait3A_140 : memref<56xf32, #tpu.memory_space<hbm>>) dst(%dma_wait3A_139 : memref<56xf32, #tpu.memory_space<vmem>>)
    %scan3A_141 = arith.constant 0 : i32
    %scan3A_142 = arith.constant 0 : i32
    %scan3A_143 = arith.constant 56 : i32
    %scan3A_144 = arith.addi %scan3A_142, %scan3A_143 : i32
    %scan3A_145 = arith.constant 1 : i32
    %scan3A_146 = scf.for %scan3A_745 = %scan3A_142 to %scan3A_144 step %scan3A_145 iter_args(%scan3A_746 = %scan3A_141) -> (i32)  : i32 {
      %get3A = arith.index_cast %scan3A_745 : i32 to index
      %get3A_747 = arith.constant 56 : index
      %get3A_748 = tpu.vector_load %arg19[%get3A, %get3A_747] {strides = array<i32>} : memref<56x72xf32, #tpu.memory_space<vmem>>, vector<1x16xf32>,
      %get3A_749 = vector.shape_cast %get3A_748 : vector<1x16xf32> to vector<16xf32>
      %max3A = arith.constant 1.000000e+00 : f32
      %max3A_750 = vector.broadcast %max3A : f32 to vector<16xf32>
      %max3A_751 = arith.maximumf %get3A_749, %max3A_750 : vector<16xf32>
      %div3A = arith.constant 1.000000e+00 : f32
      %div3A_752 = vector.broadcast %div3A : f32 to vector<16xf32>
      %div3A_753 = arith.divf %div3A_752, %max3A_751 : vector<16xf32>
      %slice3A = vector.extract_strided_slice %div3A_753 {offsets = [8], sizes = [1], strides = [1]} : vector<16xf32> to vector<1xf32>
      %squeeze3A = vector.extract %slice3A[0] : f32 from vector<1xf32>
      %get3A_754 = arith.index_cast %scan3A_745 : i32 to index
      %get3A_755 = arith.constant 0 : index
      %get3A_756 = tpu.vector_load %arg19[%get3A_754, %get3A_755] {strides = array<i32>} : memref<56x72xf32, #tpu.memory_space<vmem>>, vector<1x16xf32>,
      %get3A_757 = vector.shape_cast %get3A_756 : vector<1x16xf32> to vector<16xf32>
      %mul3A_758 = vector.broadcast %squeeze3A : f32 to vector<16xf32>
      %mul3A_759 = arith.mulf %get3A_757, %mul3A_758 : vector<16xf32>
      %swap3A = arith.index_cast %scan3A_745 : i32 to index
      %swap3A_760 = arith.constant 0 : index
      %swap3A_761 = tpu.vector_load %arg19[%swap3A, %swap3A_760] {strides = array<i32>} : memref<56x72xf32, #tpu.memory_space<vmem>>, vector<1x16xf32>,
      %swap3A_762 = vector.shape_cast %swap3A_761 : vector<1x16xf32> to vector<16xf32>
      %swap3A_763 = vector.shape_cast %mul3A_759 : vector<16xf32> to vector<1x16xf32>
      tpu.vector_store %arg19[%swap3A, %swap3A_760], %swap3A_763 {strides = array<i32>} : memref<56x72xf32, #tpu.memory_space<vmem>>, vector<1x16xf32>,
      %get3A_764 = arith.index_cast %scan3A_745 : i32 to index
      %get3A_765 = arith.constant 16 : index
      %get3A_766 = tpu.vector_load %arg19[%get3A_764, %get3A_765] {strides = array<i32>} : memref<56x72xf32, #tpu.memory_space<vmem>>, vector<1x16xf32>,
      %get3A_767 = vector.shape_cast %get3A_766 : vector<1x16xf32> to vector<16xf32>
      %mul3A_768 = vector.broadcast %squeeze3A : f32 to vector<16xf32>
      %mul3A_769 = arith.mulf %get3A_767, %mul3A_768 : vector<16xf32>
      %swap3A_770 = arith.index_cast %scan3A_745 : i32 to index
      %swap3A_771 = arith.constant 16 : index
      %swap3A_772 = tpu.vector_load %arg19[%swap3A_770, %swap3A_771] {strides = array<i32>} : memref<56x72xf32, #tpu.memory_space<vmem>>, vector<1x16xf32>,
      %swap3A_773 = vector.shape_cast %swap3A_772 : vector<1x16xf32> to vector<16xf32>
      %swap3A_774 = vector.shape_cast %mul3A_769 : vector<16xf32> to vector<1x16xf32>
      tpu.vector_store %arg19[%swap3A_770, %swap3A_771], %swap3A_774 {strides = array<i32>} : memref<56x72xf32, #tpu.memory_space<vmem>>, vector<1x16xf32>,
      %get3A_775 = arith.index_cast %scan3A_745 : i32 to index
      %get3A_776 = arith.constant 32 : index
      %get3A_777 = tpu.vector_load %arg19[%get3A_775, %get3A_776] {strides = array<i32>} : memref<56x72xf32, #tpu.memory_space<vmem>>, vector<1x16xf32>,
      %get3A_778 = vector.shape_cast %get3A_777 : vector<1x16xf32> to vector<16xf32>
      %mul3A_779 = vector.broadcast %squeeze3A : f32 to vector<16xf32>
      %mul3A_780 = arith.mulf %get3A_778, %mul3A_779 : vector<16xf32>
      %swap3A_781 = arith.index_cast %scan3A_745 : i32 to index
      %swap3A_782 = arith.constant 32 : index
      %swap3A_783 = tpu.vector_load %arg19[%swap3A_781, %swap3A_782] {strides = array<i32>} : memref<56x72xf32, #tpu.memory_space<vmem>>, vector<1x16xf32>,
      %swap3A_784 = vector.shape_cast %swap3A_783 : vector<1x16xf32> to vector<16xf32>
      %swap3A_785 = vector.shape_cast %mul3A_780 : vector<16xf32> to vector<1x16xf32>
      tpu.vector_store %arg19[%swap3A_781, %swap3A_782], %swap3A_785 {strides = array<i32>} : memref<56x72xf32, #tpu.memory_space<vmem>>, vector<1x16xf32>,
      %get3A_786 = arith.index_cast %scan3A_745 : i32 to index
      %get3A_787 = arith.constant 48 : index
      %get3A_788 = tpu.vector_load %arg19[%get3A_786, %get3A_787] {strides = array<i32>} : memref<56x72xf32, #tpu.memory_space<vmem>>, vector<1x16xf32>,
      %get3A_789 = vector.shape_cast %get3A_788 : vector<1x16xf32> to vector<16xf32>
      %mul3A_790 = vector.broadcast %squeeze3A : f32 to vector<16xf32>
      %mul3A_791 = arith.mulf %get3A_789, %mul3A_790 : vector<16xf32>
      %swap3A_792 = arith.index_cast %scan3A_745 : i32 to index
      %swap3A_793 = arith.constant 48 : index
      %swap3A_794 = tpu.vector_load %arg19[%swap3A_792, %swap3A_793] {strides = array<i32>} : memref<56x72xf32, #tpu.memory_space<vmem>>, vector<1x16xf32>,
      %swap3A_795 = vector.shape_cast %swap3A_794 : vector<1x16xf32> to vector<16xf32>
      %swap3A_796 = vector.shape_cast %mul3A_791 : vector<16xf32> to vector<1x16xf32>
      tpu.vector_store %arg19[%swap3A_792, %swap3A_793], %swap3A_796 {strides = array<i32>} : memref<56x72xf32, #tpu.memory_space<vmem>>, vector<1x16xf32>,
      %get3A_797 = arith.index_cast %scan3A_745 : i32 to index
      %get3A_798 = arith.constant 56 : index
      %get3A_799 = tpu.vector_load %arg19[%get3A_797, %get3A_798] {strides = array<i32>} : memref<56x72xf32, #tpu.memory_space<vmem>>, vector<1x16xf32>,
      %get3A_800 = vector.shape_cast %get3A_799 : vector<1x16xf32> to vector<16xf32>
      %get3A_801 = arith.index_cast %scan3A_745 : i32 to index
      %get3A_802 = tpu.vector_load %arg20[%get3A_801] {strides = array<i32>} : memref<80xf32, #tpu.memory_space<vmem>>, vector<16xf32>,
      %get3A_803 = vector.shape_cast %get3A_802 : vector<16xf32> to vector<16xf32>
      %lt3A = arith.constant 8 : i32
      %lt3A_804 = vector.broadcast %lt3A : i32 to vector<16xi32>
      %lt3A_805 = arith.cmpi slt, %iota3A, %lt3A_804 : vector<16xi32>
      %select_n3A = arith.select %lt3A_805, %get3A_800, %get3A_803 : vector<16xi1>, vector<16xf32>
      %swap3A_806 = arith.index_cast %scan3A_745 : i32 to index
      %swap3A_807 = arith.constant 56 : index
      %swap3A_808 = tpu.vector_load %arg19[%swap3A_806, %swap3A_807] {strides = array<i32>} : memref<56x72xf32, #tpu.memory_space<vmem>>, vector<1x16xf32>,
      %swap3A_809 = vector.shape_cast %swap3A_808 : vector<1x16xf32> to vector<16xf32>
      %swap3A_810 = vector.shape_cast %select_n3A : vector<16xf32> to vector<1x16xf32>
      tpu.vector_store %arg19[%swap3A_806, %swap3A_807], %swap3A_810 {strides = array<i32>} : memref<56x72xf32, #tpu.memory_space<vmem>>, vector<1x16xf32>,
      %scan3A_811 = arith.constant 0 : i32
      scf.yield %scan3A_811 : i32
    }
    %scan3A_147 = arith.constant 56 : i32
    "tpu.region"() ({
      %run_scoped3A = tpu.sem_alloc : memref<!tpu.dma_semaphore, #tpu.memory_space<semaphore_mem>>
      %dma_start3A_745 = arith.constant 0 : i32
      %dma_start3A_746 = tpu.memref_slice %arg14[%add3A_120, %dma_start3A_745] : memref<20608x72xf32, #tpu.memory_space<vmem_shared>> -> memref<56x72xf32, #tpu.memory_space<vmem_shared>>
      %dma_start3A_747 = arith.constant 0 : i32
      %dma_start3A_748 = tpu.memref_slice %arg14[%add3A_120, %dma_start3A_747] : memref<20608x72xf32, #tpu.memory_space<vmem_shared>> -> memref<56x72xf32, #tpu.memory_space<vmem_shared>>
      tpu.enqueue_dma source(%arg19 : memref<56x72xf32, #tpu.memory_space<vmem>>) target(%dma_start3A_748 : memref<56x72xf32, #tpu.memory_space<vmem_shared>>) target_semaphore(%run_scoped3A : memref<!tpu.dma_semaphore, #tpu.memory_space<semaphore_mem>>)
      %dma_wait3A_749 = arith.constant 0 : i32
      %dma_wait3A_750 = tpu.memref_slice %arg14[%add3A_120, %dma_wait3A_749] : memref<20608x72xf32, #tpu.memory_space<vmem_shared>> -> memref<56x72xf32, #tpu.memory_space<vmem_shared>>
      %dma_wait3A_751 = arith.constant 0 : i32
      %dma_wait3A_752 = tpu.memref_slice %arg14[%add3A_120, %dma_wait3A_751] : memref<20608x72xf32, #tpu.memory_space<vmem_shared>> -> memref<56x72xf32, #tpu.memory_space<vmem_shared>>
      tpu.wait_dma2 semaphore(%run_scoped3A : memref<!tpu.dma_semaphore, #tpu.memory_space<semaphore_mem>>) src(%arg19 : memref<56x72xf32, #tpu.memory_space<vmem>>) dst(%dma_wait3A_752 : memref<56x72xf32, #tpu.memory_space<vmem_shared>>)
      tpu.yield
    }) : () -> ()
    %mul3A_148 = arith.constant 1288 : i32
    %mul3A_149 = arith.muli %arg1, %mul3A_148 : i32
    %add3A_150 = arith.constant 224 : i32
    %add3A_151 = arith.addi %mul3A_149, %add3A_150 : i32
    %dma_start3A_152 = arith.constant 0 : i32
    %dma_start3A_153 = tpu.memref_slice %arg14[%add3A_151, %dma_start3A_152] : memref<20608x72xf32, #tpu.memory_space<vmem_shared>> -> memref<56x72xf32, #tpu.memory_space<vmem_shared>>
    %dma_start3A_154 = arith.constant 0 : i32
    %dma_start3A_155 = tpu.memref_slice %arg14[%add3A_151, %dma_start3A_154] : memref<20608x72xf32, #tpu.memory_space<vmem_shared>> -> memref<56x72xf32, #tpu.memory_space<vmem_shared>>
    tpu.enqueue_dma source(%dma_start3A_155 : memref<56x72xf32, #tpu.memory_space<vmem_shared>>) target(%arg19 : memref<56x72xf32, #tpu.memory_space<vmem>>) target_semaphore(%arg23 : memref<!tpu.dma_semaphore, #tpu.memory_space<semaphore_mem>>)
    %dma_start3A_156 = arith.constant 8 : i32
    %dma_start3A_157 = tpu.memref_slice %arg20[%dma_start3A_156] : memref<80xf32, #tpu.memory_space<vmem>> -> memref<56xf32, #tpu.memory_space<vmem>>
    %dma_start3A_158 = tpu.memref_slice %arg4[%add3A_151] : memref<20608xf32, #tpu.memory_space<hbm>> -> memref<56xf32, #tpu.memory_space<hbm>>
    %dma_start3A_159 = arith.constant 8 : i32
    %dma_start3A_160 = tpu.memref_slice %arg20[%dma_start3A_159] : memref<80xf32, #tpu.memory_space<vmem>> -> memref<56xf32, #tpu.memory_space<vmem>>
    %dma_start3A_161 = tpu.memref_slice %arg4[%add3A_151] : memref<20608xf32, #tpu.memory_space<hbm>> -> memref<56xf32, #tpu.memory_space<hbm>>
    tpu.enqueue_dma source(%dma_start3A_161 : memref<56xf32, #tpu.memory_space<hbm>>) target(%dma_start3A_160 : memref<56xf32, #tpu.memory_space<vmem>>) target_semaphore(%arg26 : memref<!tpu.dma_semaphore, #tpu.memory_space<semaphore_mem>>)
    %dma_wait3A_162 = arith.constant 0 : i32
    %dma_wait3A_163 = tpu.memref_slice %arg14[%add3A_151, %dma_wait3A_162] : memref<20608x72xf32, #tpu.memory_space<vmem_shared>> -> memref<56x72xf32, #tpu.memory_space<vmem_shared>>
    %dma_wait3A_164 = arith.constant 0 : i32
    %dma_wait3A_165 = tpu.memref_slice %arg14[%add3A_151, %dma_wait3A_164] : memref<20608x72xf32, #tpu.memory_space<vmem_shared>> -> memref<56x72xf32, #tpu.memory_space<vmem_shared>>
    tpu.wait_dma2 semaphore(%arg23 : memref<!tpu.dma_semaphore, #tpu.memory_space<semaphore_mem>>) src(%dma_wait3A_165 : memref<56x72xf32, #tpu.memory_space<vmem_shared>>) dst(%arg19 : memref<56x72xf32, #tpu.memory_space<vmem>>)
    %dma_wait3A_166 = arith.constant 8 : i32
    %dma_wait3A_167 = tpu.memref_slice %arg20[%dma_wait3A_166] : memref<80xf32, #tpu.memory_space<vmem>> -> memref<56xf32, #tpu.memory_space<vmem>>
    %dma_wait3A_168 = tpu.memref_slice %arg4[%add3A_151] : memref<20608xf32, #tpu.memory_space<hbm>> -> memref<56xf32, #tpu.memory_space<hbm>>
    %dma_wait3A_169 = arith.constant 8 : i32
    %dma_wait3A_170 = tpu.memref_slice %arg20[%dma_wait3A_169] : memref<80xf32, #tpu.memory_space<vmem>> -> memref<56xf32, #tpu.memory_space<vmem>>
    %dma_wait3A_171 = tpu.memref_slice %arg4[%add3A_151] : memref<20608xf32, #tpu.memory_space<hbm>> -> memref<56xf32, #tpu.memory_space<hbm>>
    tpu.wait_dma2 semaphore(%arg26 : memref<!tpu.dma_semaphore, #tpu.memory_space<semaphore_mem>>) src(%dma_wait3A_171 : memref<56xf32, #tpu.memory_space<hbm>>) dst(%dma_wait3A_170 : memref<56xf32, #tpu.memory_space<vmem>>)
    %scan3A_172 = arith.constant 0 : i32
    %scan3A_173 = arith.constant 0 : i32
    %scan3A_174 = arith.constant 56 : i32
    %scan3A_175 = arith.addi %scan3A_173, %scan3A_174 : i32
    %scan3A_176 = arith.constant 1 : i32
    %scan3A_177 = scf.for %scan3A_745 = %scan3A_173 to %scan3A_175 step %scan3A_176 iter_args(%scan3A_746 = %scan3A_172) -> (i32)  : i32 {
      %get3A = arith.index_cast %scan3A_745 : i32 to index
      %get3A_747 = arith.constant 56 : index
      %get3A_748 = tpu.vector_load %arg19[%get3A, %get3A_747] {strides = array<i32>} : memref<56x72xf32, #tpu.memory_space<vmem>>, vector<1x16xf32>,
      %get3A_749 = vector.shape_cast %get3A_748 : vector<1x16xf32> to vector<16xf32>
      %max3A = arith.constant 1.000000e+00 : f32
      %max3A_750 = vector.broadcast %max3A : f32 to vector<16xf32>
      %max3A_751 = arith.maximumf %get3A_749, %max3A_750 : vector<16xf32>
      %div3A = arith.constant 1.000000e+00 : f32
      %div3A_752 = vector.broadcast %div3A : f32 to vector<16xf32>
      %div3A_753 = arith.divf %div3A_752, %max3A_751 : vector<16xf32>
      %slice3A = vector.extract_strided_slice %div3A_753 {offsets = [8], sizes = [1], strides = [1]} : vector<16xf32> to vector<1xf32>
      %squeeze3A = vector.extract %slice3A[0] : f32 from vector<1xf32>
      %get3A_754 = arith.index_cast %scan3A_745 : i32 to index
      %get3A_755 = arith.constant 0 : index
      %get3A_756 = tpu.vector_load %arg19[%get3A_754, %get3A_755] {strides = array<i32>} : memref<56x72xf32, #tpu.memory_space<vmem>>, vector<1x16xf32>,
      %get3A_757 = vector.shape_cast %get3A_756 : vector<1x16xf32> to vector<16xf32>
      %mul3A_758 = vector.broadcast %squeeze3A : f32 to vector<16xf32>
      %mul3A_759 = arith.mulf %get3A_757, %mul3A_758 : vector<16xf32>
      %swap3A = arith.index_cast %scan3A_745 : i32 to index
      %swap3A_760 = arith.constant 0 : index
      %swap3A_761 = tpu.vector_load %arg19[%swap3A, %swap3A_760] {strides = array<i32>} : memref<56x72xf32, #tpu.memory_space<vmem>>, vector<1x16xf32>,
      %swap3A_762 = vector.shape_cast %swap3A_761 : vector<1x16xf32> to vector<16xf32>
      %swap3A_763 = vector.shape_cast %mul3A_759 : vector<16xf32> to vector<1x16xf32>
      tpu.vector_store %arg19[%swap3A, %swap3A_760], %swap3A_763 {strides = array<i32>} : memref<56x72xf32, #tpu.memory_space<vmem>>, vector<1x16xf32>,
      %get3A_764 = arith.index_cast %scan3A_745 : i32 to index
      %get3A_765 = arith.constant 16 : index
      %get3A_766 = tpu.vector_load %arg19[%get3A_764, %get3A_765] {strides = array<i32>} : memref<56x72xf32, #tpu.memory_space<vmem>>, vector<1x16xf32>,
      %get3A_767 = vector.shape_cast %get3A_766 : vector<1x16xf32> to vector<16xf32>
      %mul3A_768 = vector.broadcast %squeeze3A : f32 to vector<16xf32>
      %mul3A_769 = arith.mulf %get3A_767, %mul3A_768 : vector<16xf32>
      %swap3A_770 = arith.index_cast %scan3A_745 : i32 to index
      %swap3A_771 = arith.constant 16 : index
      %swap3A_772 = tpu.vector_load %arg19[%swap3A_770, %swap3A_771] {strides = array<i32>} : memref<56x72xf32, #tpu.memory_space<vmem>>, vector<1x16xf32>,
      %swap3A_773 = vector.shape_cast %swap3A_772 : vector<1x16xf32> to vector<16xf32>
      %swap3A_774 = vector.shape_cast %mul3A_769 : vector<16xf32> to vector<1x16xf32>
      tpu.vector_store %arg19[%swap3A_770, %swap3A_771], %swap3A_774 {strides = array<i32>} : memref<56x72xf32, #tpu.memory_space<vmem>>, vector<1x16xf32>,
      %get3A_775 = arith.index_cast %scan3A_745 : i32 to index
      %get3A_776 = arith.constant 32 : index
      %get3A_777 = tpu.vector_load %arg19[%get3A_775, %get3A_776] {strides = array<i32>} : memref<56x72xf32, #tpu.memory_space<vmem>>, vector<1x16xf32>,
      %get3A_778 = vector.shape_cast %get3A_777 : vector<1x16xf32> to vector<16xf32>
      %mul3A_779 = vector.broadcast %squeeze3A : f32 to vector<16xf32>
      %mul3A_780 = arith.mulf %get3A_778, %mul3A_779 : vector<16xf32>
      %swap3A_781 = arith.index_cast %scan3A_745 : i32 to index
      %swap3A_782 = arith.constant 32 : index
      %swap3A_783 = tpu.vector_load %arg19[%swap3A_781, %swap3A_782] {strides = array<i32>} : memref<56x72xf32, #tpu.memory_space<vmem>>, vector<1x16xf32>,
      %swap3A_784 = vector.shape_cast %swap3A_783 : vector<1x16xf32> to vector<16xf32>
      %swap3A_785 = vector.shape_cast %mul3A_780 : vector<16xf32> to vector<1x16xf32>
      tpu.vector_store %arg19[%swap3A_781, %swap3A_782], %swap3A_785 {strides = array<i32>} : memref<56x72xf32, #tpu.memory_space<vmem>>, vector<1x16xf32>,
      %get3A_786 = arith.index_cast %scan3A_745 : i32 to index
      %get3A_787 = arith.constant 48 : index
      %get3A_788 = tpu.vector_load %arg19[%get3A_786, %get3A_787] {strides = array<i32>} : memref<56x72xf32, #tpu.memory_space<vmem>>, vector<1x16xf32>,
      %get3A_789 = vector.shape_cast %get3A_788 : vector<1x16xf32> to vector<16xf32>
      %mul3A_790 = vector.broadcast %squeeze3A : f32 to vector<16xf32>
      %mul3A_791 = arith.mulf %get3A_789, %mul3A_790 : vector<16xf32>
      %swap3A_792 = arith.index_cast %scan3A_745 : i32 to index
      %swap3A_793 = arith.constant 48 : index
      %swap3A_794 = tpu.vector_load %arg19[%swap3A_792, %swap3A_793] {strides = array<i32>} : memref<56x72xf32, #tpu.memory_space<vmem>>, vector<1x16xf32>,
      %swap3A_795 = vector.shape_cast %swap3A_794 : vector<1x16xf32> to vector<16xf32>
      %swap3A_796 = vector.shape_cast %mul3A_791 : vector<16xf32> to vector<1x16xf32>
      tpu.vector_store %arg19[%swap3A_792, %swap3A_793], %swap3A_796 {strides = array<i32>} : memref<56x72xf32, #tpu.memory_space<vmem>>, vector<1x16xf32>,
      %get3A_797 = arith.index_cast %scan3A_745 : i32 to index
      %get3A_798 = arith.constant 56 : index
      %get3A_799 = tpu.vector_load %arg19[%get3A_797, %get3A_798] {strides = array<i32>} : memref<56x72xf32, #tpu.memory_space<vmem>>, vector<1x16xf32>,
      %get3A_800 = vector.shape_cast %get3A_799 : vector<1x16xf32> to vector<16xf32>
      %get3A_801 = arith.index_cast %scan3A_745 : i32 to index
      %get3A_802 = tpu.vector_load %arg20[%get3A_801] {strides = array<i32>} : memref<80xf32, #tpu.memory_space<vmem>>, vector<16xf32>,
      %get3A_803 = vector.shape_cast %get3A_802 : vector<16xf32> to vector<16xf32>
      %lt3A = arith.constant 8 : i32
      %lt3A_804 = vector.broadcast %lt3A : i32 to vector<16xi32>
      %lt3A_805 = arith.cmpi slt, %iota3A, %lt3A_804 : vector<16xi32>
      %select_n3A = arith.select %lt3A_805, %get3A_800, %get3A_803 : vector<16xi1>, vector<16xf32>
      %swap3A_806 = arith.index_cast %scan3A_745 : i32 to index
      %swap3A_807 = arith.constant 56 : index
      %swap3A_808 = tpu.vector_load %arg19[%swap3A_806, %swap3A_807] {strides = array<i32>} : memref<56x72xf32, #tpu.memory_space<vmem>>, vector<1x16xf32>,
      %swap3A_809 = vector.shape_cast %swap3A_808 : vector<1x16xf32> to vector<16xf32>
      %swap3A_810 = vector.shape_cast %select_n3A : vector<16xf32> to vector<1x16xf32>
      tpu.vector_store %arg19[%swap3A_806, %swap3A_807], %swap3A_810 {strides = array<i32>} : memref<56x72xf32, #tpu.memory_space<vmem>>, vector<1x16xf32>,
      %scan3A_811 = arith.constant 0 : i32
      scf.yield %scan3A_811 : i32
    }
    %scan3A_178 = arith.constant 56 : i32
    "tpu.region"() ({
      %run_scoped3A = tpu.sem_alloc : memref<!tpu.dma_semaphore, #tpu.memory_space<semaphore_mem>>
      %dma_start3A_745 = arith.constant 0 : i32
      %dma_start3A_746 = tpu.memref_slice %arg14[%add3A_151, %dma_start3A_745] : memref<20608x72xf32, #tpu.memory_space<vmem_shared>> -> memref<56x72xf32, #tpu.memory_space<vmem_shared>>
      %dma_start3A_747 = arith.constant 0 : i32
      %dma_start3A_748 = tpu.memref_slice %arg14[%add3A_151, %dma_start3A_747] : memref<20608x72xf32, #tpu.memory_space<vmem_shared>> -> memref<56x72xf32, #tpu.memory_space<vmem_shared>>
      tpu.enqueue_dma source(%arg19 : memref<56x72xf32, #tpu.memory_space<vmem>>) target(%dma_start3A_748 : memref<56x72xf32, #tpu.memory_space<vmem_shared>>) target_semaphore(%run_scoped3A : memref<!tpu.dma_semaphore, #tpu.memory_space<semaphore_mem>>)
      %dma_wait3A_749 = arith.constant 0 : i32
      %dma_wait3A_750 = tpu.memref_slice %arg14[%add3A_151, %dma_wait3A_749] : memref<20608x72xf32, #tpu.memory_space<vmem_shared>> -> memref<56x72xf32, #tpu.memory_space<vmem_shared>>
      %dma_wait3A_751 = arith.constant 0 : i32
      %dma_wait3A_752 = tpu.memref_slice %arg14[%add3A_151, %dma_wait3A_751] : memref<20608x72xf32, #tpu.memory_space<vmem_shared>> -> memref<56x72xf32, #tpu.memory_space<vmem_shared>>
      tpu.wait_dma2 semaphore(%run_scoped3A : memref<!tpu.dma_semaphore, #tpu.memory_space<semaphore_mem>>) src(%arg19 : memref<56x72xf32, #tpu.memory_space<vmem>>) dst(%dma_wait3A_752 : memref<56x72xf32, #tpu.memory_space<vmem_shared>>)
      tpu.yield
    }) : () -> ()
    %mul3A_179 = arith.constant 1288 : i32
    %mul3A_180 = arith.muli %arg1, %mul3A_179 : i32
    %add3A_181 = arith.constant 280 : i32
    %add3A_182 = arith.addi %mul3A_180, %add3A_181 : i32
    %dma_start3A_183 = arith.constant 0 : i32
    %dma_start3A_184 = tpu.memref_slice %arg14[%add3A_182, %dma_start3A_183] : memref<20608x72xf32, #tpu.memory_space<vmem_shared>> -> memref<56x72xf32, #tpu.memory_space<vmem_shared>>
    %dma_start3A_185 = arith.constant 0 : i32
    %dma_start3A_186 = tpu.memref_slice %arg14[%add3A_182, %dma_start3A_185] : memref<20608x72xf32, #tpu.memory_space<vmem_shared>> -> memref<56x72xf32, #tpu.memory_space<vmem_shared>>
    tpu.enqueue_dma source(%dma_start3A_186 : memref<56x72xf32, #tpu.memory_space<vmem_shared>>) target(%arg19 : memref<56x72xf32, #tpu.memory_space<vmem>>) target_semaphore(%arg23 : memref<!tpu.dma_semaphore, #tpu.memory_space<semaphore_mem>>)
    %dma_start3A_187 = arith.constant 8 : i32
    %dma_start3A_188 = tpu.memref_slice %arg20[%dma_start3A_187] : memref<80xf32, #tpu.memory_space<vmem>> -> memref<56xf32, #tpu.memory_space<vmem>>
    %dma_start3A_189 = tpu.memref_slice %arg4[%add3A_182] : memref<20608xf32, #tpu.memory_space<hbm>> -> memref<56xf32, #tpu.memory_space<hbm>>
    %dma_start3A_190 = arith.constant 8 : i32
    %dma_start3A_191 = tpu.memref_slice %arg20[%dma_start3A_190] : memref<80xf32, #tpu.memory_space<vmem>> -> memref<56xf32, #tpu.memory_space<vmem>>
    %dma_start3A_192 = tpu.memref_slice %arg4[%add3A_182] : memref<20608xf32, #tpu.memory_space<hbm>> -> memref<56xf32, #tpu.memory_space<hbm>>
    tpu.enqueue_dma source(%dma_start3A_192 : memref<56xf32, #tpu.memory_space<hbm>>) target(%dma_start3A_191 : memref<56xf32, #tpu.memory_space<vmem>>) target_semaphore(%arg26 : memref<!tpu.dma_semaphore, #tpu.memory_space<semaphore_mem>>)
    %dma_wait3A_193 = arith.constant 0 : i32
    %dma_wait3A_194 = tpu.memref_slice %arg14[%add3A_182, %dma_wait3A_193] : memref<20608x72xf32, #tpu.memory_space<vmem_shared>> -> memref<56x72xf32, #tpu.memory_space<vmem_shared>>
    %dma_wait3A_195 = arith.constant 0 : i32
    %dma_wait3A_196 = tpu.memref_slice %arg14[%add3A_182, %dma_wait3A_195] : memref<20608x72xf32, #tpu.memory_space<vmem_shared>> -> memref<56x72xf32, #tpu.memory_space<vmem_shared>>
    tpu.wait_dma2 semaphore(%arg23 : memref<!tpu.dma_semaphore, #tpu.memory_space<semaphore_mem>>) src(%dma_wait3A_196 : memref<56x72xf32, #tpu.memory_space<vmem_shared>>) dst(%arg19 : memref<56x72xf32, #tpu.memory_space<vmem>>)
    %dma_wait3A_197 = arith.constant 8 : i32
    %dma_wait3A_198 = tpu.memref_slice %arg20[%dma_wait3A_197] : memref<80xf32, #tpu.memory_space<vmem>> -> memref<56xf32, #tpu.memory_space<vmem>>
    %dma_wait3A_199 = tpu.memref_slice %arg4[%add3A_182] : memref<20608xf32, #tpu.memory_space<hbm>> -> memref<56xf32, #tpu.memory_space<hbm>>
    %dma_wait3A_200 = arith.constant 8 : i32
    %dma_wait3A_201 = tpu.memref_slice %arg20[%dma_wait3A_200] : memref<80xf32, #tpu.memory_space<vmem>> -> memref<56xf32, #tpu.memory_space<vmem>>
    %dma_wait3A_202 = tpu.memref_slice %arg4[%add3A_182] : memref<20608xf32, #tpu.memory_space<hbm>> -> memref<56xf32, #tpu.memory_space<hbm>>
    tpu.wait_dma2 semaphore(%arg26 : memref<!tpu.dma_semaphore, #tpu.memory_space<semaphore_mem>>) src(%dma_wait3A_202 : memref<56xf32, #tpu.memory_space<hbm>>) dst(%dma_wait3A_201 : memref<56xf32, #tpu.memory_space<vmem>>)
    %scan3A_203 = arith.constant 0 : i32
    %scan3A_204 = arith.constant 0 : i32
    %scan3A_205 = arith.constant 56 : i32
    %scan3A_206 = arith.addi %scan3A_204, %scan3A_205 : i32
    %scan3A_207 = arith.constant 1 : i32
    %scan3A_208 = scf.for %scan3A_745 = %scan3A_204 to %scan3A_206 step %scan3A_207 iter_args(%scan3A_746 = %scan3A_203) -> (i32)  : i32 {
      %get3A = arith.index_cast %scan3A_745 : i32 to index
      %get3A_747 = arith.constant 56 : index
      %get3A_748 = tpu.vector_load %arg19[%get3A, %get3A_747] {strides = array<i32>} : memref<56x72xf32, #tpu.memory_space<vmem>>, vector<1x16xf32>,
      %get3A_749 = vector.shape_cast %get3A_748 : vector<1x16xf32> to vector<16xf32>
      %max3A = arith.constant 1.000000e+00 : f32
      %max3A_750 = vector.broadcast %max3A : f32 to vector<16xf32>
      %max3A_751 = arith.maximumf %get3A_749, %max3A_750 : vector<16xf32>
      %div3A = arith.constant 1.000000e+00 : f32
      %div3A_752 = vector.broadcast %div3A : f32 to vector<16xf32>
      %div3A_753 = arith.divf %div3A_752, %max3A_751 : vector<16xf32>
      %slice3A = vector.extract_strided_slice %div3A_753 {offsets = [8], sizes = [1], strides = [1]} : vector<16xf32> to vector<1xf32>
      %squeeze3A = vector.extract %slice3A[0] : f32 from vector<1xf32>
      %get3A_754 = arith.index_cast %scan3A_745 : i32 to index
      %get3A_755 = arith.constant 0 : index
      %get3A_756 = tpu.vector_load %arg19[%get3A_754, %get3A_755] {strides = array<i32>} : memref<56x72xf32, #tpu.memory_space<vmem>>, vector<1x16xf32>,
      %get3A_757 = vector.shape_cast %get3A_756 : vector<1x16xf32> to vector<16xf32>
      %mul3A_758 = vector.broadcast %squeeze3A : f32 to vector<16xf32>
      %mul3A_759 = arith.mulf %get3A_757, %mul3A_758 : vector<16xf32>
      %swap3A = arith.index_cast %scan3A_745 : i32 to index
      %swap3A_760 = arith.constant 0 : index
      %swap3A_761 = tpu.vector_load %arg19[%swap3A, %swap3A_760] {strides = array<i32>} : memref<56x72xf32, #tpu.memory_space<vmem>>, vector<1x16xf32>,
      %swap3A_762 = vector.shape_cast %swap3A_761 : vector<1x16xf32> to vector<16xf32>
      %swap3A_763 = vector.shape_cast %mul3A_759 : vector<16xf32> to vector<1x16xf32>
      tpu.vector_store %arg19[%swap3A, %swap3A_760], %swap3A_763 {strides = array<i32>} : memref<56x72xf32, #tpu.memory_space<vmem>>, vector<1x16xf32>,
      %get3A_764 = arith.index_cast %scan3A_745 : i32 to index
      %get3A_765 = arith.constant 16 : index
      %get3A_766 = tpu.vector_load %arg19[%get3A_764, %get3A_765] {strides = array<i32>} : memref<56x72xf32, #tpu.memory_space<vmem>>, vector<1x16xf32>,
      %get3A_767 = vector.shape_cast %get3A_766 : vector<1x16xf32> to vector<16xf32>
      %mul3A_768 = vector.broadcast %squeeze3A : f32 to vector<16xf32>
      %mul3A_769 = arith.mulf %get3A_767, %mul3A_768 : vector<16xf32>
      %swap3A_770 = arith.index_cast %scan3A_745 : i32 to index
      %swap3A_771 = arith.constant 16 : index
      %swap3A_772 = tpu.vector_load %arg19[%swap3A_770, %swap3A_771] {strides = array<i32>} : memref<56x72xf32, #tpu.memory_space<vmem>>, vector<1x16xf32>,
      %swap3A_773 = vector.shape_cast %swap3A_772 : vector<1x16xf32> to vector<16xf32>
      %swap3A_774 = vector.shape_cast %mul3A_769 : vector<16xf32> to vector<1x16xf32>
      tpu.vector_store %arg19[%swap3A_770, %swap3A_771], %swap3A_774 {strides = array<i32>} : memref<56x72xf32, #tpu.memory_space<vmem>>, vector<1x16xf32>,
      %get3A_775 = arith.index_cast %scan3A_745 : i32 to index
      %get3A_776 = arith.constant 32 : index
      %get3A_777 = tpu.vector_load %arg19[%get3A_775, %get3A_776] {strides = array<i32>} : memref<56x72xf32, #tpu.memory_space<vmem>>, vector<1x16xf32>,
      %get3A_778 = vector.shape_cast %get3A_777 : vector<1x16xf32> to vector<16xf32>
      %mul3A_779 = vector.broadcast %squeeze3A : f32 to vector<16xf32>
      %mul3A_780 = arith.mulf %get3A_778, %mul3A_779 : vector<16xf32>
      %swap3A_781 = arith.index_cast %scan3A_745 : i32 to index
      %swap3A_782 = arith.constant 32 : index
      %swap3A_783 = tpu.vector_load %arg19[%swap3A_781, %swap3A_782] {strides = array<i32>} : memref<56x72xf32, #tpu.memory_space<vmem>>, vector<1x16xf32>,
      %swap3A_784 = vector.shape_cast %swap3A_783 : vector<1x16xf32> to vector<16xf32>
      %swap3A_785 = vector.shape_cast %mul3A_780 : vector<16xf32> to vector<1x16xf32>
      tpu.vector_store %arg19[%swap3A_781, %swap3A_782], %swap3A_785 {strides = array<i32>} : memref<56x72xf32, #tpu.memory_space<vmem>>, vector<1x16xf32>,
      %get3A_786 = arith.index_cast %scan3A_745 : i32 to index
      %get3A_787 = arith.constant 48 : index
      %get3A_788 = tpu.vector_load %arg19[%get3A_786, %get3A_787] {strides = array<i32>} : memref<56x72xf32, #tpu.memory_space<vmem>>, vector<1x16xf32>,
      %get3A_789 = vector.shape_cast %get3A_788 : vector<1x16xf32> to vector<16xf32>
      %mul3A_790 = vector.broadcast %squeeze3A : f32 to vector<16xf32>
      %mul3A_791 = arith.mulf %get3A_789, %mul3A_790 : vector<16xf32>
      %swap3A_792 = arith.index_cast %scan3A_745 : i32 to index
      %swap3A_793 = arith.constant 48 : index
      %swap3A_794 = tpu.vector_load %arg19[%swap3A_792, %swap3A_793] {strides = array<i32>} : memref<56x72xf32, #tpu.memory_space<vmem>>, vector<1x16xf32>,
      %swap3A_795 = vector.shape_cast %swap3A_794 : vector<1x16xf32> to vector<16xf32>
      %swap3A_796 = vector.shape_cast %mul3A_791 : vector<16xf32> to vector<1x16xf32>
      tpu.vector_store %arg19[%swap3A_792, %swap3A_793], %swap3A_796 {strides = array<i32>} : memref<56x72xf32, #tpu.memory_space<vmem>>, vector<1x16xf32>,
      %get3A_797 = arith.index_cast %scan3A_745 : i32 to index
      %get3A_798 = arith.constant 56 : index
      %get3A_799 = tpu.vector_load %arg19[%get3A_797, %get3A_798] {strides = array<i32>} : memref<56x72xf32, #tpu.memory_space<vmem>>, vector<1x16xf32>,
      %get3A_800 = vector.shape_cast %get3A_799 : vector<1x16xf32> to vector<16xf32>
      %get3A_801 = arith.index_cast %scan3A_745 : i32 to index
      %get3A_802 = tpu.vector_load %arg20[%get3A_801] {strides = array<i32>} : memref<80xf32, #tpu.memory_space<vmem>>, vector<16xf32>,
      %get3A_803 = vector.shape_cast %get3A_802 : vector<16xf32> to vector<16xf32>
      %lt3A = arith.constant 8 : i32
      %lt3A_804 = vector.broadcast %lt3A : i32 to vector<16xi32>
      %lt3A_805 = arith.cmpi slt, %iota3A, %lt3A_804 : vector<16xi32>
      %select_n3A = arith.select %lt3A_805, %get3A_800, %get3A_803 : vector<16xi1>, vector<16xf32>
      %swap3A_806 = arith.index_cast %scan3A_745 : i32 to index
      %swap3A_807 = arith.constant 56 : index
      %swap3A_808 = tpu.vector_load %arg19[%swap3A_806, %swap3A_807] {strides = array<i32>} : memref<56x72xf32, #tpu.memory_space<vmem>>, vector<1x16xf32>,
      %swap3A_809 = vector.shape_cast %swap3A_808 : vector<1x16xf32> to vector<16xf32>
      %swap3A_810 = vector.shape_cast %select_n3A : vector<16xf32> to vector<1x16xf32>
      tpu.vector_store %arg19[%swap3A_806, %swap3A_807], %swap3A_810 {strides = array<i32>} : memref<56x72xf32, #tpu.memory_space<vmem>>, vector<1x16xf32>,
      %scan3A_811 = arith.constant 0 : i32
      scf.yield %scan3A_811 : i32
    }
    %scan3A_209 = arith.constant 56 : i32
    "tpu.region"() ({
      %run_scoped3A = tpu.sem_alloc : memref<!tpu.dma_semaphore, #tpu.memory_space<semaphore_mem>>
      %dma_start3A_745 = arith.constant 0 : i32
      %dma_start3A_746 = tpu.memref_slice %arg14[%add3A_182, %dma_start3A_745] : memref<20608x72xf32, #tpu.memory_space<vmem_shared>> -> memref<56x72xf32, #tpu.memory_space<vmem_shared>>
      %dma_start3A_747 = arith.constant 0 : i32
      %dma_start3A_748 = tpu.memref_slice %arg14[%add3A_182, %dma_start3A_747] : memref<20608x72xf32, #tpu.memory_space<vmem_shared>> -> memref<56x72xf32, #tpu.memory_space<vmem_shared>>
      tpu.enqueue_dma source(%arg19 : memref<56x72xf32, #tpu.memory_space<vmem>>) target(%dma_start3A_748 : memref<56x72xf32, #tpu.memory_space<vmem_shared>>) target_semaphore(%run_scoped3A : memref<!tpu.dma_semaphore, #tpu.memory_space<semaphore_mem>>)
      %dma_wait3A_749 = arith.constant 0 : i32
      %dma_wait3A_750 = tpu.memref_slice %arg14[%add3A_182, %dma_wait3A_749] : memref<20608x72xf32, #tpu.memory_space<vmem_shared>> -> memref<56x72xf32, #tpu.memory_space<vmem_shared>>
      %dma_wait3A_751 = arith.constant 0 : i32
      %dma_wait3A_752 = tpu.memref_slice %arg14[%add3A_182, %dma_wait3A_751] : memref<20608x72xf32, #tpu.memory_space<vmem_shared>> -> memref<56x72xf32, #tpu.memory_space<vmem_shared>>
      tpu.wait_dma2 semaphore(%run_scoped3A : memref<!tpu.dma_semaphore, #tpu.memory_space<semaphore_mem>>) src(%arg19 : memref<56x72xf32, #tpu.memory_space<vmem>>) dst(%dma_wait3A_752 : memref<56x72xf32, #tpu.memory_space<vmem_shared>>)
      tpu.yield
    }) : () -> ()
    %mul3A_210 = arith.constant 1288 : i32
    %mul3A_211 = arith.muli %arg1, %mul3A_210 : i32
    %add3A_212 = arith.constant 336 : i32
    %add3A_213 = arith.addi %mul3A_211, %add3A_212 : i32
    %dma_start3A_214 = arith.constant 0 : i32
    %dma_start3A_215 = tpu.memref_slice %arg14[%add3A_213, %dma_start3A_214] : memref<20608x72xf32, #tpu.memory_space<vmem_shared>> -> memref<56x72xf32, #tpu.memory_space<vmem_shared>>
    %dma_start3A_216 = arith.constant 0 : i32
    %dma_start3A_217 = tpu.memref_slice %arg14[%add3A_213, %dma_start3A_216] : memref<20608x72xf32, #tpu.memory_space<vmem_shared>> -> memref<56x72xf32, #tpu.memory_space<vmem_shared>>
    tpu.enqueue_dma source(%dma_start3A_217 : memref<56x72xf32, #tpu.memory_space<vmem_shared>>) target(%arg19 : memref<56x72xf32, #tpu.memory_space<vmem>>) target_semaphore(%arg23 : memref<!tpu.dma_semaphore, #tpu.memory_space<semaphore_mem>>)
    %dma_start3A_218 = arith.constant 8 : i32
    %dma_start3A_219 = tpu.memref_slice %arg20[%dma_start3A_218] : memref<80xf32, #tpu.memory_space<vmem>> -> memref<56xf32, #tpu.memory_space<vmem>>
    %dma_start3A_220 = tpu.memref_slice %arg4[%add3A_213] : memref<20608xf32, #tpu.memory_space<hbm>> -> memref<56xf32, #tpu.memory_space<hbm>>
    %dma_start3A_221 = arith.constant 8 : i32
    %dma_start3A_222 = tpu.memref_slice %arg20[%dma_start3A_221] : memref<80xf32, #tpu.memory_space<vmem>> -> memref<56xf32, #tpu.memory_space<vmem>>
    %dma_start3A_223 = tpu.memref_slice %arg4[%add3A_213] : memref<20608xf32, #tpu.memory_space<hbm>> -> memref<56xf32, #tpu.memory_space<hbm>>
    tpu.enqueue_dma source(%dma_start3A_223 : memref<56xf32, #tpu.memory_space<hbm>>) target(%dma_start3A_222 : memref<56xf32, #tpu.memory_space<vmem>>) target_semaphore(%arg26 : memref<!tpu.dma_semaphore, #tpu.memory_space<semaphore_mem>>)
    %dma_wait3A_224 = arith.constant 0 : i32
    %dma_wait3A_225 = tpu.memref_slice %arg14[%add3A_213, %dma_wait3A_224] : memref<20608x72xf32, #tpu.memory_space<vmem_shared>> -> memref<56x72xf32, #tpu.memory_space<vmem_shared>>
    %dma_wait3A_226 = arith.constant 0 : i32
    %dma_wait3A_227 = tpu.memref_slice %arg14[%add3A_213, %dma_wait3A_226] : memref<20608x72xf32, #tpu.memory_space<vmem_shared>> -> memref<56x72xf32, #tpu.memory_space<vmem_shared>>
    tpu.wait_dma2 semaphore(%arg23 : memref<!tpu.dma_semaphore, #tpu.memory_space<semaphore_mem>>) src(%dma_wait3A_227 : memref<56x72xf32, #tpu.memory_space<vmem_shared>>) dst(%arg19 : memref<56x72xf32, #tpu.memory_space<vmem>>)
    %dma_wait3A_228 = arith.constant 8 : i32
    %dma_wait3A_229 = tpu.memref_slice %arg20[%dma_wait3A_228] : memref<80xf32, #tpu.memory_space<vmem>> -> memref<56xf32, #tpu.memory_space<vmem>>
    %dma_wait3A_230 = tpu.memref_slice %arg4[%add3A_213] : memref<20608xf32, #tpu.memory_space<hbm>> -> memref<56xf32, #tpu.memory_space<hbm>>
    %dma_wait3A_231 = arith.constant 8 : i32
    %dma_wait3A_232 = tpu.memref_slice %arg20[%dma_wait3A_231] : memref<80xf32, #tpu.memory_space<vmem>> -> memref<56xf32, #tpu.memory_space<vmem>>
    %dma_wait3A_233 = tpu.memref_slice %arg4[%add3A_213] : memref<20608xf32, #tpu.memory_space<hbm>> -> memref<56xf32, #tpu.memory_space<hbm>>
    tpu.wait_dma2 semaphore(%arg26 : memref<!tpu.dma_semaphore, #tpu.memory_space<semaphore_mem>>) src(%dma_wait3A_233 : memref<56xf32, #tpu.memory_space<hbm>>) dst(%dma_wait3A_232 : memref<56xf32, #tpu.memory_space<vmem>>)
    %scan3A_234 = arith.constant 0 : i32
    %scan3A_235 = arith.constant 0 : i32
    %scan3A_236 = arith.constant 56 : i32
    %scan3A_237 = arith.addi %scan3A_235, %scan3A_236 : i32
    %scan3A_238 = arith.constant 1 : i32
    %scan3A_239 = scf.for %scan3A_745 = %scan3A_235 to %scan3A_237 step %scan3A_238 iter_args(%scan3A_746 = %scan3A_234) -> (i32)  : i32 {
      %get3A = arith.index_cast %scan3A_745 : i32 to index
      %get3A_747 = arith.constant 56 : index
      %get3A_748 = tpu.vector_load %arg19[%get3A, %get3A_747] {strides = array<i32>} : memref<56x72xf32, #tpu.memory_space<vmem>>, vector<1x16xf32>,
      %get3A_749 = vector.shape_cast %get3A_748 : vector<1x16xf32> to vector<16xf32>
      %max3A = arith.constant 1.000000e+00 : f32
      %max3A_750 = vector.broadcast %max3A : f32 to vector<16xf32>
      %max3A_751 = arith.maximumf %get3A_749, %max3A_750 : vector<16xf32>
      %div3A = arith.constant 1.000000e+00 : f32
      %div3A_752 = vector.broadcast %div3A : f32 to vector<16xf32>
      %div3A_753 = arith.divf %div3A_752, %max3A_751 : vector<16xf32>
      %slice3A = vector.extract_strided_slice %div3A_753 {offsets = [8], sizes = [1], strides = [1]} : vector<16xf32> to vector<1xf32>
      %squeeze3A = vector.extract %slice3A[0] : f32 from vector<1xf32>
      %get3A_754 = arith.index_cast %scan3A_745 : i32 to index
      %get3A_755 = arith.constant 0 : index
      %get3A_756 = tpu.vector_load %arg19[%get3A_754, %get3A_755] {strides = array<i32>} : memref<56x72xf32, #tpu.memory_space<vmem>>, vector<1x16xf32>,
      %get3A_757 = vector.shape_cast %get3A_756 : vector<1x16xf32> to vector<16xf32>
      %mul3A_758 = vector.broadcast %squeeze3A : f32 to vector<16xf32>
      %mul3A_759 = arith.mulf %get3A_757, %mul3A_758 : vector<16xf32>
      %swap3A = arith.index_cast %scan3A_745 : i32 to index
      %swap3A_760 = arith.constant 0 : index
      %swap3A_761 = tpu.vector_load %arg19[%swap3A, %swap3A_760] {strides = array<i32>} : memref<56x72xf32, #tpu.memory_space<vmem>>, vector<1x16xf32>,
      %swap3A_762 = vector.shape_cast %swap3A_761 : vector<1x16xf32> to vector<16xf32>
      %swap3A_763 = vector.shape_cast %mul3A_759 : vector<16xf32> to vector<1x16xf32>
      tpu.vector_store %arg19[%swap3A, %swap3A_760], %swap3A_763 {strides = array<i32>} : memref<56x72xf32, #tpu.memory_space<vmem>>, vector<1x16xf32>,
      %get3A_764 = arith.index_cast %scan3A_745 : i32 to index
      %get3A_765 = arith.constant 16 : index
      %get3A_766 = tpu.vector_load %arg19[%get3A_764, %get3A_765] {strides = array<i32>} : memref<56x72xf32, #tpu.memory_space<vmem>>, vector<1x16xf32>,
      %get3A_767 = vector.shape_cast %get3A_766 : vector<1x16xf32> to vector<16xf32>
      %mul3A_768 = vector.broadcast %squeeze3A : f32 to vector<16xf32>
      %mul3A_769 = arith.mulf %get3A_767, %mul3A_768 : vector<16xf32>
      %swap3A_770 = arith.index_cast %scan3A_745 : i32 to index
      %swap3A_771 = arith.constant 16 : index
      %swap3A_772 = tpu.vector_load %arg19[%swap3A_770, %swap3A_771] {strides = array<i32>} : memref<56x72xf32, #tpu.memory_space<vmem>>, vector<1x16xf32>,
      %swap3A_773 = vector.shape_cast %swap3A_772 : vector<1x16xf32> to vector<16xf32>
      %swap3A_774 = vector.shape_cast %mul3A_769 : vector<16xf32> to vector<1x16xf32>
      tpu.vector_store %arg19[%swap3A_770, %swap3A_771], %swap3A_774 {strides = array<i32>} : memref<56x72xf32, #tpu.memory_space<vmem>>, vector<1x16xf32>,
      %get3A_775 = arith.index_cast %scan3A_745 : i32 to index
      %get3A_776 = arith.constant 32 : index
      %get3A_777 = tpu.vector_load %arg19[%get3A_775, %get3A_776] {strides = array<i32>} : memref<56x72xf32, #tpu.memory_space<vmem>>, vector<1x16xf32>,
      %get3A_778 = vector.shape_cast %get3A_777 : vector<1x16xf32> to vector<16xf32>
      %mul3A_779 = vector.broadcast %squeeze3A : f32 to vector<16xf32>
      %mul3A_780 = arith.mulf %get3A_778, %mul3A_779 : vector<16xf32>
      %swap3A_781 = arith.index_cast %scan3A_745 : i32 to index
      %swap3A_782 = arith.constant 32 : index
      %swap3A_783 = tpu.vector_load %arg19[%swap3A_781, %swap3A_782] {strides = array<i32>} : memref<56x72xf32, #tpu.memory_space<vmem>>, vector<1x16xf32>,
      %swap3A_784 = vector.shape_cast %swap3A_783 : vector<1x16xf32> to vector<16xf32>
      %swap3A_785 = vector.shape_cast %mul3A_780 : vector<16xf32> to vector<1x16xf32>
      tpu.vector_store %arg19[%swap3A_781, %swap3A_782], %swap3A_785 {strides = array<i32>} : memref<56x72xf32, #tpu.memory_space<vmem>>, vector<1x16xf32>,
      %get3A_786 = arith.index_cast %scan3A_745 : i32 to index
      %get3A_787 = arith.constant 48 : index
      %get3A_788 = tpu.vector_load %arg19[%get3A_786, %get3A_787] {strides = array<i32>} : memref<56x72xf32, #tpu.memory_space<vmem>>, vector<1x16xf32>,
      %get3A_789 = vector.shape_cast %get3A_788 : vector<1x16xf32> to vector<16xf32>
      %mul3A_790 = vector.broadcast %squeeze3A : f32 to vector<16xf32>
      %mul3A_791 = arith.mulf %get3A_789, %mul3A_790 : vector<16xf32>
      %swap3A_792 = arith.index_cast %scan3A_745 : i32 to index
      %swap3A_793 = arith.constant 48 : index
      %swap3A_794 = tpu.vector_load %arg19[%swap3A_792, %swap3A_793] {strides = array<i32>} : memref<56x72xf32, #tpu.memory_space<vmem>>, vector<1x16xf32>,
      %swap3A_795 = vector.shape_cast %swap3A_794 : vector<1x16xf32> to vector<16xf32>
      %swap3A_796 = vector.shape_cast %mul3A_791 : vector<16xf32> to vector<1x16xf32>
      tpu.vector_store %arg19[%swap3A_792, %swap3A_793], %swap3A_796 {strides = array<i32>} : memref<56x72xf32, #tpu.memory_space<vmem>>, vector<1x16xf32>,
      %get3A_797 = arith.index_cast %scan3A_745 : i32 to index
      %get3A_798 = arith.constant 56 : index
      %get3A_799 = tpu.vector_load %arg19[%get3A_797, %get3A_798] {strides = array<i32>} : memref<56x72xf32, #tpu.memory_space<vmem>>, vector<1x16xf32>,
      %get3A_800 = vector.shape_cast %get3A_799 : vector<1x16xf32> to vector<16xf32>
      %get3A_801 = arith.index_cast %scan3A_745 : i32 to index
      %get3A_802 = tpu.vector_load %arg20[%get3A_801] {strides = array<i32>} : memref<80xf32, #tpu.memory_space<vmem>>, vector<16xf32>,
      %get3A_803 = vector.shape_cast %get3A_802 : vector<16xf32> to vector<16xf32>
      %lt3A = arith.constant 8 : i32
      %lt3A_804 = vector.broadcast %lt3A : i32 to vector<16xi32>
      %lt3A_805 = arith.cmpi slt, %iota3A, %lt3A_804 : vector<16xi32>
      %select_n3A = arith.select %lt3A_805, %get3A_800, %get3A_803 : vector<16xi1>, vector<16xf32>
      %swap3A_806 = arith.index_cast %scan3A_745 : i32 to index
      %swap3A_807 = arith.constant 56 : index
      %swap3A_808 = tpu.vector_load %arg19[%swap3A_806, %swap3A_807] {strides = array<i32>} : memref<56x72xf32, #tpu.memory_space<vmem>>, vector<1x16xf32>,
      %swap3A_809 = vector.shape_cast %swap3A_808 : vector<1x16xf32> to vector<16xf32>
      %swap3A_810 = vector.shape_cast %select_n3A : vector<16xf32> to vector<1x16xf32>
      tpu.vector_store %arg19[%swap3A_806, %swap3A_807], %swap3A_810 {strides = array<i32>} : memref<56x72xf32, #tpu.memory_space<vmem>>, vector<1x16xf32>,
      %scan3A_811 = arith.constant 0 : i32
      scf.yield %scan3A_811 : i32
    }
    %scan3A_240 = arith.constant 56 : i32
    "tpu.region"() ({
      %run_scoped3A = tpu.sem_alloc : memref<!tpu.dma_semaphore, #tpu.memory_space<semaphore_mem>>
      %dma_start3A_745 = arith.constant 0 : i32
      %dma_start3A_746 = tpu.memref_slice %arg14[%add3A_213, %dma_start3A_745] : memref<20608x72xf32, #tpu.memory_space<vmem_shared>> -> memref<56x72xf32, #tpu.memory_space<vmem_shared>>
      %dma_start3A_747 = arith.constant 0 : i32
      %dma_start3A_748 = tpu.memref_slice %arg14[%add3A_213, %dma_start3A_747] : memref<20608x72xf32, #tpu.memory_space<vmem_shared>> -> memref<56x72xf32, #tpu.memory_space<vmem_shared>>
      tpu.enqueue_dma source(%arg19 : memref<56x72xf32, #tpu.memory_space<vmem>>) target(%dma_start3A_748 : memref<56x72xf32, #tpu.memory_space<vmem_shared>>) target_semaphore(%run_scoped3A : memref<!tpu.dma_semaphore, #tpu.memory_space<semaphore_mem>>)
      %dma_wait3A_749 = arith.constant 0 : i32
      %dma_wait3A_750 = tpu.memref_slice %arg14[%add3A_213, %dma_wait3A_749] : memref<20608x72xf32, #tpu.memory_space<vmem_shared>> -> memref<56x72xf32, #tpu.memory_space<vmem_shared>>
      %dma_wait3A_751 = arith.constant 0 : i32
      %dma_wait3A_752 = tpu.memref_slice %arg14[%add3A_213, %dma_wait3A_751] : memref<20608x72xf32, #tpu.memory_space<vmem_shared>> -> memref<56x72xf32, #tpu.memory_space<vmem_shared>>
      tpu.wait_dma2 semaphore(%run_scoped3A : memref<!tpu.dma_semaphore, #tpu.memory_space<semaphore_mem>>) src(%arg19 : memref<56x72xf32, #tpu.memory_space<vmem>>) dst(%dma_wait3A_752 : memref<56x72xf32, #tpu.memory_space<vmem_shared>>)
      tpu.yield
    }) : () -> ()
    %mul3A_241 = arith.constant 1288 : i32
    %mul3A_242 = arith.muli %arg1, %mul3A_241 : i32
    %add3A_243 = arith.constant 392 : i32
    %add3A_244 = arith.addi %mul3A_242, %add3A_243 : i32
    %dma_start3A_245 = arith.constant 0 : i32
    %dma_start3A_246 = tpu.memref_slice %arg14[%add3A_244, %dma_start3A_245] : memref<20608x72xf32, #tpu.memory_space<vmem_shared>> -> memref<56x72xf32, #tpu.memory_space<vmem_shared>>
    %dma_start3A_247 = arith.constant 0 : i32
    %dma_start3A_248 = tpu.memref_slice %arg14[%add3A_244, %dma_start3A_247] : memref<20608x72xf32, #tpu.memory_space<vmem_shared>> -> memref<56x72xf32, #tpu.memory_space<vmem_shared>>
    tpu.enqueue_dma source(%dma_start3A_248 : memref<56x72xf32, #tpu.memory_space<vmem_shared>>) target(%arg19 : memref<56x72xf32, #tpu.memory_space<vmem>>) target_semaphore(%arg23 : memref<!tpu.dma_semaphore, #tpu.memory_space<semaphore_mem>>)
    %dma_start3A_249 = arith.constant 8 : i32
    %dma_start3A_250 = tpu.memref_slice %arg20[%dma_start3A_249] : memref<80xf32, #tpu.memory_space<vmem>> -> memref<56xf32, #tpu.memory_space<vmem>>
    %dma_start3A_251 = tpu.memref_slice %arg4[%add3A_244] : memref<20608xf32, #tpu.memory_space<hbm>> -> memref<56xf32, #tpu.memory_space<hbm>>
    %dma_start3A_252 = arith.constant 8 : i32
    %dma_start3A_253 = tpu.memref_slice %arg20[%dma_start3A_252] : memref<80xf32, #tpu.memory_space<vmem>> -> memref<56xf32, #tpu.memory_space<vmem>>
    %dma_start3A_254 = tpu.memref_slice %arg4[%add3A_244] : memref<20608xf32, #tpu.memory_space<hbm>> -> memref<56xf32, #tpu.memory_space<hbm>>
    tpu.enqueue_dma source(%dma_start3A_254 : memref<56xf32, #tpu.memory_space<hbm>>) target(%dma_start3A_253 : memref<56xf32, #tpu.memory_space<vmem>>) target_semaphore(%arg26 : memref<!tpu.dma_semaphore, #tpu.memory_space<semaphore_mem>>)
    %dma_wait3A_255 = arith.constant 0 : i32
    %dma_wait3A_256 = tpu.memref_slice %arg14[%add3A_244, %dma_wait3A_255] : memref<20608x72xf32, #tpu.memory_space<vmem_shared>> -> memref<56x72xf32, #tpu.memory_space<vmem_shared>>
    %dma_wait3A_257 = arith.constant 0 : i32
    %dma_wait3A_258 = tpu.memref_slice %arg14[%add3A_244, %dma_wait3A_257] : memref<20608x72xf32, #tpu.memory_space<vmem_shared>> -> memref<56x72xf32, #tpu.memory_space<vmem_shared>>
    tpu.wait_dma2 semaphore(%arg23 : memref<!tpu.dma_semaphore, #tpu.memory_space<semaphore_mem>>) src(%dma_wait3A_258 : memref<56x72xf32, #tpu.memory_space<vmem_shared>>) dst(%arg19 : memref<56x72xf32, #tpu.memory_space<vmem>>)
    %dma_wait3A_259 = arith.constant 8 : i32
    %dma_wait3A_260 = tpu.memref_slice %arg20[%dma_wait3A_259] : memref<80xf32, #tpu.memory_space<vmem>> -> memref<56xf32, #tpu.memory_space<vmem>>
    %dma_wait3A_261 = tpu.memref_slice %arg4[%add3A_244] : memref<20608xf32, #tpu.memory_space<hbm>> -> memref<56xf32, #tpu.memory_space<hbm>>
    %dma_wait3A_262 = arith.constant 8 : i32
    %dma_wait3A_263 = tpu.memref_slice %arg20[%dma_wait3A_262] : memref<80xf32, #tpu.memory_space<vmem>> -> memref<56xf32, #tpu.memory_space<vmem>>
    %dma_wait3A_264 = tpu.memref_slice %arg4[%add3A_244] : memref<20608xf32, #tpu.memory_space<hbm>> -> memref<56xf32, #tpu.memory_space<hbm>>
    tpu.wait_dma2 semaphore(%arg26 : memref<!tpu.dma_semaphore, #tpu.memory_space<semaphore_mem>>) src(%dma_wait3A_264 : memref<56xf32, #tpu.memory_space<hbm>>) dst(%dma_wait3A_263 : memref<56xf32, #tpu.memory_space<vmem>>)
    %scan3A_265 = arith.constant 0 : i32
    %scan3A_266 = arith.constant 0 : i32
    %scan3A_267 = arith.constant 56 : i32
    %scan3A_268 = arith.addi %scan3A_266, %scan3A_267 : i32
    %scan3A_269 = arith.constant 1 : i32
    %scan3A_270 = scf.for %scan3A_745 = %scan3A_266 to %scan3A_268 step %scan3A_269 iter_args(%scan3A_746 = %scan3A_265) -> (i32)  : i32 {
      %get3A = arith.index_cast %scan3A_745 : i32 to index
      %get3A_747 = arith.constant 56 : index
      %get3A_748 = tpu.vector_load %arg19[%get3A, %get3A_747] {strides = array<i32>} : memref<56x72xf32, #tpu.memory_space<vmem>>, vector<1x16xf32>,
      %get3A_749 = vector.shape_cast %get3A_748 : vector<1x16xf32> to vector<16xf32>
      %max3A = arith.constant 1.000000e+00 : f32
      %max3A_750 = vector.broadcast %max3A : f32 to vector<16xf32>
      %max3A_751 = arith.maximumf %get3A_749, %max3A_750 : vector<16xf32>
      %div3A = arith.constant 1.000000e+00 : f32
      %div3A_752 = vector.broadcast %div3A : f32 to vector<16xf32>
      %div3A_753 = arith.divf %div3A_752, %max3A_751 : vector<16xf32>
      %slice3A = vector.extract_strided_slice %div3A_753 {offsets = [8], sizes = [1], strides = [1]} : vector<16xf32> to vector<1xf32>
      %squeeze3A = vector.extract %slice3A[0] : f32 from vector<1xf32>
      %get3A_754 = arith.index_cast %scan3A_745 : i32 to index
      %get3A_755 = arith.constant 0 : index
      %get3A_756 = tpu.vector_load %arg19[%get3A_754, %get3A_755] {strides = array<i32>} : memref<56x72xf32, #tpu.memory_space<vmem>>, vector<1x16xf32>,
      %get3A_757 = vector.shape_cast %get3A_756 : vector<1x16xf32> to vector<16xf32>
      %mul3A_758 = vector.broadcast %squeeze3A : f32 to vector<16xf32>
      %mul3A_759 = arith.mulf %get3A_757, %mul3A_758 : vector<16xf32>
      %swap3A = arith.index_cast %scan3A_745 : i32 to index
      %swap3A_760 = arith.constant 0 : index
      %swap3A_761 = tpu.vector_load %arg19[%swap3A, %swap3A_760] {strides = array<i32>} : memref<56x72xf32, #tpu.memory_space<vmem>>, vector<1x16xf32>,
      %swap3A_762 = vector.shape_cast %swap3A_761 : vector<1x16xf32> to vector<16xf32>
      %swap3A_763 = vector.shape_cast %mul3A_759 : vector<16xf32> to vector<1x16xf32>
      tpu.vector_store %arg19[%swap3A, %swap3A_760], %swap3A_763 {strides = array<i32>} : memref<56x72xf32, #tpu.memory_space<vmem>>, vector<1x16xf32>,
      %get3A_764 = arith.index_cast %scan3A_745 : i32 to index
      %get3A_765 = arith.constant 16 : index
      %get3A_766 = tpu.vector_load %arg19[%get3A_764, %get3A_765] {strides = array<i32>} : memref<56x72xf32, #tpu.memory_space<vmem>>, vector<1x16xf32>,
      %get3A_767 = vector.shape_cast %get3A_766 : vector<1x16xf32> to vector<16xf32>
      %mul3A_768 = vector.broadcast %squeeze3A : f32 to vector<16xf32>
      %mul3A_769 = arith.mulf %get3A_767, %mul3A_768 : vector<16xf32>
      %swap3A_770 = arith.index_cast %scan3A_745 : i32 to index
      %swap3A_771 = arith.constant 16 : index
      %swap3A_772 = tpu.vector_load %arg19[%swap3A_770, %swap3A_771] {strides = array<i32>} : memref<56x72xf32, #tpu.memory_space<vmem>>, vector<1x16xf32>,
      %swap3A_773 = vector.shape_cast %swap3A_772 : vector<1x16xf32> to vector<16xf32>
      %swap3A_774 = vector.shape_cast %mul3A_769 : vector<16xf32> to vector<1x16xf32>
      tpu.vector_store %arg19[%swap3A_770, %swap3A_771], %swap3A_774 {strides = array<i32>} : memref<56x72xf32, #tpu.memory_space<vmem>>, vector<1x16xf32>,
      %get3A_775 = arith.index_cast %scan3A_745 : i32 to index
      %get3A_776 = arith.constant 32 : index
      %get3A_777 = tpu.vector_load %arg19[%get3A_775, %get3A_776] {strides = array<i32>} : memref<56x72xf32, #tpu.memory_space<vmem>>, vector<1x16xf32>,
      %get3A_778 = vector.shape_cast %get3A_777 : vector<1x16xf32> to vector<16xf32>
      %mul3A_779 = vector.broadcast %squeeze3A : f32 to vector<16xf32>
      %mul3A_780 = arith.mulf %get3A_778, %mul3A_779 : vector<16xf32>
      %swap3A_781 = arith.index_cast %scan3A_745 : i32 to index
      %swap3A_782 = arith.constant 32 : index
      %swap3A_783 = tpu.vector_load %arg19[%swap3A_781, %swap3A_782] {strides = array<i32>} : memref<56x72xf32, #tpu.memory_space<vmem>>, vector<1x16xf32>,
      %swap3A_784 = vector.shape_cast %swap3A_783 : vector<1x16xf32> to vector<16xf32>
      %swap3A_785 = vector.shape_cast %mul3A_780 : vector<16xf32> to vector<1x16xf32>
      tpu.vector_store %arg19[%swap3A_781, %swap3A_782], %swap3A_785 {strides = array<i32>} : memref<56x72xf32, #tpu.memory_space<vmem>>, vector<1x16xf32>,
      %get3A_786 = arith.index_cast %scan3A_745 : i32 to index
      %get3A_787 = arith.constant 48 : index
      %get3A_788 = tpu.vector_load %arg19[%get3A_786, %get3A_787] {strides = array<i32>} : memref<56x72xf32, #tpu.memory_space<vmem>>, vector<1x16xf32>,
      %get3A_789 = vector.shape_cast %get3A_788 : vector<1x16xf32> to vector<16xf32>
      %mul3A_790 = vector.broadcast %squeeze3A : f32 to vector<16xf32>
      %mul3A_791 = arith.mulf %get3A_789, %mul3A_790 : vector<16xf32>
      %swap3A_792 = arith.index_cast %scan3A_745 : i32 to index
      %swap3A_793 = arith.constant 48 : index
      %swap3A_794 = tpu.vector_load %arg19[%swap3A_792, %swap3A_793] {strides = array<i32>} : memref<56x72xf32, #tpu.memory_space<vmem>>, vector<1x16xf32>,
      %swap3A_795 = vector.shape_cast %swap3A_794 : vector<1x16xf32> to vector<16xf32>
      %swap3A_796 = vector.shape_cast %mul3A_791 : vector<16xf32> to vector<1x16xf32>
      tpu.vector_store %arg19[%swap3A_792, %swap3A_793], %swap3A_796 {strides = array<i32>} : memref<56x72xf32, #tpu.memory_space<vmem>>, vector<1x16xf32>,
      %get3A_797 = arith.index_cast %scan3A_745 : i32 to index
      %get3A_798 = arith.constant 56 : index
      %get3A_799 = tpu.vector_load %arg19[%get3A_797, %get3A_798] {strides = array<i32>} : memref<56x72xf32, #tpu.memory_space<vmem>>, vector<1x16xf32>,
      %get3A_800 = vector.shape_cast %get3A_799 : vector<1x16xf32> to vector<16xf32>
      %get3A_801 = arith.index_cast %scan3A_745 : i32 to index
      %get3A_802 = tpu.vector_load %arg20[%get3A_801] {strides = array<i32>} : memref<80xf32, #tpu.memory_space<vmem>>, vector<16xf32>,
      %get3A_803 = vector.shape_cast %get3A_802 : vector<16xf32> to vector<16xf32>
      %lt3A = arith.constant 8 : i32
      %lt3A_804 = vector.broadcast %lt3A : i32 to vector<16xi32>
      %lt3A_805 = arith.cmpi slt, %iota3A, %lt3A_804 : vector<16xi32>
      %select_n3A = arith.select %lt3A_805, %get3A_800, %get3A_803 : vector<16xi1>, vector<16xf32>
      %swap3A_806 = arith.index_cast %scan3A_745 : i32 to index
      %swap3A_807 = arith.constant 56 : index
      %swap3A_808 = tpu.vector_load %arg19[%swap3A_806, %swap3A_807] {strides = array<i32>} : memref<56x72xf32, #tpu.memory_space<vmem>>, vector<1x16xf32>,
      %swap3A_809 = vector.shape_cast %swap3A_808 : vector<1x16xf32> to vector<16xf32>
      %swap3A_810 = vector.shape_cast %select_n3A : vector<16xf32> to vector<1x16xf32>
      tpu.vector_store %arg19[%swap3A_806, %swap3A_807], %swap3A_810 {strides = array<i32>} : memref<56x72xf32, #tpu.memory_space<vmem>>, vector<1x16xf32>,
      %scan3A_811 = arith.constant 0 : i32
      scf.yield %scan3A_811 : i32
    }
    %scan3A_271 = arith.constant 56 : i32
    "tpu.region"() ({
      %run_scoped3A = tpu.sem_alloc : memref<!tpu.dma_semaphore, #tpu.memory_space<semaphore_mem>>
      %dma_start3A_745 = arith.constant 0 : i32
      %dma_start3A_746 = tpu.memref_slice %arg14[%add3A_244, %dma_start3A_745] : memref<20608x72xf32, #tpu.memory_space<vmem_shared>> -> memref<56x72xf32, #tpu.memory_space<vmem_shared>>
      %dma_start3A_747 = arith.constant 0 : i32
      %dma_start3A_748 = tpu.memref_slice %arg14[%add3A_244, %dma_start3A_747] : memref<20608x72xf32, #tpu.memory_space<vmem_shared>> -> memref<56x72xf32, #tpu.memory_space<vmem_shared>>
      tpu.enqueue_dma source(%arg19 : memref<56x72xf32, #tpu.memory_space<vmem>>) target(%dma_start3A_748 : memref<56x72xf32, #tpu.memory_space<vmem_shared>>) target_semaphore(%run_scoped3A : memref<!tpu.dma_semaphore, #tpu.memory_space<semaphore_mem>>)
      %dma_wait3A_749 = arith.constant 0 : i32
      %dma_wait3A_750 = tpu.memref_slice %arg14[%add3A_244, %dma_wait3A_749] : memref<20608x72xf32, #tpu.memory_space<vmem_shared>> -> memref<56x72xf32, #tpu.memory_space<vmem_shared>>
      %dma_wait3A_751 = arith.constant 0 : i32
      %dma_wait3A_752 = tpu.memref_slice %arg14[%add3A_244, %dma_wait3A_751] : memref<20608x72xf32, #tpu.memory_space<vmem_shared>> -> memref<56x72xf32, #tpu.memory_space<vmem_shared>>
      tpu.wait_dma2 semaphore(%run_scoped3A : memref<!tpu.dma_semaphore, #tpu.memory_space<semaphore_mem>>) src(%arg19 : memref<56x72xf32, #tpu.memory_space<vmem>>) dst(%dma_wait3A_752 : memref<56x72xf32, #tpu.memory_space<vmem_shared>>)
      tpu.yield
    }) : () -> ()
    %mul3A_272 = arith.constant 1288 : i32
    %mul3A_273 = arith.muli %arg1, %mul3A_272 : i32
    %add3A_274 = arith.constant 448 : i32
    %add3A_275 = arith.addi %mul3A_273, %add3A_274 : i32
    %dma_start3A_276 = arith.constant 0 : i32
    %dma_start3A_277 = tpu.memref_slice %arg14[%add3A_275, %dma_start3A_276] : memref<20608x72xf32, #tpu.memory_space<vmem_shared>> -> memref<56x72xf32, #tpu.memory_space<vmem_shared>>
    %dma_start3A_278 = arith.constant 0 : i32
    %dma_start3A_279 = tpu.memref_slice %arg14[%add3A_275, %dma_start3A_278] : memref<20608x72xf32, #tpu.memory_space<vmem_shared>> -> memref<56x72xf32, #tpu.memory_space<vmem_shared>>
    tpu.enqueue_dma source(%dma_start3A_279 : memref<56x72xf32, #tpu.memory_space<vmem_shared>>) target(%arg19 : memref<56x72xf32, #tpu.memory_space<vmem>>) target_semaphore(%arg23 : memref<!tpu.dma_semaphore, #tpu.memory_space<semaphore_mem>>)
    %dma_start3A_280 = arith.constant 8 : i32
    %dma_start3A_281 = tpu.memref_slice %arg20[%dma_start3A_280] : memref<80xf32, #tpu.memory_space<vmem>> -> memref<56xf32, #tpu.memory_space<vmem>>
    %dma_start3A_282 = tpu.memref_slice %arg4[%add3A_275] : memref<20608xf32, #tpu.memory_space<hbm>> -> memref<56xf32, #tpu.memory_space<hbm>>
    %dma_start3A_283 = arith.constant 8 : i32
    %dma_start3A_284 = tpu.memref_slice %arg20[%dma_start3A_283] : memref<80xf32, #tpu.memory_space<vmem>> -> memref<56xf32, #tpu.memory_space<vmem>>
    %dma_start3A_285 = tpu.memref_slice %arg4[%add3A_275] : memref<20608xf32, #tpu.memory_space<hbm>> -> memref<56xf32, #tpu.memory_space<hbm>>
    tpu.enqueue_dma source(%dma_start3A_285 : memref<56xf32, #tpu.memory_space<hbm>>) target(%dma_start3A_284 : memref<56xf32, #tpu.memory_space<vmem>>) target_semaphore(%arg26 : memref<!tpu.dma_semaphore, #tpu.memory_space<semaphore_mem>>)
    %dma_wait3A_286 = arith.constant 0 : i32
    %dma_wait3A_287 = tpu.memref_slice %arg14[%add3A_275, %dma_wait3A_286] : memref<20608x72xf32, #tpu.memory_space<vmem_shared>> -> memref<56x72xf32, #tpu.memory_space<vmem_shared>>
    %dma_wait3A_288 = arith.constant 0 : i32
    %dma_wait3A_289 = tpu.memref_slice %arg14[%add3A_275, %dma_wait3A_288] : memref<20608x72xf32, #tpu.memory_space<vmem_shared>> -> memref<56x72xf32, #tpu.memory_space<vmem_shared>>
    tpu.wait_dma2 semaphore(%arg23 : memref<!tpu.dma_semaphore, #tpu.memory_space<semaphore_mem>>) src(%dma_wait3A_289 : memref<56x72xf32, #tpu.memory_space<vmem_shared>>) dst(%arg19 : memref<56x72xf32, #tpu.memory_space<vmem>>)
    %dma_wait3A_290 = arith.constant 8 : i32
    %dma_wait3A_291 = tpu.memref_slice %arg20[%dma_wait3A_290] : memref<80xf32, #tpu.memory_space<vmem>> -> memref<56xf32, #tpu.memory_space<vmem>>
    %dma_wait3A_292 = tpu.memref_slice %arg4[%add3A_275] : memref<20608xf32, #tpu.memory_space<hbm>> -> memref<56xf32, #tpu.memory_space<hbm>>
    %dma_wait3A_293 = arith.constant 8 : i32
    %dma_wait3A_294 = tpu.memref_slice %arg20[%dma_wait3A_293] : memref<80xf32, #tpu.memory_space<vmem>> -> memref<56xf32, #tpu.memory_space<vmem>>
    %dma_wait3A_295 = tpu.memref_slice %arg4[%add3A_275] : memref<20608xf32, #tpu.memory_space<hbm>> -> memref<56xf32, #tpu.memory_space<hbm>>
    tpu.wait_dma2 semaphore(%arg26 : memref<!tpu.dma_semaphore, #tpu.memory_space<semaphore_mem>>) src(%dma_wait3A_295 : memref<56xf32, #tpu.memory_space<hbm>>) dst(%dma_wait3A_294 : memref<56xf32, #tpu.memory_space<vmem>>)
    %scan3A_296 = arith.constant 0 : i32
    %scan3A_297 = arith.constant 0 : i32
    %scan3A_298 = arith.constant 56 : i32
    %scan3A_299 = arith.addi %scan3A_297, %scan3A_298 : i32
    %scan3A_300 = arith.constant 1 : i32
    %scan3A_301 = scf.for %scan3A_745 = %scan3A_297 to %scan3A_299 step %scan3A_300 iter_args(%scan3A_746 = %scan3A_296) -> (i32)  : i32 {
      %get3A = arith.index_cast %scan3A_745 : i32 to index
      %get3A_747 = arith.constant 56 : index
      %get3A_748 = tpu.vector_load %arg19[%get3A, %get3A_747] {strides = array<i32>} : memref<56x72xf32, #tpu.memory_space<vmem>>, vector<1x16xf32>,
      %get3A_749 = vector.shape_cast %get3A_748 : vector<1x16xf32> to vector<16xf32>
      %max3A = arith.constant 1.000000e+00 : f32
      %max3A_750 = vector.broadcast %max3A : f32 to vector<16xf32>
      %max3A_751 = arith.maximumf %get3A_749, %max3A_750 : vector<16xf32>
      %div3A = arith.constant 1.000000e+00 : f32
      %div3A_752 = vector.broadcast %div3A : f32 to vector<16xf32>
      %div3A_753 = arith.divf %div3A_752, %max3A_751 : vector<16xf32>
      %slice3A = vector.extract_strided_slice %div3A_753 {offsets = [8], sizes = [1], strides = [1]} : vector<16xf32> to vector<1xf32>
      %squeeze3A = vector.extract %slice3A[0] : f32 from vector<1xf32>
      %get3A_754 = arith.index_cast %scan3A_745 : i32 to index
      %get3A_755 = arith.constant 0 : index
      %get3A_756 = tpu.vector_load %arg19[%get3A_754, %get3A_755] {strides = array<i32>} : memref<56x72xf32, #tpu.memory_space<vmem>>, vector<1x16xf32>,
      %get3A_757 = vector.shape_cast %get3A_756 : vector<1x16xf32> to vector<16xf32>
      %mul3A_758 = vector.broadcast %squeeze3A : f32 to vector<16xf32>
      %mul3A_759 = arith.mulf %get3A_757, %mul3A_758 : vector<16xf32>
      %swap3A = arith.index_cast %scan3A_745 : i32 to index
      %swap3A_760 = arith.constant 0 : index
      %swap3A_761 = tpu.vector_load %arg19[%swap3A, %swap3A_760] {strides = array<i32>} : memref<56x72xf32, #tpu.memory_space<vmem>>, vector<1x16xf32>,
      %swap3A_762 = vector.shape_cast %swap3A_761 : vector<1x16xf32> to vector<16xf32>
      %swap3A_763 = vector.shape_cast %mul3A_759 : vector<16xf32> to vector<1x16xf32>
      tpu.vector_store %arg19[%swap3A, %swap3A_760], %swap3A_763 {strides = array<i32>} : memref<56x72xf32, #tpu.memory_space<vmem>>, vector<1x16xf32>,
      %get3A_764 = arith.index_cast %scan3A_745 : i32 to index
      %get3A_765 = arith.constant 16 : index
      %get3A_766 = tpu.vector_load %arg19[%get3A_764, %get3A_765] {strides = array<i32>} : memref<56x72xf32, #tpu.memory_space<vmem>>, vector<1x16xf32>,
      %get3A_767 = vector.shape_cast %get3A_766 : vector<1x16xf32> to vector<16xf32>
      %mul3A_768 = vector.broadcast %squeeze3A : f32 to vector<16xf32>
      %mul3A_769 = arith.mulf %get3A_767, %mul3A_768 : vector<16xf32>
      %swap3A_770 = arith.index_cast %scan3A_745 : i32 to index
      %swap3A_771 = arith.constant 16 : index
      %swap3A_772 = tpu.vector_load %arg19[%swap3A_770, %swap3A_771] {strides = array<i32>} : memref<56x72xf32, #tpu.memory_space<vmem>>, vector<1x16xf32>,
      %swap3A_773 = vector.shape_cast %swap3A_772 : vector<1x16xf32> to vector<16xf32>
      %swap3A_774 = vector.shape_cast %mul3A_769 : vector<16xf32> to vector<1x16xf32>
      tpu.vector_store %arg19[%swap3A_770, %swap3A_771], %swap3A_774 {strides = array<i32>} : memref<56x72xf32, #tpu.memory_space<vmem>>, vector<1x16xf32>,
      %get3A_775 = arith.index_cast %scan3A_745 : i32 to index
      %get3A_776 = arith.constant 32 : index
      %get3A_777 = tpu.vector_load %arg19[%get3A_775, %get3A_776] {strides = array<i32>} : memref<56x72xf32, #tpu.memory_space<vmem>>, vector<1x16xf32>,
      %get3A_778 = vector.shape_cast %get3A_777 : vector<1x16xf32> to vector<16xf32>
      %mul3A_779 = vector.broadcast %squeeze3A : f32 to vector<16xf32>
      %mul3A_780 = arith.mulf %get3A_778, %mul3A_779 : vector<16xf32>
      %swap3A_781 = arith.index_cast %scan3A_745 : i32 to index
      %swap3A_782 = arith.constant 32 : index
      %swap3A_783 = tpu.vector_load %arg19[%swap3A_781, %swap3A_782] {strides = array<i32>} : memref<56x72xf32, #tpu.memory_space<vmem>>, vector<1x16xf32>,
      %swap3A_784 = vector.shape_cast %swap3A_783 : vector<1x16xf32> to vector<16xf32>
      %swap3A_785 = vector.shape_cast %mul3A_780 : vector<16xf32> to vector<1x16xf32>
      tpu.vector_store %arg19[%swap3A_781, %swap3A_782], %swap3A_785 {strides = array<i32>} : memref<56x72xf32, #tpu.memory_space<vmem>>, vector<1x16xf32>,
      %get3A_786 = arith.index_cast %scan3A_745 : i32 to index
      %get3A_787 = arith.constant 48 : index
      %get3A_788 = tpu.vector_load %arg19[%get3A_786, %get3A_787] {strides = array<i32>} : memref<56x72xf32, #tpu.memory_space<vmem>>, vector<1x16xf32>,
      %get3A_789 = vector.shape_cast %get3A_788 : vector<1x16xf32> to vector<16xf32>
      %mul3A_790 = vector.broadcast %squeeze3A : f32 to vector<16xf32>
      %mul3A_791 = arith.mulf %get3A_789, %mul3A_790 : vector<16xf32>
      %swap3A_792 = arith.index_cast %scan3A_745 : i32 to index
      %swap3A_793 = arith.constant 48 : index
      %swap3A_794 = tpu.vector_load %arg19[%swap3A_792, %swap3A_793] {strides = array<i32>} : memref<56x72xf32, #tpu.memory_space<vmem>>, vector<1x16xf32>,
      %swap3A_795 = vector.shape_cast %swap3A_794 : vector<1x16xf32> to vector<16xf32>
      %swap3A_796 = vector.shape_cast %mul3A_791 : vector<16xf32> to vector<1x16xf32>
      tpu.vector_store %arg19[%swap3A_792, %swap3A_793], %swap3A_796 {strides = array<i32>} : memref<56x72xf32, #tpu.memory_space<vmem>>, vector<1x16xf32>,
      %get3A_797 = arith.index_cast %scan3A_745 : i32 to index
      %get3A_798 = arith.constant 56 : index
      %get3A_799 = tpu.vector_load %arg19[%get3A_797, %get3A_798] {strides = array<i32>} : memref<56x72xf32, #tpu.memory_space<vmem>>, vector<1x16xf32>,
      %get3A_800 = vector.shape_cast %get3A_799 : vector<1x16xf32> to vector<16xf32>
      %get3A_801 = arith.index_cast %scan3A_745 : i32 to index
      %get3A_802 = tpu.vector_load %arg20[%get3A_801] {strides = array<i32>} : memref<80xf32, #tpu.memory_space<vmem>>, vector<16xf32>,
      %get3A_803 = vector.shape_cast %get3A_802 : vector<16xf32> to vector<16xf32>
      %lt3A = arith.constant 8 : i32
      %lt3A_804 = vector.broadcast %lt3A : i32 to vector<16xi32>
      %lt3A_805 = arith.cmpi slt, %iota3A, %lt3A_804 : vector<16xi32>
      %select_n3A = arith.select %lt3A_805, %get3A_800, %get3A_803 : vector<16xi1>, vector<16xf32>
      %swap3A_806 = arith.index_cast %scan3A_745 : i32 to index
      %swap3A_807 = arith.constant 56 : index
      %swap3A_808 = tpu.vector_load %arg19[%swap3A_806, %swap3A_807] {strides = array<i32>} : memref<56x72xf32, #tpu.memory_space<vmem>>, vector<1x16xf32>,
      %swap3A_809 = vector.shape_cast %swap3A_808 : vector<1x16xf32> to vector<16xf32>
      %swap3A_810 = vector.shape_cast %select_n3A : vector<16xf32> to vector<1x16xf32>
      tpu.vector_store %arg19[%swap3A_806, %swap3A_807], %swap3A_810 {strides = array<i32>} : memref<56x72xf32, #tpu.memory_space<vmem>>, vector<1x16xf32>,
      %scan3A_811 = arith.constant 0 : i32
      scf.yield %scan3A_811 : i32
    }
    %scan3A_302 = arith.constant 56 : i32
    "tpu.region"() ({
      %run_scoped3A = tpu.sem_alloc : memref<!tpu.dma_semaphore, #tpu.memory_space<semaphore_mem>>
      %dma_start3A_745 = arith.constant 0 : i32
      %dma_start3A_746 = tpu.memref_slice %arg14[%add3A_275, %dma_start3A_745] : memref<20608x72xf32, #tpu.memory_space<vmem_shared>> -> memref<56x72xf32, #tpu.memory_space<vmem_shared>>
      %dma_start3A_747 = arith.constant 0 : i32
      %dma_start3A_748 = tpu.memref_slice %arg14[%add3A_275, %dma_start3A_747] : memref<20608x72xf32, #tpu.memory_space<vmem_shared>> -> memref<56x72xf32, #tpu.memory_space<vmem_shared>>
      tpu.enqueue_dma source(%arg19 : memref<56x72xf32, #tpu.memory_space<vmem>>) target(%dma_start3A_748 : memref<56x72xf32, #tpu.memory_space<vmem_shared>>) target_semaphore(%run_scoped3A : memref<!tpu.dma_semaphore, #tpu.memory_space<semaphore_mem>>)
      %dma_wait3A_749 = arith.constant 0 : i32
      %dma_wait3A_750 = tpu.memref_slice %arg14[%add3A_275, %dma_wait3A_749] : memref<20608x72xf32, #tpu.memory_space<vmem_shared>> -> memref<56x72xf32, #tpu.memory_space<vmem_shared>>
      %dma_wait3A_751 = arith.constant 0 : i32
      %dma_wait3A_752 = tpu.memref_slice %arg14[%add3A_275, %dma_wait3A_751] : memref<20608x72xf32, #tpu.memory_space<vmem_shared>> -> memref<56x72xf32, #tpu.memory_space<vmem_shared>>
      tpu.wait_dma2 semaphore(%run_scoped3A : memref<!tpu.dma_semaphore, #tpu.memory_space<semaphore_mem>>) src(%arg19 : memref<56x72xf32, #tpu.memory_space<vmem>>) dst(%dma_wait3A_752 : memref<56x72xf32, #tpu.memory_space<vmem_shared>>)
      tpu.yield
    }) : () -> ()
    %mul3A_303 = arith.constant 1288 : i32
    %mul3A_304 = arith.muli %arg1, %mul3A_303 : i32
    %add3A_305 = arith.constant 504 : i32
    %add3A_306 = arith.addi %mul3A_304, %add3A_305 : i32
    %dma_start3A_307 = arith.constant 0 : i32
    %dma_start3A_308 = tpu.memref_slice %arg14[%add3A_306, %dma_start3A_307] : memref<20608x72xf32, #tpu.memory_space<vmem_shared>> -> memref<56x72xf32, #tpu.memory_space<vmem_shared>>
    %dma_start3A_309 = arith.constant 0 : i32
    %dma_start3A_310 = tpu.memref_slice %arg14[%add3A_306, %dma_start3A_309] : memref<20608x72xf32, #tpu.memory_space<vmem_shared>> -> memref<56x72xf32, #tpu.memory_space<vmem_shared>>
    tpu.enqueue_dma source(%dma_start3A_310 : memref<56x72xf32, #tpu.memory_space<vmem_shared>>) target(%arg19 : memref<56x72xf32, #tpu.memory_space<vmem>>) target_semaphore(%arg23 : memref<!tpu.dma_semaphore, #tpu.memory_space<semaphore_mem>>)
    %dma_start3A_311 = arith.constant 8 : i32
    %dma_start3A_312 = tpu.memref_slice %arg20[%dma_start3A_311] : memref<80xf32, #tpu.memory_space<vmem>> -> memref<56xf32, #tpu.memory_space<vmem>>
    %dma_start3A_313 = tpu.memref_slice %arg4[%add3A_306] : memref<20608xf32, #tpu.memory_space<hbm>> -> memref<56xf32, #tpu.memory_space<hbm>>
    %dma_start3A_314 = arith.constant 8 : i32
    %dma_start3A_315 = tpu.memref_slice %arg20[%dma_start3A_314] : memref<80xf32, #tpu.memory_space<vmem>> -> memref<56xf32, #tpu.memory_space<vmem>>
    %dma_start3A_316 = tpu.memref_slice %arg4[%add3A_306] : memref<20608xf32, #tpu.memory_space<hbm>> -> memref<56xf32, #tpu.memory_space<hbm>>
    tpu.enqueue_dma source(%dma_start3A_316 : memref<56xf32, #tpu.memory_space<hbm>>) target(%dma_start3A_315 : memref<56xf32, #tpu.memory_space<vmem>>) target_semaphore(%arg26 : memref<!tpu.dma_semaphore, #tpu.memory_space<semaphore_mem>>)
    %dma_wait3A_317 = arith.constant 0 : i32
    %dma_wait3A_318 = tpu.memref_slice %arg14[%add3A_306, %dma_wait3A_317] : memref<20608x72xf32, #tpu.memory_space<vmem_shared>> -> memref<56x72xf32, #tpu.memory_space<vmem_shared>>
    %dma_wait3A_319 = arith.constant 0 : i32
    %dma_wait3A_320 = tpu.memref_slice %arg14[%add3A_306, %dma_wait3A_319] : memref<20608x72xf32, #tpu.memory_space<vmem_shared>> -> memref<56x72xf32, #tpu.memory_space<vmem_shared>>
    tpu.wait_dma2 semaphore(%arg23 : memref<!tpu.dma_semaphore, #tpu.memory_space<semaphore_mem>>) src(%dma_wait3A_320 : memref<56x72xf32, #tpu.memory_space<vmem_shared>>) dst(%arg19 : memref<56x72xf32, #tpu.memory_space<vmem>>)
    %dma_wait3A_321 = arith.constant 8 : i32
    %dma_wait3A_322 = tpu.memref_slice %arg20[%dma_wait3A_321] : memref<80xf32, #tpu.memory_space<vmem>> -> memref<56xf32, #tpu.memory_space<vmem>>
    %dma_wait3A_323 = tpu.memref_slice %arg4[%add3A_306] : memref<20608xf32, #tpu.memory_space<hbm>> -> memref<56xf32, #tpu.memory_space<hbm>>
    %dma_wait3A_324 = arith.constant 8 : i32
    %dma_wait3A_325 = tpu.memref_slice %arg20[%dma_wait3A_324] : memref<80xf32, #tpu.memory_space<vmem>> -> memref<56xf32, #tpu.memory_space<vmem>>
    %dma_wait3A_326 = tpu.memref_slice %arg4[%add3A_306] : memref<20608xf32, #tpu.memory_space<hbm>> -> memref<56xf32, #tpu.memory_space<hbm>>
    tpu.wait_dma2 semaphore(%arg26 : memref<!tpu.dma_semaphore, #tpu.memory_space<semaphore_mem>>) src(%dma_wait3A_326 : memref<56xf32, #tpu.memory_space<hbm>>) dst(%dma_wait3A_325 : memref<56xf32, #tpu.memory_space<vmem>>)
    %scan3A_327 = arith.constant 0 : i32
    %scan3A_328 = arith.constant 0 : i32
    %scan3A_329 = arith.constant 56 : i32
    %scan3A_330 = arith.addi %scan3A_328, %scan3A_329 : i32
    %scan3A_331 = arith.constant 1 : i32
    %scan3A_332 = scf.for %scan3A_745 = %scan3A_328 to %scan3A_330 step %scan3A_331 iter_args(%scan3A_746 = %scan3A_327) -> (i32)  : i32 {
      %get3A = arith.index_cast %scan3A_745 : i32 to index
      %get3A_747 = arith.constant 56 : index
      %get3A_748 = tpu.vector_load %arg19[%get3A, %get3A_747] {strides = array<i32>} : memref<56x72xf32, #tpu.memory_space<vmem>>, vector<1x16xf32>,
      %get3A_749 = vector.shape_cast %get3A_748 : vector<1x16xf32> to vector<16xf32>
      %max3A = arith.constant 1.000000e+00 : f32
      %max3A_750 = vector.broadcast %max3A : f32 to vector<16xf32>
      %max3A_751 = arith.maximumf %get3A_749, %max3A_750 : vector<16xf32>
      %div3A = arith.constant 1.000000e+00 : f32
      %div3A_752 = vector.broadcast %div3A : f32 to vector<16xf32>
      %div3A_753 = arith.divf %div3A_752, %max3A_751 : vector<16xf32>
      %slice3A = vector.extract_strided_slice %div3A_753 {offsets = [8], sizes = [1], strides = [1]} : vector<16xf32> to vector<1xf32>
      %squeeze3A = vector.extract %slice3A[0] : f32 from vector<1xf32>
      %get3A_754 = arith.index_cast %scan3A_745 : i32 to index
      %get3A_755 = arith.constant 0 : index
      %get3A_756 = tpu.vector_load %arg19[%get3A_754, %get3A_755] {strides = array<i32>} : memref<56x72xf32, #tpu.memory_space<vmem>>, vector<1x16xf32>,
      %get3A_757 = vector.shape_cast %get3A_756 : vector<1x16xf32> to vector<16xf32>
      %mul3A_758 = vector.broadcast %squeeze3A : f32 to vector<16xf32>
      %mul3A_759 = arith.mulf %get3A_757, %mul3A_758 : vector<16xf32>
      %swap3A = arith.index_cast %scan3A_745 : i32 to index
      %swap3A_760 = arith.constant 0 : index
      %swap3A_761 = tpu.vector_load %arg19[%swap3A, %swap3A_760] {strides = array<i32>} : memref<56x72xf32, #tpu.memory_space<vmem>>, vector<1x16xf32>,
      %swap3A_762 = vector.shape_cast %swap3A_761 : vector<1x16xf32> to vector<16xf32>
      %swap3A_763 = vector.shape_cast %mul3A_759 : vector<16xf32> to vector<1x16xf32>
      tpu.vector_store %arg19[%swap3A, %swap3A_760], %swap3A_763 {strides = array<i32>} : memref<56x72xf32, #tpu.memory_space<vmem>>, vector<1x16xf32>,
      %get3A_764 = arith.index_cast %scan3A_745 : i32 to index
      %get3A_765 = arith.constant 16 : index
      %get3A_766 = tpu.vector_load %arg19[%get3A_764, %get3A_765] {strides = array<i32>} : memref<56x72xf32, #tpu.memory_space<vmem>>, vector<1x16xf32>,
      %get3A_767 = vector.shape_cast %get3A_766 : vector<1x16xf32> to vector<16xf32>
      %mul3A_768 = vector.broadcast %squeeze3A : f32 to vector<16xf32>
      %mul3A_769 = arith.mulf %get3A_767, %mul3A_768 : vector<16xf32>
      %swap3A_770 = arith.index_cast %scan3A_745 : i32 to index
      %swap3A_771 = arith.constant 16 : index
      %swap3A_772 = tpu.vector_load %arg19[%swap3A_770, %swap3A_771] {strides = array<i32>} : memref<56x72xf32, #tpu.memory_space<vmem>>, vector<1x16xf32>,
      %swap3A_773 = vector.shape_cast %swap3A_772 : vector<1x16xf32> to vector<16xf32>
      %swap3A_774 = vector.shape_cast %mul3A_769 : vector<16xf32> to vector<1x16xf32>
      tpu.vector_store %arg19[%swap3A_770, %swap3A_771], %swap3A_774 {strides = array<i32>} : memref<56x72xf32, #tpu.memory_space<vmem>>, vector<1x16xf32>,
      %get3A_775 = arith.index_cast %scan3A_745 : i32 to index
      %get3A_776 = arith.constant 32 : index
      %get3A_777 = tpu.vector_load %arg19[%get3A_775, %get3A_776] {strides = array<i32>} : memref<56x72xf32, #tpu.memory_space<vmem>>, vector<1x16xf32>,
      %get3A_778 = vector.shape_cast %get3A_777 : vector<1x16xf32> to vector<16xf32>
      %mul3A_779 = vector.broadcast %squeeze3A : f32 to vector<16xf32>
      %mul3A_780 = arith.mulf %get3A_778, %mul3A_779 : vector<16xf32>
      %swap3A_781 = arith.index_cast %scan3A_745 : i32 to index
      %swap3A_782 = arith.constant 32 : index
      %swap3A_783 = tpu.vector_load %arg19[%swap3A_781, %swap3A_782] {strides = array<i32>} : memref<56x72xf32, #tpu.memory_space<vmem>>, vector<1x16xf32>,
      %swap3A_784 = vector.shape_cast %swap3A_783 : vector<1x16xf32> to vector<16xf32>
      %swap3A_785 = vector.shape_cast %mul3A_780 : vector<16xf32> to vector<1x16xf32>
      tpu.vector_store %arg19[%swap3A_781, %swap3A_782], %swap3A_785 {strides = array<i32>} : memref<56x72xf32, #tpu.memory_space<vmem>>, vector<1x16xf32>,
      %get3A_786 = arith.index_cast %scan3A_745 : i32 to index
      %get3A_787 = arith.constant 48 : index
      %get3A_788 = tpu.vector_load %arg19[%get3A_786, %get3A_787] {strides = array<i32>} : memref<56x72xf32, #tpu.memory_space<vmem>>, vector<1x16xf32>,
      %get3A_789 = vector.shape_cast %get3A_788 : vector<1x16xf32> to vector<16xf32>
      %mul3A_790 = vector.broadcast %squeeze3A : f32 to vector<16xf32>
      %mul3A_791 = arith.mulf %get3A_789, %mul3A_790 : vector<16xf32>
      %swap3A_792 = arith.index_cast %scan3A_745 : i32 to index
      %swap3A_793 = arith.constant 48 : index
      %swap3A_794 = tpu.vector_load %arg19[%swap3A_792, %swap3A_793] {strides = array<i32>} : memref<56x72xf32, #tpu.memory_space<vmem>>, vector<1x16xf32>,
      %swap3A_795 = vector.shape_cast %swap3A_794 : vector<1x16xf32> to vector<16xf32>
      %swap3A_796 = vector.shape_cast %mul3A_791 : vector<16xf32> to vector<1x16xf32>
      tpu.vector_store %arg19[%swap3A_792, %swap3A_793], %swap3A_796 {strides = array<i32>} : memref<56x72xf32, #tpu.memory_space<vmem>>, vector<1x16xf32>,
      %get3A_797 = arith.index_cast %scan3A_745 : i32 to index
      %get3A_798 = arith.constant 56 : index
      %get3A_799 = tpu.vector_load %arg19[%get3A_797, %get3A_798] {strides = array<i32>} : memref<56x72xf32, #tpu.memory_space<vmem>>, vector<1x16xf32>,
      %get3A_800 = vector.shape_cast %get3A_799 : vector<1x16xf32> to vector<16xf32>
      %get3A_801 = arith.index_cast %scan3A_745 : i32 to index
      %get3A_802 = tpu.vector_load %arg20[%get3A_801] {strides = array<i32>} : memref<80xf32, #tpu.memory_space<vmem>>, vector<16xf32>,
      %get3A_803 = vector.shape_cast %get3A_802 : vector<16xf32> to vector<16xf32>
      %lt3A = arith.constant 8 : i32
      %lt3A_804 = vector.broadcast %lt3A : i32 to vector<16xi32>
      %lt3A_805 = arith.cmpi slt, %iota3A, %lt3A_804 : vector<16xi32>
      %select_n3A = arith.select %lt3A_805, %get3A_800, %get3A_803 : vector<16xi1>, vector<16xf32>
      %swap3A_806 = arith.index_cast %scan3A_745 : i32 to index
      %swap3A_807 = arith.constant 56 : index
      %swap3A_808 = tpu.vector_load %arg19[%swap3A_806, %swap3A_807] {strides = array<i32>} : memref<56x72xf32, #tpu.memory_space<vmem>>, vector<1x16xf32>,
      %swap3A_809 = vector.shape_cast %swap3A_808 : vector<1x16xf32> to vector<16xf32>
      %swap3A_810 = vector.shape_cast %select_n3A : vector<16xf32> to vector<1x16xf32>
      tpu.vector_store %arg19[%swap3A_806, %swap3A_807], %swap3A_810 {strides = array<i32>} : memref<56x72xf32, #tpu.memory_space<vmem>>, vector<1x16xf32>,
      %scan3A_811 = arith.constant 0 : i32
      scf.yield %scan3A_811 : i32
    }
    %scan3A_333 = arith.constant 56 : i32
    "tpu.region"() ({
      %run_scoped3A = tpu.sem_alloc : memref<!tpu.dma_semaphore, #tpu.memory_space<semaphore_mem>>
      %dma_start3A_745 = arith.constant 0 : i32
      %dma_start3A_746 = tpu.memref_slice %arg14[%add3A_306, %dma_start3A_745] : memref<20608x72xf32, #tpu.memory_space<vmem_shared>> -> memref<56x72xf32, #tpu.memory_space<vmem_shared>>
      %dma_start3A_747 = arith.constant 0 : i32
      %dma_start3A_748 = tpu.memref_slice %arg14[%add3A_306, %dma_start3A_747] : memref<20608x72xf32, #tpu.memory_space<vmem_shared>> -> memref<56x72xf32, #tpu.memory_space<vmem_shared>>
      tpu.enqueue_dma source(%arg19 : memref<56x72xf32, #tpu.memory_space<vmem>>) target(%dma_start3A_748 : memref<56x72xf32, #tpu.memory_space<vmem_shared>>) target_semaphore(%run_scoped3A : memref<!tpu.dma_semaphore, #tpu.memory_space<semaphore_mem>>)
      %dma_wait3A_749 = arith.constant 0 : i32
      %dma_wait3A_750 = tpu.memref_slice %arg14[%add3A_306, %dma_wait3A_749] : memref<20608x72xf32, #tpu.memory_space<vmem_shared>> -> memref<56x72xf32, #tpu.memory_space<vmem_shared>>
      %dma_wait3A_751 = arith.constant 0 : i32
      %dma_wait3A_752 = tpu.memref_slice %arg14[%add3A_306, %dma_wait3A_751] : memref<20608x72xf32, #tpu.memory_space<vmem_shared>> -> memref<56x72xf32, #tpu.memory_space<vmem_shared>>
      tpu.wait_dma2 semaphore(%run_scoped3A : memref<!tpu.dma_semaphore, #tpu.memory_space<semaphore_mem>>) src(%arg19 : memref<56x72xf32, #tpu.memory_space<vmem>>) dst(%dma_wait3A_752 : memref<56x72xf32, #tpu.memory_space<vmem_shared>>)
      tpu.yield
    }) : () -> ()
    %mul3A_334 = arith.constant 1288 : i32
    %mul3A_335 = arith.muli %arg1, %mul3A_334 : i32
    %add3A_336 = arith.constant 560 : i32
    %add3A_337 = arith.addi %mul3A_335, %add3A_336 : i32
    %dma_start3A_338 = arith.constant 0 : i32
    %dma_start3A_339 = tpu.memref_slice %arg14[%add3A_337, %dma_start3A_338] : memref<20608x72xf32, #tpu.memory_space<vmem_shared>> -> memref<56x72xf32, #tpu.memory_space<vmem_shared>>
    %dma_start3A_340 = arith.constant 0 : i32
    %dma_start3A_341 = tpu.memref_slice %arg14[%add3A_337, %dma_start3A_340] : memref<20608x72xf32, #tpu.memory_space<vmem_shared>> -> memref<56x72xf32, #tpu.memory_space<vmem_shared>>
    tpu.enqueue_dma source(%dma_start3A_341 : memref<56x72xf32, #tpu.memory_space<vmem_shared>>) target(%arg19 : memref<56x72xf32, #tpu.memory_space<vmem>>) target_semaphore(%arg23 : memref<!tpu.dma_semaphore, #tpu.memory_space<semaphore_mem>>)
    %dma_start3A_342 = arith.constant 8 : i32
    %dma_start3A_343 = tpu.memref_slice %arg20[%dma_start3A_342] : memref<80xf32, #tpu.memory_space<vmem>> -> memref<56xf32, #tpu.memory_space<vmem>>
    %dma_start3A_344 = tpu.memref_slice %arg4[%add3A_337] : memref<20608xf32, #tpu.memory_space<hbm>> -> memref<56xf32, #tpu.memory_space<hbm>>
    %dma_start3A_345 = arith.constant 8 : i32
    %dma_start3A_346 = tpu.memref_slice %arg20[%dma_start3A_345] : memref<80xf32, #tpu.memory_space<vmem>> -> memref<56xf32, #tpu.memory_space<vmem>>
    %dma_start3A_347 = tpu.memref_slice %arg4[%add3A_337] : memref<20608xf32, #tpu.memory_space<hbm>> -> memref<56xf32, #tpu.memory_space<hbm>>
    tpu.enqueue_dma source(%dma_start3A_347 : memref<56xf32, #tpu.memory_space<hbm>>) target(%dma_start3A_346 : memref<56xf32, #tpu.memory_space<vmem>>) target_semaphore(%arg26 : memref<!tpu.dma_semaphore, #tpu.memory_space<semaphore_mem>>)
    %dma_wait3A_348 = arith.constant 0 : i32
    %dma_wait3A_349 = tpu.memref_slice %arg14[%add3A_337, %dma_wait3A_348] : memref<20608x72xf32, #tpu.memory_space<vmem_shared>> -> memref<56x72xf32, #tpu.memory_space<vmem_shared>>
    %dma_wait3A_350 = arith.constant 0 : i32
    %dma_wait3A_351 = tpu.memref_slice %arg14[%add3A_337, %dma_wait3A_350] : memref<20608x72xf32, #tpu.memory_space<vmem_shared>> -> memref<56x72xf32, #tpu.memory_space<vmem_shared>>
    tpu.wait_dma2 semaphore(%arg23 : memref<!tpu.dma_semaphore, #tpu.memory_space<semaphore_mem>>) src(%dma_wait3A_351 : memref<56x72xf32, #tpu.memory_space<vmem_shared>>) dst(%arg19 : memref<56x72xf32, #tpu.memory_space<vmem>>)
    %dma_wait3A_352 = arith.constant 8 : i32
    %dma_wait3A_353 = tpu.memref_slice %arg20[%dma_wait3A_352] : memref<80xf32, #tpu.memory_space<vmem>> -> memref<56xf32, #tpu.memory_space<vmem>>
    %dma_wait3A_354 = tpu.memref_slice %arg4[%add3A_337] : memref<20608xf32, #tpu.memory_space<hbm>> -> memref<56xf32, #tpu.memory_space<hbm>>
    %dma_wait3A_355 = arith.constant 8 : i32
    %dma_wait3A_356 = tpu.memref_slice %arg20[%dma_wait3A_355] : memref<80xf32, #tpu.memory_space<vmem>> -> memref<56xf32, #tpu.memory_space<vmem>>
    %dma_wait3A_357 = tpu.memref_slice %arg4[%add3A_337] : memref<20608xf32, #tpu.memory_space<hbm>> -> memref<56xf32, #tpu.memory_space<hbm>>
    tpu.wait_dma2 semaphore(%arg26 : memref<!tpu.dma_semaphore, #tpu.memory_space<semaphore_mem>>) src(%dma_wait3A_357 : memref<56xf32, #tpu.memory_space<hbm>>) dst(%dma_wait3A_356 : memref<56xf32, #tpu.memory_space<vmem>>)
    %scan3A_358 = arith.constant 0 : i32
    %scan3A_359 = arith.constant 0 : i32
    %scan3A_360 = arith.constant 56 : i32
    %scan3A_361 = arith.addi %scan3A_359, %scan3A_360 : i32
    %scan3A_362 = arith.constant 1 : i32
    %scan3A_363 = scf.for %scan3A_745 = %scan3A_359 to %scan3A_361 step %scan3A_362 iter_args(%scan3A_746 = %scan3A_358) -> (i32)  : i32 {
      %get3A = arith.index_cast %scan3A_745 : i32 to index
      %get3A_747 = arith.constant 56 : index
      %get3A_748 = tpu.vector_load %arg19[%get3A, %get3A_747] {strides = array<i32>} : memref<56x72xf32, #tpu.memory_space<vmem>>, vector<1x16xf32>,
      %get3A_749 = vector.shape_cast %get3A_748 : vector<1x16xf32> to vector<16xf32>
      %max3A = arith.constant 1.000000e+00 : f32
      %max3A_750 = vector.broadcast %max3A : f32 to vector<16xf32>
      %max3A_751 = arith.maximumf %get3A_749, %max3A_750 : vector<16xf32>
      %div3A = arith.constant 1.000000e+00 : f32
      %div3A_752 = vector.broadcast %div3A : f32 to vector<16xf32>
      %div3A_753 = arith.divf %div3A_752, %max3A_751 : vector<16xf32>
      %slice3A = vector.extract_strided_slice %div3A_753 {offsets = [8], sizes = [1], strides = [1]} : vector<16xf32> to vector<1xf32>
      %squeeze3A = vector.extract %slice3A[0] : f32 from vector<1xf32>
      %get3A_754 = arith.index_cast %scan3A_745 : i32 to index
      %get3A_755 = arith.constant 0 : index
      %get3A_756 = tpu.vector_load %arg19[%get3A_754, %get3A_755] {strides = array<i32>} : memref<56x72xf32, #tpu.memory_space<vmem>>, vector<1x16xf32>,
      %get3A_757 = vector.shape_cast %get3A_756 : vector<1x16xf32> to vector<16xf32>
      %mul3A_758 = vector.broadcast %squeeze3A : f32 to vector<16xf32>
      %mul3A_759 = arith.mulf %get3A_757, %mul3A_758 : vector<16xf32>
      %swap3A = arith.index_cast %scan3A_745 : i32 to index
      %swap3A_760 = arith.constant 0 : index
      %swap3A_761 = tpu.vector_load %arg19[%swap3A, %swap3A_760] {strides = array<i32>} : memref<56x72xf32, #tpu.memory_space<vmem>>, vector<1x16xf32>,
      %swap3A_762 = vector.shape_cast %swap3A_761 : vector<1x16xf32> to vector<16xf32>
      %swap3A_763 = vector.shape_cast %mul3A_759 : vector<16xf32> to vector<1x16xf32>
      tpu.vector_store %arg19[%swap3A, %swap3A_760], %swap3A_763 {strides = array<i32>} : memref<56x72xf32, #tpu.memory_space<vmem>>, vector<1x16xf32>,
      %get3A_764 = arith.index_cast %scan3A_745 : i32 to index
      %get3A_765 = arith.constant 16 : index
      %get3A_766 = tpu.vector_load %arg19[%get3A_764, %get3A_765] {strides = array<i32>} : memref<56x72xf32, #tpu.memory_space<vmem>>, vector<1x16xf32>,
      %get3A_767 = vector.shape_cast %get3A_766 : vector<1x16xf32> to vector<16xf32>
      %mul3A_768 = vector.broadcast %squeeze3A : f32 to vector<16xf32>
      %mul3A_769 = arith.mulf %get3A_767, %mul3A_768 : vector<16xf32>
      %swap3A_770 = arith.index_cast %scan3A_745 : i32 to index
      %swap3A_771 = arith.constant 16 : index
      %swap3A_772 = tpu.vector_load %arg19[%swap3A_770, %swap3A_771] {strides = array<i32>} : memref<56x72xf32, #tpu.memory_space<vmem>>, vector<1x16xf32>,
      %swap3A_773 = vector.shape_cast %swap3A_772 : vector<1x16xf32> to vector<16xf32>
      %swap3A_774 = vector.shape_cast %mul3A_769 : vector<16xf32> to vector<1x16xf32>
      tpu.vector_store %arg19[%swap3A_770, %swap3A_771], %swap3A_774 {strides = array<i32>} : memref<56x72xf32, #tpu.memory_space<vmem>>, vector<1x16xf32>,
      %get3A_775 = arith.index_cast %scan3A_745 : i32 to index
      %get3A_776 = arith.constant 32 : index
      %get3A_777 = tpu.vector_load %arg19[%get3A_775, %get3A_776] {strides = array<i32>} : memref<56x72xf32, #tpu.memory_space<vmem>>, vector<1x16xf32>,
      %get3A_778 = vector.shape_cast %get3A_777 : vector<1x16xf32> to vector<16xf32>
      %mul3A_779 = vector.broadcast %squeeze3A : f32 to vector<16xf32>
      %mul3A_780 = arith.mulf %get3A_778, %mul3A_779 : vector<16xf32>
      %swap3A_781 = arith.index_cast %scan3A_745 : i32 to index
      %swap3A_782 = arith.constant 32 : index
      %swap3A_783 = tpu.vector_load %arg19[%swap3A_781, %swap3A_782] {strides = array<i32>} : memref<56x72xf32, #tpu.memory_space<vmem>>, vector<1x16xf32>,
      %swap3A_784 = vector.shape_cast %swap3A_783 : vector<1x16xf32> to vector<16xf32>
      %swap3A_785 = vector.shape_cast %mul3A_780 : vector<16xf32> to vector<1x16xf32>
      tpu.vector_store %arg19[%swap3A_781, %swap3A_782], %swap3A_785 {strides = array<i32>} : memref<56x72xf32, #tpu.memory_space<vmem>>, vector<1x16xf32>,
      %get3A_786 = arith.index_cast %scan3A_745 : i32 to index
      %get3A_787 = arith.constant 48 : index
      %get3A_788 = tpu.vector_load %arg19[%get3A_786, %get3A_787] {strides = array<i32>} : memref<56x72xf32, #tpu.memory_space<vmem>>, vector<1x16xf32>,
      %get3A_789 = vector.shape_cast %get3A_788 : vector<1x16xf32> to vector<16xf32>
      %mul3A_790 = vector.broadcast %squeeze3A : f32 to vector<16xf32>
      %mul3A_791 = arith.mulf %get3A_789, %mul3A_790 : vector<16xf32>
      %swap3A_792 = arith.index_cast %scan3A_745 : i32 to index
      %swap3A_793 = arith.constant 48 : index
      %swap3A_794 = tpu.vector_load %arg19[%swap3A_792, %swap3A_793] {strides = array<i32>} : memref<56x72xf32, #tpu.memory_space<vmem>>, vector<1x16xf32>,
      %swap3A_795 = vector.shape_cast %swap3A_794 : vector<1x16xf32> to vector<16xf32>
      %swap3A_796 = vector.shape_cast %mul3A_791 : vector<16xf32> to vector<1x16xf32>
      tpu.vector_store %arg19[%swap3A_792, %swap3A_793], %swap3A_796 {strides = array<i32>} : memref<56x72xf32, #tpu.memory_space<vmem>>, vector<1x16xf32>,
      %get3A_797 = arith.index_cast %scan3A_745 : i32 to index
      %get3A_798 = arith.constant 56 : index
      %get3A_799 = tpu.vector_load %arg19[%get3A_797, %get3A_798] {strides = array<i32>} : memref<56x72xf32, #tpu.memory_space<vmem>>, vector<1x16xf32>,
      %get3A_800 = vector.shape_cast %get3A_799 : vector<1x16xf32> to vector<16xf32>
      %get3A_801 = arith.index_cast %scan3A_745 : i32 to index
      %get3A_802 = tpu.vector_load %arg20[%get3A_801] {strides = array<i32>} : memref<80xf32, #tpu.memory_space<vmem>>, vector<16xf32>,
      %get3A_803 = vector.shape_cast %get3A_802 : vector<16xf32> to vector<16xf32>
      %lt3A = arith.constant 8 : i32
      %lt3A_804 = vector.broadcast %lt3A : i32 to vector<16xi32>
      %lt3A_805 = arith.cmpi slt, %iota3A, %lt3A_804 : vector<16xi32>
      %select_n3A = arith.select %lt3A_805, %get3A_800, %get3A_803 : vector<16xi1>, vector<16xf32>
      %swap3A_806 = arith.index_cast %scan3A_745 : i32 to index
      %swap3A_807 = arith.constant 56 : index
      %swap3A_808 = tpu.vector_load %arg19[%swap3A_806, %swap3A_807] {strides = array<i32>} : memref<56x72xf32, #tpu.memory_space<vmem>>, vector<1x16xf32>,
      %swap3A_809 = vector.shape_cast %swap3A_808 : vector<1x16xf32> to vector<16xf32>
      %swap3A_810 = vector.shape_cast %select_n3A : vector<16xf32> to vector<1x16xf32>
      tpu.vector_store %arg19[%swap3A_806, %swap3A_807], %swap3A_810 {strides = array<i32>} : memref<56x72xf32, #tpu.memory_space<vmem>>, vector<1x16xf32>,
      %scan3A_811 = arith.constant 0 : i32
      scf.yield %scan3A_811 : i32
    }
    %scan3A_364 = arith.constant 56 : i32
    "tpu.region"() ({
      %run_scoped3A = tpu.sem_alloc : memref<!tpu.dma_semaphore, #tpu.memory_space<semaphore_mem>>
      %dma_start3A_745 = arith.constant 0 : i32
      %dma_start3A_746 = tpu.memref_slice %arg14[%add3A_337, %dma_start3A_745] : memref<20608x72xf32, #tpu.memory_space<vmem_shared>> -> memref<56x72xf32, #tpu.memory_space<vmem_shared>>
      %dma_start3A_747 = arith.constant 0 : i32
      %dma_start3A_748 = tpu.memref_slice %arg14[%add3A_337, %dma_start3A_747] : memref<20608x72xf32, #tpu.memory_space<vmem_shared>> -> memref<56x72xf32, #tpu.memory_space<vmem_shared>>
      tpu.enqueue_dma source(%arg19 : memref<56x72xf32, #tpu.memory_space<vmem>>) target(%dma_start3A_748 : memref<56x72xf32, #tpu.memory_space<vmem_shared>>) target_semaphore(%run_scoped3A : memref<!tpu.dma_semaphore, #tpu.memory_space<semaphore_mem>>)
      %dma_wait3A_749 = arith.constant 0 : i32
      %dma_wait3A_750 = tpu.memref_slice %arg14[%add3A_337, %dma_wait3A_749] : memref<20608x72xf32, #tpu.memory_space<vmem_shared>> -> memref<56x72xf32, #tpu.memory_space<vmem_shared>>
      %dma_wait3A_751 = arith.constant 0 : i32
      %dma_wait3A_752 = tpu.memref_slice %arg14[%add3A_337, %dma_wait3A_751] : memref<20608x72xf32, #tpu.memory_space<vmem_shared>> -> memref<56x72xf32, #tpu.memory_space<vmem_shared>>
      tpu.wait_dma2 semaphore(%run_scoped3A : memref<!tpu.dma_semaphore, #tpu.memory_space<semaphore_mem>>) src(%arg19 : memref<56x72xf32, #tpu.memory_space<vmem>>) dst(%dma_wait3A_752 : memref<56x72xf32, #tpu.memory_space<vmem_shared>>)
      tpu.yield
    }) : () -> ()
    %mul3A_365 = arith.constant 1288 : i32
    %mul3A_366 = arith.muli %arg1, %mul3A_365 : i32
    %add3A_367 = arith.constant 616 : i32
    %add3A_368 = arith.addi %mul3A_366, %add3A_367 : i32
    %dma_start3A_369 = arith.constant 0 : i32
    %dma_start3A_370 = tpu.memref_slice %arg14[%add3A_368, %dma_start3A_369] : memref<20608x72xf32, #tpu.memory_space<vmem_shared>> -> memref<56x72xf32, #tpu.memory_space<vmem_shared>>
    %dma_start3A_371 = arith.constant 0 : i32
    %dma_start3A_372 = tpu.memref_slice %arg14[%add3A_368, %dma_start3A_371] : memref<20608x72xf32, #tpu.memory_space<vmem_shared>> -> memref<56x72xf32, #tpu.memory_space<vmem_shared>>
    tpu.enqueue_dma source(%dma_start3A_372 : memref<56x72xf32, #tpu.memory_space<vmem_shared>>) target(%arg19 : memref<56x72xf32, #tpu.memory_space<vmem>>) target_semaphore(%arg23 : memref<!tpu.dma_semaphore, #tpu.memory_space<semaphore_mem>>)
    %dma_start3A_373 = arith.constant 8 : i32
    %dma_start3A_374 = tpu.memref_slice %arg20[%dma_start3A_373] : memref<80xf32, #tpu.memory_space<vmem>> -> memref<56xf32, #tpu.memory_space<vmem>>
    %dma_start3A_375 = tpu.memref_slice %arg4[%add3A_368] : memref<20608xf32, #tpu.memory_space<hbm>> -> memref<56xf32, #tpu.memory_space<hbm>>
    %dma_start3A_376 = arith.constant 8 : i32
    %dma_start3A_377 = tpu.memref_slice %arg20[%dma_start3A_376] : memref<80xf32, #tpu.memory_space<vmem>> -> memref<56xf32, #tpu.memory_space<vmem>>
    %dma_start3A_378 = tpu.memref_slice %arg4[%add3A_368] : memref<20608xf32, #tpu.memory_space<hbm>> -> memref<56xf32, #tpu.memory_space<hbm>>
    tpu.enqueue_dma source(%dma_start3A_378 : memref<56xf32, #tpu.memory_space<hbm>>) target(%dma_start3A_377 : memref<56xf32, #tpu.memory_space<vmem>>) target_semaphore(%arg26 : memref<!tpu.dma_semaphore, #tpu.memory_space<semaphore_mem>>)
    %dma_wait3A_379 = arith.constant 0 : i32
    %dma_wait3A_380 = tpu.memref_slice %arg14[%add3A_368, %dma_wait3A_379] : memref<20608x72xf32, #tpu.memory_space<vmem_shared>> -> memref<56x72xf32, #tpu.memory_space<vmem_shared>>
    %dma_wait3A_381 = arith.constant 0 : i32
    %dma_wait3A_382 = tpu.memref_slice %arg14[%add3A_368, %dma_wait3A_381] : memref<20608x72xf32, #tpu.memory_space<vmem_shared>> -> memref<56x72xf32, #tpu.memory_space<vmem_shared>>
    tpu.wait_dma2 semaphore(%arg23 : memref<!tpu.dma_semaphore, #tpu.memory_space<semaphore_mem>>) src(%dma_wait3A_382 : memref<56x72xf32, #tpu.memory_space<vmem_shared>>) dst(%arg19 : memref<56x72xf32, #tpu.memory_space<vmem>>)
    %dma_wait3A_383 = arith.constant 8 : i32
    %dma_wait3A_384 = tpu.memref_slice %arg20[%dma_wait3A_383] : memref<80xf32, #tpu.memory_space<vmem>> -> memref<56xf32, #tpu.memory_space<vmem>>
    %dma_wait3A_385 = tpu.memref_slice %arg4[%add3A_368] : memref<20608xf32, #tpu.memory_space<hbm>> -> memref<56xf32, #tpu.memory_space<hbm>>
    %dma_wait3A_386 = arith.constant 8 : i32
    %dma_wait3A_387 = tpu.memref_slice %arg20[%dma_wait3A_386] : memref<80xf32, #tpu.memory_space<vmem>> -> memref<56xf32, #tpu.memory_space<vmem>>
    %dma_wait3A_388 = tpu.memref_slice %arg4[%add3A_368] : memref<20608xf32, #tpu.memory_space<hbm>> -> memref<56xf32, #tpu.memory_space<hbm>>
    tpu.wait_dma2 semaphore(%arg26 : memref<!tpu.dma_semaphore, #tpu.memory_space<semaphore_mem>>) src(%dma_wait3A_388 : memref<56xf32, #tpu.memory_space<hbm>>) dst(%dma_wait3A_387 : memref<56xf32, #tpu.memory_space<vmem>>)
    %scan3A_389 = arith.constant 0 : i32
    %scan3A_390 = arith.constant 0 : i32
    %scan3A_391 = arith.constant 56 : i32
    %scan3A_392 = arith.addi %scan3A_390, %scan3A_391 : i32
    %scan3A_393 = arith.constant 1 : i32
    %scan3A_394 = scf.for %scan3A_745 = %scan3A_390 to %scan3A_392 step %scan3A_393 iter_args(%scan3A_746 = %scan3A_389) -> (i32)  : i32 {
      %get3A = arith.index_cast %scan3A_745 : i32 to index
      %get3A_747 = arith.constant 56 : index
      %get3A_748 = tpu.vector_load %arg19[%get3A, %get3A_747] {strides = array<i32>} : memref<56x72xf32, #tpu.memory_space<vmem>>, vector<1x16xf32>,
      %get3A_749 = vector.shape_cast %get3A_748 : vector<1x16xf32> to vector<16xf32>
      %max3A = arith.constant 1.000000e+00 : f32
      %max3A_750 = vector.broadcast %max3A : f32 to vector<16xf32>
      %max3A_751 = arith.maximumf %get3A_749, %max3A_750 : vector<16xf32>
      %div3A = arith.constant 1.000000e+00 : f32
      %div3A_752 = vector.broadcast %div3A : f32 to vector<16xf32>
      %div3A_753 = arith.divf %div3A_752, %max3A_751 : vector<16xf32>
      %slice3A = vector.extract_strided_slice %div3A_753 {offsets = [8], sizes = [1], strides = [1]} : vector<16xf32> to vector<1xf32>
      %squeeze3A = vector.extract %slice3A[0] : f32 from vector<1xf32>
      %get3A_754 = arith.index_cast %scan3A_745 : i32 to index
      %get3A_755 = arith.constant 0 : index
      %get3A_756 = tpu.vector_load %arg19[%get3A_754, %get3A_755] {strides = array<i32>} : memref<56x72xf32, #tpu.memory_space<vmem>>, vector<1x16xf32>,
      %get3A_757 = vector.shape_cast %get3A_756 : vector<1x16xf32> to vector<16xf32>
      %mul3A_758 = vector.broadcast %squeeze3A : f32 to vector<16xf32>
      %mul3A_759 = arith.mulf %get3A_757, %mul3A_758 : vector<16xf32>
      %swap3A = arith.index_cast %scan3A_745 : i32 to index
      %swap3A_760 = arith.constant 0 : index
      %swap3A_761 = tpu.vector_load %arg19[%swap3A, %swap3A_760] {strides = array<i32>} : memref<56x72xf32, #tpu.memory_space<vmem>>, vector<1x16xf32>,
      %swap3A_762 = vector.shape_cast %swap3A_761 : vector<1x16xf32> to vector<16xf32>
      %swap3A_763 = vector.shape_cast %mul3A_759 : vector<16xf32> to vector<1x16xf32>
      tpu.vector_store %arg19[%swap3A, %swap3A_760], %swap3A_763 {strides = array<i32>} : memref<56x72xf32, #tpu.memory_space<vmem>>, vector<1x16xf32>,
      %get3A_764 = arith.index_cast %scan3A_745 : i32 to index
      %get3A_765 = arith.constant 16 : index
      %get3A_766 = tpu.vector_load %arg19[%get3A_764, %get3A_765] {strides = array<i32>} : memref<56x72xf32, #tpu.memory_space<vmem>>, vector<1x16xf32>,
      %get3A_767 = vector.shape_cast %get3A_766 : vector<1x16xf32> to vector<16xf32>
      %mul3A_768 = vector.broadcast %squeeze3A : f32 to vector<16xf32>
      %mul3A_769 = arith.mulf %get3A_767, %mul3A_768 : vector<16xf32>
      %swap3A_770 = arith.index_cast %scan3A_745 : i32 to index
      %swap3A_771 = arith.constant 16 : index
      %swap3A_772 = tpu.vector_load %arg19[%swap3A_770, %swap3A_771] {strides = array<i32>} : memref<56x72xf32, #tpu.memory_space<vmem>>, vector<1x16xf32>,
      %swap3A_773 = vector.shape_cast %swap3A_772 : vector<1x16xf32> to vector<16xf32>
      %swap3A_774 = vector.shape_cast %mul3A_769 : vector<16xf32> to vector<1x16xf32>
      tpu.vector_store %arg19[%swap3A_770, %swap3A_771], %swap3A_774 {strides = array<i32>} : memref<56x72xf32, #tpu.memory_space<vmem>>, vector<1x16xf32>,
      %get3A_775 = arith.index_cast %scan3A_745 : i32 to index
      %get3A_776 = arith.constant 32 : index
      %get3A_777 = tpu.vector_load %arg19[%get3A_775, %get3A_776] {strides = array<i32>} : memref<56x72xf32, #tpu.memory_space<vmem>>, vector<1x16xf32>,
      %get3A_778 = vector.shape_cast %get3A_777 : vector<1x16xf32> to vector<16xf32>
      %mul3A_779 = vector.broadcast %squeeze3A : f32 to vector<16xf32>
      %mul3A_780 = arith.mulf %get3A_778, %mul3A_779 : vector<16xf32>
      %swap3A_781 = arith.index_cast %scan3A_745 : i32 to index
      %swap3A_782 = arith.constant 32 : index
      %swap3A_783 = tpu.vector_load %arg19[%swap3A_781, %swap3A_782] {strides = array<i32>} : memref<56x72xf32, #tpu.memory_space<vmem>>, vector<1x16xf32>,
      %swap3A_784 = vector.shape_cast %swap3A_783 : vector<1x16xf32> to vector<16xf32>
      %swap3A_785 = vector.shape_cast %mul3A_780 : vector<16xf32> to vector<1x16xf32>
      tpu.vector_store %arg19[%swap3A_781, %swap3A_782], %swap3A_785 {strides = array<i32>} : memref<56x72xf32, #tpu.memory_space<vmem>>, vector<1x16xf32>,
      %get3A_786 = arith.index_cast %scan3A_745 : i32 to index
      %get3A_787 = arith.constant 48 : index
      %get3A_788 = tpu.vector_load %arg19[%get3A_786, %get3A_787] {strides = array<i32>} : memref<56x72xf32, #tpu.memory_space<vmem>>, vector<1x16xf32>,
      %get3A_789 = vector.shape_cast %get3A_788 : vector<1x16xf32> to vector<16xf32>
      %mul3A_790 = vector.broadcast %squeeze3A : f32 to vector<16xf32>
      %mul3A_791 = arith.mulf %get3A_789, %mul3A_790 : vector<16xf32>
      %swap3A_792 = arith.index_cast %scan3A_745 : i32 to index
      %swap3A_793 = arith.constant 48 : index
      %swap3A_794 = tpu.vector_load %arg19[%swap3A_792, %swap3A_793] {strides = array<i32>} : memref<56x72xf32, #tpu.memory_space<vmem>>, vector<1x16xf32>,
      %swap3A_795 = vector.shape_cast %swap3A_794 : vector<1x16xf32> to vector<16xf32>
      %swap3A_796 = vector.shape_cast %mul3A_791 : vector<16xf32> to vector<1x16xf32>
      tpu.vector_store %arg19[%swap3A_792, %swap3A_793], %swap3A_796 {strides = array<i32>} : memref<56x72xf32, #tpu.memory_space<vmem>>, vector<1x16xf32>,
      %get3A_797 = arith.index_cast %scan3A_745 : i32 to index
      %get3A_798 = arith.constant 56 : index
      %get3A_799 = tpu.vector_load %arg19[%get3A_797, %get3A_798] {strides = array<i32>} : memref<56x72xf32, #tpu.memory_space<vmem>>, vector<1x16xf32>,
      %get3A_800 = vector.shape_cast %get3A_799 : vector<1x16xf32> to vector<16xf32>
      %get3A_801 = arith.index_cast %scan3A_745 : i32 to index
      %get3A_802 = tpu.vector_load %arg20[%get3A_801] {strides = array<i32>} : memref<80xf32, #tpu.memory_space<vmem>>, vector<16xf32>,
      %get3A_803 = vector.shape_cast %get3A_802 : vector<16xf32> to vector<16xf32>
      %lt3A = arith.constant 8 : i32
      %lt3A_804 = vector.broadcast %lt3A : i32 to vector<16xi32>
      %lt3A_805 = arith.cmpi slt, %iota3A, %lt3A_804 : vector<16xi32>
      %select_n3A = arith.select %lt3A_805, %get3A_800, %get3A_803 : vector<16xi1>, vector<16xf32>
      %swap3A_806 = arith.index_cast %scan3A_745 : i32 to index
      %swap3A_807 = arith.constant 56 : index
      %swap3A_808 = tpu.vector_load %arg19[%swap3A_806, %swap3A_807] {strides = array<i32>} : memref<56x72xf32, #tpu.memory_space<vmem>>, vector<1x16xf32>,
      %swap3A_809 = vector.shape_cast %swap3A_808 : vector<1x16xf32> to vector<16xf32>
      %swap3A_810 = vector.shape_cast %select_n3A : vector<16xf32> to vector<1x16xf32>
      tpu.vector_store %arg19[%swap3A_806, %swap3A_807], %swap3A_810 {strides = array<i32>} : memref<56x72xf32, #tpu.memory_space<vmem>>, vector<1x16xf32>,
      %scan3A_811 = arith.constant 0 : i32
      scf.yield %scan3A_811 : i32
    }
    %scan3A_395 = arith.constant 56 : i32
    "tpu.region"() ({
      %run_scoped3A = tpu.sem_alloc : memref<!tpu.dma_semaphore, #tpu.memory_space<semaphore_mem>>
      %dma_start3A_745 = arith.constant 0 : i32
      %dma_start3A_746 = tpu.memref_slice %arg14[%add3A_368, %dma_start3A_745] : memref<20608x72xf32, #tpu.memory_space<vmem_shared>> -> memref<56x72xf32, #tpu.memory_space<vmem_shared>>
      %dma_start3A_747 = arith.constant 0 : i32
      %dma_start3A_748 = tpu.memref_slice %arg14[%add3A_368, %dma_start3A_747] : memref<20608x72xf32, #tpu.memory_space<vmem_shared>> -> memref<56x72xf32, #tpu.memory_space<vmem_shared>>
      tpu.enqueue_dma source(%arg19 : memref<56x72xf32, #tpu.memory_space<vmem>>) target(%dma_start3A_748 : memref<56x72xf32, #tpu.memory_space<vmem_shared>>) target_semaphore(%run_scoped3A : memref<!tpu.dma_semaphore, #tpu.memory_space<semaphore_mem>>)
      %dma_wait3A_749 = arith.constant 0 : i32
      %dma_wait3A_750 = tpu.memref_slice %arg14[%add3A_368, %dma_wait3A_749] : memref<20608x72xf32, #tpu.memory_space<vmem_shared>> -> memref<56x72xf32, #tpu.memory_space<vmem_shared>>
      %dma_wait3A_751 = arith.constant 0 : i32
      %dma_wait3A_752 = tpu.memref_slice %arg14[%add3A_368, %dma_wait3A_751] : memref<20608x72xf32, #tpu.memory_space<vmem_shared>> -> memref<56x72xf32, #tpu.memory_space<vmem_shared>>
      tpu.wait_dma2 semaphore(%run_scoped3A : memref<!tpu.dma_semaphore, #tpu.memory_space<semaphore_mem>>) src(%arg19 : memref<56x72xf32, #tpu.memory_space<vmem>>) dst(%dma_wait3A_752 : memref<56x72xf32, #tpu.memory_space<vmem_shared>>)
      tpu.yield
    }) : () -> ()
    %mul3A_396 = arith.constant 1288 : i32
    %mul3A_397 = arith.muli %arg1, %mul3A_396 : i32
    %add3A_398 = arith.constant 672 : i32
    %add3A_399 = arith.addi %mul3A_397, %add3A_398 : i32
    %dma_start3A_400 = arith.constant 0 : i32
    %dma_start3A_401 = tpu.memref_slice %arg14[%add3A_399, %dma_start3A_400] : memref<20608x72xf32, #tpu.memory_space<vmem_shared>> -> memref<56x72xf32, #tpu.memory_space<vmem_shared>>
    %dma_start3A_402 = arith.constant 0 : i32
    %dma_start3A_403 = tpu.memref_slice %arg14[%add3A_399, %dma_start3A_402] : memref<20608x72xf32, #tpu.memory_space<vmem_shared>> -> memref<56x72xf32, #tpu.memory_space<vmem_shared>>
    tpu.enqueue_dma source(%dma_start3A_403 : memref<56x72xf32, #tpu.memory_space<vmem_shared>>) target(%arg19 : memref<56x72xf32, #tpu.memory_space<vmem>>) target_semaphore(%arg23 : memref<!tpu.dma_semaphore, #tpu.memory_space<semaphore_mem>>)
    %dma_start3A_404 = arith.constant 8 : i32
    %dma_start3A_405 = tpu.memref_slice %arg20[%dma_start3A_404] : memref<80xf32, #tpu.memory_space<vmem>> -> memref<56xf32, #tpu.memory_space<vmem>>
    %dma_start3A_406 = tpu.memref_slice %arg4[%add3A_399] : memref<20608xf32, #tpu.memory_space<hbm>> -> memref<56xf32, #tpu.memory_space<hbm>>
    %dma_start3A_407 = arith.constant 8 : i32
    %dma_start3A_408 = tpu.memref_slice %arg20[%dma_start3A_407] : memref<80xf32, #tpu.memory_space<vmem>> -> memref<56xf32, #tpu.memory_space<vmem>>
    %dma_start3A_409 = tpu.memref_slice %arg4[%add3A_399] : memref<20608xf32, #tpu.memory_space<hbm>> -> memref<56xf32, #tpu.memory_space<hbm>>
    tpu.enqueue_dma source(%dma_start3A_409 : memref<56xf32, #tpu.memory_space<hbm>>) target(%dma_start3A_408 : memref<56xf32, #tpu.memory_space<vmem>>) target_semaphore(%arg26 : memref<!tpu.dma_semaphore, #tpu.memory_space<semaphore_mem>>)
    %dma_wait3A_410 = arith.constant 0 : i32
    %dma_wait3A_411 = tpu.memref_slice %arg14[%add3A_399, %dma_wait3A_410] : memref<20608x72xf32, #tpu.memory_space<vmem_shared>> -> memref<56x72xf32, #tpu.memory_space<vmem_shared>>
    %dma_wait3A_412 = arith.constant 0 : i32
    %dma_wait3A_413 = tpu.memref_slice %arg14[%add3A_399, %dma_wait3A_412] : memref<20608x72xf32, #tpu.memory_space<vmem_shared>> -> memref<56x72xf32, #tpu.memory_space<vmem_shared>>
    tpu.wait_dma2 semaphore(%arg23 : memref<!tpu.dma_semaphore, #tpu.memory_space<semaphore_mem>>) src(%dma_wait3A_413 : memref<56x72xf32, #tpu.memory_space<vmem_shared>>) dst(%arg19 : memref<56x72xf32, #tpu.memory_space<vmem>>)
    %dma_wait3A_414 = arith.constant 8 : i32
    %dma_wait3A_415 = tpu.memref_slice %arg20[%dma_wait3A_414] : memref<80xf32, #tpu.memory_space<vmem>> -> memref<56xf32, #tpu.memory_space<vmem>>
    %dma_wait3A_416 = tpu.memref_slice %arg4[%add3A_399] : memref<20608xf32, #tpu.memory_space<hbm>> -> memref<56xf32, #tpu.memory_space<hbm>>
    %dma_wait3A_417 = arith.constant 8 : i32
    %dma_wait3A_418 = tpu.memref_slice %arg20[%dma_wait3A_417] : memref<80xf32, #tpu.memory_space<vmem>> -> memref<56xf32, #tpu.memory_space<vmem>>
    %dma_wait3A_419 = tpu.memref_slice %arg4[%add3A_399] : memref<20608xf32, #tpu.memory_space<hbm>> -> memref<56xf32, #tpu.memory_space<hbm>>
    tpu.wait_dma2 semaphore(%arg26 : memref<!tpu.dma_semaphore, #tpu.memory_space<semaphore_mem>>) src(%dma_wait3A_419 : memref<56xf32, #tpu.memory_space<hbm>>) dst(%dma_wait3A_418 : memref<56xf32, #tpu.memory_space<vmem>>)
    %scan3A_420 = arith.constant 0 : i32
    %scan3A_421 = arith.constant 0 : i32
    %scan3A_422 = arith.constant 56 : i32
    %scan3A_423 = arith.addi %scan3A_421, %scan3A_422 : i32
    %scan3A_424 = arith.constant 1 : i32
    %scan3A_425 = scf.for %scan3A_745 = %scan3A_421 to %scan3A_423 step %scan3A_424 iter_args(%scan3A_746 = %scan3A_420) -> (i32)  : i32 {
      %get3A = arith.index_cast %scan3A_745 : i32 to index
      %get3A_747 = arith.constant 56 : index
      %get3A_748 = tpu.vector_load %arg19[%get3A, %get3A_747] {strides = array<i32>} : memref<56x72xf32, #tpu.memory_space<vmem>>, vector<1x16xf32>,
      %get3A_749 = vector.shape_cast %get3A_748 : vector<1x16xf32> to vector<16xf32>
      %max3A = arith.constant 1.000000e+00 : f32
      %max3A_750 = vector.broadcast %max3A : f32 to vector<16xf32>
      %max3A_751 = arith.maximumf %get3A_749, %max3A_750 : vector<16xf32>
      %div3A = arith.constant 1.000000e+00 : f32
      %div3A_752 = vector.broadcast %div3A : f32 to vector<16xf32>
      %div3A_753 = arith.divf %div3A_752, %max3A_751 : vector<16xf32>
      %slice3A = vector.extract_strided_slice %div3A_753 {offsets = [8], sizes = [1], strides = [1]} : vector<16xf32> to vector<1xf32>
      %squeeze3A = vector.extract %slice3A[0] : f32 from vector<1xf32>
      %get3A_754 = arith.index_cast %scan3A_745 : i32 to index
      %get3A_755 = arith.constant 0 : index
      %get3A_756 = tpu.vector_load %arg19[%get3A_754, %get3A_755] {strides = array<i32>} : memref<56x72xf32, #tpu.memory_space<vmem>>, vector<1x16xf32>,
      %get3A_757 = vector.shape_cast %get3A_756 : vector<1x16xf32> to vector<16xf32>
      %mul3A_758 = vector.broadcast %squeeze3A : f32 to vector<16xf32>
      %mul3A_759 = arith.mulf %get3A_757, %mul3A_758 : vector<16xf32>
      %swap3A = arith.index_cast %scan3A_745 : i32 to index
      %swap3A_760 = arith.constant 0 : index
      %swap3A_761 = tpu.vector_load %arg19[%swap3A, %swap3A_760] {strides = array<i32>} : memref<56x72xf32, #tpu.memory_space<vmem>>, vector<1x16xf32>,
      %swap3A_762 = vector.shape_cast %swap3A_761 : vector<1x16xf32> to vector<16xf32>
      %swap3A_763 = vector.shape_cast %mul3A_759 : vector<16xf32> to vector<1x16xf32>
      tpu.vector_store %arg19[%swap3A, %swap3A_760], %swap3A_763 {strides = array<i32>} : memref<56x72xf32, #tpu.memory_space<vmem>>, vector<1x16xf32>,
      %get3A_764 = arith.index_cast %scan3A_745 : i32 to index
      %get3A_765 = arith.constant 16 : index
      %get3A_766 = tpu.vector_load %arg19[%get3A_764, %get3A_765] {strides = array<i32>} : memref<56x72xf32, #tpu.memory_space<vmem>>, vector<1x16xf32>,
      %get3A_767 = vector.shape_cast %get3A_766 : vector<1x16xf32> to vector<16xf32>
      %mul3A_768 = vector.broadcast %squeeze3A : f32 to vector<16xf32>
      %mul3A_769 = arith.mulf %get3A_767, %mul3A_768 : vector<16xf32>
      %swap3A_770 = arith.index_cast %scan3A_745 : i32 to index
      %swap3A_771 = arith.constant 16 : index
      %swap3A_772 = tpu.vector_load %arg19[%swap3A_770, %swap3A_771] {strides = array<i32>} : memref<56x72xf32, #tpu.memory_space<vmem>>, vector<1x16xf32>,
      %swap3A_773 = vector.shape_cast %swap3A_772 : vector<1x16xf32> to vector<16xf32>
      %swap3A_774 = vector.shape_cast %mul3A_769 : vector<16xf32> to vector<1x16xf32>
      tpu.vector_store %arg19[%swap3A_770, %swap3A_771], %swap3A_774 {strides = array<i32>} : memref<56x72xf32, #tpu.memory_space<vmem>>, vector<1x16xf32>,
      %get3A_775 = arith.index_cast %scan3A_745 : i32 to index
      %get3A_776 = arith.constant 32 : index
      %get3A_777 = tpu.vector_load %arg19[%get3A_775, %get3A_776] {strides = array<i32>} : memref<56x72xf32, #tpu.memory_space<vmem>>, vector<1x16xf32>,
      %get3A_778 = vector.shape_cast %get3A_777 : vector<1x16xf32> to vector<16xf32>
      %mul3A_779 = vector.broadcast %squeeze3A : f32 to vector<16xf32>
      %mul3A_780 = arith.mulf %get3A_778, %mul3A_779 : vector<16xf32>
      %swap3A_781 = arith.index_cast %scan3A_745 : i32 to index
      %swap3A_782 = arith.constant 32 : index
      %swap3A_783 = tpu.vector_load %arg19[%swap3A_781, %swap3A_782] {strides = array<i32>} : memref<56x72xf32, #tpu.memory_space<vmem>>, vector<1x16xf32>,
      %swap3A_784 = vector.shape_cast %swap3A_783 : vector<1x16xf32> to vector<16xf32>
      %swap3A_785 = vector.shape_cast %mul3A_780 : vector<16xf32> to vector<1x16xf32>
      tpu.vector_store %arg19[%swap3A_781, %swap3A_782], %swap3A_785 {strides = array<i32>} : memref<56x72xf32, #tpu.memory_space<vmem>>, vector<1x16xf32>,
      %get3A_786 = arith.index_cast %scan3A_745 : i32 to index
      %get3A_787 = arith.constant 48 : index
      %get3A_788 = tpu.vector_load %arg19[%get3A_786, %get3A_787] {strides = array<i32>} : memref<56x72xf32, #tpu.memory_space<vmem>>, vector<1x16xf32>,
      %get3A_789 = vector.shape_cast %get3A_788 : vector<1x16xf32> to vector<16xf32>
      %mul3A_790 = vector.broadcast %squeeze3A : f32 to vector<16xf32>
      %mul3A_791 = arith.mulf %get3A_789, %mul3A_790 : vector<16xf32>
      %swap3A_792 = arith.index_cast %scan3A_745 : i32 to index
      %swap3A_793 = arith.constant 48 : index
      %swap3A_794 = tpu.vector_load %arg19[%swap3A_792, %swap3A_793] {strides = array<i32>} : memref<56x72xf32, #tpu.memory_space<vmem>>, vector<1x16xf32>,
      %swap3A_795 = vector.shape_cast %swap3A_794 : vector<1x16xf32> to vector<16xf32>
      %swap3A_796 = vector.shape_cast %mul3A_791 : vector<16xf32> to vector<1x16xf32>
      tpu.vector_store %arg19[%swap3A_792, %swap3A_793], %swap3A_796 {strides = array<i32>} : memref<56x72xf32, #tpu.memory_space<vmem>>, vector<1x16xf32>,
      %get3A_797 = arith.index_cast %scan3A_745 : i32 to index
      %get3A_798 = arith.constant 56 : index
      %get3A_799 = tpu.vector_load %arg19[%get3A_797, %get3A_798] {strides = array<i32>} : memref<56x72xf32, #tpu.memory_space<vmem>>, vector<1x16xf32>,
      %get3A_800 = vector.shape_cast %get3A_799 : vector<1x16xf32> to vector<16xf32>
      %get3A_801 = arith.index_cast %scan3A_745 : i32 to index
      %get3A_802 = tpu.vector_load %arg20[%get3A_801] {strides = array<i32>} : memref<80xf32, #tpu.memory_space<vmem>>, vector<16xf32>,
      %get3A_803 = vector.shape_cast %get3A_802 : vector<16xf32> to vector<16xf32>
      %lt3A = arith.constant 8 : i32
      %lt3A_804 = vector.broadcast %lt3A : i32 to vector<16xi32>
      %lt3A_805 = arith.cmpi slt, %iota3A, %lt3A_804 : vector<16xi32>
      %select_n3A = arith.select %lt3A_805, %get3A_800, %get3A_803 : vector<16xi1>, vector<16xf32>
      %swap3A_806 = arith.index_cast %scan3A_745 : i32 to index
      %swap3A_807 = arith.constant 56 : index
      %swap3A_808 = tpu.vector_load %arg19[%swap3A_806, %swap3A_807] {strides = array<i32>} : memref<56x72xf32, #tpu.memory_space<vmem>>, vector<1x16xf32>,
      %swap3A_809 = vector.shape_cast %swap3A_808 : vector<1x16xf32> to vector<16xf32>
      %swap3A_810 = vector.shape_cast %select_n3A : vector<16xf32> to vector<1x16xf32>
      tpu.vector_store %arg19[%swap3A_806, %swap3A_807], %swap3A_810 {strides = array<i32>} : memref<56x72xf32, #tpu.memory_space<vmem>>, vector<1x16xf32>,
      %scan3A_811 = arith.constant 0 : i32
      scf.yield %scan3A_811 : i32
    }
    %scan3A_426 = arith.constant 56 : i32
    "tpu.region"() ({
      %run_scoped3A = tpu.sem_alloc : memref<!tpu.dma_semaphore, #tpu.memory_space<semaphore_mem>>
      %dma_start3A_745 = arith.constant 0 : i32
      %dma_start3A_746 = tpu.memref_slice %arg14[%add3A_399, %dma_start3A_745] : memref<20608x72xf32, #tpu.memory_space<vmem_shared>> -> memref<56x72xf32, #tpu.memory_space<vmem_shared>>
      %dma_start3A_747 = arith.constant 0 : i32
      %dma_start3A_748 = tpu.memref_slice %arg14[%add3A_399, %dma_start3A_747] : memref<20608x72xf32, #tpu.memory_space<vmem_shared>> -> memref<56x72xf32, #tpu.memory_space<vmem_shared>>
      tpu.enqueue_dma source(%arg19 : memref<56x72xf32, #tpu.memory_space<vmem>>) target(%dma_start3A_748 : memref<56x72xf32, #tpu.memory_space<vmem_shared>>) target_semaphore(%run_scoped3A : memref<!tpu.dma_semaphore, #tpu.memory_space<semaphore_mem>>)
      %dma_wait3A_749 = arith.constant 0 : i32
      %dma_wait3A_750 = tpu.memref_slice %arg14[%add3A_399, %dma_wait3A_749] : memref<20608x72xf32, #tpu.memory_space<vmem_shared>> -> memref<56x72xf32, #tpu.memory_space<vmem_shared>>
      %dma_wait3A_751 = arith.constant 0 : i32
      %dma_wait3A_752 = tpu.memref_slice %arg14[%add3A_399, %dma_wait3A_751] : memref<20608x72xf32, #tpu.memory_space<vmem_shared>> -> memref<56x72xf32, #tpu.memory_space<vmem_shared>>
      tpu.wait_dma2 semaphore(%run_scoped3A : memref<!tpu.dma_semaphore, #tpu.memory_space<semaphore_mem>>) src(%arg19 : memref<56x72xf32, #tpu.memory_space<vmem>>) dst(%dma_wait3A_752 : memref<56x72xf32, #tpu.memory_space<vmem_shared>>)
      tpu.yield
    }) : () -> ()
    %mul3A_427 = arith.constant 1288 : i32
    %mul3A_428 = arith.muli %arg1, %mul3A_427 : i32
    %add3A_429 = arith.constant 728 : i32
    %add3A_430 = arith.addi %mul3A_428, %add3A_429 : i32
    %dma_start3A_431 = arith.constant 0 : i32
    %dma_start3A_432 = tpu.memref_slice %arg14[%add3A_430, %dma_start3A_431] : memref<20608x72xf32, #tpu.memory_space<vmem_shared>> -> memref<56x72xf32, #tpu.memory_space<vmem_shared>>
    %dma_start3A_433 = arith.constant 0 : i32
    %dma_start3A_434 = tpu.memref_slice %arg14[%add3A_430, %dma_start3A_433] : memref<20608x72xf32, #tpu.memory_space<vmem_shared>> -> memref<56x72xf32, #tpu.memory_space<vmem_shared>>
    tpu.enqueue_dma source(%dma_start3A_434 : memref<56x72xf32, #tpu.memory_space<vmem_shared>>) target(%arg19 : memref<56x72xf32, #tpu.memory_space<vmem>>) target_semaphore(%arg23 : memref<!tpu.dma_semaphore, #tpu.memory_space<semaphore_mem>>)
    %dma_start3A_435 = arith.constant 8 : i32
    %dma_start3A_436 = tpu.memref_slice %arg20[%dma_start3A_435] : memref<80xf32, #tpu.memory_space<vmem>> -> memref<56xf32, #tpu.memory_space<vmem>>
    %dma_start3A_437 = tpu.memref_slice %arg4[%add3A_430] : memref<20608xf32, #tpu.memory_space<hbm>> -> memref<56xf32, #tpu.memory_space<hbm>>
    %dma_start3A_438 = arith.constant 8 : i32
    %dma_start3A_439 = tpu.memref_slice %arg20[%dma_start3A_438] : memref<80xf32, #tpu.memory_space<vmem>> -> memref<56xf32, #tpu.memory_space<vmem>>
    %dma_start3A_440 = tpu.memref_slice %arg4[%add3A_430] : memref<20608xf32, #tpu.memory_space<hbm>> -> memref<56xf32, #tpu.memory_space<hbm>>
    tpu.enqueue_dma source(%dma_start3A_440 : memref<56xf32, #tpu.memory_space<hbm>>) target(%dma_start3A_439 : memref<56xf32, #tpu.memory_space<vmem>>) target_semaphore(%arg26 : memref<!tpu.dma_semaphore, #tpu.memory_space<semaphore_mem>>)
    %dma_wait3A_441 = arith.constant 0 : i32
    %dma_wait3A_442 = tpu.memref_slice %arg14[%add3A_430, %dma_wait3A_441] : memref<20608x72xf32, #tpu.memory_space<vmem_shared>> -> memref<56x72xf32, #tpu.memory_space<vmem_shared>>
    %dma_wait3A_443 = arith.constant 0 : i32
    %dma_wait3A_444 = tpu.memref_slice %arg14[%add3A_430, %dma_wait3A_443] : memref<20608x72xf32, #tpu.memory_space<vmem_shared>> -> memref<56x72xf32, #tpu.memory_space<vmem_shared>>
    tpu.wait_dma2 semaphore(%arg23 : memref<!tpu.dma_semaphore, #tpu.memory_space<semaphore_mem>>) src(%dma_wait3A_444 : memref<56x72xf32, #tpu.memory_space<vmem_shared>>) dst(%arg19 : memref<56x72xf32, #tpu.memory_space<vmem>>)
    %dma_wait3A_445 = arith.constant 8 : i32
    %dma_wait3A_446 = tpu.memref_slice %arg20[%dma_wait3A_445] : memref<80xf32, #tpu.memory_space<vmem>> -> memref<56xf32, #tpu.memory_space<vmem>>
    %dma_wait3A_447 = tpu.memref_slice %arg4[%add3A_430] : memref<20608xf32, #tpu.memory_space<hbm>> -> memref<56xf32, #tpu.memory_space<hbm>>
    %dma_wait3A_448 = arith.constant 8 : i32
    %dma_wait3A_449 = tpu.memref_slice %arg20[%dma_wait3A_448] : memref<80xf32, #tpu.memory_space<vmem>> -> memref<56xf32, #tpu.memory_space<vmem>>
    %dma_wait3A_450 = tpu.memref_slice %arg4[%add3A_430] : memref<20608xf32, #tpu.memory_space<hbm>> -> memref<56xf32, #tpu.memory_space<hbm>>
    tpu.wait_dma2 semaphore(%arg26 : memref<!tpu.dma_semaphore, #tpu.memory_space<semaphore_mem>>) src(%dma_wait3A_450 : memref<56xf32, #tpu.memory_space<hbm>>) dst(%dma_wait3A_449 : memref<56xf32, #tpu.memory_space<vmem>>)
    %scan3A_451 = arith.constant 0 : i32
    %scan3A_452 = arith.constant 0 : i32
    %scan3A_453 = arith.constant 56 : i32
    %scan3A_454 = arith.addi %scan3A_452, %scan3A_453 : i32
    %scan3A_455 = arith.constant 1 : i32
    %scan3A_456 = scf.for %scan3A_745 = %scan3A_452 to %scan3A_454 step %scan3A_455 iter_args(%scan3A_746 = %scan3A_451) -> (i32)  : i32 {
      %get3A = arith.index_cast %scan3A_745 : i32 to index
      %get3A_747 = arith.constant 56 : index
      %get3A_748 = tpu.vector_load %arg19[%get3A, %get3A_747] {strides = array<i32>} : memref<56x72xf32, #tpu.memory_space<vmem>>, vector<1x16xf32>,
      %get3A_749 = vector.shape_cast %get3A_748 : vector<1x16xf32> to vector<16xf32>
      %max3A = arith.constant 1.000000e+00 : f32
      %max3A_750 = vector.broadcast %max3A : f32 to vector<16xf32>
      %max3A_751 = arith.maximumf %get3A_749, %max3A_750 : vector<16xf32>
      %div3A = arith.constant 1.000000e+00 : f32
      %div3A_752 = vector.broadcast %div3A : f32 to vector<16xf32>
      %div3A_753 = arith.divf %div3A_752, %max3A_751 : vector<16xf32>
      %slice3A = vector.extract_strided_slice %div3A_753 {offsets = [8], sizes = [1], strides = [1]} : vector<16xf32> to vector<1xf32>
      %squeeze3A = vector.extract %slice3A[0] : f32 from vector<1xf32>
      %get3A_754 = arith.index_cast %scan3A_745 : i32 to index
      %get3A_755 = arith.constant 0 : index
      %get3A_756 = tpu.vector_load %arg19[%get3A_754, %get3A_755] {strides = array<i32>} : memref<56x72xf32, #tpu.memory_space<vmem>>, vector<1x16xf32>,
      %get3A_757 = vector.shape_cast %get3A_756 : vector<1x16xf32> to vector<16xf32>
      %mul3A_758 = vector.broadcast %squeeze3A : f32 to vector<16xf32>
      %mul3A_759 = arith.mulf %get3A_757, %mul3A_758 : vector<16xf32>
      %swap3A = arith.index_cast %scan3A_745 : i32 to index
      %swap3A_760 = arith.constant 0 : index
      %swap3A_761 = tpu.vector_load %arg19[%swap3A, %swap3A_760] {strides = array<i32>} : memref<56x72xf32, #tpu.memory_space<vmem>>, vector<1x16xf32>,
      %swap3A_762 = vector.shape_cast %swap3A_761 : vector<1x16xf32> to vector<16xf32>
      %swap3A_763 = vector.shape_cast %mul3A_759 : vector<16xf32> to vector<1x16xf32>
      tpu.vector_store %arg19[%swap3A, %swap3A_760], %swap3A_763 {strides = array<i32>} : memref<56x72xf32, #tpu.memory_space<vmem>>, vector<1x16xf32>,
      %get3A_764 = arith.index_cast %scan3A_745 : i32 to index
      %get3A_765 = arith.constant 16 : index
      %get3A_766 = tpu.vector_load %arg19[%get3A_764, %get3A_765] {strides = array<i32>} : memref<56x72xf32, #tpu.memory_space<vmem>>, vector<1x16xf32>,
      %get3A_767 = vector.shape_cast %get3A_766 : vector<1x16xf32> to vector<16xf32>
      %mul3A_768 = vector.broadcast %squeeze3A : f32 to vector<16xf32>
      %mul3A_769 = arith.mulf %get3A_767, %mul3A_768 : vector<16xf32>
      %swap3A_770 = arith.index_cast %scan3A_745 : i32 to index
      %swap3A_771 = arith.constant 16 : index
      %swap3A_772 = tpu.vector_load %arg19[%swap3A_770, %swap3A_771] {strides = array<i32>} : memref<56x72xf32, #tpu.memory_space<vmem>>, vector<1x16xf32>,
      %swap3A_773 = vector.shape_cast %swap3A_772 : vector<1x16xf32> to vector<16xf32>
      %swap3A_774 = vector.shape_cast %mul3A_769 : vector<16xf32> to vector<1x16xf32>
      tpu.vector_store %arg19[%swap3A_770, %swap3A_771], %swap3A_774 {strides = array<i32>} : memref<56x72xf32, #tpu.memory_space<vmem>>, vector<1x16xf32>,
      %get3A_775 = arith.index_cast %scan3A_745 : i32 to index
      %get3A_776 = arith.constant 32 : index
      %get3A_777 = tpu.vector_load %arg19[%get3A_775, %get3A_776] {strides = array<i32>} : memref<56x72xf32, #tpu.memory_space<vmem>>, vector<1x16xf32>,
      %get3A_778 = vector.shape_cast %get3A_777 : vector<1x16xf32> to vector<16xf32>
      %mul3A_779 = vector.broadcast %squeeze3A : f32 to vector<16xf32>
      %mul3A_780 = arith.mulf %get3A_778, %mul3A_779 : vector<16xf32>
      %swap3A_781 = arith.index_cast %scan3A_745 : i32 to index
      %swap3A_782 = arith.constant 32 : index
      %swap3A_783 = tpu.vector_load %arg19[%swap3A_781, %swap3A_782] {strides = array<i32>} : memref<56x72xf32, #tpu.memory_space<vmem>>, vector<1x16xf32>,
      %swap3A_784 = vector.shape_cast %swap3A_783 : vector<1x16xf32> to vector<16xf32>
      %swap3A_785 = vector.shape_cast %mul3A_780 : vector<16xf32> to vector<1x16xf32>
      tpu.vector_store %arg19[%swap3A_781, %swap3A_782], %swap3A_785 {strides = array<i32>} : memref<56x72xf32, #tpu.memory_space<vmem>>, vector<1x16xf32>,
      %get3A_786 = arith.index_cast %scan3A_745 : i32 to index
      %get3A_787 = arith.constant 48 : index
      %get3A_788 = tpu.vector_load %arg19[%get3A_786, %get3A_787] {strides = array<i32>} : memref<56x72xf32, #tpu.memory_space<vmem>>, vector<1x16xf32>,
      %get3A_789 = vector.shape_cast %get3A_788 : vector<1x16xf32> to vector<16xf32>
      %mul3A_790 = vector.broadcast %squeeze3A : f32 to vector<16xf32>
      %mul3A_791 = arith.mulf %get3A_789, %mul3A_790 : vector<16xf32>
      %swap3A_792 = arith.index_cast %scan3A_745 : i32 to index
      %swap3A_793 = arith.constant 48 : index
      %swap3A_794 = tpu.vector_load %arg19[%swap3A_792, %swap3A_793] {strides = array<i32>} : memref<56x72xf32, #tpu.memory_space<vmem>>, vector<1x16xf32>,
      %swap3A_795 = vector.shape_cast %swap3A_794 : vector<1x16xf32> to vector<16xf32>
      %swap3A_796 = vector.shape_cast %mul3A_791 : vector<16xf32> to vector<1x16xf32>
      tpu.vector_store %arg19[%swap3A_792, %swap3A_793], %swap3A_796 {strides = array<i32>} : memref<56x72xf32, #tpu.memory_space<vmem>>, vector<1x16xf32>,
      %get3A_797 = arith.index_cast %scan3A_745 : i32 to index
      %get3A_798 = arith.constant 56 : index
      %get3A_799 = tpu.vector_load %arg19[%get3A_797, %get3A_798] {strides = array<i32>} : memref<56x72xf32, #tpu.memory_space<vmem>>, vector<1x16xf32>,
      %get3A_800 = vector.shape_cast %get3A_799 : vector<1x16xf32> to vector<16xf32>
      %get3A_801 = arith.index_cast %scan3A_745 : i32 to index
      %get3A_802 = tpu.vector_load %arg20[%get3A_801] {strides = array<i32>} : memref<80xf32, #tpu.memory_space<vmem>>, vector<16xf32>,
      %get3A_803 = vector.shape_cast %get3A_802 : vector<16xf32> to vector<16xf32>
      %lt3A = arith.constant 8 : i32
      %lt3A_804 = vector.broadcast %lt3A : i32 to vector<16xi32>
      %lt3A_805 = arith.cmpi slt, %iota3A, %lt3A_804 : vector<16xi32>
      %select_n3A = arith.select %lt3A_805, %get3A_800, %get3A_803 : vector<16xi1>, vector<16xf32>
      %swap3A_806 = arith.index_cast %scan3A_745 : i32 to index
      %swap3A_807 = arith.constant 56 : index
      %swap3A_808 = tpu.vector_load %arg19[%swap3A_806, %swap3A_807] {strides = array<i32>} : memref<56x72xf32, #tpu.memory_space<vmem>>, vector<1x16xf32>,
      %swap3A_809 = vector.shape_cast %swap3A_808 : vector<1x16xf32> to vector<16xf32>
      %swap3A_810 = vector.shape_cast %select_n3A : vector<16xf32> to vector<1x16xf32>
      tpu.vector_store %arg19[%swap3A_806, %swap3A_807], %swap3A_810 {strides = array<i32>} : memref<56x72xf32, #tpu.memory_space<vmem>>, vector<1x16xf32>,
      %scan3A_811 = arith.constant 0 : i32
      scf.yield %scan3A_811 : i32
    }
    %scan3A_457 = arith.constant 56 : i32
    "tpu.region"() ({
      %run_scoped3A = tpu.sem_alloc : memref<!tpu.dma_semaphore, #tpu.memory_space<semaphore_mem>>
      %dma_start3A_745 = arith.constant 0 : i32
      %dma_start3A_746 = tpu.memref_slice %arg14[%add3A_430, %dma_start3A_745] : memref<20608x72xf32, #tpu.memory_space<vmem_shared>> -> memref<56x72xf32, #tpu.memory_space<vmem_shared>>
      %dma_start3A_747 = arith.constant 0 : i32
      %dma_start3A_748 = tpu.memref_slice %arg14[%add3A_430, %dma_start3A_747] : memref<20608x72xf32, #tpu.memory_space<vmem_shared>> -> memref<56x72xf32, #tpu.memory_space<vmem_shared>>
      tpu.enqueue_dma source(%arg19 : memref<56x72xf32, #tpu.memory_space<vmem>>) target(%dma_start3A_748 : memref<56x72xf32, #tpu.memory_space<vmem_shared>>) target_semaphore(%run_scoped3A : memref<!tpu.dma_semaphore, #tpu.memory_space<semaphore_mem>>)
      %dma_wait3A_749 = arith.constant 0 : i32
      %dma_wait3A_750 = tpu.memref_slice %arg14[%add3A_430, %dma_wait3A_749] : memref<20608x72xf32, #tpu.memory_space<vmem_shared>> -> memref<56x72xf32, #tpu.memory_space<vmem_shared>>
      %dma_wait3A_751 = arith.constant 0 : i32
      %dma_wait3A_752 = tpu.memref_slice %arg14[%add3A_430, %dma_wait3A_751] : memref<20608x72xf32, #tpu.memory_space<vmem_shared>> -> memref<56x72xf32, #tpu.memory_space<vmem_shared>>
      tpu.wait_dma2 semaphore(%run_scoped3A : memref<!tpu.dma_semaphore, #tpu.memory_space<semaphore_mem>>) src(%arg19 : memref<56x72xf32, #tpu.memory_space<vmem>>) dst(%dma_wait3A_752 : memref<56x72xf32, #tpu.memory_space<vmem_shared>>)
      tpu.yield
    }) : () -> ()
    %mul3A_458 = arith.constant 1288 : i32
    %mul3A_459 = arith.muli %arg1, %mul3A_458 : i32
    %add3A_460 = arith.constant 784 : i32
    %add3A_461 = arith.addi %mul3A_459, %add3A_460 : i32
    %dma_start3A_462 = arith.constant 0 : i32
    %dma_start3A_463 = tpu.memref_slice %arg14[%add3A_461, %dma_start3A_462] : memref<20608x72xf32, #tpu.memory_space<vmem_shared>> -> memref<56x72xf32, #tpu.memory_space<vmem_shared>>
    %dma_start3A_464 = arith.constant 0 : i32
    %dma_start3A_465 = tpu.memref_slice %arg14[%add3A_461, %dma_start3A_464] : memref<20608x72xf32, #tpu.memory_space<vmem_shared>> -> memref<56x72xf32, #tpu.memory_space<vmem_shared>>
    tpu.enqueue_dma source(%dma_start3A_465 : memref<56x72xf32, #tpu.memory_space<vmem_shared>>) target(%arg19 : memref<56x72xf32, #tpu.memory_space<vmem>>) target_semaphore(%arg23 : memref<!tpu.dma_semaphore, #tpu.memory_space<semaphore_mem>>)
    %dma_start3A_466 = arith.constant 8 : i32
    %dma_start3A_467 = tpu.memref_slice %arg20[%dma_start3A_466] : memref<80xf32, #tpu.memory_space<vmem>> -> memref<56xf32, #tpu.memory_space<vmem>>
    %dma_start3A_468 = tpu.memref_slice %arg4[%add3A_461] : memref<20608xf32, #tpu.memory_space<hbm>> -> memref<56xf32, #tpu.memory_space<hbm>>
    %dma_start3A_469 = arith.constant 8 : i32
    %dma_start3A_470 = tpu.memref_slice %arg20[%dma_start3A_469] : memref<80xf32, #tpu.memory_space<vmem>> -> memref<56xf32, #tpu.memory_space<vmem>>
    %dma_start3A_471 = tpu.memref_slice %arg4[%add3A_461] : memref<20608xf32, #tpu.memory_space<hbm>> -> memref<56xf32, #tpu.memory_space<hbm>>
    tpu.enqueue_dma source(%dma_start3A_471 : memref<56xf32, #tpu.memory_space<hbm>>) target(%dma_start3A_470 : memref<56xf32, #tpu.memory_space<vmem>>) target_semaphore(%arg26 : memref<!tpu.dma_semaphore, #tpu.memory_space<semaphore_mem>>)
    %dma_wait3A_472 = arith.constant 0 : i32
    %dma_wait3A_473 = tpu.memref_slice %arg14[%add3A_461, %dma_wait3A_472] : memref<20608x72xf32, #tpu.memory_space<vmem_shared>> -> memref<56x72xf32, #tpu.memory_space<vmem_shared>>
    %dma_wait3A_474 = arith.constant 0 : i32
    %dma_wait3A_475 = tpu.memref_slice %arg14[%add3A_461, %dma_wait3A_474] : memref<20608x72xf32, #tpu.memory_space<vmem_shared>> -> memref<56x72xf32, #tpu.memory_space<vmem_shared>>
    tpu.wait_dma2 semaphore(%arg23 : memref<!tpu.dma_semaphore, #tpu.memory_space<semaphore_mem>>) src(%dma_wait3A_475 : memref<56x72xf32, #tpu.memory_space<vmem_shared>>) dst(%arg19 : memref<56x72xf32, #tpu.memory_space<vmem>>)
    %dma_wait3A_476 = arith.constant 8 : i32
    %dma_wait3A_477 = tpu.memref_slice %arg20[%dma_wait3A_476] : memref<80xf32, #tpu.memory_space<vmem>> -> memref<56xf32, #tpu.memory_space<vmem>>
    %dma_wait3A_478 = tpu.memref_slice %arg4[%add3A_461] : memref<20608xf32, #tpu.memory_space<hbm>> -> memref<56xf32, #tpu.memory_space<hbm>>
    %dma_wait3A_479 = arith.constant 8 : i32
    %dma_wait3A_480 = tpu.memref_slice %arg20[%dma_wait3A_479] : memref<80xf32, #tpu.memory_space<vmem>> -> memref<56xf32, #tpu.memory_space<vmem>>
    %dma_wait3A_481 = tpu.memref_slice %arg4[%add3A_461] : memref<20608xf32, #tpu.memory_space<hbm>> -> memref<56xf32, #tpu.memory_space<hbm>>
    tpu.wait_dma2 semaphore(%arg26 : memref<!tpu.dma_semaphore, #tpu.memory_space<semaphore_mem>>) src(%dma_wait3A_481 : memref<56xf32, #tpu.memory_space<hbm>>) dst(%dma_wait3A_480 : memref<56xf32, #tpu.memory_space<vmem>>)
    %scan3A_482 = arith.constant 0 : i32
    %scan3A_483 = arith.constant 0 : i32
    %scan3A_484 = arith.constant 56 : i32
    %scan3A_485 = arith.addi %scan3A_483, %scan3A_484 : i32
    %scan3A_486 = arith.constant 1 : i32
    %scan3A_487 = scf.for %scan3A_745 = %scan3A_483 to %scan3A_485 step %scan3A_486 iter_args(%scan3A_746 = %scan3A_482) -> (i32)  : i32 {
      %get3A = arith.index_cast %scan3A_745 : i32 to index
      %get3A_747 = arith.constant 56 : index
      %get3A_748 = tpu.vector_load %arg19[%get3A, %get3A_747] {strides = array<i32>} : memref<56x72xf32, #tpu.memory_space<vmem>>, vector<1x16xf32>,
      %get3A_749 = vector.shape_cast %get3A_748 : vector<1x16xf32> to vector<16xf32>
      %max3A = arith.constant 1.000000e+00 : f32
      %max3A_750 = vector.broadcast %max3A : f32 to vector<16xf32>
      %max3A_751 = arith.maximumf %get3A_749, %max3A_750 : vector<16xf32>
      %div3A = arith.constant 1.000000e+00 : f32
      %div3A_752 = vector.broadcast %div3A : f32 to vector<16xf32>
      %div3A_753 = arith.divf %div3A_752, %max3A_751 : vector<16xf32>
      %slice3A = vector.extract_strided_slice %div3A_753 {offsets = [8], sizes = [1], strides = [1]} : vector<16xf32> to vector<1xf32>
      %squeeze3A = vector.extract %slice3A[0] : f32 from vector<1xf32>
      %get3A_754 = arith.index_cast %scan3A_745 : i32 to index
      %get3A_755 = arith.constant 0 : index
      %get3A_756 = tpu.vector_load %arg19[%get3A_754, %get3A_755] {strides = array<i32>} : memref<56x72xf32, #tpu.memory_space<vmem>>, vector<1x16xf32>,
      %get3A_757 = vector.shape_cast %get3A_756 : vector<1x16xf32> to vector<16xf32>
      %mul3A_758 = vector.broadcast %squeeze3A : f32 to vector<16xf32>
      %mul3A_759 = arith.mulf %get3A_757, %mul3A_758 : vector<16xf32>
      %swap3A = arith.index_cast %scan3A_745 : i32 to index
      %swap3A_760 = arith.constant 0 : index
      %swap3A_761 = tpu.vector_load %arg19[%swap3A, %swap3A_760] {strides = array<i32>} : memref<56x72xf32, #tpu.memory_space<vmem>>, vector<1x16xf32>,
      %swap3A_762 = vector.shape_cast %swap3A_761 : vector<1x16xf32> to vector<16xf32>
      %swap3A_763 = vector.shape_cast %mul3A_759 : vector<16xf32> to vector<1x16xf32>
      tpu.vector_store %arg19[%swap3A, %swap3A_760], %swap3A_763 {strides = array<i32>} : memref<56x72xf32, #tpu.memory_space<vmem>>, vector<1x16xf32>,
      %get3A_764 = arith.index_cast %scan3A_745 : i32 to index
      %get3A_765 = arith.constant 16 : index
      %get3A_766 = tpu.vector_load %arg19[%get3A_764, %get3A_765] {strides = array<i32>} : memref<56x72xf32, #tpu.memory_space<vmem>>, vector<1x16xf32>,
      %get3A_767 = vector.shape_cast %get3A_766 : vector<1x16xf32> to vector<16xf32>
      %mul3A_768 = vector.broadcast %squeeze3A : f32 to vector<16xf32>
      %mul3A_769 = arith.mulf %get3A_767, %mul3A_768 : vector<16xf32>
      %swap3A_770 = arith.index_cast %scan3A_745 : i32 to index
      %swap3A_771 = arith.constant 16 : index
      %swap3A_772 = tpu.vector_load %arg19[%swap3A_770, %swap3A_771] {strides = array<i32>} : memref<56x72xf32, #tpu.memory_space<vmem>>, vector<1x16xf32>,
      %swap3A_773 = vector.shape_cast %swap3A_772 : vector<1x16xf32> to vector<16xf32>
      %swap3A_774 = vector.shape_cast %mul3A_769 : vector<16xf32> to vector<1x16xf32>
      tpu.vector_store %arg19[%swap3A_770, %swap3A_771], %swap3A_774 {strides = array<i32>} : memref<56x72xf32, #tpu.memory_space<vmem>>, vector<1x16xf32>,
      %get3A_775 = arith.index_cast %scan3A_745 : i32 to index
      %get3A_776 = arith.constant 32 : index
      %get3A_777 = tpu.vector_load %arg19[%get3A_775, %get3A_776] {strides = array<i32>} : memref<56x72xf32, #tpu.memory_space<vmem>>, vector<1x16xf32>,
      %get3A_778 = vector.shape_cast %get3A_777 : vector<1x16xf32> to vector<16xf32>
      %mul3A_779 = vector.broadcast %squeeze3A : f32 to vector<16xf32>
      %mul3A_780 = arith.mulf %get3A_778, %mul3A_779 : vector<16xf32>
      %swap3A_781 = arith.index_cast %scan3A_745 : i32 to index
      %swap3A_782 = arith.constant 32 : index
      %swap3A_783 = tpu.vector_load %arg19[%swap3A_781, %swap3A_782] {strides = array<i32>} : memref<56x72xf32, #tpu.memory_space<vmem>>, vector<1x16xf32>,
      %swap3A_784 = vector.shape_cast %swap3A_783 : vector<1x16xf32> to vector<16xf32>
      %swap3A_785 = vector.shape_cast %mul3A_780 : vector<16xf32> to vector<1x16xf32>
      tpu.vector_store %arg19[%swap3A_781, %swap3A_782], %swap3A_785 {strides = array<i32>} : memref<56x72xf32, #tpu.memory_space<vmem>>, vector<1x16xf32>,
      %get3A_786 = arith.index_cast %scan3A_745 : i32 to index
      %get3A_787 = arith.constant 48 : index
      %get3A_788 = tpu.vector_load %arg19[%get3A_786, %get3A_787] {strides = array<i32>} : memref<56x72xf32, #tpu.memory_space<vmem>>, vector<1x16xf32>,
      %get3A_789 = vector.shape_cast %get3A_788 : vector<1x16xf32> to vector<16xf32>
      %mul3A_790 = vector.broadcast %squeeze3A : f32 to vector<16xf32>
      %mul3A_791 = arith.mulf %get3A_789, %mul3A_790 : vector<16xf32>
      %swap3A_792 = arith.index_cast %scan3A_745 : i32 to index
      %swap3A_793 = arith.constant 48 : index
      %swap3A_794 = tpu.vector_load %arg19[%swap3A_792, %swap3A_793] {strides = array<i32>} : memref<56x72xf32, #tpu.memory_space<vmem>>, vector<1x16xf32>,
      %swap3A_795 = vector.shape_cast %swap3A_794 : vector<1x16xf32> to vector<16xf32>
      %swap3A_796 = vector.shape_cast %mul3A_791 : vector<16xf32> to vector<1x16xf32>
      tpu.vector_store %arg19[%swap3A_792, %swap3A_793], %swap3A_796 {strides = array<i32>} : memref<56x72xf32, #tpu.memory_space<vmem>>, vector<1x16xf32>,
      %get3A_797 = arith.index_cast %scan3A_745 : i32 to index
      %get3A_798 = arith.constant 56 : index
      %get3A_799 = tpu.vector_load %arg19[%get3A_797, %get3A_798] {strides = array<i32>} : memref<56x72xf32, #tpu.memory_space<vmem>>, vector<1x16xf32>,
      %get3A_800 = vector.shape_cast %get3A_799 : vector<1x16xf32> to vector<16xf32>
      %get3A_801 = arith.index_cast %scan3A_745 : i32 to index
      %get3A_802 = tpu.vector_load %arg20[%get3A_801] {strides = array<i32>} : memref<80xf32, #tpu.memory_space<vmem>>, vector<16xf32>,
      %get3A_803 = vector.shape_cast %get3A_802 : vector<16xf32> to vector<16xf32>
      %lt3A = arith.constant 8 : i32
      %lt3A_804 = vector.broadcast %lt3A : i32 to vector<16xi32>
      %lt3A_805 = arith.cmpi slt, %iota3A, %lt3A_804 : vector<16xi32>
      %select_n3A = arith.select %lt3A_805, %get3A_800, %get3A_803 : vector<16xi1>, vector<16xf32>
      %swap3A_806 = arith.index_cast %scan3A_745 : i32 to index
      %swap3A_807 = arith.constant 56 : index
      %swap3A_808 = tpu.vector_load %arg19[%swap3A_806, %swap3A_807] {strides = array<i32>} : memref<56x72xf32, #tpu.memory_space<vmem>>, vector<1x16xf32>,
      %swap3A_809 = vector.shape_cast %swap3A_808 : vector<1x16xf32> to vector<16xf32>
      %swap3A_810 = vector.shape_cast %select_n3A : vector<16xf32> to vector<1x16xf32>
      tpu.vector_store %arg19[%swap3A_806, %swap3A_807], %swap3A_810 {strides = array<i32>} : memref<56x72xf32, #tpu.memory_space<vmem>>, vector<1x16xf32>,
      %scan3A_811 = arith.constant 0 : i32
      scf.yield %scan3A_811 : i32
    }
    %scan3A_488 = arith.constant 56 : i32
    "tpu.region"() ({
      %run_scoped3A = tpu.sem_alloc : memref<!tpu.dma_semaphore, #tpu.memory_space<semaphore_mem>>
      %dma_start3A_745 = arith.constant 0 : i32
      %dma_start3A_746 = tpu.memref_slice %arg14[%add3A_461, %dma_start3A_745] : memref<20608x72xf32, #tpu.memory_space<vmem_shared>> -> memref<56x72xf32, #tpu.memory_space<vmem_shared>>
      %dma_start3A_747 = arith.constant 0 : i32
      %dma_start3A_748 = tpu.memref_slice %arg14[%add3A_461, %dma_start3A_747] : memref<20608x72xf32, #tpu.memory_space<vmem_shared>> -> memref<56x72xf32, #tpu.memory_space<vmem_shared>>
      tpu.enqueue_dma source(%arg19 : memref<56x72xf32, #tpu.memory_space<vmem>>) target(%dma_start3A_748 : memref<56x72xf32, #tpu.memory_space<vmem_shared>>) target_semaphore(%run_scoped3A : memref<!tpu.dma_semaphore, #tpu.memory_space<semaphore_mem>>)
      %dma_wait3A_749 = arith.constant 0 : i32
      %dma_wait3A_750 = tpu.memref_slice %arg14[%add3A_461, %dma_wait3A_749] : memref<20608x72xf32, #tpu.memory_space<vmem_shared>> -> memref<56x72xf32, #tpu.memory_space<vmem_shared>>
      %dma_wait3A_751 = arith.constant 0 : i32
      %dma_wait3A_752 = tpu.memref_slice %arg14[%add3A_461, %dma_wait3A_751] : memref<20608x72xf32, #tpu.memory_space<vmem_shared>> -> memref<56x72xf32, #tpu.memory_space<vmem_shared>>
      tpu.wait_dma2 semaphore(%run_scoped3A : memref<!tpu.dma_semaphore, #tpu.memory_space<semaphore_mem>>) src(%arg19 : memref<56x72xf32, #tpu.memory_space<vmem>>) dst(%dma_wait3A_752 : memref<56x72xf32, #tpu.memory_space<vmem_shared>>)
      tpu.yield
    }) : () -> ()
    %mul3A_489 = arith.constant 1288 : i32
    %mul3A_490 = arith.muli %arg1, %mul3A_489 : i32
    %add3A_491 = arith.constant 840 : i32
    %add3A_492 = arith.addi %mul3A_490, %add3A_491 : i32
    %dma_start3A_493 = arith.constant 0 : i32
    %dma_start3A_494 = tpu.memref_slice %arg14[%add3A_492, %dma_start3A_493] : memref<20608x72xf32, #tpu.memory_space<vmem_shared>> -> memref<56x72xf32, #tpu.memory_space<vmem_shared>>
    %dma_start3A_495 = arith.constant 0 : i32
    %dma_start3A_496 = tpu.memref_slice %arg14[%add3A_492, %dma_start3A_495] : memref<20608x72xf32, #tpu.memory_space<vmem_shared>> -> memref<56x72xf32, #tpu.memory_space<vmem_shared>>
    tpu.enqueue_dma source(%dma_start3A_496 : memref<56x72xf32, #tpu.memory_space<vmem_shared>>) target(%arg19 : memref<56x72xf32, #tpu.memory_space<vmem>>) target_semaphore(%arg23 : memref<!tpu.dma_semaphore, #tpu.memory_space<semaphore_mem>>)
    %dma_start3A_497 = arith.constant 8 : i32
    %dma_start3A_498 = tpu.memref_slice %arg20[%dma_start3A_497] : memref<80xf32, #tpu.memory_space<vmem>> -> memref<56xf32, #tpu.memory_space<vmem>>
    %dma_start3A_499 = tpu.memref_slice %arg4[%add3A_492] : memref<20608xf32, #tpu.memory_space<hbm>> -> memref<56xf32, #tpu.memory_space<hbm>>
    %dma_start3A_500 = arith.constant 8 : i32
    %dma_start3A_501 = tpu.memref_slice %arg20[%dma_start3A_500] : memref<80xf32, #tpu.memory_space<vmem>> -> memref<56xf32, #tpu.memory_space<vmem>>
    %dma_start3A_502 = tpu.memref_slice %arg4[%add3A_492] : memref<20608xf32, #tpu.memory_space<hbm>> -> memref<56xf32, #tpu.memory_space<hbm>>
    tpu.enqueue_dma source(%dma_start3A_502 : memref<56xf32, #tpu.memory_space<hbm>>) target(%dma_start3A_501 : memref<56xf32, #tpu.memory_space<vmem>>) target_semaphore(%arg26 : memref<!tpu.dma_semaphore, #tpu.memory_space<semaphore_mem>>)
    %dma_wait3A_503 = arith.constant 0 : i32
    %dma_wait3A_504 = tpu.memref_slice %arg14[%add3A_492, %dma_wait3A_503] : memref<20608x72xf32, #tpu.memory_space<vmem_shared>> -> memref<56x72xf32, #tpu.memory_space<vmem_shared>>
    %dma_wait3A_505 = arith.constant 0 : i32
    %dma_wait3A_506 = tpu.memref_slice %arg14[%add3A_492, %dma_wait3A_505] : memref<20608x72xf32, #tpu.memory_space<vmem_shared>> -> memref<56x72xf32, #tpu.memory_space<vmem_shared>>
    tpu.wait_dma2 semaphore(%arg23 : memref<!tpu.dma_semaphore, #tpu.memory_space<semaphore_mem>>) src(%dma_wait3A_506 : memref<56x72xf32, #tpu.memory_space<vmem_shared>>) dst(%arg19 : memref<56x72xf32, #tpu.memory_space<vmem>>)
    %dma_wait3A_507 = arith.constant 8 : i32
    %dma_wait3A_508 = tpu.memref_slice %arg20[%dma_wait3A_507] : memref<80xf32, #tpu.memory_space<vmem>> -> memref<56xf32, #tpu.memory_space<vmem>>
    %dma_wait3A_509 = tpu.memref_slice %arg4[%add3A_492] : memref<20608xf32, #tpu.memory_space<hbm>> -> memref<56xf32, #tpu.memory_space<hbm>>
    %dma_wait3A_510 = arith.constant 8 : i32
    %dma_wait3A_511 = tpu.memref_slice %arg20[%dma_wait3A_510] : memref<80xf32, #tpu.memory_space<vmem>> -> memref<56xf32, #tpu.memory_space<vmem>>
    %dma_wait3A_512 = tpu.memref_slice %arg4[%add3A_492] : memref<20608xf32, #tpu.memory_space<hbm>> -> memref<56xf32, #tpu.memory_space<hbm>>
    tpu.wait_dma2 semaphore(%arg26 : memref<!tpu.dma_semaphore, #tpu.memory_space<semaphore_mem>>) src(%dma_wait3A_512 : memref<56xf32, #tpu.memory_space<hbm>>) dst(%dma_wait3A_511 : memref<56xf32, #tpu.memory_space<vmem>>)
    %scan3A_513 = arith.constant 0 : i32
    %scan3A_514 = arith.constant 0 : i32
    %scan3A_515 = arith.constant 56 : i32
    %scan3A_516 = arith.addi %scan3A_514, %scan3A_515 : i32
    %scan3A_517 = arith.constant 1 : i32
    %scan3A_518 = scf.for %scan3A_745 = %scan3A_514 to %scan3A_516 step %scan3A_517 iter_args(%scan3A_746 = %scan3A_513) -> (i32)  : i32 {
      %get3A = arith.index_cast %scan3A_745 : i32 to index
      %get3A_747 = arith.constant 56 : index
      %get3A_748 = tpu.vector_load %arg19[%get3A, %get3A_747] {strides = array<i32>} : memref<56x72xf32, #tpu.memory_space<vmem>>, vector<1x16xf32>,
      %get3A_749 = vector.shape_cast %get3A_748 : vector<1x16xf32> to vector<16xf32>
      %max3A = arith.constant 1.000000e+00 : f32
      %max3A_750 = vector.broadcast %max3A : f32 to vector<16xf32>
      %max3A_751 = arith.maximumf %get3A_749, %max3A_750 : vector<16xf32>
      %div3A = arith.constant 1.000000e+00 : f32
      %div3A_752 = vector.broadcast %div3A : f32 to vector<16xf32>
      %div3A_753 = arith.divf %div3A_752, %max3A_751 : vector<16xf32>
      %slice3A = vector.extract_strided_slice %div3A_753 {offsets = [8], sizes = [1], strides = [1]} : vector<16xf32> to vector<1xf32>
      %squeeze3A = vector.extract %slice3A[0] : f32 from vector<1xf32>
      %get3A_754 = arith.index_cast %scan3A_745 : i32 to index
      %get3A_755 = arith.constant 0 : index
      %get3A_756 = tpu.vector_load %arg19[%get3A_754, %get3A_755] {strides = array<i32>} : memref<56x72xf32, #tpu.memory_space<vmem>>, vector<1x16xf32>,
      %get3A_757 = vector.shape_cast %get3A_756 : vector<1x16xf32> to vector<16xf32>
      %mul3A_758 = vector.broadcast %squeeze3A : f32 to vector<16xf32>
      %mul3A_759 = arith.mulf %get3A_757, %mul3A_758 : vector<16xf32>
      %swap3A = arith.index_cast %scan3A_745 : i32 to index
      %swap3A_760 = arith.constant 0 : index
      %swap3A_761 = tpu.vector_load %arg19[%swap3A, %swap3A_760] {strides = array<i32>} : memref<56x72xf32, #tpu.memory_space<vmem>>, vector<1x16xf32>,
      %swap3A_762 = vector.shape_cast %swap3A_761 : vector<1x16xf32> to vector<16xf32>
      %swap3A_763 = vector.shape_cast %mul3A_759 : vector<16xf32> to vector<1x16xf32>
      tpu.vector_store %arg19[%swap3A, %swap3A_760], %swap3A_763 {strides = array<i32>} : memref<56x72xf32, #tpu.memory_space<vmem>>, vector<1x16xf32>,
      %get3A_764 = arith.index_cast %scan3A_745 : i32 to index
      %get3A_765 = arith.constant 16 : index
      %get3A_766 = tpu.vector_load %arg19[%get3A_764, %get3A_765] {strides = array<i32>} : memref<56x72xf32, #tpu.memory_space<vmem>>, vector<1x16xf32>,
      %get3A_767 = vector.shape_cast %get3A_766 : vector<1x16xf32> to vector<16xf32>
      %mul3A_768 = vector.broadcast %squeeze3A : f32 to vector<16xf32>
      %mul3A_769 = arith.mulf %get3A_767, %mul3A_768 : vector<16xf32>
      %swap3A_770 = arith.index_cast %scan3A_745 : i32 to index
      %swap3A_771 = arith.constant 16 : index
      %swap3A_772 = tpu.vector_load %arg19[%swap3A_770, %swap3A_771] {strides = array<i32>} : memref<56x72xf32, #tpu.memory_space<vmem>>, vector<1x16xf32>,
      %swap3A_773 = vector.shape_cast %swap3A_772 : vector<1x16xf32> to vector<16xf32>
      %swap3A_774 = vector.shape_cast %mul3A_769 : vector<16xf32> to vector<1x16xf32>
      tpu.vector_store %arg19[%swap3A_770, %swap3A_771], %swap3A_774 {strides = array<i32>} : memref<56x72xf32, #tpu.memory_space<vmem>>, vector<1x16xf32>,
      %get3A_775 = arith.index_cast %scan3A_745 : i32 to index
      %get3A_776 = arith.constant 32 : index
      %get3A_777 = tpu.vector_load %arg19[%get3A_775, %get3A_776] {strides = array<i32>} : memref<56x72xf32, #tpu.memory_space<vmem>>, vector<1x16xf32>,
      %get3A_778 = vector.shape_cast %get3A_777 : vector<1x16xf32> to vector<16xf32>
      %mul3A_779 = vector.broadcast %squeeze3A : f32 to vector<16xf32>
      %mul3A_780 = arith.mulf %get3A_778, %mul3A_779 : vector<16xf32>
      %swap3A_781 = arith.index_cast %scan3A_745 : i32 to index
      %swap3A_782 = arith.constant 32 : index
      %swap3A_783 = tpu.vector_load %arg19[%swap3A_781, %swap3A_782] {strides = array<i32>} : memref<56x72xf32, #tpu.memory_space<vmem>>, vector<1x16xf32>,
      %swap3A_784 = vector.shape_cast %swap3A_783 : vector<1x16xf32> to vector<16xf32>
      %swap3A_785 = vector.shape_cast %mul3A_780 : vector<16xf32> to vector<1x16xf32>
      tpu.vector_store %arg19[%swap3A_781, %swap3A_782], %swap3A_785 {strides = array<i32>} : memref<56x72xf32, #tpu.memory_space<vmem>>, vector<1x16xf32>,
      %get3A_786 = arith.index_cast %scan3A_745 : i32 to index
      %get3A_787 = arith.constant 48 : index
      %get3A_788 = tpu.vector_load %arg19[%get3A_786, %get3A_787] {strides = array<i32>} : memref<56x72xf32, #tpu.memory_space<vmem>>, vector<1x16xf32>,
      %get3A_789 = vector.shape_cast %get3A_788 : vector<1x16xf32> to vector<16xf32>
      %mul3A_790 = vector.broadcast %squeeze3A : f32 to vector<16xf32>
      %mul3A_791 = arith.mulf %get3A_789, %mul3A_790 : vector<16xf32>
      %swap3A_792 = arith.index_cast %scan3A_745 : i32 to index
      %swap3A_793 = arith.constant 48 : index
      %swap3A_794 = tpu.vector_load %arg19[%swap3A_792, %swap3A_793] {strides = array<i32>} : memref<56x72xf32, #tpu.memory_space<vmem>>, vector<1x16xf32>,
      %swap3A_795 = vector.shape_cast %swap3A_794 : vector<1x16xf32> to vector<16xf32>
      %swap3A_796 = vector.shape_cast %mul3A_791 : vector<16xf32> to vector<1x16xf32>
      tpu.vector_store %arg19[%swap3A_792, %swap3A_793], %swap3A_796 {strides = array<i32>} : memref<56x72xf32, #tpu.memory_space<vmem>>, vector<1x16xf32>,
      %get3A_797 = arith.index_cast %scan3A_745 : i32 to index
      %get3A_798 = arith.constant 56 : index
      %get3A_799 = tpu.vector_load %arg19[%get3A_797, %get3A_798] {strides = array<i32>} : memref<56x72xf32, #tpu.memory_space<vmem>>, vector<1x16xf32>,
      %get3A_800 = vector.shape_cast %get3A_799 : vector<1x16xf32> to vector<16xf32>
      %get3A_801 = arith.index_cast %scan3A_745 : i32 to index
      %get3A_802 = tpu.vector_load %arg20[%get3A_801] {strides = array<i32>} : memref<80xf32, #tpu.memory_space<vmem>>, vector<16xf32>,
      %get3A_803 = vector.shape_cast %get3A_802 : vector<16xf32> to vector<16xf32>
      %lt3A = arith.constant 8 : i32
      %lt3A_804 = vector.broadcast %lt3A : i32 to vector<16xi32>
      %lt3A_805 = arith.cmpi slt, %iota3A, %lt3A_804 : vector<16xi32>
      %select_n3A = arith.select %lt3A_805, %get3A_800, %get3A_803 : vector<16xi1>, vector<16xf32>
      %swap3A_806 = arith.index_cast %scan3A_745 : i32 to index
      %swap3A_807 = arith.constant 56 : index
      %swap3A_808 = tpu.vector_load %arg19[%swap3A_806, %swap3A_807] {strides = array<i32>} : memref<56x72xf32, #tpu.memory_space<vmem>>, vector<1x16xf32>,
      %swap3A_809 = vector.shape_cast %swap3A_808 : vector<1x16xf32> to vector<16xf32>
      %swap3A_810 = vector.shape_cast %select_n3A : vector<16xf32> to vector<1x16xf32>
      tpu.vector_store %arg19[%swap3A_806, %swap3A_807], %swap3A_810 {strides = array<i32>} : memref<56x72xf32, #tpu.memory_space<vmem>>, vector<1x16xf32>,
      %scan3A_811 = arith.constant 0 : i32
      scf.yield %scan3A_811 : i32
    }
    %scan3A_519 = arith.constant 56 : i32
    "tpu.region"() ({
      %run_scoped3A = tpu.sem_alloc : memref<!tpu.dma_semaphore, #tpu.memory_space<semaphore_mem>>
      %dma_start3A_745 = arith.constant 0 : i32
      %dma_start3A_746 = tpu.memref_slice %arg14[%add3A_492, %dma_start3A_745] : memref<20608x72xf32, #tpu.memory_space<vmem_shared>> -> memref<56x72xf32, #tpu.memory_space<vmem_shared>>
      %dma_start3A_747 = arith.constant 0 : i32
      %dma_start3A_748 = tpu.memref_slice %arg14[%add3A_492, %dma_start3A_747] : memref<20608x72xf32, #tpu.memory_space<vmem_shared>> -> memref<56x72xf32, #tpu.memory_space<vmem_shared>>
      tpu.enqueue_dma source(%arg19 : memref<56x72xf32, #tpu.memory_space<vmem>>) target(%dma_start3A_748 : memref<56x72xf32, #tpu.memory_space<vmem_shared>>) target_semaphore(%run_scoped3A : memref<!tpu.dma_semaphore, #tpu.memory_space<semaphore_mem>>)
      %dma_wait3A_749 = arith.constant 0 : i32
      %dma_wait3A_750 = tpu.memref_slice %arg14[%add3A_492, %dma_wait3A_749] : memref<20608x72xf32, #tpu.memory_space<vmem_shared>> -> memref<56x72xf32, #tpu.memory_space<vmem_shared>>
      %dma_wait3A_751 = arith.constant 0 : i32
      %dma_wait3A_752 = tpu.memref_slice %arg14[%add3A_492, %dma_wait3A_751] : memref<20608x72xf32, #tpu.memory_space<vmem_shared>> -> memref<56x72xf32, #tpu.memory_space<vmem_shared>>
      tpu.wait_dma2 semaphore(%run_scoped3A : memref<!tpu.dma_semaphore, #tpu.memory_space<semaphore_mem>>) src(%arg19 : memref<56x72xf32, #tpu.memory_space<vmem>>) dst(%dma_wait3A_752 : memref<56x72xf32, #tpu.memory_space<vmem_shared>>)
      tpu.yield
    }) : () -> ()
    %mul3A_520 = arith.constant 1288 : i32
    %mul3A_521 = arith.muli %arg1, %mul3A_520 : i32
    %add3A_522 = arith.constant 896 : i32
    %add3A_523 = arith.addi %mul3A_521, %add3A_522 : i32
    %dma_start3A_524 = arith.constant 0 : i32
    %dma_start3A_525 = tpu.memref_slice %arg14[%add3A_523, %dma_start3A_524] : memref<20608x72xf32, #tpu.memory_space<vmem_shared>> -> memref<56x72xf32, #tpu.memory_space<vmem_shared>>
    %dma_start3A_526 = arith.constant 0 : i32
    %dma_start3A_527 = tpu.memref_slice %arg14[%add3A_523, %dma_start3A_526] : memref<20608x72xf32, #tpu.memory_space<vmem_shared>> -> memref<56x72xf32, #tpu.memory_space<vmem_shared>>
    tpu.enqueue_dma source(%dma_start3A_527 : memref<56x72xf32, #tpu.memory_space<vmem_shared>>) target(%arg19 : memref<56x72xf32, #tpu.memory_space<vmem>>) target_semaphore(%arg23 : memref<!tpu.dma_semaphore, #tpu.memory_space<semaphore_mem>>)
    %dma_start3A_528 = arith.constant 8 : i32
    %dma_start3A_529 = tpu.memref_slice %arg20[%dma_start3A_528] : memref<80xf32, #tpu.memory_space<vmem>> -> memref<56xf32, #tpu.memory_space<vmem>>
    %dma_start3A_530 = tpu.memref_slice %arg4[%add3A_523] : memref<20608xf32, #tpu.memory_space<hbm>> -> memref<56xf32, #tpu.memory_space<hbm>>
    %dma_start3A_531 = arith.constant 8 : i32
    %dma_start3A_532 = tpu.memref_slice %arg20[%dma_start3A_531] : memref<80xf32, #tpu.memory_space<vmem>> -> memref<56xf32, #tpu.memory_space<vmem>>
    %dma_start3A_533 = tpu.memref_slice %arg4[%add3A_523] : memref<20608xf32, #tpu.memory_space<hbm>> -> memref<56xf32, #tpu.memory_space<hbm>>
    tpu.enqueue_dma source(%dma_start3A_533 : memref<56xf32, #tpu.memory_space<hbm>>) target(%dma_start3A_532 : memref<56xf32, #tpu.memory_space<vmem>>) target_semaphore(%arg26 : memref<!tpu.dma_semaphore, #tpu.memory_space<semaphore_mem>>)
    %dma_wait3A_534 = arith.constant 0 : i32
    %dma_wait3A_535 = tpu.memref_slice %arg14[%add3A_523, %dma_wait3A_534] : memref<20608x72xf32, #tpu.memory_space<vmem_shared>> -> memref<56x72xf32, #tpu.memory_space<vmem_shared>>
    %dma_wait3A_536 = arith.constant 0 : i32
    %dma_wait3A_537 = tpu.memref_slice %arg14[%add3A_523, %dma_wait3A_536] : memref<20608x72xf32, #tpu.memory_space<vmem_shared>> -> memref<56x72xf32, #tpu.memory_space<vmem_shared>>
    tpu.wait_dma2 semaphore(%arg23 : memref<!tpu.dma_semaphore, #tpu.memory_space<semaphore_mem>>) src(%dma_wait3A_537 : memref<56x72xf32, #tpu.memory_space<vmem_shared>>) dst(%arg19 : memref<56x72xf32, #tpu.memory_space<vmem>>)
    %dma_wait3A_538 = arith.constant 8 : i32
    %dma_wait3A_539 = tpu.memref_slice %arg20[%dma_wait3A_538] : memref<80xf32, #tpu.memory_space<vmem>> -> memref<56xf32, #tpu.memory_space<vmem>>
    %dma_wait3A_540 = tpu.memref_slice %arg4[%add3A_523] : memref<20608xf32, #tpu.memory_space<hbm>> -> memref<56xf32, #tpu.memory_space<hbm>>
    %dma_wait3A_541 = arith.constant 8 : i32
    %dma_wait3A_542 = tpu.memref_slice %arg20[%dma_wait3A_541] : memref<80xf32, #tpu.memory_space<vmem>> -> memref<56xf32, #tpu.memory_space<vmem>>
    %dma_wait3A_543 = tpu.memref_slice %arg4[%add3A_523] : memref<20608xf32, #tpu.memory_space<hbm>> -> memref<56xf32, #tpu.memory_space<hbm>>
    tpu.wait_dma2 semaphore(%arg26 : memref<!tpu.dma_semaphore, #tpu.memory_space<semaphore_mem>>) src(%dma_wait3A_543 : memref<56xf32, #tpu.memory_space<hbm>>) dst(%dma_wait3A_542 : memref<56xf32, #tpu.memory_space<vmem>>)
    %scan3A_544 = arith.constant 0 : i32
    %scan3A_545 = arith.constant 0 : i32
    %scan3A_546 = arith.constant 56 : i32
    %scan3A_547 = arith.addi %scan3A_545, %scan3A_546 : i32
    %scan3A_548 = arith.constant 1 : i32
    %scan3A_549 = scf.for %scan3A_745 = %scan3A_545 to %scan3A_547 step %scan3A_548 iter_args(%scan3A_746 = %scan3A_544) -> (i32)  : i32 {
      %get3A = arith.index_cast %scan3A_745 : i32 to index
      %get3A_747 = arith.constant 56 : index
      %get3A_748 = tpu.vector_load %arg19[%get3A, %get3A_747] {strides = array<i32>} : memref<56x72xf32, #tpu.memory_space<vmem>>, vector<1x16xf32>,
      %get3A_749 = vector.shape_cast %get3A_748 : vector<1x16xf32> to vector<16xf32>
      %max3A = arith.constant 1.000000e+00 : f32
      %max3A_750 = vector.broadcast %max3A : f32 to vector<16xf32>
      %max3A_751 = arith.maximumf %get3A_749, %max3A_750 : vector<16xf32>
      %div3A = arith.constant 1.000000e+00 : f32
      %div3A_752 = vector.broadcast %div3A : f32 to vector<16xf32>
      %div3A_753 = arith.divf %div3A_752, %max3A_751 : vector<16xf32>
      %slice3A = vector.extract_strided_slice %div3A_753 {offsets = [8], sizes = [1], strides = [1]} : vector<16xf32> to vector<1xf32>
      %squeeze3A = vector.extract %slice3A[0] : f32 from vector<1xf32>
      %get3A_754 = arith.index_cast %scan3A_745 : i32 to index
      %get3A_755 = arith.constant 0 : index
      %get3A_756 = tpu.vector_load %arg19[%get3A_754, %get3A_755] {strides = array<i32>} : memref<56x72xf32, #tpu.memory_space<vmem>>, vector<1x16xf32>,
      %get3A_757 = vector.shape_cast %get3A_756 : vector<1x16xf32> to vector<16xf32>
      %mul3A_758 = vector.broadcast %squeeze3A : f32 to vector<16xf32>
      %mul3A_759 = arith.mulf %get3A_757, %mul3A_758 : vector<16xf32>
      %swap3A = arith.index_cast %scan3A_745 : i32 to index
      %swap3A_760 = arith.constant 0 : index
      %swap3A_761 = tpu.vector_load %arg19[%swap3A, %swap3A_760] {strides = array<i32>} : memref<56x72xf32, #tpu.memory_space<vmem>>, vector<1x16xf32>,
      %swap3A_762 = vector.shape_cast %swap3A_761 : vector<1x16xf32> to vector<16xf32>
      %swap3A_763 = vector.shape_cast %mul3A_759 : vector<16xf32> to vector<1x16xf32>
      tpu.vector_store %arg19[%swap3A, %swap3A_760], %swap3A_763 {strides = array<i32>} : memref<56x72xf32, #tpu.memory_space<vmem>>, vector<1x16xf32>,
      %get3A_764 = arith.index_cast %scan3A_745 : i32 to index
      %get3A_765 = arith.constant 16 : index
      %get3A_766 = tpu.vector_load %arg19[%get3A_764, %get3A_765] {strides = array<i32>} : memref<56x72xf32, #tpu.memory_space<vmem>>, vector<1x16xf32>,
      %get3A_767 = vector.shape_cast %get3A_766 : vector<1x16xf32> to vector<16xf32>
      %mul3A_768 = vector.broadcast %squeeze3A : f32 to vector<16xf32>
      %mul3A_769 = arith.mulf %get3A_767, %mul3A_768 : vector<16xf32>
      %swap3A_770 = arith.index_cast %scan3A_745 : i32 to index
      %swap3A_771 = arith.constant 16 : index
      %swap3A_772 = tpu.vector_load %arg19[%swap3A_770, %swap3A_771] {strides = array<i32>} : memref<56x72xf32, #tpu.memory_space<vmem>>, vector<1x16xf32>,
      %swap3A_773 = vector.shape_cast %swap3A_772 : vector<1x16xf32> to vector<16xf32>
      %swap3A_774 = vector.shape_cast %mul3A_769 : vector<16xf32> to vector<1x16xf32>
      tpu.vector_store %arg19[%swap3A_770, %swap3A_771], %swap3A_774 {strides = array<i32>} : memref<56x72xf32, #tpu.memory_space<vmem>>, vector<1x16xf32>,
      %get3A_775 = arith.index_cast %scan3A_745 : i32 to index
      %get3A_776 = arith.constant 32 : index
      %get3A_777 = tpu.vector_load %arg19[%get3A_775, %get3A_776] {strides = array<i32>} : memref<56x72xf32, #tpu.memory_space<vmem>>, vector<1x16xf32>,
      %get3A_778 = vector.shape_cast %get3A_777 : vector<1x16xf32> to vector<16xf32>
      %mul3A_779 = vector.broadcast %squeeze3A : f32 to vector<16xf32>
      %mul3A_780 = arith.mulf %get3A_778, %mul3A_779 : vector<16xf32>
      %swap3A_781 = arith.index_cast %scan3A_745 : i32 to index
      %swap3A_782 = arith.constant 32 : index
      %swap3A_783 = tpu.vector_load %arg19[%swap3A_781, %swap3A_782] {strides = array<i32>} : memref<56x72xf32, #tpu.memory_space<vmem>>, vector<1x16xf32>,
      %swap3A_784 = vector.shape_cast %swap3A_783 : vector<1x16xf32> to vector<16xf32>
      %swap3A_785 = vector.shape_cast %mul3A_780 : vector<16xf32> to vector<1x16xf32>
      tpu.vector_store %arg19[%swap3A_781, %swap3A_782], %swap3A_785 {strides = array<i32>} : memref<56x72xf32, #tpu.memory_space<vmem>>, vector<1x16xf32>,
      %get3A_786 = arith.index_cast %scan3A_745 : i32 to index
      %get3A_787 = arith.constant 48 : index
      %get3A_788 = tpu.vector_load %arg19[%get3A_786, %get3A_787] {strides = array<i32>} : memref<56x72xf32, #tpu.memory_space<vmem>>, vector<1x16xf32>,
      %get3A_789 = vector.shape_cast %get3A_788 : vector<1x16xf32> to vector<16xf32>
      %mul3A_790 = vector.broadcast %squeeze3A : f32 to vector<16xf32>
      %mul3A_791 = arith.mulf %get3A_789, %mul3A_790 : vector<16xf32>
      %swap3A_792 = arith.index_cast %scan3A_745 : i32 to index
      %swap3A_793 = arith.constant 48 : index
      %swap3A_794 = tpu.vector_load %arg19[%swap3A_792, %swap3A_793] {strides = array<i32>} : memref<56x72xf32, #tpu.memory_space<vmem>>, vector<1x16xf32>,
      %swap3A_795 = vector.shape_cast %swap3A_794 : vector<1x16xf32> to vector<16xf32>
      %swap3A_796 = vector.shape_cast %mul3A_791 : vector<16xf32> to vector<1x16xf32>
      tpu.vector_store %arg19[%swap3A_792, %swap3A_793], %swap3A_796 {strides = array<i32>} : memref<56x72xf32, #tpu.memory_space<vmem>>, vector<1x16xf32>,
      %get3A_797 = arith.index_cast %scan3A_745 : i32 to index
      %get3A_798 = arith.constant 56 : index
      %get3A_799 = tpu.vector_load %arg19[%get3A_797, %get3A_798] {strides = array<i32>} : memref<56x72xf32, #tpu.memory_space<vmem>>, vector<1x16xf32>,
      %get3A_800 = vector.shape_cast %get3A_799 : vector<1x16xf32> to vector<16xf32>
      %get3A_801 = arith.index_cast %scan3A_745 : i32 to index
      %get3A_802 = tpu.vector_load %arg20[%get3A_801] {strides = array<i32>} : memref<80xf32, #tpu.memory_space<vmem>>, vector<16xf32>,
      %get3A_803 = vector.shape_cast %get3A_802 : vector<16xf32> to vector<16xf32>
      %lt3A = arith.constant 8 : i32
      %lt3A_804 = vector.broadcast %lt3A : i32 to vector<16xi32>
      %lt3A_805 = arith.cmpi slt, %iota3A, %lt3A_804 : vector<16xi32>
      %select_n3A = arith.select %lt3A_805, %get3A_800, %get3A_803 : vector<16xi1>, vector<16xf32>
      %swap3A_806 = arith.index_cast %scan3A_745 : i32 to index
      %swap3A_807 = arith.constant 56 : index
      %swap3A_808 = tpu.vector_load %arg19[%swap3A_806, %swap3A_807] {strides = array<i32>} : memref<56x72xf32, #tpu.memory_space<vmem>>, vector<1x16xf32>,
      %swap3A_809 = vector.shape_cast %swap3A_808 : vector<1x16xf32> to vector<16xf32>
      %swap3A_810 = vector.shape_cast %select_n3A : vector<16xf32> to vector<1x16xf32>
      tpu.vector_store %arg19[%swap3A_806, %swap3A_807], %swap3A_810 {strides = array<i32>} : memref<56x72xf32, #tpu.memory_space<vmem>>, vector<1x16xf32>,
      %scan3A_811 = arith.constant 0 : i32
      scf.yield %scan3A_811 : i32
    }
    %scan3A_550 = arith.constant 56 : i32
    "tpu.region"() ({
      %run_scoped3A = tpu.sem_alloc : memref<!tpu.dma_semaphore, #tpu.memory_space<semaphore_mem>>
      %dma_start3A_745 = arith.constant 0 : i32
      %dma_start3A_746 = tpu.memref_slice %arg14[%add3A_523, %dma_start3A_745] : memref<20608x72xf32, #tpu.memory_space<vmem_shared>> -> memref<56x72xf32, #tpu.memory_space<vmem_shared>>
      %dma_start3A_747 = arith.constant 0 : i32
      %dma_start3A_748 = tpu.memref_slice %arg14[%add3A_523, %dma_start3A_747] : memref<20608x72xf32, #tpu.memory_space<vmem_shared>> -> memref<56x72xf32, #tpu.memory_space<vmem_shared>>
      tpu.enqueue_dma source(%arg19 : memref<56x72xf32, #tpu.memory_space<vmem>>) target(%dma_start3A_748 : memref<56x72xf32, #tpu.memory_space<vmem_shared>>) target_semaphore(%run_scoped3A : memref<!tpu.dma_semaphore, #tpu.memory_space<semaphore_mem>>)
      %dma_wait3A_749 = arith.constant 0 : i32
      %dma_wait3A_750 = tpu.memref_slice %arg14[%add3A_523, %dma_wait3A_749] : memref<20608x72xf32, #tpu.memory_space<vmem_shared>> -> memref<56x72xf32, #tpu.memory_space<vmem_shared>>
      %dma_wait3A_751 = arith.constant 0 : i32
      %dma_wait3A_752 = tpu.memref_slice %arg14[%add3A_523, %dma_wait3A_751] : memref<20608x72xf32, #tpu.memory_space<vmem_shared>> -> memref<56x72xf32, #tpu.memory_space<vmem_shared>>
      tpu.wait_dma2 semaphore(%run_scoped3A : memref<!tpu.dma_semaphore, #tpu.memory_space<semaphore_mem>>) src(%arg19 : memref<56x72xf32, #tpu.memory_space<vmem>>) dst(%dma_wait3A_752 : memref<56x72xf32, #tpu.memory_space<vmem_shared>>)
      tpu.yield
    }) : () -> ()
    %mul3A_551 = arith.constant 1288 : i32
    %mul3A_552 = arith.muli %arg1, %mul3A_551 : i32
    %add3A_553 = arith.constant 952 : i32
    %add3A_554 = arith.addi %mul3A_552, %add3A_553 : i32
    %dma_start3A_555 = arith.constant 0 : i32
    %dma_start3A_556 = tpu.memref_slice %arg14[%add3A_554, %dma_start3A_555] : memref<20608x72xf32, #tpu.memory_space<vmem_shared>> -> memref<56x72xf32, #tpu.memory_space<vmem_shared>>
    %dma_start3A_557 = arith.constant 0 : i32
    %dma_start3A_558 = tpu.memref_slice %arg14[%add3A_554, %dma_start3A_557] : memref<20608x72xf32, #tpu.memory_space<vmem_shared>> -> memref<56x72xf32, #tpu.memory_space<vmem_shared>>
    tpu.enqueue_dma source(%dma_start3A_558 : memref<56x72xf32, #tpu.memory_space<vmem_shared>>) target(%arg19 : memref<56x72xf32, #tpu.memory_space<vmem>>) target_semaphore(%arg23 : memref<!tpu.dma_semaphore, #tpu.memory_space<semaphore_mem>>)
    %dma_start3A_559 = arith.constant 8 : i32
    %dma_start3A_560 = tpu.memref_slice %arg20[%dma_start3A_559] : memref<80xf32, #tpu.memory_space<vmem>> -> memref<56xf32, #tpu.memory_space<vmem>>
    %dma_start3A_561 = tpu.memref_slice %arg4[%add3A_554] : memref<20608xf32, #tpu.memory_space<hbm>> -> memref<56xf32, #tpu.memory_space<hbm>>
    %dma_start3A_562 = arith.constant 8 : i32
    %dma_start3A_563 = tpu.memref_slice %arg20[%dma_start3A_562] : memref<80xf32, #tpu.memory_space<vmem>> -> memref<56xf32, #tpu.memory_space<vmem>>
    %dma_start3A_564 = tpu.memref_slice %arg4[%add3A_554] : memref<20608xf32, #tpu.memory_space<hbm>> -> memref<56xf32, #tpu.memory_space<hbm>>
    tpu.enqueue_dma source(%dma_start3A_564 : memref<56xf32, #tpu.memory_space<hbm>>) target(%dma_start3A_563 : memref<56xf32, #tpu.memory_space<vmem>>) target_semaphore(%arg26 : memref<!tpu.dma_semaphore, #tpu.memory_space<semaphore_mem>>)
    %dma_wait3A_565 = arith.constant 0 : i32
    %dma_wait3A_566 = tpu.memref_slice %arg14[%add3A_554, %dma_wait3A_565] : memref<20608x72xf32, #tpu.memory_space<vmem_shared>> -> memref<56x72xf32, #tpu.memory_space<vmem_shared>>
    %dma_wait3A_567 = arith.constant 0 : i32
    %dma_wait3A_568 = tpu.memref_slice %arg14[%add3A_554, %dma_wait3A_567] : memref<20608x72xf32, #tpu.memory_space<vmem_shared>> -> memref<56x72xf32, #tpu.memory_space<vmem_shared>>
    tpu.wait_dma2 semaphore(%arg23 : memref<!tpu.dma_semaphore, #tpu.memory_space<semaphore_mem>>) src(%dma_wait3A_568 : memref<56x72xf32, #tpu.memory_space<vmem_shared>>) dst(%arg19 : memref<56x72xf32, #tpu.memory_space<vmem>>)
    %dma_wait3A_569 = arith.constant 8 : i32
    %dma_wait3A_570 = tpu.memref_slice %arg20[%dma_wait3A_569] : memref<80xf32, #tpu.memory_space<vmem>> -> memref<56xf32, #tpu.memory_space<vmem>>
    %dma_wait3A_571 = tpu.memref_slice %arg4[%add3A_554] : memref<20608xf32, #tpu.memory_space<hbm>> -> memref<56xf32, #tpu.memory_space<hbm>>
    %dma_wait3A_572 = arith.constant 8 : i32
    %dma_wait3A_573 = tpu.memref_slice %arg20[%dma_wait3A_572] : memref<80xf32, #tpu.memory_space<vmem>> -> memref<56xf32, #tpu.memory_space<vmem>>
    %dma_wait3A_574 = tpu.memref_slice %arg4[%add3A_554] : memref<20608xf32, #tpu.memory_space<hbm>> -> memref<56xf32, #tpu.memory_space<hbm>>
    tpu.wait_dma2 semaphore(%arg26 : memref<!tpu.dma_semaphore, #tpu.memory_space<semaphore_mem>>) src(%dma_wait3A_574 : memref<56xf32, #tpu.memory_space<hbm>>) dst(%dma_wait3A_573 : memref<56xf32, #tpu.memory_space<vmem>>)
    %scan3A_575 = arith.constant 0 : i32
    %scan3A_576 = arith.constant 0 : i32
    %scan3A_577 = arith.constant 56 : i32
    %scan3A_578 = arith.addi %scan3A_576, %scan3A_577 : i32
    %scan3A_579 = arith.constant 1 : i32
    %scan3A_580 = scf.for %scan3A_745 = %scan3A_576 to %scan3A_578 step %scan3A_579 iter_args(%scan3A_746 = %scan3A_575) -> (i32)  : i32 {
      %get3A = arith.index_cast %scan3A_745 : i32 to index
      %get3A_747 = arith.constant 56 : index
      %get3A_748 = tpu.vector_load %arg19[%get3A, %get3A_747] {strides = array<i32>} : memref<56x72xf32, #tpu.memory_space<vmem>>, vector<1x16xf32>,
      %get3A_749 = vector.shape_cast %get3A_748 : vector<1x16xf32> to vector<16xf32>
      %max3A = arith.constant 1.000000e+00 : f32
      %max3A_750 = vector.broadcast %max3A : f32 to vector<16xf32>
      %max3A_751 = arith.maximumf %get3A_749, %max3A_750 : vector<16xf32>
      %div3A = arith.constant 1.000000e+00 : f32
      %div3A_752 = vector.broadcast %div3A : f32 to vector<16xf32>
      %div3A_753 = arith.divf %div3A_752, %max3A_751 : vector<16xf32>
      %slice3A = vector.extract_strided_slice %div3A_753 {offsets = [8], sizes = [1], strides = [1]} : vector<16xf32> to vector<1xf32>
      %squeeze3A = vector.extract %slice3A[0] : f32 from vector<1xf32>
      %get3A_754 = arith.index_cast %scan3A_745 : i32 to index
      %get3A_755 = arith.constant 0 : index
      %get3A_756 = tpu.vector_load %arg19[%get3A_754, %get3A_755] {strides = array<i32>} : memref<56x72xf32, #tpu.memory_space<vmem>>, vector<1x16xf32>,
      %get3A_757 = vector.shape_cast %get3A_756 : vector<1x16xf32> to vector<16xf32>
      %mul3A_758 = vector.broadcast %squeeze3A : f32 to vector<16xf32>
      %mul3A_759 = arith.mulf %get3A_757, %mul3A_758 : vector<16xf32>
      %swap3A = arith.index_cast %scan3A_745 : i32 to index
      %swap3A_760 = arith.constant 0 : index
      %swap3A_761 = tpu.vector_load %arg19[%swap3A, %swap3A_760] {strides = array<i32>} : memref<56x72xf32, #tpu.memory_space<vmem>>, vector<1x16xf32>,
      %swap3A_762 = vector.shape_cast %swap3A_761 : vector<1x16xf32> to vector<16xf32>
      %swap3A_763 = vector.shape_cast %mul3A_759 : vector<16xf32> to vector<1x16xf32>
      tpu.vector_store %arg19[%swap3A, %swap3A_760], %swap3A_763 {strides = array<i32>} : memref<56x72xf32, #tpu.memory_space<vmem>>, vector<1x16xf32>,
      %get3A_764 = arith.index_cast %scan3A_745 : i32 to index
      %get3A_765 = arith.constant 16 : index
      %get3A_766 = tpu.vector_load %arg19[%get3A_764, %get3A_765] {strides = array<i32>} : memref<56x72xf32, #tpu.memory_space<vmem>>, vector<1x16xf32>,
      %get3A_767 = vector.shape_cast %get3A_766 : vector<1x16xf32> to vector<16xf32>
      %mul3A_768 = vector.broadcast %squeeze3A : f32 to vector<16xf32>
      %mul3A_769 = arith.mulf %get3A_767, %mul3A_768 : vector<16xf32>
      %swap3A_770 = arith.index_cast %scan3A_745 : i32 to index
      %swap3A_771 = arith.constant 16 : index
      %swap3A_772 = tpu.vector_load %arg19[%swap3A_770, %swap3A_771] {strides = array<i32>} : memref<56x72xf32, #tpu.memory_space<vmem>>, vector<1x16xf32>,
      %swap3A_773 = vector.shape_cast %swap3A_772 : vector<1x16xf32> to vector<16xf32>
      %swap3A_774 = vector.shape_cast %mul3A_769 : vector<16xf32> to vector<1x16xf32>
      tpu.vector_store %arg19[%swap3A_770, %swap3A_771], %swap3A_774 {strides = array<i32>} : memref<56x72xf32, #tpu.memory_space<vmem>>, vector<1x16xf32>,
      %get3A_775 = arith.index_cast %scan3A_745 : i32 to index
      %get3A_776 = arith.constant 32 : index
      %get3A_777 = tpu.vector_load %arg19[%get3A_775, %get3A_776] {strides = array<i32>} : memref<56x72xf32, #tpu.memory_space<vmem>>, vector<1x16xf32>,
      %get3A_778 = vector.shape_cast %get3A_777 : vector<1x16xf32> to vector<16xf32>
      %mul3A_779 = vector.broadcast %squeeze3A : f32 to vector<16xf32>
      %mul3A_780 = arith.mulf %get3A_778, %mul3A_779 : vector<16xf32>
      %swap3A_781 = arith.index_cast %scan3A_745 : i32 to index
      %swap3A_782 = arith.constant 32 : index
      %swap3A_783 = tpu.vector_load %arg19[%swap3A_781, %swap3A_782] {strides = array<i32>} : memref<56x72xf32, #tpu.memory_space<vmem>>, vector<1x16xf32>,
      %swap3A_784 = vector.shape_cast %swap3A_783 : vector<1x16xf32> to vector<16xf32>
      %swap3A_785 = vector.shape_cast %mul3A_780 : vector<16xf32> to vector<1x16xf32>
      tpu.vector_store %arg19[%swap3A_781, %swap3A_782], %swap3A_785 {strides = array<i32>} : memref<56x72xf32, #tpu.memory_space<vmem>>, vector<1x16xf32>,
      %get3A_786 = arith.index_cast %scan3A_745 : i32 to index
      %get3A_787 = arith.constant 48 : index
      %get3A_788 = tpu.vector_load %arg19[%get3A_786, %get3A_787] {strides = array<i32>} : memref<56x72xf32, #tpu.memory_space<vmem>>, vector<1x16xf32>,
      %get3A_789 = vector.shape_cast %get3A_788 : vector<1x16xf32> to vector<16xf32>
      %mul3A_790 = vector.broadcast %squeeze3A : f32 to vector<16xf32>
      %mul3A_791 = arith.mulf %get3A_789, %mul3A_790 : vector<16xf32>
      %swap3A_792 = arith.index_cast %scan3A_745 : i32 to index
      %swap3A_793 = arith.constant 48 : index
      %swap3A_794 = tpu.vector_load %arg19[%swap3A_792, %swap3A_793] {strides = array<i32>} : memref<56x72xf32, #tpu.memory_space<vmem>>, vector<1x16xf32>,
      %swap3A_795 = vector.shape_cast %swap3A_794 : vector<1x16xf32> to vector<16xf32>
      %swap3A_796 = vector.shape_cast %mul3A_791 : vector<16xf32> to vector<1x16xf32>
      tpu.vector_store %arg19[%swap3A_792, %swap3A_793], %swap3A_796 {strides = array<i32>} : memref<56x72xf32, #tpu.memory_space<vmem>>, vector<1x16xf32>,
      %get3A_797 = arith.index_cast %scan3A_745 : i32 to index
      %get3A_798 = arith.constant 56 : index
      %get3A_799 = tpu.vector_load %arg19[%get3A_797, %get3A_798] {strides = array<i32>} : memref<56x72xf32, #tpu.memory_space<vmem>>, vector<1x16xf32>,
      %get3A_800 = vector.shape_cast %get3A_799 : vector<1x16xf32> to vector<16xf32>
      %get3A_801 = arith.index_cast %scan3A_745 : i32 to index
      %get3A_802 = tpu.vector_load %arg20[%get3A_801] {strides = array<i32>} : memref<80xf32, #tpu.memory_space<vmem>>, vector<16xf32>,
      %get3A_803 = vector.shape_cast %get3A_802 : vector<16xf32> to vector<16xf32>
      %lt3A = arith.constant 8 : i32
      %lt3A_804 = vector.broadcast %lt3A : i32 to vector<16xi32>
      %lt3A_805 = arith.cmpi slt, %iota3A, %lt3A_804 : vector<16xi32>
      %select_n3A = arith.select %lt3A_805, %get3A_800, %get3A_803 : vector<16xi1>, vector<16xf32>
      %swap3A_806 = arith.index_cast %scan3A_745 : i32 to index
      %swap3A_807 = arith.constant 56 : index
      %swap3A_808 = tpu.vector_load %arg19[%swap3A_806, %swap3A_807] {strides = array<i32>} : memref<56x72xf32, #tpu.memory_space<vmem>>, vector<1x16xf32>,
      %swap3A_809 = vector.shape_cast %swap3A_808 : vector<1x16xf32> to vector<16xf32>
      %swap3A_810 = vector.shape_cast %select_n3A : vector<16xf32> to vector<1x16xf32>
      tpu.vector_store %arg19[%swap3A_806, %swap3A_807], %swap3A_810 {strides = array<i32>} : memref<56x72xf32, #tpu.memory_space<vmem>>, vector<1x16xf32>,
      %scan3A_811 = arith.constant 0 : i32
      scf.yield %scan3A_811 : i32
    }
    %scan3A_581 = arith.constant 56 : i32
    "tpu.region"() ({
      %run_scoped3A = tpu.sem_alloc : memref<!tpu.dma_semaphore, #tpu.memory_space<semaphore_mem>>
      %dma_start3A_745 = arith.constant 0 : i32
      %dma_start3A_746 = tpu.memref_slice %arg14[%add3A_554, %dma_start3A_745] : memref<20608x72xf32, #tpu.memory_space<vmem_shared>> -> memref<56x72xf32, #tpu.memory_space<vmem_shared>>
      %dma_start3A_747 = arith.constant 0 : i32
      %dma_start3A_748 = tpu.memref_slice %arg14[%add3A_554, %dma_start3A_747] : memref<20608x72xf32, #tpu.memory_space<vmem_shared>> -> memref<56x72xf32, #tpu.memory_space<vmem_shared>>
      tpu.enqueue_dma source(%arg19 : memref<56x72xf32, #tpu.memory_space<vmem>>) target(%dma_start3A_748 : memref<56x72xf32, #tpu.memory_space<vmem_shared>>) target_semaphore(%run_scoped3A : memref<!tpu.dma_semaphore, #tpu.memory_space<semaphore_mem>>)
      %dma_wait3A_749 = arith.constant 0 : i32
      %dma_wait3A_750 = tpu.memref_slice %arg14[%add3A_554, %dma_wait3A_749] : memref<20608x72xf32, #tpu.memory_space<vmem_shared>> -> memref<56x72xf32, #tpu.memory_space<vmem_shared>>
      %dma_wait3A_751 = arith.constant 0 : i32
      %dma_wait3A_752 = tpu.memref_slice %arg14[%add3A_554, %dma_wait3A_751] : memref<20608x72xf32, #tpu.memory_space<vmem_shared>> -> memref<56x72xf32, #tpu.memory_space<vmem_shared>>
      tpu.wait_dma2 semaphore(%run_scoped3A : memref<!tpu.dma_semaphore, #tpu.memory_space<semaphore_mem>>) src(%arg19 : memref<56x72xf32, #tpu.memory_space<vmem>>) dst(%dma_wait3A_752 : memref<56x72xf32, #tpu.memory_space<vmem_shared>>)
      tpu.yield
    }) : () -> ()
    %mul3A_582 = arith.constant 1288 : i32
    %mul3A_583 = arith.muli %arg1, %mul3A_582 : i32
    %add3A_584 = arith.constant 1008 : i32
    %add3A_585 = arith.addi %mul3A_583, %add3A_584 : i32
    %dma_start3A_586 = arith.constant 0 : i32
    %dma_start3A_587 = tpu.memref_slice %arg14[%add3A_585, %dma_start3A_586] : memref<20608x72xf32, #tpu.memory_space<vmem_shared>> -> memref<56x72xf32, #tpu.memory_space<vmem_shared>>
    %dma_start3A_588 = arith.constant 0 : i32
    %dma_start3A_589 = tpu.memref_slice %arg14[%add3A_585, %dma_start3A_588] : memref<20608x72xf32, #tpu.memory_space<vmem_shared>> -> memref<56x72xf32, #tpu.memory_space<vmem_shared>>
    tpu.enqueue_dma source(%dma_start3A_589 : memref<56x72xf32, #tpu.memory_space<vmem_shared>>) target(%arg19 : memref<56x72xf32, #tpu.memory_space<vmem>>) target_semaphore(%arg23 : memref<!tpu.dma_semaphore, #tpu.memory_space<semaphore_mem>>)
    %dma_start3A_590 = arith.constant 8 : i32
    %dma_start3A_591 = tpu.memref_slice %arg20[%dma_start3A_590] : memref<80xf32, #tpu.memory_space<vmem>> -> memref<56xf32, #tpu.memory_space<vmem>>
    %dma_start3A_592 = tpu.memref_slice %arg4[%add3A_585] : memref<20608xf32, #tpu.memory_space<hbm>> -> memref<56xf32, #tpu.memory_space<hbm>>
    %dma_start3A_593 = arith.constant 8 : i32
    %dma_start3A_594 = tpu.memref_slice %arg20[%dma_start3A_593] : memref<80xf32, #tpu.memory_space<vmem>> -> memref<56xf32, #tpu.memory_space<vmem>>
    %dma_start3A_595 = tpu.memref_slice %arg4[%add3A_585] : memref<20608xf32, #tpu.memory_space<hbm>> -> memref<56xf32, #tpu.memory_space<hbm>>
    tpu.enqueue_dma source(%dma_start3A_595 : memref<56xf32, #tpu.memory_space<hbm>>) target(%dma_start3A_594 : memref<56xf32, #tpu.memory_space<vmem>>) target_semaphore(%arg26 : memref<!tpu.dma_semaphore, #tpu.memory_space<semaphore_mem>>)
    %dma_wait3A_596 = arith.constant 0 : i32
    %dma_wait3A_597 = tpu.memref_slice %arg14[%add3A_585, %dma_wait3A_596] : memref<20608x72xf32, #tpu.memory_space<vmem_shared>> -> memref<56x72xf32, #tpu.memory_space<vmem_shared>>
    %dma_wait3A_598 = arith.constant 0 : i32
    %dma_wait3A_599 = tpu.memref_slice %arg14[%add3A_585, %dma_wait3A_598] : memref<20608x72xf32, #tpu.memory_space<vmem_shared>> -> memref<56x72xf32, #tpu.memory_space<vmem_shared>>
    tpu.wait_dma2 semaphore(%arg23 : memref<!tpu.dma_semaphore, #tpu.memory_space<semaphore_mem>>) src(%dma_wait3A_599 : memref<56x72xf32, #tpu.memory_space<vmem_shared>>) dst(%arg19 : memref<56x72xf32, #tpu.memory_space<vmem>>)
    %dma_wait3A_600 = arith.constant 8 : i32
    %dma_wait3A_601 = tpu.memref_slice %arg20[%dma_wait3A_600] : memref<80xf32, #tpu.memory_space<vmem>> -> memref<56xf32, #tpu.memory_space<vmem>>
    %dma_wait3A_602 = tpu.memref_slice %arg4[%add3A_585] : memref<20608xf32, #tpu.memory_space<hbm>> -> memref<56xf32, #tpu.memory_space<hbm>>
    %dma_wait3A_603 = arith.constant 8 : i32
    %dma_wait3A_604 = tpu.memref_slice %arg20[%dma_wait3A_603] : memref<80xf32, #tpu.memory_space<vmem>> -> memref<56xf32, #tpu.memory_space<vmem>>
    %dma_wait3A_605 = tpu.memref_slice %arg4[%add3A_585] : memref<20608xf32, #tpu.memory_space<hbm>> -> memref<56xf32, #tpu.memory_space<hbm>>
    tpu.wait_dma2 semaphore(%arg26 : memref<!tpu.dma_semaphore, #tpu.memory_space<semaphore_mem>>) src(%dma_wait3A_605 : memref<56xf32, #tpu.memory_space<hbm>>) dst(%dma_wait3A_604 : memref<56xf32, #tpu.memory_space<vmem>>)
    %scan3A_606 = arith.constant 0 : i32
    %scan3A_607 = arith.constant 0 : i32
    %scan3A_608 = arith.constant 56 : i32
    %scan3A_609 = arith.addi %scan3A_607, %scan3A_608 : i32
    %scan3A_610 = arith.constant 1 : i32
    %scan3A_611 = scf.for %scan3A_745 = %scan3A_607 to %scan3A_609 step %scan3A_610 iter_args(%scan3A_746 = %scan3A_606) -> (i32)  : i32 {
      %get3A = arith.index_cast %scan3A_745 : i32 to index
      %get3A_747 = arith.constant 56 : index
      %get3A_748 = tpu.vector_load %arg19[%get3A, %get3A_747] {strides = array<i32>} : memref<56x72xf32, #tpu.memory_space<vmem>>, vector<1x16xf32>,
      %get3A_749 = vector.shape_cast %get3A_748 : vector<1x16xf32> to vector<16xf32>
      %max3A = arith.constant 1.000000e+00 : f32
      %max3A_750 = vector.broadcast %max3A : f32 to vector<16xf32>
      %max3A_751 = arith.maximumf %get3A_749, %max3A_750 : vector<16xf32>
      %div3A = arith.constant 1.000000e+00 : f32
      %div3A_752 = vector.broadcast %div3A : f32 to vector<16xf32>
      %div3A_753 = arith.divf %div3A_752, %max3A_751 : vector<16xf32>
      %slice3A = vector.extract_strided_slice %div3A_753 {offsets = [8], sizes = [1], strides = [1]} : vector<16xf32> to vector<1xf32>
      %squeeze3A = vector.extract %slice3A[0] : f32 from vector<1xf32>
      %get3A_754 = arith.index_cast %scan3A_745 : i32 to index
      %get3A_755 = arith.constant 0 : index
      %get3A_756 = tpu.vector_load %arg19[%get3A_754, %get3A_755] {strides = array<i32>} : memref<56x72xf32, #tpu.memory_space<vmem>>, vector<1x16xf32>,
      %get3A_757 = vector.shape_cast %get3A_756 : vector<1x16xf32> to vector<16xf32>
      %mul3A_758 = vector.broadcast %squeeze3A : f32 to vector<16xf32>
      %mul3A_759 = arith.mulf %get3A_757, %mul3A_758 : vector<16xf32>
      %swap3A = arith.index_cast %scan3A_745 : i32 to index
      %swap3A_760 = arith.constant 0 : index
      %swap3A_761 = tpu.vector_load %arg19[%swap3A, %swap3A_760] {strides = array<i32>} : memref<56x72xf32, #tpu.memory_space<vmem>>, vector<1x16xf32>,
      %swap3A_762 = vector.shape_cast %swap3A_761 : vector<1x16xf32> to vector<16xf32>
      %swap3A_763 = vector.shape_cast %mul3A_759 : vector<16xf32> to vector<1x16xf32>
      tpu.vector_store %arg19[%swap3A, %swap3A_760], %swap3A_763 {strides = array<i32>} : memref<56x72xf32, #tpu.memory_space<vmem>>, vector<1x16xf32>,
      %get3A_764 = arith.index_cast %scan3A_745 : i32 to index
      %get3A_765 = arith.constant 16 : index
      %get3A_766 = tpu.vector_load %arg19[%get3A_764, %get3A_765] {strides = array<i32>} : memref<56x72xf32, #tpu.memory_space<vmem>>, vector<1x16xf32>,
      %get3A_767 = vector.shape_cast %get3A_766 : vector<1x16xf32> to vector<16xf32>
      %mul3A_768 = vector.broadcast %squeeze3A : f32 to vector<16xf32>
      %mul3A_769 = arith.mulf %get3A_767, %mul3A_768 : vector<16xf32>
      %swap3A_770 = arith.index_cast %scan3A_745 : i32 to index
      %swap3A_771 = arith.constant 16 : index
      %swap3A_772 = tpu.vector_load %arg19[%swap3A_770, %swap3A_771] {strides = array<i32>} : memref<56x72xf32, #tpu.memory_space<vmem>>, vector<1x16xf32>,
      %swap3A_773 = vector.shape_cast %swap3A_772 : vector<1x16xf32> to vector<16xf32>
      %swap3A_774 = vector.shape_cast %mul3A_769 : vector<16xf32> to vector<1x16xf32>
      tpu.vector_store %arg19[%swap3A_770, %swap3A_771], %swap3A_774 {strides = array<i32>} : memref<56x72xf32, #tpu.memory_space<vmem>>, vector<1x16xf32>,
      %get3A_775 = arith.index_cast %scan3A_745 : i32 to index
      %get3A_776 = arith.constant 32 : index
      %get3A_777 = tpu.vector_load %arg19[%get3A_775, %get3A_776] {strides = array<i32>} : memref<56x72xf32, #tpu.memory_space<vmem>>, vector<1x16xf32>,
      %get3A_778 = vector.shape_cast %get3A_777 : vector<1x16xf32> to vector<16xf32>
      %mul3A_779 = vector.broadcast %squeeze3A : f32 to vector<16xf32>
      %mul3A_780 = arith.mulf %get3A_778, %mul3A_779 : vector<16xf32>
      %swap3A_781 = arith.index_cast %scan3A_745 : i32 to index
      %swap3A_782 = arith.constant 32 : index
      %swap3A_783 = tpu.vector_load %arg19[%swap3A_781, %swap3A_782] {strides = array<i32>} : memref<56x72xf32, #tpu.memory_space<vmem>>, vector<1x16xf32>,
      %swap3A_784 = vector.shape_cast %swap3A_783 : vector<1x16xf32> to vector<16xf32>
      %swap3A_785 = vector.shape_cast %mul3A_780 : vector<16xf32> to vector<1x16xf32>
      tpu.vector_store %arg19[%swap3A_781, %swap3A_782], %swap3A_785 {strides = array<i32>} : memref<56x72xf32, #tpu.memory_space<vmem>>, vector<1x16xf32>,
      %get3A_786 = arith.index_cast %scan3A_745 : i32 to index
      %get3A_787 = arith.constant 48 : index
      %get3A_788 = tpu.vector_load %arg19[%get3A_786, %get3A_787] {strides = array<i32>} : memref<56x72xf32, #tpu.memory_space<vmem>>, vector<1x16xf32>,
      %get3A_789 = vector.shape_cast %get3A_788 : vector<1x16xf32> to vector<16xf32>
      %mul3A_790 = vector.broadcast %squeeze3A : f32 to vector<16xf32>
      %mul3A_791 = arith.mulf %get3A_789, %mul3A_790 : vector<16xf32>
      %swap3A_792 = arith.index_cast %scan3A_745 : i32 to index
      %swap3A_793 = arith.constant 48 : index
      %swap3A_794 = tpu.vector_load %arg19[%swap3A_792, %swap3A_793] {strides = array<i32>} : memref<56x72xf32, #tpu.memory_space<vmem>>, vector<1x16xf32>,
      %swap3A_795 = vector.shape_cast %swap3A_794 : vector<1x16xf32> to vector<16xf32>
      %swap3A_796 = vector.shape_cast %mul3A_791 : vector<16xf32> to vector<1x16xf32>
      tpu.vector_store %arg19[%swap3A_792, %swap3A_793], %swap3A_796 {strides = array<i32>} : memref<56x72xf32, #tpu.memory_space<vmem>>, vector<1x16xf32>,
      %get3A_797 = arith.index_cast %scan3A_745 : i32 to index
      %get3A_798 = arith.constant 56 : index
      %get3A_799 = tpu.vector_load %arg19[%get3A_797, %get3A_798] {strides = array<i32>} : memref<56x72xf32, #tpu.memory_space<vmem>>, vector<1x16xf32>,
      %get3A_800 = vector.shape_cast %get3A_799 : vector<1x16xf32> to vector<16xf32>
      %get3A_801 = arith.index_cast %scan3A_745 : i32 to index
      %get3A_802 = tpu.vector_load %arg20[%get3A_801] {strides = array<i32>} : memref<80xf32, #tpu.memory_space<vmem>>, vector<16xf32>,
      %get3A_803 = vector.shape_cast %get3A_802 : vector<16xf32> to vector<16xf32>
      %lt3A = arith.constant 8 : i32
      %lt3A_804 = vector.broadcast %lt3A : i32 to vector<16xi32>
      %lt3A_805 = arith.cmpi slt, %iota3A, %lt3A_804 : vector<16xi32>
      %select_n3A = arith.select %lt3A_805, %get3A_800, %get3A_803 : vector<16xi1>, vector<16xf32>
      %swap3A_806 = arith.index_cast %scan3A_745 : i32 to index
      %swap3A_807 = arith.constant 56 : index
      %swap3A_808 = tpu.vector_load %arg19[%swap3A_806, %swap3A_807] {strides = array<i32>} : memref<56x72xf32, #tpu.memory_space<vmem>>, vector<1x16xf32>,
      %swap3A_809 = vector.shape_cast %swap3A_808 : vector<1x16xf32> to vector<16xf32>
      %swap3A_810 = vector.shape_cast %select_n3A : vector<16xf32> to vector<1x16xf32>
      tpu.vector_store %arg19[%swap3A_806, %swap3A_807], %swap3A_810 {strides = array<i32>} : memref<56x72xf32, #tpu.memory_space<vmem>>, vector<1x16xf32>,
      %scan3A_811 = arith.constant 0 : i32
      scf.yield %scan3A_811 : i32
    }
    %scan3A_612 = arith.constant 56 : i32
    "tpu.region"() ({
      %run_scoped3A = tpu.sem_alloc : memref<!tpu.dma_semaphore, #tpu.memory_space<semaphore_mem>>
      %dma_start3A_745 = arith.constant 0 : i32
      %dma_start3A_746 = tpu.memref_slice %arg14[%add3A_585, %dma_start3A_745] : memref<20608x72xf32, #tpu.memory_space<vmem_shared>> -> memref<56x72xf32, #tpu.memory_space<vmem_shared>>
      %dma_start3A_747 = arith.constant 0 : i32
      %dma_start3A_748 = tpu.memref_slice %arg14[%add3A_585, %dma_start3A_747] : memref<20608x72xf32, #tpu.memory_space<vmem_shared>> -> memref<56x72xf32, #tpu.memory_space<vmem_shared>>
      tpu.enqueue_dma source(%arg19 : memref<56x72xf32, #tpu.memory_space<vmem>>) target(%dma_start3A_748 : memref<56x72xf32, #tpu.memory_space<vmem_shared>>) target_semaphore(%run_scoped3A : memref<!tpu.dma_semaphore, #tpu.memory_space<semaphore_mem>>)
      %dma_wait3A_749 = arith.constant 0 : i32
      %dma_wait3A_750 = tpu.memref_slice %arg14[%add3A_585, %dma_wait3A_749] : memref<20608x72xf32, #tpu.memory_space<vmem_shared>> -> memref<56x72xf32, #tpu.memory_space<vmem_shared>>
      %dma_wait3A_751 = arith.constant 0 : i32
      %dma_wait3A_752 = tpu.memref_slice %arg14[%add3A_585, %dma_wait3A_751] : memref<20608x72xf32, #tpu.memory_space<vmem_shared>> -> memref<56x72xf32, #tpu.memory_space<vmem_shared>>
      tpu.wait_dma2 semaphore(%run_scoped3A : memref<!tpu.dma_semaphore, #tpu.memory_space<semaphore_mem>>) src(%arg19 : memref<56x72xf32, #tpu.memory_space<vmem>>) dst(%dma_wait3A_752 : memref<56x72xf32, #tpu.memory_space<vmem_shared>>)
      tpu.yield
    }) : () -> ()
    %mul3A_613 = arith.constant 1288 : i32
    %mul3A_614 = arith.muli %arg1, %mul3A_613 : i32
    %add3A_615 = arith.constant 1064 : i32
    %add3A_616 = arith.addi %mul3A_614, %add3A_615 : i32
    %dma_start3A_617 = arith.constant 0 : i32
    %dma_start3A_618 = tpu.memref_slice %arg14[%add3A_616, %dma_start3A_617] : memref<20608x72xf32, #tpu.memory_space<vmem_shared>> -> memref<56x72xf32, #tpu.memory_space<vmem_shared>>
    %dma_start3A_619 = arith.constant 0 : i32
    %dma_start3A_620 = tpu.memref_slice %arg14[%add3A_616, %dma_start3A_619] : memref<20608x72xf32, #tpu.memory_space<vmem_shared>> -> memref<56x72xf32, #tpu.memory_space<vmem_shared>>
    tpu.enqueue_dma source(%dma_start3A_620 : memref<56x72xf32, #tpu.memory_space<vmem_shared>>) target(%arg19 : memref<56x72xf32, #tpu.memory_space<vmem>>) target_semaphore(%arg23 : memref<!tpu.dma_semaphore, #tpu.memory_space<semaphore_mem>>)
    %dma_start3A_621 = arith.constant 8 : i32
    %dma_start3A_622 = tpu.memref_slice %arg20[%dma_start3A_621] : memref<80xf32, #tpu.memory_space<vmem>> -> memref<56xf32, #tpu.memory_space<vmem>>
    %dma_start3A_623 = tpu.memref_slice %arg4[%add3A_616] : memref<20608xf32, #tpu.memory_space<hbm>> -> memref<56xf32, #tpu.memory_space<hbm>>
    %dma_start3A_624 = arith.constant 8 : i32
    %dma_start3A_625 = tpu.memref_slice %arg20[%dma_start3A_624] : memref<80xf32, #tpu.memory_space<vmem>> -> memref<56xf32, #tpu.memory_space<vmem>>
    %dma_start3A_626 = tpu.memref_slice %arg4[%add3A_616] : memref<20608xf32, #tpu.memory_space<hbm>> -> memref<56xf32, #tpu.memory_space<hbm>>
    tpu.enqueue_dma source(%dma_start3A_626 : memref<56xf32, #tpu.memory_space<hbm>>) target(%dma_start3A_625 : memref<56xf32, #tpu.memory_space<vmem>>) target_semaphore(%arg26 : memref<!tpu.dma_semaphore, #tpu.memory_space<semaphore_mem>>)
    %dma_wait3A_627 = arith.constant 0 : i32
    %dma_wait3A_628 = tpu.memref_slice %arg14[%add3A_616, %dma_wait3A_627] : memref<20608x72xf32, #tpu.memory_space<vmem_shared>> -> memref<56x72xf32, #tpu.memory_space<vmem_shared>>
    %dma_wait3A_629 = arith.constant 0 : i32
    %dma_wait3A_630 = tpu.memref_slice %arg14[%add3A_616, %dma_wait3A_629] : memref<20608x72xf32, #tpu.memory_space<vmem_shared>> -> memref<56x72xf32, #tpu.memory_space<vmem_shared>>
    tpu.wait_dma2 semaphore(%arg23 : memref<!tpu.dma_semaphore, #tpu.memory_space<semaphore_mem>>) src(%dma_wait3A_630 : memref<56x72xf32, #tpu.memory_space<vmem_shared>>) dst(%arg19 : memref<56x72xf32, #tpu.memory_space<vmem>>)
    %dma_wait3A_631 = arith.constant 8 : i32
    %dma_wait3A_632 = tpu.memref_slice %arg20[%dma_wait3A_631] : memref<80xf32, #tpu.memory_space<vmem>> -> memref<56xf32, #tpu.memory_space<vmem>>
    %dma_wait3A_633 = tpu.memref_slice %arg4[%add3A_616] : memref<20608xf32, #tpu.memory_space<hbm>> -> memref<56xf32, #tpu.memory_space<hbm>>
    %dma_wait3A_634 = arith.constant 8 : i32
    %dma_wait3A_635 = tpu.memref_slice %arg20[%dma_wait3A_634] : memref<80xf32, #tpu.memory_space<vmem>> -> memref<56xf32, #tpu.memory_space<vmem>>
    %dma_wait3A_636 = tpu.memref_slice %arg4[%add3A_616] : memref<20608xf32, #tpu.memory_space<hbm>> -> memref<56xf32, #tpu.memory_space<hbm>>
    tpu.wait_dma2 semaphore(%arg26 : memref<!tpu.dma_semaphore, #tpu.memory_space<semaphore_mem>>) src(%dma_wait3A_636 : memref<56xf32, #tpu.memory_space<hbm>>) dst(%dma_wait3A_635 : memref<56xf32, #tpu.memory_space<vmem>>)
    %scan3A_637 = arith.constant 0 : i32
    %scan3A_638 = arith.constant 0 : i32
    %scan3A_639 = arith.constant 56 : i32
    %scan3A_640 = arith.addi %scan3A_638, %scan3A_639 : i32
    %scan3A_641 = arith.constant 1 : i32
    %scan3A_642 = scf.for %scan3A_745 = %scan3A_638 to %scan3A_640 step %scan3A_641 iter_args(%scan3A_746 = %scan3A_637) -> (i32)  : i32 {
      %get3A = arith.index_cast %scan3A_745 : i32 to index
      %get3A_747 = arith.constant 56 : index
      %get3A_748 = tpu.vector_load %arg19[%get3A, %get3A_747] {strides = array<i32>} : memref<56x72xf32, #tpu.memory_space<vmem>>, vector<1x16xf32>,
      %get3A_749 = vector.shape_cast %get3A_748 : vector<1x16xf32> to vector<16xf32>
      %max3A = arith.constant 1.000000e+00 : f32
      %max3A_750 = vector.broadcast %max3A : f32 to vector<16xf32>
      %max3A_751 = arith.maximumf %get3A_749, %max3A_750 : vector<16xf32>
      %div3A = arith.constant 1.000000e+00 : f32
      %div3A_752 = vector.broadcast %div3A : f32 to vector<16xf32>
      %div3A_753 = arith.divf %div3A_752, %max3A_751 : vector<16xf32>
      %slice3A = vector.extract_strided_slice %div3A_753 {offsets = [8], sizes = [1], strides = [1]} : vector<16xf32> to vector<1xf32>
      %squeeze3A = vector.extract %slice3A[0] : f32 from vector<1xf32>
      %get3A_754 = arith.index_cast %scan3A_745 : i32 to index
      %get3A_755 = arith.constant 0 : index
      %get3A_756 = tpu.vector_load %arg19[%get3A_754, %get3A_755] {strides = array<i32>} : memref<56x72xf32, #tpu.memory_space<vmem>>, vector<1x16xf32>,
      %get3A_757 = vector.shape_cast %get3A_756 : vector<1x16xf32> to vector<16xf32>
      %mul3A_758 = vector.broadcast %squeeze3A : f32 to vector<16xf32>
      %mul3A_759 = arith.mulf %get3A_757, %mul3A_758 : vector<16xf32>
      %swap3A = arith.index_cast %scan3A_745 : i32 to index
      %swap3A_760 = arith.constant 0 : index
      %swap3A_761 = tpu.vector_load %arg19[%swap3A, %swap3A_760] {strides = array<i32>} : memref<56x72xf32, #tpu.memory_space<vmem>>, vector<1x16xf32>,
      %swap3A_762 = vector.shape_cast %swap3A_761 : vector<1x16xf32> to vector<16xf32>
      %swap3A_763 = vector.shape_cast %mul3A_759 : vector<16xf32> to vector<1x16xf32>
      tpu.vector_store %arg19[%swap3A, %swap3A_760], %swap3A_763 {strides = array<i32>} : memref<56x72xf32, #tpu.memory_space<vmem>>, vector<1x16xf32>,
      %get3A_764 = arith.index_cast %scan3A_745 : i32 to index
      %get3A_765 = arith.constant 16 : index
      %get3A_766 = tpu.vector_load %arg19[%get3A_764, %get3A_765] {strides = array<i32>} : memref<56x72xf32, #tpu.memory_space<vmem>>, vector<1x16xf32>,
      %get3A_767 = vector.shape_cast %get3A_766 : vector<1x16xf32> to vector<16xf32>
      %mul3A_768 = vector.broadcast %squeeze3A : f32 to vector<16xf32>
      %mul3A_769 = arith.mulf %get3A_767, %mul3A_768 : vector<16xf32>
      %swap3A_770 = arith.index_cast %scan3A_745 : i32 to index
      %swap3A_771 = arith.constant 16 : index
      %swap3A_772 = tpu.vector_load %arg19[%swap3A_770, %swap3A_771] {strides = array<i32>} : memref<56x72xf32, #tpu.memory_space<vmem>>, vector<1x16xf32>,
      %swap3A_773 = vector.shape_cast %swap3A_772 : vector<1x16xf32> to vector<16xf32>
      %swap3A_774 = vector.shape_cast %mul3A_769 : vector<16xf32> to vector<1x16xf32>
      tpu.vector_store %arg19[%swap3A_770, %swap3A_771], %swap3A_774 {strides = array<i32>} : memref<56x72xf32, #tpu.memory_space<vmem>>, vector<1x16xf32>,
      %get3A_775 = arith.index_cast %scan3A_745 : i32 to index
      %get3A_776 = arith.constant 32 : index
      %get3A_777 = tpu.vector_load %arg19[%get3A_775, %get3A_776] {strides = array<i32>} : memref<56x72xf32, #tpu.memory_space<vmem>>, vector<1x16xf32>,
      %get3A_778 = vector.shape_cast %get3A_777 : vector<1x16xf32> to vector<16xf32>
      %mul3A_779 = vector.broadcast %squeeze3A : f32 to vector<16xf32>
      %mul3A_780 = arith.mulf %get3A_778, %mul3A_779 : vector<16xf32>
      %swap3A_781 = arith.index_cast %scan3A_745 : i32 to index
      %swap3A_782 = arith.constant 32 : index
      %swap3A_783 = tpu.vector_load %arg19[%swap3A_781, %swap3A_782] {strides = array<i32>} : memref<56x72xf32, #tpu.memory_space<vmem>>, vector<1x16xf32>,
      %swap3A_784 = vector.shape_cast %swap3A_783 : vector<1x16xf32> to vector<16xf32>
      %swap3A_785 = vector.shape_cast %mul3A_780 : vector<16xf32> to vector<1x16xf32>
      tpu.vector_store %arg19[%swap3A_781, %swap3A_782], %swap3A_785 {strides = array<i32>} : memref<56x72xf32, #tpu.memory_space<vmem>>, vector<1x16xf32>,
      %get3A_786 = arith.index_cast %scan3A_745 : i32 to index
      %get3A_787 = arith.constant 48 : index
      %get3A_788 = tpu.vector_load %arg19[%get3A_786, %get3A_787] {strides = array<i32>} : memref<56x72xf32, #tpu.memory_space<vmem>>, vector<1x16xf32>,
      %get3A_789 = vector.shape_cast %get3A_788 : vector<1x16xf32> to vector<16xf32>
      %mul3A_790 = vector.broadcast %squeeze3A : f32 to vector<16xf32>
      %mul3A_791 = arith.mulf %get3A_789, %mul3A_790 : vector<16xf32>
      %swap3A_792 = arith.index_cast %scan3A_745 : i32 to index
      %swap3A_793 = arith.constant 48 : index
      %swap3A_794 = tpu.vector_load %arg19[%swap3A_792, %swap3A_793] {strides = array<i32>} : memref<56x72xf32, #tpu.memory_space<vmem>>, vector<1x16xf32>,
      %swap3A_795 = vector.shape_cast %swap3A_794 : vector<1x16xf32> to vector<16xf32>
      %swap3A_796 = vector.shape_cast %mul3A_791 : vector<16xf32> to vector<1x16xf32>
      tpu.vector_store %arg19[%swap3A_792, %swap3A_793], %swap3A_796 {strides = array<i32>} : memref<56x72xf32, #tpu.memory_space<vmem>>, vector<1x16xf32>,
      %get3A_797 = arith.index_cast %scan3A_745 : i32 to index
      %get3A_798 = arith.constant 56 : index
      %get3A_799 = tpu.vector_load %arg19[%get3A_797, %get3A_798] {strides = array<i32>} : memref<56x72xf32, #tpu.memory_space<vmem>>, vector<1x16xf32>,
      %get3A_800 = vector.shape_cast %get3A_799 : vector<1x16xf32> to vector<16xf32>
      %get3A_801 = arith.index_cast %scan3A_745 : i32 to index
      %get3A_802 = tpu.vector_load %arg20[%get3A_801] {strides = array<i32>} : memref<80xf32, #tpu.memory_space<vmem>>, vector<16xf32>,
      %get3A_803 = vector.shape_cast %get3A_802 : vector<16xf32> to vector<16xf32>
      %lt3A = arith.constant 8 : i32
      %lt3A_804 = vector.broadcast %lt3A : i32 to vector<16xi32>
      %lt3A_805 = arith.cmpi slt, %iota3A, %lt3A_804 : vector<16xi32>
      %select_n3A = arith.select %lt3A_805, %get3A_800, %get3A_803 : vector<16xi1>, vector<16xf32>
      %swap3A_806 = arith.index_cast %scan3A_745 : i32 to index
      %swap3A_807 = arith.constant 56 : index
      %swap3A_808 = tpu.vector_load %arg19[%swap3A_806, %swap3A_807] {strides = array<i32>} : memref<56x72xf32, #tpu.memory_space<vmem>>, vector<1x16xf32>,
      %swap3A_809 = vector.shape_cast %swap3A_808 : vector<1x16xf32> to vector<16xf32>
      %swap3A_810 = vector.shape_cast %select_n3A : vector<16xf32> to vector<1x16xf32>
      tpu.vector_store %arg19[%swap3A_806, %swap3A_807], %swap3A_810 {strides = array<i32>} : memref<56x72xf32, #tpu.memory_space<vmem>>, vector<1x16xf32>,
      %scan3A_811 = arith.constant 0 : i32
      scf.yield %scan3A_811 : i32
    }
    %scan3A_643 = arith.constant 56 : i32
    "tpu.region"() ({
      %run_scoped3A = tpu.sem_alloc : memref<!tpu.dma_semaphore, #tpu.memory_space<semaphore_mem>>
      %dma_start3A_745 = arith.constant 0 : i32
      %dma_start3A_746 = tpu.memref_slice %arg14[%add3A_616, %dma_start3A_745] : memref<20608x72xf32, #tpu.memory_space<vmem_shared>> -> memref<56x72xf32, #tpu.memory_space<vmem_shared>>
      %dma_start3A_747 = arith.constant 0 : i32
      %dma_start3A_748 = tpu.memref_slice %arg14[%add3A_616, %dma_start3A_747] : memref<20608x72xf32, #tpu.memory_space<vmem_shared>> -> memref<56x72xf32, #tpu.memory_space<vmem_shared>>
      tpu.enqueue_dma source(%arg19 : memref<56x72xf32, #tpu.memory_space<vmem>>) target(%dma_start3A_748 : memref<56x72xf32, #tpu.memory_space<vmem_shared>>) target_semaphore(%run_scoped3A : memref<!tpu.dma_semaphore, #tpu.memory_space<semaphore_mem>>)
      %dma_wait3A_749 = arith.constant 0 : i32
      %dma_wait3A_750 = tpu.memref_slice %arg14[%add3A_616, %dma_wait3A_749] : memref<20608x72xf32, #tpu.memory_space<vmem_shared>> -> memref<56x72xf32, #tpu.memory_space<vmem_shared>>
      %dma_wait3A_751 = arith.constant 0 : i32
      %dma_wait3A_752 = tpu.memref_slice %arg14[%add3A_616, %dma_wait3A_751] : memref<20608x72xf32, #tpu.memory_space<vmem_shared>> -> memref<56x72xf32, #tpu.memory_space<vmem_shared>>
      tpu.wait_dma2 semaphore(%run_scoped3A : memref<!tpu.dma_semaphore, #tpu.memory_space<semaphore_mem>>) src(%arg19 : memref<56x72xf32, #tpu.memory_space<vmem>>) dst(%dma_wait3A_752 : memref<56x72xf32, #tpu.memory_space<vmem_shared>>)
      tpu.yield
    }) : () -> ()
    %mul3A_644 = arith.constant 1288 : i32
    %mul3A_645 = arith.muli %arg1, %mul3A_644 : i32
    %add3A_646 = arith.constant 1120 : i32
    %add3A_647 = arith.addi %mul3A_645, %add3A_646 : i32
    %dma_start3A_648 = arith.constant 0 : i32
    %dma_start3A_649 = tpu.memref_slice %arg14[%add3A_647, %dma_start3A_648] : memref<20608x72xf32, #tpu.memory_space<vmem_shared>> -> memref<56x72xf32, #tpu.memory_space<vmem_shared>>
    %dma_start3A_650 = arith.constant 0 : i32
    %dma_start3A_651 = tpu.memref_slice %arg14[%add3A_647, %dma_start3A_650] : memref<20608x72xf32, #tpu.memory_space<vmem_shared>> -> memref<56x72xf32, #tpu.memory_space<vmem_shared>>
    tpu.enqueue_dma source(%dma_start3A_651 : memref<56x72xf32, #tpu.memory_space<vmem_shared>>) target(%arg19 : memref<56x72xf32, #tpu.memory_space<vmem>>) target_semaphore(%arg23 : memref<!tpu.dma_semaphore, #tpu.memory_space<semaphore_mem>>)
    %dma_start3A_652 = arith.constant 8 : i32
    %dma_start3A_653 = tpu.memref_slice %arg20[%dma_start3A_652] : memref<80xf32, #tpu.memory_space<vmem>> -> memref<56xf32, #tpu.memory_space<vmem>>
    %dma_start3A_654 = tpu.memref_slice %arg4[%add3A_647] : memref<20608xf32, #tpu.memory_space<hbm>> -> memref<56xf32, #tpu.memory_space<hbm>>
    %dma_start3A_655 = arith.constant 8 : i32
    %dma_start3A_656 = tpu.memref_slice %arg20[%dma_start3A_655] : memref<80xf32, #tpu.memory_space<vmem>> -> memref<56xf32, #tpu.memory_space<vmem>>
    %dma_start3A_657 = tpu.memref_slice %arg4[%add3A_647] : memref<20608xf32, #tpu.memory_space<hbm>> -> memref<56xf32, #tpu.memory_space<hbm>>
    tpu.enqueue_dma source(%dma_start3A_657 : memref<56xf32, #tpu.memory_space<hbm>>) target(%dma_start3A_656 : memref<56xf32, #tpu.memory_space<vmem>>) target_semaphore(%arg26 : memref<!tpu.dma_semaphore, #tpu.memory_space<semaphore_mem>>)
    %dma_wait3A_658 = arith.constant 0 : i32
    %dma_wait3A_659 = tpu.memref_slice %arg14[%add3A_647, %dma_wait3A_658] : memref<20608x72xf32, #tpu.memory_space<vmem_shared>> -> memref<56x72xf32, #tpu.memory_space<vmem_shared>>
    %dma_wait3A_660 = arith.constant 0 : i32
    %dma_wait3A_661 = tpu.memref_slice %arg14[%add3A_647, %dma_wait3A_660] : memref<20608x72xf32, #tpu.memory_space<vmem_shared>> -> memref<56x72xf32, #tpu.memory_space<vmem_shared>>
    tpu.wait_dma2 semaphore(%arg23 : memref<!tpu.dma_semaphore, #tpu.memory_space<semaphore_mem>>) src(%dma_wait3A_661 : memref<56x72xf32, #tpu.memory_space<vmem_shared>>) dst(%arg19 : memref<56x72xf32, #tpu.memory_space<vmem>>)
    %dma_wait3A_662 = arith.constant 8 : i32
    %dma_wait3A_663 = tpu.memref_slice %arg20[%dma_wait3A_662] : memref<80xf32, #tpu.memory_space<vmem>> -> memref<56xf32, #tpu.memory_space<vmem>>
    %dma_wait3A_664 = tpu.memref_slice %arg4[%add3A_647] : memref<20608xf32, #tpu.memory_space<hbm>> -> memref<56xf32, #tpu.memory_space<hbm>>
    %dma_wait3A_665 = arith.constant 8 : i32
    %dma_wait3A_666 = tpu.memref_slice %arg20[%dma_wait3A_665] : memref<80xf32, #tpu.memory_space<vmem>> -> memref<56xf32, #tpu.memory_space<vmem>>
    %dma_wait3A_667 = tpu.memref_slice %arg4[%add3A_647] : memref<20608xf32, #tpu.memory_space<hbm>> -> memref<56xf32, #tpu.memory_space<hbm>>
    tpu.wait_dma2 semaphore(%arg26 : memref<!tpu.dma_semaphore, #tpu.memory_space<semaphore_mem>>) src(%dma_wait3A_667 : memref<56xf32, #tpu.memory_space<hbm>>) dst(%dma_wait3A_666 : memref<56xf32, #tpu.memory_space<vmem>>)
    %scan3A_668 = arith.constant 0 : i32
    %scan3A_669 = arith.constant 0 : i32
    %scan3A_670 = arith.constant 56 : i32
    %scan3A_671 = arith.addi %scan3A_669, %scan3A_670 : i32
    %scan3A_672 = arith.constant 1 : i32
    %scan3A_673 = scf.for %scan3A_745 = %scan3A_669 to %scan3A_671 step %scan3A_672 iter_args(%scan3A_746 = %scan3A_668) -> (i32)  : i32 {
      %get3A = arith.index_cast %scan3A_745 : i32 to index
      %get3A_747 = arith.constant 56 : index
      %get3A_748 = tpu.vector_load %arg19[%get3A, %get3A_747] {strides = array<i32>} : memref<56x72xf32, #tpu.memory_space<vmem>>, vector<1x16xf32>,
      %get3A_749 = vector.shape_cast %get3A_748 : vector<1x16xf32> to vector<16xf32>
      %max3A = arith.constant 1.000000e+00 : f32
      %max3A_750 = vector.broadcast %max3A : f32 to vector<16xf32>
      %max3A_751 = arith.maximumf %get3A_749, %max3A_750 : vector<16xf32>
      %div3A = arith.constant 1.000000e+00 : f32
      %div3A_752 = vector.broadcast %div3A : f32 to vector<16xf32>
      %div3A_753 = arith.divf %div3A_752, %max3A_751 : vector<16xf32>
      %slice3A = vector.extract_strided_slice %div3A_753 {offsets = [8], sizes = [1], strides = [1]} : vector<16xf32> to vector<1xf32>
      %squeeze3A = vector.extract %slice3A[0] : f32 from vector<1xf32>
      %get3A_754 = arith.index_cast %scan3A_745 : i32 to index
      %get3A_755 = arith.constant 0 : index
      %get3A_756 = tpu.vector_load %arg19[%get3A_754, %get3A_755] {strides = array<i32>} : memref<56x72xf32, #tpu.memory_space<vmem>>, vector<1x16xf32>,
      %get3A_757 = vector.shape_cast %get3A_756 : vector<1x16xf32> to vector<16xf32>
      %mul3A_758 = vector.broadcast %squeeze3A : f32 to vector<16xf32>
      %mul3A_759 = arith.mulf %get3A_757, %mul3A_758 : vector<16xf32>
      %swap3A = arith.index_cast %scan3A_745 : i32 to index
      %swap3A_760 = arith.constant 0 : index
      %swap3A_761 = tpu.vector_load %arg19[%swap3A, %swap3A_760] {strides = array<i32>} : memref<56x72xf32, #tpu.memory_space<vmem>>, vector<1x16xf32>,
      %swap3A_762 = vector.shape_cast %swap3A_761 : vector<1x16xf32> to vector<16xf32>
      %swap3A_763 = vector.shape_cast %mul3A_759 : vector<16xf32> to vector<1x16xf32>
      tpu.vector_store %arg19[%swap3A, %swap3A_760], %swap3A_763 {strides = array<i32>} : memref<56x72xf32, #tpu.memory_space<vmem>>, vector<1x16xf32>,
      %get3A_764 = arith.index_cast %scan3A_745 : i32 to index
      %get3A_765 = arith.constant 16 : index
      %get3A_766 = tpu.vector_load %arg19[%get3A_764, %get3A_765] {strides = array<i32>} : memref<56x72xf32, #tpu.memory_space<vmem>>, vector<1x16xf32>,
      %get3A_767 = vector.shape_cast %get3A_766 : vector<1x16xf32> to vector<16xf32>
      %mul3A_768 = vector.broadcast %squeeze3A : f32 to vector<16xf32>
      %mul3A_769 = arith.mulf %get3A_767, %mul3A_768 : vector<16xf32>
      %swap3A_770 = arith.index_cast %scan3A_745 : i32 to index
      %swap3A_771 = arith.constant 16 : index
      %swap3A_772 = tpu.vector_load %arg19[%swap3A_770, %swap3A_771] {strides = array<i32>} : memref<56x72xf32, #tpu.memory_space<vmem>>, vector<1x16xf32>,
      %swap3A_773 = vector.shape_cast %swap3A_772 : vector<1x16xf32> to vector<16xf32>
      %swap3A_774 = vector.shape_cast %mul3A_769 : vector<16xf32> to vector<1x16xf32>
      tpu.vector_store %arg19[%swap3A_770, %swap3A_771], %swap3A_774 {strides = array<i32>} : memref<56x72xf32, #tpu.memory_space<vmem>>, vector<1x16xf32>,
      %get3A_775 = arith.index_cast %scan3A_745 : i32 to index
      %get3A_776 = arith.constant 32 : index
      %get3A_777 = tpu.vector_load %arg19[%get3A_775, %get3A_776] {strides = array<i32>} : memref<56x72xf32, #tpu.memory_space<vmem>>, vector<1x16xf32>,
      %get3A_778 = vector.shape_cast %get3A_777 : vector<1x16xf32> to vector<16xf32>
      %mul3A_779 = vector.broadcast %squeeze3A : f32 to vector<16xf32>
      %mul3A_780 = arith.mulf %get3A_778, %mul3A_779 : vector<16xf32>
      %swap3A_781 = arith.index_cast %scan3A_745 : i32 to index
      %swap3A_782 = arith.constant 32 : index
      %swap3A_783 = tpu.vector_load %arg19[%swap3A_781, %swap3A_782] {strides = array<i32>} : memref<56x72xf32, #tpu.memory_space<vmem>>, vector<1x16xf32>,
      %swap3A_784 = vector.shape_cast %swap3A_783 : vector<1x16xf32> to vector<16xf32>
      %swap3A_785 = vector.shape_cast %mul3A_780 : vector<16xf32> to vector<1x16xf32>
      tpu.vector_store %arg19[%swap3A_781, %swap3A_782], %swap3A_785 {strides = array<i32>} : memref<56x72xf32, #tpu.memory_space<vmem>>, vector<1x16xf32>,
      %get3A_786 = arith.index_cast %scan3A_745 : i32 to index
      %get3A_787 = arith.constant 48 : index
      %get3A_788 = tpu.vector_load %arg19[%get3A_786, %get3A_787] {strides = array<i32>} : memref<56x72xf32, #tpu.memory_space<vmem>>, vector<1x16xf32>,
      %get3A_789 = vector.shape_cast %get3A_788 : vector<1x16xf32> to vector<16xf32>
      %mul3A_790 = vector.broadcast %squeeze3A : f32 to vector<16xf32>
      %mul3A_791 = arith.mulf %get3A_789, %mul3A_790 : vector<16xf32>
      %swap3A_792 = arith.index_cast %scan3A_745 : i32 to index
      %swap3A_793 = arith.constant 48 : index
      %swap3A_794 = tpu.vector_load %arg19[%swap3A_792, %swap3A_793] {strides = array<i32>} : memref<56x72xf32, #tpu.memory_space<vmem>>, vector<1x16xf32>,
      %swap3A_795 = vector.shape_cast %swap3A_794 : vector<1x16xf32> to vector<16xf32>
      %swap3A_796 = vector.shape_cast %mul3A_791 : vector<16xf32> to vector<1x16xf32>
      tpu.vector_store %arg19[%swap3A_792, %swap3A_793], %swap3A_796 {strides = array<i32>} : memref<56x72xf32, #tpu.memory_space<vmem>>, vector<1x16xf32>,
      %get3A_797 = arith.index_cast %scan3A_745 : i32 to index
      %get3A_798 = arith.constant 56 : index
      %get3A_799 = tpu.vector_load %arg19[%get3A_797, %get3A_798] {strides = array<i32>} : memref<56x72xf32, #tpu.memory_space<vmem>>, vector<1x16xf32>,
      %get3A_800 = vector.shape_cast %get3A_799 : vector<1x16xf32> to vector<16xf32>
      %get3A_801 = arith.index_cast %scan3A_745 : i32 to index
      %get3A_802 = tpu.vector_load %arg20[%get3A_801] {strides = array<i32>} : memref<80xf32, #tpu.memory_space<vmem>>, vector<16xf32>,
      %get3A_803 = vector.shape_cast %get3A_802 : vector<16xf32> to vector<16xf32>
      %lt3A = arith.constant 8 : i32
      %lt3A_804 = vector.broadcast %lt3A : i32 to vector<16xi32>
      %lt3A_805 = arith.cmpi slt, %iota3A, %lt3A_804 : vector<16xi32>
      %select_n3A = arith.select %lt3A_805, %get3A_800, %get3A_803 : vector<16xi1>, vector<16xf32>
      %swap3A_806 = arith.index_cast %scan3A_745 : i32 to index
      %swap3A_807 = arith.constant 56 : index
      %swap3A_808 = tpu.vector_load %arg19[%swap3A_806, %swap3A_807] {strides = array<i32>} : memref<56x72xf32, #tpu.memory_space<vmem>>, vector<1x16xf32>,
      %swap3A_809 = vector.shape_cast %swap3A_808 : vector<1x16xf32> to vector<16xf32>
      %swap3A_810 = vector.shape_cast %select_n3A : vector<16xf32> to vector<1x16xf32>
      tpu.vector_store %arg19[%swap3A_806, %swap3A_807], %swap3A_810 {strides = array<i32>} : memref<56x72xf32, #tpu.memory_space<vmem>>, vector<1x16xf32>,
      %scan3A_811 = arith.constant 0 : i32
      scf.yield %scan3A_811 : i32
    }
    %scan3A_674 = arith.constant 56 : i32
    "tpu.region"() ({
      %run_scoped3A = tpu.sem_alloc : memref<!tpu.dma_semaphore, #tpu.memory_space<semaphore_mem>>
      %dma_start3A_745 = arith.constant 0 : i32
      %dma_start3A_746 = tpu.memref_slice %arg14[%add3A_647, %dma_start3A_745] : memref<20608x72xf32, #tpu.memory_space<vmem_shared>> -> memref<56x72xf32, #tpu.memory_space<vmem_shared>>
      %dma_start3A_747 = arith.constant 0 : i32
      %dma_start3A_748 = tpu.memref_slice %arg14[%add3A_647, %dma_start3A_747] : memref<20608x72xf32, #tpu.memory_space<vmem_shared>> -> memref<56x72xf32, #tpu.memory_space<vmem_shared>>
      tpu.enqueue_dma source(%arg19 : memref<56x72xf32, #tpu.memory_space<vmem>>) target(%dma_start3A_748 : memref<56x72xf32, #tpu.memory_space<vmem_shared>>) target_semaphore(%run_scoped3A : memref<!tpu.dma_semaphore, #tpu.memory_space<semaphore_mem>>)
      %dma_wait3A_749 = arith.constant 0 : i32
      %dma_wait3A_750 = tpu.memref_slice %arg14[%add3A_647, %dma_wait3A_749] : memref<20608x72xf32, #tpu.memory_space<vmem_shared>> -> memref<56x72xf32, #tpu.memory_space<vmem_shared>>
      %dma_wait3A_751 = arith.constant 0 : i32
      %dma_wait3A_752 = tpu.memref_slice %arg14[%add3A_647, %dma_wait3A_751] : memref<20608x72xf32, #tpu.memory_space<vmem_shared>> -> memref<56x72xf32, #tpu.memory_space<vmem_shared>>
      tpu.wait_dma2 semaphore(%run_scoped3A : memref<!tpu.dma_semaphore, #tpu.memory_space<semaphore_mem>>) src(%arg19 : memref<56x72xf32, #tpu.memory_space<vmem>>) dst(%dma_wait3A_752 : memref<56x72xf32, #tpu.memory_space<vmem_shared>>)
      tpu.yield
    }) : () -> ()
    %mul3A_675 = arith.constant 1288 : i32
    %mul3A_676 = arith.muli %arg1, %mul3A_675 : i32
    %add3A_677 = arith.constant 1176 : i32
    %add3A_678 = arith.addi %mul3A_676, %add3A_677 : i32
    %dma_start3A_679 = arith.constant 0 : i32
    %dma_start3A_680 = tpu.memref_slice %arg14[%add3A_678, %dma_start3A_679] : memref<20608x72xf32, #tpu.memory_space<vmem_shared>> -> memref<56x72xf32, #tpu.memory_space<vmem_shared>>
    %dma_start3A_681 = arith.constant 0 : i32
    %dma_start3A_682 = tpu.memref_slice %arg14[%add3A_678, %dma_start3A_681] : memref<20608x72xf32, #tpu.memory_space<vmem_shared>> -> memref<56x72xf32, #tpu.memory_space<vmem_shared>>
    tpu.enqueue_dma source(%dma_start3A_682 : memref<56x72xf32, #tpu.memory_space<vmem_shared>>) target(%arg19 : memref<56x72xf32, #tpu.memory_space<vmem>>) target_semaphore(%arg23 : memref<!tpu.dma_semaphore, #tpu.memory_space<semaphore_mem>>)
    %dma_start3A_683 = arith.constant 8 : i32
    %dma_start3A_684 = tpu.memref_slice %arg20[%dma_start3A_683] : memref<80xf32, #tpu.memory_space<vmem>> -> memref<56xf32, #tpu.memory_space<vmem>>
    %dma_start3A_685 = tpu.memref_slice %arg4[%add3A_678] : memref<20608xf32, #tpu.memory_space<hbm>> -> memref<56xf32, #tpu.memory_space<hbm>>
    %dma_start3A_686 = arith.constant 8 : i32
    %dma_start3A_687 = tpu.memref_slice %arg20[%dma_start3A_686] : memref<80xf32, #tpu.memory_space<vmem>> -> memref<56xf32, #tpu.memory_space<vmem>>
    %dma_start3A_688 = tpu.memref_slice %arg4[%add3A_678] : memref<20608xf32, #tpu.memory_space<hbm>> -> memref<56xf32, #tpu.memory_space<hbm>>
    tpu.enqueue_dma source(%dma_start3A_688 : memref<56xf32, #tpu.memory_space<hbm>>) target(%dma_start3A_687 : memref<56xf32, #tpu.memory_space<vmem>>) target_semaphore(%arg26 : memref<!tpu.dma_semaphore, #tpu.memory_space<semaphore_mem>>)
    %dma_wait3A_689 = arith.constant 0 : i32
    %dma_wait3A_690 = tpu.memref_slice %arg14[%add3A_678, %dma_wait3A_689] : memref<20608x72xf32, #tpu.memory_space<vmem_shared>> -> memref<56x72xf32, #tpu.memory_space<vmem_shared>>
    %dma_wait3A_691 = arith.constant 0 : i32
    %dma_wait3A_692 = tpu.memref_slice %arg14[%add3A_678, %dma_wait3A_691] : memref<20608x72xf32, #tpu.memory_space<vmem_shared>> -> memref<56x72xf32, #tpu.memory_space<vmem_shared>>
    tpu.wait_dma2 semaphore(%arg23 : memref<!tpu.dma_semaphore, #tpu.memory_space<semaphore_mem>>) src(%dma_wait3A_692 : memref<56x72xf32, #tpu.memory_space<vmem_shared>>) dst(%arg19 : memref<56x72xf32, #tpu.memory_space<vmem>>)
    %dma_wait3A_693 = arith.constant 8 : i32
    %dma_wait3A_694 = tpu.memref_slice %arg20[%dma_wait3A_693] : memref<80xf32, #tpu.memory_space<vmem>> -> memref<56xf32, #tpu.memory_space<vmem>>
    %dma_wait3A_695 = tpu.memref_slice %arg4[%add3A_678] : memref<20608xf32, #tpu.memory_space<hbm>> -> memref<56xf32, #tpu.memory_space<hbm>>
    %dma_wait3A_696 = arith.constant 8 : i32
    %dma_wait3A_697 = tpu.memref_slice %arg20[%dma_wait3A_696] : memref<80xf32, #tpu.memory_space<vmem>> -> memref<56xf32, #tpu.memory_space<vmem>>
    %dma_wait3A_698 = tpu.memref_slice %arg4[%add3A_678] : memref<20608xf32, #tpu.memory_space<hbm>> -> memref<56xf32, #tpu.memory_space<hbm>>
    tpu.wait_dma2 semaphore(%arg26 : memref<!tpu.dma_semaphore, #tpu.memory_space<semaphore_mem>>) src(%dma_wait3A_698 : memref<56xf32, #tpu.memory_space<hbm>>) dst(%dma_wait3A_697 : memref<56xf32, #tpu.memory_space<vmem>>)
    %scan3A_699 = arith.constant 0 : i32
    %scan3A_700 = arith.constant 0 : i32
    %scan3A_701 = arith.constant 56 : i32
    %scan3A_702 = arith.addi %scan3A_700, %scan3A_701 : i32
    %scan3A_703 = arith.constant 1 : i32
    %scan3A_704 = scf.for %scan3A_745 = %scan3A_700 to %scan3A_702 step %scan3A_703 iter_args(%scan3A_746 = %scan3A_699) -> (i32)  : i32 {
      %get3A = arith.index_cast %scan3A_745 : i32 to index
      %get3A_747 = arith.constant 56 : index
      %get3A_748 = tpu.vector_load %arg19[%get3A, %get3A_747] {strides = array<i32>} : memref<56x72xf32, #tpu.memory_space<vmem>>, vector<1x16xf32>,
      %get3A_749 = vector.shape_cast %get3A_748 : vector<1x16xf32> to vector<16xf32>
      %max3A = arith.constant 1.000000e+00 : f32
      %max3A_750 = vector.broadcast %max3A : f32 to vector<16xf32>
      %max3A_751 = arith.maximumf %get3A_749, %max3A_750 : vector<16xf32>
      %div3A = arith.constant 1.000000e+00 : f32
      %div3A_752 = vector.broadcast %div3A : f32 to vector<16xf32>
      %div3A_753 = arith.divf %div3A_752, %max3A_751 : vector<16xf32>
      %slice3A = vector.extract_strided_slice %div3A_753 {offsets = [8], sizes = [1], strides = [1]} : vector<16xf32> to vector<1xf32>
      %squeeze3A = vector.extract %slice3A[0] : f32 from vector<1xf32>
      %get3A_754 = arith.index_cast %scan3A_745 : i32 to index
      %get3A_755 = arith.constant 0 : index
      %get3A_756 = tpu.vector_load %arg19[%get3A_754, %get3A_755] {strides = array<i32>} : memref<56x72xf32, #tpu.memory_space<vmem>>, vector<1x16xf32>,
      %get3A_757 = vector.shape_cast %get3A_756 : vector<1x16xf32> to vector<16xf32>
      %mul3A_758 = vector.broadcast %squeeze3A : f32 to vector<16xf32>
      %mul3A_759 = arith.mulf %get3A_757, %mul3A_758 : vector<16xf32>
      %swap3A = arith.index_cast %scan3A_745 : i32 to index
      %swap3A_760 = arith.constant 0 : index
      %swap3A_761 = tpu.vector_load %arg19[%swap3A, %swap3A_760] {strides = array<i32>} : memref<56x72xf32, #tpu.memory_space<vmem>>, vector<1x16xf32>,
      %swap3A_762 = vector.shape_cast %swap3A_761 : vector<1x16xf32> to vector<16xf32>
      %swap3A_763 = vector.shape_cast %mul3A_759 : vector<16xf32> to vector<1x16xf32>
      tpu.vector_store %arg19[%swap3A, %swap3A_760], %swap3A_763 {strides = array<i32>} : memref<56x72xf32, #tpu.memory_space<vmem>>, vector<1x16xf32>,
      %get3A_764 = arith.index_cast %scan3A_745 : i32 to index
      %get3A_765 = arith.constant 16 : index
      %get3A_766 = tpu.vector_load %arg19[%get3A_764, %get3A_765] {strides = array<i32>} : memref<56x72xf32, #tpu.memory_space<vmem>>, vector<1x16xf32>,
      %get3A_767 = vector.shape_cast %get3A_766 : vector<1x16xf32> to vector<16xf32>
      %mul3A_768 = vector.broadcast %squeeze3A : f32 to vector<16xf32>
      %mul3A_769 = arith.mulf %get3A_767, %mul3A_768 : vector<16xf32>
      %swap3A_770 = arith.index_cast %scan3A_745 : i32 to index
      %swap3A_771 = arith.constant 16 : index
      %swap3A_772 = tpu.vector_load %arg19[%swap3A_770, %swap3A_771] {strides = array<i32>} : memref<56x72xf32, #tpu.memory_space<vmem>>, vector<1x16xf32>,
      %swap3A_773 = vector.shape_cast %swap3A_772 : vector<1x16xf32> to vector<16xf32>
      %swap3A_774 = vector.shape_cast %mul3A_769 : vector<16xf32> to vector<1x16xf32>
      tpu.vector_store %arg19[%swap3A_770, %swap3A_771], %swap3A_774 {strides = array<i32>} : memref<56x72xf32, #tpu.memory_space<vmem>>, vector<1x16xf32>,
      %get3A_775 = arith.index_cast %scan3A_745 : i32 to index
      %get3A_776 = arith.constant 32 : index
      %get3A_777 = tpu.vector_load %arg19[%get3A_775, %get3A_776] {strides = array<i32>} : memref<56x72xf32, #tpu.memory_space<vmem>>, vector<1x16xf32>,
      %get3A_778 = vector.shape_cast %get3A_777 : vector<1x16xf32> to vector<16xf32>
      %mul3A_779 = vector.broadcast %squeeze3A : f32 to vector<16xf32>
      %mul3A_780 = arith.mulf %get3A_778, %mul3A_779 : vector<16xf32>
      %swap3A_781 = arith.index_cast %scan3A_745 : i32 to index
      %swap3A_782 = arith.constant 32 : index
      %swap3A_783 = tpu.vector_load %arg19[%swap3A_781, %swap3A_782] {strides = array<i32>} : memref<56x72xf32, #tpu.memory_space<vmem>>, vector<1x16xf32>,
      %swap3A_784 = vector.shape_cast %swap3A_783 : vector<1x16xf32> to vector<16xf32>
      %swap3A_785 = vector.shape_cast %mul3A_780 : vector<16xf32> to vector<1x16xf32>
      tpu.vector_store %arg19[%swap3A_781, %swap3A_782], %swap3A_785 {strides = array<i32>} : memref<56x72xf32, #tpu.memory_space<vmem>>, vector<1x16xf32>,
      %get3A_786 = arith.index_cast %scan3A_745 : i32 to index
      %get3A_787 = arith.constant 48 : index
      %get3A_788 = tpu.vector_load %arg19[%get3A_786, %get3A_787] {strides = array<i32>} : memref<56x72xf32, #tpu.memory_space<vmem>>, vector<1x16xf32>,
      %get3A_789 = vector.shape_cast %get3A_788 : vector<1x16xf32> to vector<16xf32>
      %mul3A_790 = vector.broadcast %squeeze3A : f32 to vector<16xf32>
      %mul3A_791 = arith.mulf %get3A_789, %mul3A_790 : vector<16xf32>
      %swap3A_792 = arith.index_cast %scan3A_745 : i32 to index
      %swap3A_793 = arith.constant 48 : index
      %swap3A_794 = tpu.vector_load %arg19[%swap3A_792, %swap3A_793] {strides = array<i32>} : memref<56x72xf32, #tpu.memory_space<vmem>>, vector<1x16xf32>,
      %swap3A_795 = vector.shape_cast %swap3A_794 : vector<1x16xf32> to vector<16xf32>
      %swap3A_796 = vector.shape_cast %mul3A_791 : vector<16xf32> to vector<1x16xf32>
      tpu.vector_store %arg19[%swap3A_792, %swap3A_793], %swap3A_796 {strides = array<i32>} : memref<56x72xf32, #tpu.memory_space<vmem>>, vector<1x16xf32>,
      %get3A_797 = arith.index_cast %scan3A_745 : i32 to index
      %get3A_798 = arith.constant 56 : index
      %get3A_799 = tpu.vector_load %arg19[%get3A_797, %get3A_798] {strides = array<i32>} : memref<56x72xf32, #tpu.memory_space<vmem>>, vector<1x16xf32>,
      %get3A_800 = vector.shape_cast %get3A_799 : vector<1x16xf32> to vector<16xf32>
      %get3A_801 = arith.index_cast %scan3A_745 : i32 to index
      %get3A_802 = tpu.vector_load %arg20[%get3A_801] {strides = array<i32>} : memref<80xf32, #tpu.memory_space<vmem>>, vector<16xf32>,
      %get3A_803 = vector.shape_cast %get3A_802 : vector<16xf32> to vector<16xf32>
      %lt3A = arith.constant 8 : i32
      %lt3A_804 = vector.broadcast %lt3A : i32 to vector<16xi32>
      %lt3A_805 = arith.cmpi slt, %iota3A, %lt3A_804 : vector<16xi32>
      %select_n3A = arith.select %lt3A_805, %get3A_800, %get3A_803 : vector<16xi1>, vector<16xf32>
      %swap3A_806 = arith.index_cast %scan3A_745 : i32 to index
      %swap3A_807 = arith.constant 56 : index
      %swap3A_808 = tpu.vector_load %arg19[%swap3A_806, %swap3A_807] {strides = array<i32>} : memref<56x72xf32, #tpu.memory_space<vmem>>, vector<1x16xf32>,
      %swap3A_809 = vector.shape_cast %swap3A_808 : vector<1x16xf32> to vector<16xf32>
      %swap3A_810 = vector.shape_cast %select_n3A : vector<16xf32> to vector<1x16xf32>
      tpu.vector_store %arg19[%swap3A_806, %swap3A_807], %swap3A_810 {strides = array<i32>} : memref<56x72xf32, #tpu.memory_space<vmem>>, vector<1x16xf32>,
      %scan3A_811 = arith.constant 0 : i32
      scf.yield %scan3A_811 : i32
    }
    %scan3A_705 = arith.constant 56 : i32
    "tpu.region"() ({
      %run_scoped3A = tpu.sem_alloc : memref<!tpu.dma_semaphore, #tpu.memory_space<semaphore_mem>>
      %dma_start3A_745 = arith.constant 0 : i32
      %dma_start3A_746 = tpu.memref_slice %arg14[%add3A_678, %dma_start3A_745] : memref<20608x72xf32, #tpu.memory_space<vmem_shared>> -> memref<56x72xf32, #tpu.memory_space<vmem_shared>>
      %dma_start3A_747 = arith.constant 0 : i32
      %dma_start3A_748 = tpu.memref_slice %arg14[%add3A_678, %dma_start3A_747] : memref<20608x72xf32, #tpu.memory_space<vmem_shared>> -> memref<56x72xf32, #tpu.memory_space<vmem_shared>>
      tpu.enqueue_dma source(%arg19 : memref<56x72xf32, #tpu.memory_space<vmem>>) target(%dma_start3A_748 : memref<56x72xf32, #tpu.memory_space<vmem_shared>>) target_semaphore(%run_scoped3A : memref<!tpu.dma_semaphore, #tpu.memory_space<semaphore_mem>>)
      %dma_wait3A_749 = arith.constant 0 : i32
      %dma_wait3A_750 = tpu.memref_slice %arg14[%add3A_678, %dma_wait3A_749] : memref<20608x72xf32, #tpu.memory_space<vmem_shared>> -> memref<56x72xf32, #tpu.memory_space<vmem_shared>>
      %dma_wait3A_751 = arith.constant 0 : i32
      %dma_wait3A_752 = tpu.memref_slice %arg14[%add3A_678, %dma_wait3A_751] : memref<20608x72xf32, #tpu.memory_space<vmem_shared>> -> memref<56x72xf32, #tpu.memory_space<vmem_shared>>
      tpu.wait_dma2 semaphore(%run_scoped3A : memref<!tpu.dma_semaphore, #tpu.memory_space<semaphore_mem>>) src(%arg19 : memref<56x72xf32, #tpu.memory_space<vmem>>) dst(%dma_wait3A_752 : memref<56x72xf32, #tpu.memory_space<vmem_shared>>)
      tpu.yield
    }) : () -> ()
    %mul3A_706 = arith.constant 1288 : i32
    %mul3A_707 = arith.muli %arg1, %mul3A_706 : i32
    %add3A_708 = arith.constant 1232 : i32
    %add3A_709 = arith.addi %mul3A_707, %add3A_708 : i32
    %dma_start3A_710 = arith.constant 0 : i32
    %dma_start3A_711 = tpu.memref_slice %arg14[%add3A_709, %dma_start3A_710] : memref<20608x72xf32, #tpu.memory_space<vmem_shared>> -> memref<56x72xf32, #tpu.memory_space<vmem_shared>>
    %dma_start3A_712 = arith.constant 0 : i32
    %dma_start3A_713 = tpu.memref_slice %arg14[%add3A_709, %dma_start3A_712] : memref<20608x72xf32, #tpu.memory_space<vmem_shared>> -> memref<56x72xf32, #tpu.memory_space<vmem_shared>>
    tpu.enqueue_dma source(%dma_start3A_713 : memref<56x72xf32, #tpu.memory_space<vmem_shared>>) target(%arg19 : memref<56x72xf32, #tpu.memory_space<vmem>>) target_semaphore(%arg23 : memref<!tpu.dma_semaphore, #tpu.memory_space<semaphore_mem>>)
    %dma_start3A_714 = arith.constant 8 : i32
    %dma_start3A_715 = tpu.memref_slice %arg20[%dma_start3A_714] : memref<80xf32, #tpu.memory_space<vmem>> -> memref<56xf32, #tpu.memory_space<vmem>>
    %dma_start3A_716 = tpu.memref_slice %arg4[%add3A_709] : memref<20608xf32, #tpu.memory_space<hbm>> -> memref<56xf32, #tpu.memory_space<hbm>>
    %dma_start3A_717 = arith.constant 8 : i32
    %dma_start3A_718 = tpu.memref_slice %arg20[%dma_start3A_717] : memref<80xf32, #tpu.memory_space<vmem>> -> memref<56xf32, #tpu.memory_space<vmem>>
    %dma_start3A_719 = tpu.memref_slice %arg4[%add3A_709] : memref<20608xf32, #tpu.memory_space<hbm>> -> memref<56xf32, #tpu.memory_space<hbm>>
    tpu.enqueue_dma source(%dma_start3A_719 : memref<56xf32, #tpu.memory_space<hbm>>) target(%dma_start3A_718 : memref<56xf32, #tpu.memory_space<vmem>>) target_semaphore(%arg26 : memref<!tpu.dma_semaphore, #tpu.memory_space<semaphore_mem>>)
    %dma_wait3A_720 = arith.constant 0 : i32
    %dma_wait3A_721 = tpu.memref_slice %arg14[%add3A_709, %dma_wait3A_720] : memref<20608x72xf32, #tpu.memory_space<vmem_shared>> -> memref<56x72xf32, #tpu.memory_space<vmem_shared>>
    %dma_wait3A_722 = arith.constant 0 : i32
    %dma_wait3A_723 = tpu.memref_slice %arg14[%add3A_709, %dma_wait3A_722] : memref<20608x72xf32, #tpu.memory_space<vmem_shared>> -> memref<56x72xf32, #tpu.memory_space<vmem_shared>>
    tpu.wait_dma2 semaphore(%arg23 : memref<!tpu.dma_semaphore, #tpu.memory_space<semaphore_mem>>) src(%dma_wait3A_723 : memref<56x72xf32, #tpu.memory_space<vmem_shared>>) dst(%arg19 : memref<56x72xf32, #tpu.memory_space<vmem>>)
    %dma_wait3A_724 = arith.constant 8 : i32
    %dma_wait3A_725 = tpu.memref_slice %arg20[%dma_wait3A_724] : memref<80xf32, #tpu.memory_space<vmem>> -> memref<56xf32, #tpu.memory_space<vmem>>
    %dma_wait3A_726 = tpu.memref_slice %arg4[%add3A_709] : memref<20608xf32, #tpu.memory_space<hbm>> -> memref<56xf32, #tpu.memory_space<hbm>>
    %dma_wait3A_727 = arith.constant 8 : i32
    %dma_wait3A_728 = tpu.memref_slice %arg20[%dma_wait3A_727] : memref<80xf32, #tpu.memory_space<vmem>> -> memref<56xf32, #tpu.memory_space<vmem>>
    %dma_wait3A_729 = tpu.memref_slice %arg4[%add3A_709] : memref<20608xf32, #tpu.memory_space<hbm>> -> memref<56xf32, #tpu.memory_space<hbm>>
    tpu.wait_dma2 semaphore(%arg26 : memref<!tpu.dma_semaphore, #tpu.memory_space<semaphore_mem>>) src(%dma_wait3A_729 : memref<56xf32, #tpu.memory_space<hbm>>) dst(%dma_wait3A_728 : memref<56xf32, #tpu.memory_space<vmem>>)
    %scan3A_730 = arith.constant 0 : i32
    %scan3A_731 = arith.constant 0 : i32
    %scan3A_732 = arith.constant 56 : i32
    %scan3A_733 = arith.addi %scan3A_731, %scan3A_732 : i32
    %scan3A_734 = arith.constant 1 : i32
    %scan3A_735 = scf.for %scan3A_745 = %scan3A_731 to %scan3A_733 step %scan3A_734 iter_args(%scan3A_746 = %scan3A_730) -> (i32)  : i32 {
      %get3A = arith.index_cast %scan3A_745 : i32 to index
      %get3A_747 = arith.constant 56 : index
      %get3A_748 = tpu.vector_load %arg19[%get3A, %get3A_747] {strides = array<i32>} : memref<56x72xf32, #tpu.memory_space<vmem>>, vector<1x16xf32>,
      %get3A_749 = vector.shape_cast %get3A_748 : vector<1x16xf32> to vector<16xf32>
      %max3A = arith.constant 1.000000e+00 : f32
      %max3A_750 = vector.broadcast %max3A : f32 to vector<16xf32>
      %max3A_751 = arith.maximumf %get3A_749, %max3A_750 : vector<16xf32>
      %div3A = arith.constant 1.000000e+00 : f32
      %div3A_752 = vector.broadcast %div3A : f32 to vector<16xf32>
      %div3A_753 = arith.divf %div3A_752, %max3A_751 : vector<16xf32>
      %slice3A = vector.extract_strided_slice %div3A_753 {offsets = [8], sizes = [1], strides = [1]} : vector<16xf32> to vector<1xf32>
      %squeeze3A = vector.extract %slice3A[0] : f32 from vector<1xf32>
      %get3A_754 = arith.index_cast %scan3A_745 : i32 to index
      %get3A_755 = arith.constant 0 : index
      %get3A_756 = tpu.vector_load %arg19[%get3A_754, %get3A_755] {strides = array<i32>} : memref<56x72xf32, #tpu.memory_space<vmem>>, vector<1x16xf32>,
      %get3A_757 = vector.shape_cast %get3A_756 : vector<1x16xf32> to vector<16xf32>
      %mul3A_758 = vector.broadcast %squeeze3A : f32 to vector<16xf32>
      %mul3A_759 = arith.mulf %get3A_757, %mul3A_758 : vector<16xf32>
      %swap3A = arith.index_cast %scan3A_745 : i32 to index
      %swap3A_760 = arith.constant 0 : index
      %swap3A_761 = tpu.vector_load %arg19[%swap3A, %swap3A_760] {strides = array<i32>} : memref<56x72xf32, #tpu.memory_space<vmem>>, vector<1x16xf32>,
      %swap3A_762 = vector.shape_cast %swap3A_761 : vector<1x16xf32> to vector<16xf32>
      %swap3A_763 = vector.shape_cast %mul3A_759 : vector<16xf32> to vector<1x16xf32>
      tpu.vector_store %arg19[%swap3A, %swap3A_760], %swap3A_763 {strides = array<i32>} : memref<56x72xf32, #tpu.memory_space<vmem>>, vector<1x16xf32>,
      %get3A_764 = arith.index_cast %scan3A_745 : i32 to index
      %get3A_765 = arith.constant 16 : index
      %get3A_766 = tpu.vector_load %arg19[%get3A_764, %get3A_765] {strides = array<i32>} : memref<56x72xf32, #tpu.memory_space<vmem>>, vector<1x16xf32>,
      %get3A_767 = vector.shape_cast %get3A_766 : vector<1x16xf32> to vector<16xf32>
      %mul3A_768 = vector.broadcast %squeeze3A : f32 to vector<16xf32>
      %mul3A_769 = arith.mulf %get3A_767, %mul3A_768 : vector<16xf32>
      %swap3A_770 = arith.index_cast %scan3A_745 : i32 to index
      %swap3A_771 = arith.constant 16 : index
      %swap3A_772 = tpu.vector_load %arg19[%swap3A_770, %swap3A_771] {strides = array<i32>} : memref<56x72xf32, #tpu.memory_space<vmem>>, vector<1x16xf32>,
      %swap3A_773 = vector.shape_cast %swap3A_772 : vector<1x16xf32> to vector<16xf32>
      %swap3A_774 = vector.shape_cast %mul3A_769 : vector<16xf32> to vector<1x16xf32>
      tpu.vector_store %arg19[%swap3A_770, %swap3A_771], %swap3A_774 {strides = array<i32>} : memref<56x72xf32, #tpu.memory_space<vmem>>, vector<1x16xf32>,
      %get3A_775 = arith.index_cast %scan3A_745 : i32 to index
      %get3A_776 = arith.constant 32 : index
      %get3A_777 = tpu.vector_load %arg19[%get3A_775, %get3A_776] {strides = array<i32>} : memref<56x72xf32, #tpu.memory_space<vmem>>, vector<1x16xf32>,
      %get3A_778 = vector.shape_cast %get3A_777 : vector<1x16xf32> to vector<16xf32>
      %mul3A_779 = vector.broadcast %squeeze3A : f32 to vector<16xf32>
      %mul3A_780 = arith.mulf %get3A_778, %mul3A_779 : vector<16xf32>
      %swap3A_781 = arith.index_cast %scan3A_745 : i32 to index
      %swap3A_782 = arith.constant 32 : index
      %swap3A_783 = tpu.vector_load %arg19[%swap3A_781, %swap3A_782] {strides = array<i32>} : memref<56x72xf32, #tpu.memory_space<vmem>>, vector<1x16xf32>,
      %swap3A_784 = vector.shape_cast %swap3A_783 : vector<1x16xf32> to vector<16xf32>
      %swap3A_785 = vector.shape_cast %mul3A_780 : vector<16xf32> to vector<1x16xf32>
      tpu.vector_store %arg19[%swap3A_781, %swap3A_782], %swap3A_785 {strides = array<i32>} : memref<56x72xf32, #tpu.memory_space<vmem>>, vector<1x16xf32>,
      %get3A_786 = arith.index_cast %scan3A_745 : i32 to index
      %get3A_787 = arith.constant 48 : index
      %get3A_788 = tpu.vector_load %arg19[%get3A_786, %get3A_787] {strides = array<i32>} : memref<56x72xf32, #tpu.memory_space<vmem>>, vector<1x16xf32>,
      %get3A_789 = vector.shape_cast %get3A_788 : vector<1x16xf32> to vector<16xf32>
      %mul3A_790 = vector.broadcast %squeeze3A : f32 to vector<16xf32>
      %mul3A_791 = arith.mulf %get3A_789, %mul3A_790 : vector<16xf32>
      %swap3A_792 = arith.index_cast %scan3A_745 : i32 to index
      %swap3A_793 = arith.constant 48 : index
      %swap3A_794 = tpu.vector_load %arg19[%swap3A_792, %swap3A_793] {strides = array<i32>} : memref<56x72xf32, #tpu.memory_space<vmem>>, vector<1x16xf32>,
      %swap3A_795 = vector.shape_cast %swap3A_794 : vector<1x16xf32> to vector<16xf32>
      %swap3A_796 = vector.shape_cast %mul3A_791 : vector<16xf32> to vector<1x16xf32>
      tpu.vector_store %arg19[%swap3A_792, %swap3A_793], %swap3A_796 {strides = array<i32>} : memref<56x72xf32, #tpu.memory_space<vmem>>, vector<1x16xf32>,
      %get3A_797 = arith.index_cast %scan3A_745 : i32 to index
      %get3A_798 = arith.constant 56 : index
      %get3A_799 = tpu.vector_load %arg19[%get3A_797, %get3A_798] {strides = array<i32>} : memref<56x72xf32, #tpu.memory_space<vmem>>, vector<1x16xf32>,
      %get3A_800 = vector.shape_cast %get3A_799 : vector<1x16xf32> to vector<16xf32>
      %get3A_801 = arith.index_cast %scan3A_745 : i32 to index
      %get3A_802 = tpu.vector_load %arg20[%get3A_801] {strides = array<i32>} : memref<80xf32, #tpu.memory_space<vmem>>, vector<16xf32>,
      %get3A_803 = vector.shape_cast %get3A_802 : vector<16xf32> to vector<16xf32>
      %lt3A = arith.constant 8 : i32
      %lt3A_804 = vector.broadcast %lt3A : i32 to vector<16xi32>
      %lt3A_805 = arith.cmpi slt, %iota3A, %lt3A_804 : vector<16xi32>
      %select_n3A = arith.select %lt3A_805, %get3A_800, %get3A_803 : vector<16xi1>, vector<16xf32>
      %swap3A_806 = arith.index_cast %scan3A_745 : i32 to index
      %swap3A_807 = arith.constant 56 : index
      %swap3A_808 = tpu.vector_load %arg19[%swap3A_806, %swap3A_807] {strides = array<i32>} : memref<56x72xf32, #tpu.memory_space<vmem>>, vector<1x16xf32>,
      %swap3A_809 = vector.shape_cast %swap3A_808 : vector<1x16xf32> to vector<16xf32>
      %swap3A_810 = vector.shape_cast %select_n3A : vector<16xf32> to vector<1x16xf32>
      tpu.vector_store %arg19[%swap3A_806, %swap3A_807], %swap3A_810 {strides = array<i32>} : memref<56x72xf32, #tpu.memory_space<vmem>>, vector<1x16xf32>,
      %scan3A_811 = arith.constant 0 : i32
      scf.yield %scan3A_811 : i32
    }
    %scan3A_736 = arith.constant 56 : i32
    "tpu.region"() ({
      %run_scoped3A = tpu.sem_alloc : memref<!tpu.dma_semaphore, #tpu.memory_space<semaphore_mem>>
      %dma_start3A_745 = arith.constant 0 : i32
      %dma_start3A_746 = tpu.memref_slice %arg14[%add3A_709, %dma_start3A_745] : memref<20608x72xf32, #tpu.memory_space<vmem_shared>> -> memref<56x72xf32, #tpu.memory_space<vmem_shared>>
      %dma_start3A_747 = arith.constant 0 : i32
      %dma_start3A_748 = tpu.memref_slice %arg14[%add3A_709, %dma_start3A_747] : memref<20608x72xf32, #tpu.memory_space<vmem_shared>> -> memref<56x72xf32, #tpu.memory_space<vmem_shared>>
      tpu.enqueue_dma source(%arg19 : memref<56x72xf32, #tpu.memory_space<vmem>>) target(%dma_start3A_748 : memref<56x72xf32, #tpu.memory_space<vmem_shared>>) target_semaphore(%run_scoped3A : memref<!tpu.dma_semaphore, #tpu.memory_space<semaphore_mem>>)
      %dma_wait3A_749 = arith.constant 0 : i32
      %dma_wait3A_750 = tpu.memref_slice %arg14[%add3A_709, %dma_wait3A_749] : memref<20608x72xf32, #tpu.memory_space<vmem_shared>> -> memref<56x72xf32, #tpu.memory_space<vmem_shared>>
      %dma_wait3A_751 = arith.constant 0 : i32
      %dma_wait3A_752 = tpu.memref_slice %arg14[%add3A_709, %dma_wait3A_751] : memref<20608x72xf32, #tpu.memory_space<vmem_shared>> -> memref<56x72xf32, #tpu.memory_space<vmem_shared>>
      tpu.wait_dma2 semaphore(%run_scoped3A : memref<!tpu.dma_semaphore, #tpu.memory_space<semaphore_mem>>) src(%arg19 : memref<56x72xf32, #tpu.memory_space<vmem>>) dst(%dma_wait3A_752 : memref<56x72xf32, #tpu.memory_space<vmem_shared>>)
      tpu.yield
    }) : () -> ()
    %barrier3A_737 = arith.constant 0 : index
    tpu.barrier barrier_id(%barrier3A_737)
    %scan3A_738 = arith.constant 0 : i32
    %scan3A_739 = arith.constant 0 : i32
    %scan3A_740 = arith.constant 16 : i32
    %scan3A_741 = arith.addi %scan3A_739, %scan3A_740 : i32
    %scan3A_742 = arith.constant 1 : i32
    %scan3A_743 = scf.for %scan3A_745 = %scan3A_739 to %scan3A_741 step %scan3A_742 iter_args(%scan3A_746 = %scan3A_738) -> (i32)  : i32 {
      %mul3A_747 = arith.constant 1280 : i32
      %mul3A_748 = arith.muli %arg1, %mul3A_747 : i32
      %mul3A_749 = arith.constant 80 : i32
      %mul3A_750 = arith.muli %scan3A_745, %mul3A_749 : i32
      %add3A_751 = arith.addi %mul3A_748, %mul3A_750 : i32
      "tpu.region"() ({
        %run_scoped3A = tpu.sem_alloc : memref<!tpu.dma_semaphore, #tpu.memory_space<semaphore_mem>>
        %dma_start3A_776 = tpu.memref_slice %arg7[%add3A_751] : memref<20480xi32, #tpu.memory_space<hbm>> -> memref<80xi32, #tpu.memory_space<hbm>>
        %dma_start3A_777 = tpu.memref_slice %arg7[%add3A_751] : memref<20480xi32, #tpu.memory_space<hbm>> -> memref<80xi32, #tpu.memory_space<hbm>>
        tpu.enqueue_dma source(%dma_start3A_777 : memref<80xi32, #tpu.memory_space<hbm>>) target(%arg17 : memref<80xi32, #tpu.memory_space<vmem>>) target_semaphore(%run_scoped3A : memref<!tpu.dma_semaphore, #tpu.memory_space<semaphore_mem>>)
        %dma_wait3A_778 = tpu.memref_slice %arg7[%add3A_751] : memref<20480xi32, #tpu.memory_space<hbm>> -> memref<80xi32, #tpu.memory_space<hbm>>
        %dma_wait3A_779 = tpu.memref_slice %arg7[%add3A_751] : memref<20480xi32, #tpu.memory_space<hbm>> -> memref<80xi32, #tpu.memory_space<hbm>>
        tpu.wait_dma2 semaphore(%run_scoped3A : memref<!tpu.dma_semaphore, #tpu.memory_space<semaphore_mem>>) src(%dma_wait3A_779 : memref<80xi32, #tpu.memory_space<hbm>>) dst(%arg17 : memref<80xi32, #tpu.memory_space<vmem>>)
        tpu.yield
      }) : () -> ()
      %dma_start3A_752 = arith.constant 0 : i32
      %dma_start3A_753 = arith.constant 0 : i32
      %dma_start3A_754 = tpu.memref_slice %arg14[%dma_start3A_752, %dma_start3A_753] : memref<20608x72xf32, #tpu.memory_space<vmem_shared>> -> memref<20608x72xf32, #tpu.memory_space<vmem_shared>>
      tpu.enqueue_indirect_dma source(%dma_start3A_754 : memref<20608x72xf32, #tpu.memory_space<vmem_shared>>) target(%arg15 : memref<80x72xf32, #tpu.memory_space<vmem>>) offsets(%arg17 : memref<80xi32, #tpu.memory_space<vmem>>) semaphore(%arg23 : memref<!tpu.dma_semaphore, #tpu.memory_space<semaphore_mem>>)
      %eq3A = arith.constant 0 : i32
      %eq3A_755 = arith.cmpi eq, %arg0, %eq3A : i32
      %convert_element_type3A = arith.extui %eq3A_755 : i1 to i32
      %cond3A = arith.constant 0 : i32
      %cond3A_756 = arith.cmpi ne, %convert_element_type3A, %cond3A : i32
      scf.if %cond3A_756 {
        "tpu.region"() ({
          %run_scoped3A = tpu.sem_alloc : memref<!tpu.dma_semaphore, #tpu.memory_space<semaphore_mem>>
          %dma_start3A_779 = tpu.memref_slice %arg8[%add3A_751] : memref<20480xi32, #tpu.memory_space<hbm>> -> memref<80xi32, #tpu.memory_space<hbm>>
          %dma_start3A_780 = tpu.memref_slice %arg8[%add3A_751] : memref<20480xi32, #tpu.memory_space<hbm>> -> memref<80xi32, #tpu.memory_space<hbm>>
          tpu.enqueue_dma source(%dma_start3A_780 : memref<80xi32, #tpu.memory_space<hbm>>) target(%arg22 : memref<80xi32, #tpu.memory_space<vmem>>) target_semaphore(%run_scoped3A : memref<!tpu.dma_semaphore, #tpu.memory_space<semaphore_mem>>)
          %dma_wait3A_781 = tpu.memref_slice %arg8[%add3A_751] : memref<20480xi32, #tpu.memory_space<hbm>> -> memref<80xi32, #tpu.memory_space<hbm>>
          %dma_wait3A_782 = tpu.memref_slice %arg8[%add3A_751] : memref<20480xi32, #tpu.memory_space<hbm>> -> memref<80xi32, #tpu.memory_space<hbm>>
          tpu.wait_dma2 semaphore(%run_scoped3A : memref<!tpu.dma_semaphore, #tpu.memory_space<semaphore_mem>>) src(%dma_wait3A_782 : memref<80xi32, #tpu.memory_space<hbm>>) dst(%arg22 : memref<80xi32, #tpu.memory_space<vmem>>)
          tpu.yield
        }) : () -> ()
        %dma_start3A_776 = arith.constant 0 : i32
        %dma_start3A_777 = arith.constant 0 : i32
        %dma_start3A_778 = tpu.memref_slice %arg5[%dma_start3A_776, %dma_start3A_777] : memref<10008x64xf32, #tpu.memory_space<hbm>> -> memref<10008x64xf32, #tpu.memory_space<hbm>>
        tpu.enqueue_indirect_dma source(%dma_start3A_778 : memref<10008x64xf32, #tpu.memory_space<hbm>>) target(%arg21 : memref<80x64xf32, #tpu.memory_space<vmem>>) offsets(%arg22 : memref<80xi32, #tpu.memory_space<vmem>>) semaphore(%arg26 : memref<!tpu.dma_semaphore, #tpu.memory_space<semaphore_mem>>)
      } else {
      }
      %eq3A_757 = arith.constant 1 : i32
      %eq3A_758 = arith.cmpi eq, %arg0, %eq3A_757 : i32
      %convert_element_type3A_759 = arith.extui %eq3A_758 : i1 to i32
      %cond3A_760 = arith.constant 0 : i32
      %cond3A_761 = arith.cmpi ne, %convert_element_type3A_759, %cond3A_760 : i32
      scf.if %cond3A_761 {
        "tpu.region"() ({
          %run_scoped3A = tpu.sem_alloc : memref<!tpu.dma_semaphore, #tpu.memory_space<semaphore_mem>>
          %dma_start3A_779 = tpu.memref_slice %arg9[%add3A_751] : memref<20480xi32, #tpu.memory_space<hbm>> -> memref<80xi32, #tpu.memory_space<hbm>>
          %dma_start3A_780 = tpu.memref_slice %arg9[%add3A_751] : memref<20480xi32, #tpu.memory_space<hbm>> -> memref<80xi32, #tpu.memory_space<hbm>>
          tpu.enqueue_dma source(%dma_start3A_780 : memref<80xi32, #tpu.memory_space<hbm>>) target(%arg22 : memref<80xi32, #tpu.memory_space<vmem>>) target_semaphore(%run_scoped3A : memref<!tpu.dma_semaphore, #tpu.memory_space<semaphore_mem>>)
          %dma_wait3A_781 = tpu.memref_slice %arg9[%add3A_751] : memref<20480xi32, #tpu.memory_space<hbm>> -> memref<80xi32, #tpu.memory_space<hbm>>
          %dma_wait3A_782 = tpu.memref_slice %arg9[%add3A_751] : memref<20480xi32, #tpu.memory_space<hbm>> -> memref<80xi32, #tpu.memory_space<hbm>>
          tpu.wait_dma2 semaphore(%run_scoped3A : memref<!tpu.dma_semaphore, #tpu.memory_space<semaphore_mem>>) src(%dma_wait3A_782 : memref<80xi32, #tpu.memory_space<hbm>>) dst(%arg22 : memref<80xi32, #tpu.memory_space<vmem>>)
          tpu.yield
        }) : () -> ()
        %dma_start3A_776 = arith.constant 0 : i32
        %dma_start3A_777 = arith.constant 0 : i32
        %dma_start3A_778 = tpu.memref_slice %arg6[%dma_start3A_776, %dma_start3A_777] : memref<508x64xf32, #tpu.memory_space<hbm>> -> memref<508x64xf32, #tpu.memory_space<hbm>>
        tpu.enqueue_indirect_dma source(%dma_start3A_778 : memref<508x64xf32, #tpu.memory_space<hbm>>) target(%arg21 : memref<80x64xf32, #tpu.memory_space<vmem>>) offsets(%arg22 : memref<80xi32, #tpu.memory_space<vmem>>) semaphore(%arg26 : memref<!tpu.dma_semaphore, #tpu.memory_space<semaphore_mem>>)
      } else {
      }
      %dma_wait3A_762 = arith.constant 0 : i32
      %dma_wait3A_763 = arith.constant 0 : i32
      %dma_wait3A_764 = tpu.memref_slice %arg14[%dma_wait3A_762, %dma_wait3A_763] : memref<20608x72xf32, #tpu.memory_space<vmem_shared>> -> memref<20608x72xf32, #tpu.memory_space<vmem_shared>>
      tpu.wait_indirect_dma semaphore(%arg23 : memref<!tpu.dma_semaphore, #tpu.memory_space<semaphore_mem>>) src(%dma_wait3A_764 : memref<20608x72xf32, #tpu.memory_space<vmem_shared>>) dst(%arg15 : memref<80x72xf32, #tpu.memory_space<vmem>>)
      %eq3A_765 = arith.constant 0 : i32
      %eq3A_766 = arith.cmpi eq, %arg0, %eq3A_765 : i32
      %convert_element_type3A_767 = arith.extui %eq3A_766 : i1 to i32
      %cond3A_768 = arith.constant 0 : i32
      %cond3A_769 = arith.cmpi ne, %convert_element_type3A_767, %cond3A_768 : i32
      scf.if %cond3A_769 {
        "tpu.region"() ({
          %run_scoped3A = tpu.sem_alloc : memref<!tpu.dma_semaphore, #tpu.memory_space<semaphore_mem>>
          %dma_start3A_779 = arith.constant 0 : i32
          %dma_start3A_780 = arith.constant 0 : i32
          %dma_start3A_781 = tpu.memref_slice %arg15[%dma_start3A_779, %dma_start3A_780] : memref<80x72xf32, #tpu.memory_space<vmem>> -> memref<80x64xf32, #tpu.memory_space<vmem>>
          %dma_start3A_782 = arith.constant 0 : i32
          %dma_start3A_783 = tpu.memref_slice %arg12[%add3A_751, %dma_start3A_782] : memref<20480x256xf32, #tpu.memory_space<hbm>> -> memref<80x64xf32, #tpu.memory_space<hbm>>
          %dma_start3A_784 = arith.constant 0 : i32
          %dma_start3A_785 = tpu.memref_slice %arg12[%add3A_751, %dma_start3A_784] : memref<20480x256xf32, #tpu.memory_space<hbm>> -> memref<80x64xf32, #tpu.memory_space<hbm>>
          %dma_start3A_786 = arith.constant 0 : i32
          %dma_start3A_787 = arith.constant 0 : i32
          %dma_start3A_788 = tpu.memref_slice %arg15[%dma_start3A_786, %dma_start3A_787] : memref<80x72xf32, #tpu.memory_space<vmem>> -> memref<80x64xf32, #tpu.memory_space<vmem>>
          tpu.enqueue_dma source(%dma_start3A_788 : memref<80x64xf32, #tpu.memory_space<vmem>>) target(%dma_start3A_785 : memref<80x64xf32, #tpu.memory_space<hbm>>) target_semaphore(%run_scoped3A : memref<!tpu.dma_semaphore, #tpu.memory_space<semaphore_mem>>)
          %dma_wait3A_789 = arith.constant 0 : i32
          %dma_wait3A_790 = arith.constant 0 : i32
          %dma_wait3A_791 = tpu.memref_slice %arg15[%dma_wait3A_789, %dma_wait3A_790] : memref<80x72xf32, #tpu.memory_space<vmem>> -> memref<80x64xf32, #tpu.memory_space<vmem>>
          %dma_wait3A_792 = arith.constant 0 : i32
          %dma_wait3A_793 = tpu.memref_slice %arg12[%add3A_751, %dma_wait3A_792] : memref<20480x256xf32, #tpu.memory_space<hbm>> -> memref<80x64xf32, #tpu.memory_space<hbm>>
          %dma_wait3A_794 = arith.constant 0 : i32
          %dma_wait3A_795 = tpu.memref_slice %arg12[%add3A_751, %dma_wait3A_794] : memref<20480x256xf32, #tpu.memory_space<hbm>> -> memref<80x64xf32, #tpu.memory_space<hbm>>
          %dma_wait3A_796 = arith.constant 0 : i32
          %dma_wait3A_797 = arith.constant 0 : i32
          %dma_wait3A_798 = tpu.memref_slice %arg15[%dma_wait3A_796, %dma_wait3A_797] : memref<80x72xf32, #tpu.memory_space<vmem>> -> memref<80x64xf32, #tpu.memory_space<vmem>>
          tpu.wait_dma2 semaphore(%run_scoped3A : memref<!tpu.dma_semaphore, #tpu.memory_space<semaphore_mem>>) src(%dma_wait3A_798 : memref<80x64xf32, #tpu.memory_space<vmem>>) dst(%dma_wait3A_795 : memref<80x64xf32, #tpu.memory_space<hbm>>)
          tpu.yield
        }) : () -> ()
        "tpu.region"() ({
          %run_scoped3A = tpu.sem_alloc : memref<!tpu.dma_semaphore, #tpu.memory_space<semaphore_mem>>
          %dma_start3A_779 = arith.constant 0 : i32
          %dma_start3A_780 = arith.constant 64 : i32
          %dma_start3A_781 = tpu.memref_slice %arg15[%dma_start3A_779, %dma_start3A_780] : memref<80x72xf32, #tpu.memory_space<vmem>> -> memref<80x1xf32, #tpu.memory_space<vmem>>
          %dma_start3A_782 = arith.constant 0 : i32
          %dma_start3A_783 = tpu.memref_slice %arg13[%add3A_751, %dma_start3A_782] : memref<20480x1xf32, #tpu.memory_space<hbm>> -> memref<80x1xf32, #tpu.memory_space<hbm>>
          %dma_start3A_784 = arith.constant 0 : i32
          %dma_start3A_785 = tpu.memref_slice %arg13[%add3A_751, %dma_start3A_784] : memref<20480x1xf32, #tpu.memory_space<hbm>> -> memref<80x1xf32, #tpu.memory_space<hbm>>
          %dma_start3A_786 = arith.constant 0 : i32
          %dma_start3A_787 = arith.constant 64 : i32
          %dma_start3A_788 = tpu.memref_slice %arg15[%dma_start3A_786, %dma_start3A_787] : memref<80x72xf32, #tpu.memory_space<vmem>> -> memref<80x1xf32, #tpu.memory_space<vmem>>
          tpu.enqueue_dma source(%dma_start3A_788 : memref<80x1xf32, #tpu.memory_space<vmem>>) target(%dma_start3A_785 : memref<80x1xf32, #tpu.memory_space<hbm>>) target_semaphore(%run_scoped3A : memref<!tpu.dma_semaphore, #tpu.memory_space<semaphore_mem>>)
          %dma_wait3A_789 = arith.constant 0 : i32
          %dma_wait3A_790 = arith.constant 64 : i32
          %dma_wait3A_791 = tpu.memref_slice %arg15[%dma_wait3A_789, %dma_wait3A_790] : memref<80x72xf32, #tpu.memory_space<vmem>> -> memref<80x1xf32, #tpu.memory_space<vmem>>
          %dma_wait3A_792 = arith.constant 0 : i32
          %dma_wait3A_793 = tpu.memref_slice %arg13[%add3A_751, %dma_wait3A_792] : memref<20480x1xf32, #tpu.memory_space<hbm>> -> memref<80x1xf32, #tpu.memory_space<hbm>>
          %dma_wait3A_794 = arith.constant 0 : i32
          %dma_wait3A_795 = tpu.memref_slice %arg13[%add3A_751, %dma_wait3A_794] : memref<20480x1xf32, #tpu.memory_space<hbm>> -> memref<80x1xf32, #tpu.memory_space<hbm>>
          %dma_wait3A_796 = arith.constant 0 : i32
          %dma_wait3A_797 = arith.constant 64 : i32
          %dma_wait3A_798 = tpu.memref_slice %arg15[%dma_wait3A_796, %dma_wait3A_797] : memref<80x72xf32, #tpu.memory_space<vmem>> -> memref<80x1xf32, #tpu.memory_space<vmem>>
          tpu.wait_dma2 semaphore(%run_scoped3A : memref<!tpu.dma_semaphore, #tpu.memory_space<semaphore_mem>>) src(%dma_wait3A_798 : memref<80x1xf32, #tpu.memory_space<vmem>>) dst(%dma_wait3A_795 : memref<80x1xf32, #tpu.memory_space<hbm>>)
          tpu.yield
        }) : () -> ()
        %dma_wait3A_776 = arith.constant 0 : i32
        %dma_wait3A_777 = arith.constant 0 : i32
        %dma_wait3A_778 = tpu.memref_slice %arg5[%dma_wait3A_776, %dma_wait3A_777] : memref<10008x64xf32, #tpu.memory_space<hbm>> -> memref<10008x64xf32, #tpu.memory_space<hbm>>
        tpu.wait_indirect_dma semaphore(%arg26 : memref<!tpu.dma_semaphore, #tpu.memory_space<semaphore_mem>>) src(%dma_wait3A_778 : memref<10008x64xf32, #tpu.memory_space<hbm>>) dst(%arg21 : memref<80x64xf32, #tpu.memory_space<vmem>>)
        "tpu.region"() ({
          %run_scoped3A = tpu.sem_alloc : memref<!tpu.dma_semaphore, #tpu.memory_space<semaphore_mem>>
          %dma_start3A_779 = arith.constant 128 : i32
          %dma_start3A_780 = tpu.memref_slice %arg12[%add3A_751, %dma_start3A_779] : memref<20480x256xf32, #tpu.memory_space<hbm>> -> memref<80x64xf32, #tpu.memory_space<hbm>>
          %dma_start3A_781 = arith.constant 128 : i32
          %dma_start3A_782 = tpu.memref_slice %arg12[%add3A_751, %dma_start3A_781] : memref<20480x256xf32, #tpu.memory_space<hbm>> -> memref<80x64xf32, #tpu.memory_space<hbm>>
          tpu.enqueue_dma source(%arg21 : memref<80x64xf32, #tpu.memory_space<vmem>>) target(%dma_start3A_782 : memref<80x64xf32, #tpu.memory_space<hbm>>) target_semaphore(%run_scoped3A : memref<!tpu.dma_semaphore, #tpu.memory_space<semaphore_mem>>)
          %dma_wait3A_783 = arith.constant 128 : i32
          %dma_wait3A_784 = tpu.memref_slice %arg12[%add3A_751, %dma_wait3A_783] : memref<20480x256xf32, #tpu.memory_space<hbm>> -> memref<80x64xf32, #tpu.memory_space<hbm>>
          %dma_wait3A_785 = arith.constant 128 : i32
          %dma_wait3A_786 = tpu.memref_slice %arg12[%add3A_751, %dma_wait3A_785] : memref<20480x256xf32, #tpu.memory_space<hbm>> -> memref<80x64xf32, #tpu.memory_space<hbm>>
          tpu.wait_dma2 semaphore(%run_scoped3A : memref<!tpu.dma_semaphore, #tpu.memory_space<semaphore_mem>>) src(%arg21 : memref<80x64xf32, #tpu.memory_space<vmem>>) dst(%dma_wait3A_786 : memref<80x64xf32, #tpu.memory_space<hbm>>)
          tpu.yield
        }) : () -> ()
      } else {
      }
      %eq3A_770 = arith.constant 1 : i32
      %eq3A_771 = arith.cmpi eq, %arg0, %eq3A_770 : i32
      %convert_element_type3A_772 = arith.extui %eq3A_771 : i1 to i32
      %cond3A_773 = arith.constant 0 : i32
      %cond3A_774 = arith.cmpi ne, %convert_element_type3A_772, %cond3A_773 : i32
      scf.if %cond3A_774 {
        "tpu.region"() ({
          %run_scoped3A = tpu.sem_alloc : memref<!tpu.dma_semaphore, #tpu.memory_space<semaphore_mem>>
          %dma_start3A_779 = arith.constant 0 : i32
          %dma_start3A_780 = arith.constant 0 : i32
          %dma_start3A_781 = tpu.memref_slice %arg15[%dma_start3A_779, %dma_start3A_780] : memref<80x72xf32, #tpu.memory_space<vmem>> -> memref<80x64xf32, #tpu.memory_space<vmem>>
          %dma_start3A_782 = arith.constant 64 : i32
          %dma_start3A_783 = tpu.memref_slice %arg12[%add3A_751, %dma_start3A_782] : memref<20480x256xf32, #tpu.memory_space<hbm>> -> memref<80x64xf32, #tpu.memory_space<hbm>>
          %dma_start3A_784 = arith.constant 64 : i32
          %dma_start3A_785 = tpu.memref_slice %arg12[%add3A_751, %dma_start3A_784] : memref<20480x256xf32, #tpu.memory_space<hbm>> -> memref<80x64xf32, #tpu.memory_space<hbm>>
          %dma_start3A_786 = arith.constant 0 : i32
          %dma_start3A_787 = arith.constant 0 : i32
          %dma_start3A_788 = tpu.memref_slice %arg15[%dma_start3A_786, %dma_start3A_787] : memref<80x72xf32, #tpu.memory_space<vmem>> -> memref<80x64xf32, #tpu.memory_space<vmem>>
          tpu.enqueue_dma source(%dma_start3A_788 : memref<80x64xf32, #tpu.memory_space<vmem>>) target(%dma_start3A_785 : memref<80x64xf32, #tpu.memory_space<hbm>>) target_semaphore(%run_scoped3A : memref<!tpu.dma_semaphore, #tpu.memory_space<semaphore_mem>>)
          %dma_wait3A_789 = arith.constant 0 : i32
          %dma_wait3A_790 = arith.constant 0 : i32
          %dma_wait3A_791 = tpu.memref_slice %arg15[%dma_wait3A_789, %dma_wait3A_790] : memref<80x72xf32, #tpu.memory_space<vmem>> -> memref<80x64xf32, #tpu.memory_space<vmem>>
          %dma_wait3A_792 = arith.constant 64 : i32
          %dma_wait3A_793 = tpu.memref_slice %arg12[%add3A_751, %dma_wait3A_792] : memref<20480x256xf32, #tpu.memory_space<hbm>> -> memref<80x64xf32, #tpu.memory_space<hbm>>
          %dma_wait3A_794 = arith.constant 64 : i32
          %dma_wait3A_795 = tpu.memref_slice %arg12[%add3A_751, %dma_wait3A_794] : memref<20480x256xf32, #tpu.memory_space<hbm>> -> memref<80x64xf32, #tpu.memory_space<hbm>>
          %dma_wait3A_796 = arith.constant 0 : i32
          %dma_wait3A_797 = arith.constant 0 : i32
          %dma_wait3A_798 = tpu.memref_slice %arg15[%dma_wait3A_796, %dma_wait3A_797] : memref<80x72xf32, #tpu.memory_space<vmem>> -> memref<80x64xf32, #tpu.memory_space<vmem>>
          tpu.wait_dma2 semaphore(%run_scoped3A : memref<!tpu.dma_semaphore, #tpu.memory_space<semaphore_mem>>) src(%dma_wait3A_798 : memref<80x64xf32, #tpu.memory_space<vmem>>) dst(%dma_wait3A_795 : memref<80x64xf32, #tpu.memory_space<hbm>>)
          tpu.yield
        }) : () -> ()
        %dma_wait3A_776 = arith.constant 0 : i32
        %dma_wait3A_777 = arith.constant 0 : i32
        %dma_wait3A_778 = tpu.memref_slice %arg6[%dma_wait3A_776, %dma_wait3A_777] : memref<508x64xf32, #tpu.memory_space<hbm>> -> memref<508x64xf32, #tpu.memory_space<hbm>>
        tpu.wait_indirect_dma semaphore(%arg26 : memref<!tpu.dma_semaphore, #tpu.memory_space<semaphore_mem>>) src(%dma_wait3A_778 : memref<508x64xf32, #tpu.memory_space<hbm>>) dst(%arg21 : memref<80x64xf32, #tpu.memory_space<vmem>>)
        "tpu.region"() ({
          %run_scoped3A = tpu.sem_alloc : memref<!tpu.dma_semaphore, #tpu.memory_space<semaphore_mem>>
          %dma_start3A_779 = arith.constant 192 : i32
          %dma_start3A_780 = tpu.memref_slice %arg12[%add3A_751, %dma_start3A_779] : memref<20480x256xf32, #tpu.memory_space<hbm>> -> memref<80x64xf32, #tpu.memory_space<hbm>>
          %dma_start3A_781 = arith.constant 192 : i32
          %dma_start3A_782 = tpu.memref_slice %arg12[%add3A_751, %dma_start3A_781] : memref<20480x256xf32, #tpu.memory_space<hbm>> -> memref<80x64xf32, #tpu.memory_space<hbm>>
          tpu.enqueue_dma source(%arg21 : memref<80x64xf32, #tpu.memory_space<vmem>>) target(%dma_start3A_782 : memref<80x64xf32, #tpu.memory_space<hbm>>) target_semaphore(%run_scoped3A : memref<!tpu.dma_semaphore, #tpu.memory_space<semaphore_mem>>)
          %dma_wait3A_783 = arith.constant 192 : i32
          %dma_wait3A_784 = tpu.memref_slice %arg12[%add3A_751, %dma_wait3A_783] : memref<20480x256xf32, #tpu.memory_space<hbm>> -> memref<80x64xf32, #tpu.memory_space<hbm>>
          %dma_wait3A_785 = arith.constant 192 : i32
          %dma_wait3A_786 = tpu.memref_slice %arg12[%add3A_751, %dma_wait3A_785] : memref<20480x256xf32, #tpu.memory_space<hbm>> -> memref<80x64xf32, #tpu.memory_space<hbm>>
          tpu.wait_dma2 semaphore(%run_scoped3A : memref<!tpu.dma_semaphore, #tpu.memory_space<semaphore_mem>>) src(%arg21 : memref<80x64xf32, #tpu.memory_space<vmem>>) dst(%dma_wait3A_786 : memref<80x64xf32, #tpu.memory_space<hbm>>)
          tpu.yield
        }) : () -> ()
      } else {
      }
      %scan3A_775 = arith.constant 0 : i32
      scf.yield %scan3A_775 : i32
    }
    %scan3A_744 = arith.constant 16 : i32
    return
  }
}

</mosaic_0001>

<sc_bundles>
// kernel: kernel.3.cloned.1.call-start
scs
__scs_entry_jumppad:
0x0: {  	(pc) =	sbr.rel $0x88, $3  }
0x1: {  	(tag) =	ssettag $0x0;
	lr =	simm.s32 $0x1  }
0x2: {  	[smem:$0x3F99] =	sst lr;
	_ =	strace $0xD0000000  }
0x3: {  	_ = 	snop  }
0x4: {  	_ = 	snop  }
0x5: {  	_ = 	snop  }
0x6: {  	_ = 	snop  }
0x7: {  	_ = 	snop  }
__scs_overlays_trampoline_lowered:
0x8: {  	[smem:$0x3FA8] =	sst s0  }
0x9: {  	[smem:$0x3FA9] =	sst s1  }
0xa: {  	[smem:$0x3FAA] =	sst s2  }
0xb: {  	[smem:$0x3FAB] =	sst s3  }
0xc: {  	[smem:$0x3FAC] =	sst s4  }
0xd: {  	[smem:$0x3FAD] =	sst s5  }
0xe: {  	[smem:$0x3FAE] =	sst s6  }
0xf: {  	[smem:$0x3FAF] =	sst s7  }
0x10: {  	[smem:$0x3FB0] =	sst s8  }
0x11: {  	[smem:$0x3FB1] =	sst s9;
	s0 =	simm.s32 @!p0 $0x0  }
0x12: {  	s1 =	sld [smem:$0x3F97];
	s0 =	simm.s32 @p0 $0x1  }
0x13: {  	[smem:$0x3FB2] =	sst s0;
	s0 =	simm.s32 @!p1 $0x0  }
0x14: {  	s2 =	sld [smem:$0x3F96];
	s0 =	simm.s32 @p1 $0x1  }
0x15: {  	[smem:$0x3FB3] =	sst s0;
	s0 =	simm.s32 @!p2 $0x0  }
0x16: {  	s3 =	sld [smem:$0x3FDB];
	s0 =	simm.s32 @p2 $0x1  }
0x17: {  	s4 =	simm.s32 $0x1BF5;
	[smem:$0x3FB5] =	sst s0  }
0x18: {  	s0 =	sld [smem:$0x3F98];
	_ =	swait.ge [sflag:s4], $0x0  }
0x19: {  	s7 =	sld [smem:$0x3F99]  }
0x1a: {  	s8 =	sadd.s32 $0xFFFFE003, lr  }
0x1b: {  	s9 =	sadd.s32 $0xFFFFFEF7, lr;
	s5 =	simm.s32 $0xFFFFFFFF;
	p2 =	slt.u32 s8, $0xFFFFF086  }
0x1c: {  	p1 =	slt.u32 s9, $0xF7A;
	s5 =	simm.s32 @!p2 $0x0  }
0x1d: {  	s5 =	simm.s32 @p1 $0x1;
	p0 =	seq.s32 s7, s2  }
0x1e: {  	s7 =	smul.u32 @!p0 $0xF7A, s2;
	p2 =	seq.s32 @!p0 s5, $0x0  }
0x1f: {  	s9 =	smul.u32 $0xF7A, s1;
	s8 =	simm.s32 @!p0 $0x1BF5;
	p2 =	por !p2, p0  }
0x20: {  	[sflag:s8] =	ssyncset.s32 @!p0 $0xFFFFF086;
	s6 =	sadd.s32 @!p0 s3, s7;
	s7 =	simm.s32 @!p0 $0x108  }
0x21: {  	s3 =	sadd.s32 s3, s9;
	s6 =	sadd.s32 @!p0 $0x88, s6;
	s7 =	simm.s32 @p2 $0x1082  }
0x22: {  	[simem:s7], [sflag:s8] =	dma.local @!p0 [hbm:s6], $0xF7A  }
0x23: {  	s9 =	sor.u32 $0xD0000000, s2;
	s6 =	simm.s32 $0x108;
	_ =	swait.ge @!p0 [sflag:s8], $0x0  }
0x24: {  	s3 =	sadd.s32 $0x88, s3;
	s6 =	simm.s32 @!p1 $0x1082;
	[sflag:s4] =	ssyncset.s32 $0xFFFFF086  }
0x25: {  	[simem:s6], [sflag:s4] =	dma.local [hbm:s3], $0xF7A  }
0x26: {  	[smem:$0x3F99] =	sst s1;
	(tag) =	ssettag s2;
	_ =	strace s9  }
0x27: {  	s1 =	sld [smem:$0x3FA9]  }
0x28: {  	s2 =	sld [smem:$0x3FAA]  }
0x29: {  	s4 =	sld [smem:$0x3FAC]  }
0x2a: {  	p0 =	seq.s32 s5, $0x0;
	s5 =	sld [smem:$0x3FAD]  }
0x2b: {  	s6 =	sld [smem:$0x3FAE]  }
0x2c: {  	s7 =	sld [smem:$0x3FAF]  }
0x2d: {  	s3 =	simm.s32 $0x108;
	s8 =	sld [smem:$0x3FB0]  }
0x2e: {  	s3 =	simm.s32 @!p0 $0x1082;
	s9 =	sld [smem:$0x3FB1]  }
0x2f: {  	lr =	sadd.s32 s0, s3;
	s0 =	sld [smem:$0x3FA8]  }
0x30: {  	s3 =	sld [smem:$0x3FAB]  }
0x31: {  	[smem:$0x3FB4] =	sst s10  }
0x32: {  	s10 =	sld [smem:$0x3FB2];
	_ =	sdelay $0x3  }
0x33: {  	p0 =	seq.s32 s10, $0x1;
	s10 =	sld [smem:$0x3FB4];
	_ =	sdelay $0x3  }
0x34: {  	[smem:$0x3FB4] =	sst s10  }
0x35: {  	s10 =	sld [smem:$0x3FB3];
	_ =	sdelay $0x3  }
0x36: {  	p1 =	seq.s32 s10, $0x1;
	s10 =	sld [smem:$0x3FB4];
	_ =	sdelay $0x3  }
0x37: {  	[smem:$0x3FB4] =	sst s10  }
0x38: {  	s10 =	sld [smem:$0x3FB5]  }
0x39: {  	_ = 	snop;
	(pc) =	sbr.ind lr, $3  }
0x3a: {  	_ = 	snop  }
0x3b: {  	_ = 	snop  }
0x3c: {  	p2 =	seq.s32 s10, $0x1;
	s10 =	sld [smem:$0x3FB4]  }
0x3d: {  	_ =	shalt  }
0x3e: {  	_ =	shalt  }
0x3f: {  	_ =	shalt  }
0x40: {  	_ =	shalt  }
0x41: {  	_ =	shalt  }
0x42: {  	_ =	shalt  }
0x43: {  	_ =	shalt  }
0x44: {  	_ =	shalt  }
0x45: {  	_ =	shalt  }
0x46: {  	_ =	shalt  }
0x47: {  	_ =	shalt  }
0x48: {  	_ =	shalt  }
0x49: {  	_ =	shalt  }
0x4a: {  	_ =	shalt  }
0x4b: {  	_ =	shalt  }
0x4c: {  	_ =	shalt  }
0x4d: {  	_ =	shalt  }
0x4e: {  	_ =	shalt  }
0x4f: {  	_ =	shalt  }
0x50: {  	_ =	shalt  }
0x51: {  	_ =	shalt  }
0x52: {  	_ =	shalt  }
0x53: {  	_ =	shalt  }
0x54: {  	_ =	shalt  }
0x55: {  	_ =	shalt  }
0x56: {  	_ =	shalt  }
0x57: {  	_ =	shalt  }
0x58: {  	_ =	shalt  }
0x59: {  	_ =	shalt  }
0x5a: {  	_ =	shalt  }
0x5b: {  	_ =	shalt  }
0x5c: {  	_ =	shalt  }
0x5d: {  	_ =	shalt  }
0x5e: {  	_ =	shalt  }
0x5f: {  	_ =	shalt  }
0x60: {  	_ =	shalt  }
0x61: {  	_ =	shalt  }
0x62: {  	_ =	shalt  }
0x63: {  	_ =	shalt  }
0x64: {  	_ =	shalt  }
0x65: {  	_ =	shalt  }
0x66: {  	_ =	shalt  }
0x67: {  	_ =	shalt  }
0x68: {  	_ =	shalt  }
0x69: {  	_ =	shalt  }
0x6a: {  	_ =	shalt  }
0x6b: {  	_ =	shalt  }
0x6c: {  	_ =	shalt  }
0x6d: {  	_ =	shalt  }
0x6e: {  	_ =	shalt  }
0x6f: {  	_ =	shalt  }
0x70: {  	_ =	shalt  }
0x71: {  	_ =	shalt  }
0x72: {  	_ =	shalt  }
0x73: {  	_ =	shalt  }
0x74: {  	_ =	shalt  }
0x75: {  	_ =	shalt  }
0x76: {  	_ =	shalt  }
0x77: {  	_ =	shalt  }
0x78: {  	_ =	shalt  }
0x79: {  	_ =	shalt  }
0x7a: {  	_ =	shalt  }
0x7b: {  	_ =	shalt  }
0x7c: {  	_ =	shalt  }
0x7d: {  	_ =	shalt  }
0x7e: {  	_ =	shalt  }
0x7f: {  	_ =	shalt  }
0x80: {  	_ =	shalt  }
0x81: {  	_ =	shalt  }
0x82: {  	_ =	shalt  }
0x83: {  	_ =	shalt  }
0x84: {  	_ =	shalt  }
0x85: {  	_ =	shalt  }
0x86: {  	_ =	shalt  }
0x87: {  	_ =	shalt  }
.Lfunc_end0:
.L_simem_size_0:
called_computation_lowered:
.L_overlay_start_0:
0x88: {  	s2 =	sld [smem:$0x3FD9]  }
0x89: {  	s3 =	sld [smem:$0x3FFE];
	_ =	sdelay $0x1  }
0x8a: {  	s1 =	srdreg.scid  }
0x8b: {  	s0 =	sand.u32 $0x1, s1  }
0x8c: {  	s14 =	sshll.u32 s0, $0xA;
	s2 =	sadd.s32 s3, s2  }
0x8d: {  	s2 =	sadd.s32 s2, s14  }
0x8e: {  	[smem:$0x3FC0] =	sst s2  }
0x8f: {  	_ = 	snop  }
0x90: {  	s2 =	sld [smem:$0x3FD0];
	_ =	sdelay $0x1  }
0x91: {  	s15 =	sld [smem:$0x3FC9]  }
0x92: {  	s5 =	simm.s32 $0xA;
	s6 =	simm.s32 $0x10;
	s4 =	sld [smem:$0x3FC5]  }
0x93: {  	[smem:s6], [sflag:s5] =	dma.local [hbm:s2], $0x1  }
0x94: {  	_ =	swait.eq [sflag:s5], $0x1  }
0x95: {  	[sflag:s5] =	ssyncset.done $0x0  }
0x96: {  	s16 =	sld [smem:$0x10];
	[sflag:s5] =	ssyncadd.s32 $0xFFFFFFFF  }
0x97: {  	s17 =	sld [smem:$0x11];
	(tm) =	ssettm $0x1  }
0x98: {  	s18 =	sld [smem:$0x3FFB];
	_ =	sdelay $0x3  }
0x99: {  	_ =	strace s18  }
0x9a: {  	s6 =	sld [smem:$0x3FFC];
	_ =	sdelay $0x3  }
0x9b: {  	_ =	strace s6  }
0x9c: {  	s6 =	sld [smem:$0x3FFD];
	_ =	sdelay $0x3  }
0x9d: {  	_ =	strace s6  }
0x9e: {  	_ =	strace $0x8FFFFFFF  }
0x9f: {  	s19 =	sld [smem:$0x3FDB];
	_ =	sdelay $0x1  }
0xa0: {  	s7 =	simm.s32 $_scs_section_size  }
0xa1: {  	s8 =	simm.s32 $_size__tile_overlayer_lowered;
	s9 =	simm.s32 $_tile_overlayer_lowered  }
0xa2: {  	s22 =	simm.s32 $0x1BFF;
	s21 =	sshll.u32 s9, $0x1;
	s6 =	sadd.s32 s7, s19  }
0xa3: {  	s10 =	simm.s32 $0x0;
	s20 =	sshll.u32 s8, $0x1;
	s8 =	sadd.s32 s21, s6  }
0xa4: {  	[timem:s10], [sflag:s22] =	dma.local [hbm:s8], s20  }
0xa5: {  	_ =	swait.ge [sflag:s22], s20  }
0xa6: {  	s7 =	ssub.s32 $0x0, s20;
	[sflag:s22] =	ssyncset.done $0x0  }
0xa7: {  	[sflag:s22] =	ssyncadd.s32 s7;
	_ =	sdelay $0x1  }
0xa8: {  	s23 =	simm.s32 $0x1B8B  }
0xa9: {  	_ =	swait.ge [sflag:s23], $0x1  }
0xaa: {  	[sflag:s23] =	ssyncset.done $0x0  }
0xab: {  	s25 =	simm.s32 $0x1B8E;
	s24 =	sld [smem:$0x3FFE];
	[sflag:s23] =	ssyncadd.s32 $0xFFFFFFFF  }
0xac: {  	s26 =	simm.s32 $execute0_lowered;
	[smem:$0x3FD2] =	sst s25  }
0xad: {  	s8 =	sshll.u32 s26, $0x1;
	_ =	strace $0x80000046;
	[dreg:$0x1] =	wrdreg $0xFFFFFFFF  }
0xae: {  	s28 =	simm.s32 $_size_execute0_lowered;
	s6 =	sadd.s32 s6, s8;
	[dreg:$0x0] =	wrdreg $0x0  }
0xaf: {  	s8 =	sshll.u32 s28, $0x1;
	[dreg:$0x2] =	wrdreg s6  }
0xb0: {  	[dreg:$0x3] =	wrdreg s8  }
0xb1: {  	[dreg:$0x4] =	wrdreg $0xC0  }
0xb2: {  	_ =	task [dreg:s10], $0x5FFFF  }
0xb3: {  	[dreg:$0x1] =	wrdreg $0xFFFFFFFF  }
0xb4: {  	[dreg:$0x0] =	wrdreg $0x60  }
0xb5: {  	[dreg:$0x2] =	wrdreg s15  }
0xb6: {  	[dreg:$0x3] =	wrdreg s4  }
0xb7: {  	[dreg:$0x4] =	wrdreg s24  }
0xb8: {  	[dreg:$0x5] =	wrdreg s17  }
0xb9: {  	[dreg:$0x6] =	wrdreg s16  }
0xba: {  	[dreg:$0x7] =	wrdreg $0x0  }
0xbb: {  	[dreg:$0x8] =	wrdreg $0x9  }
0xbc: {  	_ =	task.clear_ibuf [dreg:s10], $0x9FFFF;
	_ =	strace $0x90000046  }
0xbd: {  	s29 =	simm.s32 $0x9;
	_ =	strace $0x80000048  }
0xbe: {  	_ =	swait.ge [sflag:s29], $0x1  }
0xbf: {  	[sflag:s29] =	ssyncadd.s32 $0xFFFFFFFF  }
0xc0: {  	_ =	strace $0x90000048  }
0xc1: {  	_ =	sfence  }
0xc2: {  	s30 =	sld [smem:$0x0];
	_ =	sdelay $0x2  }
0xc3: {  	s31 =	sshll.u32 s1, $0xD;
	s1 =	sshrl.u32 s1, $0x2  }
0xc4: {  	s3 =	sand.u32 $0x4000, s31;
	s1 =	sadd.s32 s1, s30  }
0xc5: {  	s0 =	sor.u32 s3, s0;
	s1 =	sshll.u32 s1, $0x11  }
0xc6: {  	s0 =	sor.u32 s1, s0  }
0xc7: {  	s0 =	sadd.s32 $0x8F2B, s0  }
0xc8: {  	[sflag:s0] =	ssyncadd.remote.s32 $0x1  }
0xc9: {  	_ =	sfence.sel $0xFFFF  }
0xca: {  	[dreg:$0x0] =	wrdreg $0xFFFFFFFF;
	(pc) =	sbr.abs _section_cstart, $3  }
0xcb: {  	[dreg:$0x1] =	wrdreg $0xFFFFFFFF  }
0xcc: {  	_ =	task.clear_ibuf [dreg:s10], $0x2FFFF;
	_ =	strace $0x9FFFFFFF  }
0xcd: {  	(tm) =	ssettm $0x7FFFFFFF  }
tec
execute0_lowered:
.L_overlay_start_1:
0x0: {  	(tag) =	ssettag $0x1  }
0x1: {  	s0 =	rddreg [dreg:$0x0]  }
0x2: {  	s2 =	rddreg [dreg:$0x1]  }
0x3: {  	s3 =	rddreg [dreg:$0x2]  }
0x4: {  	s14 =	rddreg [dreg:$0x4]  }
0x5: {  	s6 =	rddreg [dreg:$0x5]  }
0x6: {  	s1 =	srdreg.scid;
	s8 =	simm.s32 $0x0;
	s15 =	stileid.u32  }
0x7: {  	s5 =	sand.u32 $0x1, s1;
	[smem:$0x7FF] =	sst s8;
	s7 =	smul.u32 $0x508, s15  }
0x8: {  	s9 =	sadd.s32 $0x200, s3;
	s1 =	ssub.s32 $0x2, s5;
	_ =	strace $0x80000047  }
0x9: {  	p0 =	seq.s32 s5, $0x0;
	s4 =	sshrl.u32 s1, $0x1;
	s10 =	sshrl.u32 s7, $0x3  }
0xa: {  	s11 =	sadd.s32 $0x38, s7;
	s12 =	sadd.s32 $0xA8, s7;
	s21 =	sadd.s32 $0x118, s7  }
0xb: {  	s22 =	sadd.s32 $0x188, s7;
	s13 =	sadd.s32 $0x1F8, s7;
	s26 =	sadd.s32 $0x268, s7  }
0xc: {  	s28 =	sadd.s32 $0x2D8, s7;
	s29 =	sadd.s32 $0x348, s7;
	s1 =	ssub.s32 s1, s4  }
0xd: {  	s4 =	smul.u32 $0x5A900, s15;
	s16 =	sadd.s32 s9, s10;
	s19 =	sshrl.u32 s11, $0x3  }
0xe: {  	s12 =	sshrl.u32 s12, $0x3;
	s23 =	sshrl.u32 s22, $0x3;
	s24 =	sshrl.u32 s13, $0x3  }
0xf: {  	s17 =	sshrl.u32 s29, $0x3;
	s22 =	smul.u32 $0x271000, s15;
	s10 =	sadd.s32 s9, s19  }
0x10: {  	s20 =	sadd.s32 s9, s12;
	s25 =	sadd.s32 s9, s24;
	[dreg:$0x7] =	wrdreg s16  }
0x11: {  	s12 =	sshrl.u32 s28, $0x3;
	s18 =	sadd.s32 s9, s17;
	[dreg:$0x8] =	wrdreg s10  }
0x12: {  	s19 =	sadd.s32 $0x3B8, s7;
	s28 =	sshll.u32 s15, $0x6;
	[dreg:$0x9] =	wrdreg s20  }
0x13: {  	s1 =	smax.u32 s1, $0x1;
	s10 =	sshrl.u32 s21, $0x3;
	[dreg:$0xc] =	wrdreg s25  }
0x14: {  	[dreg:$0xf] =	wrdreg s18;
	s20 =	sadd.s32 $0x428, s7;
	s7 =	sadd.s32 $0x498, s7  }
0x15: {  	s25 =	smul.u32 $0x4E20, s15;
	s13 =	sadd.s32 $0xFC00, s4;
	[smem:$0x7EB] =	sst s1  }
0x16: {  	s10 =	sadd.s32 s9, s10;
	s21 =	sshrl.u32 s20, $0x3;
	s7 =	sshrl.u32 s7, $0x3  }
0x17: {  	s18 =	sshrl.u32 s13, $0x2;
	[dreg:$0xa] =	wrdreg s10;
	s10 =	sadd.s32 s9, s23  }
0x18: {  	s7 =	sadd.s32 s9, s7;
	s23 =	sshrl.u32 s4, $0x2;
	[dreg:$0xb] =	wrdreg s10  }
0x19: {  	s10 =	sshrl.u32 s26, $0x3;
	[dreg:$0x12] =	wrdreg s7;
	s7 =	sadd.s32 $0xA0, s25  }
0x1a: {  	s29 =	sshrl.u32 s25, $0x3;
	s10 =	sadd.s32 s9, s10;
	[dreg:$0x16] =	wrdreg s7  }
0x1b: {  	s26 =	smul.u32 $0x120, s11;
	[dreg:$0xd] =	wrdreg s10;
	s10 =	sadd.s32 s9, s12  }
0x1c: {  	s11 =	sadd.s32 $0x7E00, s4;
	s12 =	sadd.s32 $0xBD00, s4;
	[dreg:$0xe] =	wrdreg s10  }
0x1d: {  	s10 =	sshrl.u32 s19, $0x3;
	s17 =	sshrl.u32 s12, $0x2;
	s19 =	sadd.s32 s18, s6  }
0x1e: {  	s10 =	sadd.s32 s9, s10;
	[dreg:$0x1a] =	wrdreg s19;
	s19 =	sadd.s32 $0x33300, s4  }
0x1f: {  	[dreg:$0x10] =	wrdreg s10;
	s10 =	sadd.s32 s9, s21;
	s21 =	sshll.u32 s5, $0x6  }
0x20: {  	s5 =	sadd.s32 s23, s6;
	s23 =	sadd.s32 $0x1B900, s4;
	[dreg:$0x11] =	wrdreg s10  }
0x21: {  	[dreg:$0x13] =	wrdreg s5;
	s24 =	sor.u32 s21, s22;
	s10 =	sor.u32 $0x1C05, s28  }
0x22: {  	s22 =	sadd.s32 $0x17A00, s4;
	s28 =	sshrl.u32 s23, $0x2;
	s5 =	sshrl.u32 s24, $0x3  }
0x23: {  	[dreg:$0x14] =	wrdreg s10;
	s10 =	sshrl.u32 s26, $0x2;
	s26 =	sadd.s32 $0x50, s25  }
0x24: {  	s25 =	sshrl.u32 s22, $0x2;
	s24 =	sadd.s32 s0, s5;
	s5 =	sadd.s32 s2, s29  }
0x25: {  	s22 =	sshrl.u32 s19, $0x2;
	s29 =	sadd.s32 s28, s6;
	[dreg:$0x15] =	wrdreg s5  }
0x26: {  	s9 =	sadd.s32 $0x23700, s4;
	s23 =	sadd.s32 s22, s6;
	[dreg:$0x1d] =	wrdreg s29  }
0x27: {  	s5 =	sadd.s32 s10, s6;
	s10 =	sadd.s32 $0x27600, s4;
	[smem:$0x7E1] =	sst s23  }
0x28: {  	s29 =	sadd.s32 $0x3F000, s4;
	[dreg:$0x17] =	wrdreg s5;
	s5 =	sshrl.u32 s11, $0x2  }
0x29: {  	s12 =	sshrl.u32 s10, $0x2;
	s10 =	sshrl.u32 s29, $0x2;
	s29 =	sadd.s32 $0x1800, s3  }
0x2a: {  	s11 =	sshrl.u32 s9, $0x2;
	s9 =	sadd.s32 $0x19400, s3;
	[smem:$0x7ED] =	sst s29  }
0x2b: {  	s5 =	sadd.s32 s5, s6;
	[smem:$0x7F0] =	sst s9  }
0x2c: {  	s30 =	simm.s32 $0x197E0;
	s13 =	sadd.s32 s12, s6;
	[dreg:$0x18] =	wrdreg s5  }
0x2d: {  	s20 =	sadd.s32 $0x13B00, s4;
	s29 =	sadd.s32 $0x18, s14;
	[smem:$0x7DE] =	sst s13  }
0x2e: {  	s18 =	sadd.s32 $0x2F400, s4;
	s5 =	sadd.s32 s17, s6;
	[smem:$0x7FD] =	sst s29  }
0x2f: {  	s13 =	sadd.s32 $0x46E00, s4;
	[dreg:$0x19] =	wrdreg s5;
	s5 =	sshrl.u32 s20, $0x2  }
0x30: {  	s20 =	sshrl.u32 s18, $0x2;
	s18 =	sshrl.u32 s13, $0x2;
	s13 =	sadd.s32 $0x38, s16  }
0x31: {  	s31 =	simm.s32 $0x1A7F0;
	s5 =	sadd.s32 s5, s6;
	[smem:$0x7F4] =	sst s13  }
0x32: {  	s7 =	sadd.s32 $0x1F800, s4;
	[dreg:$0x1b] =	wrdreg s5;
	s5 =	sadd.s32 s25, s6  }
0x33: {  	s28 =	sadd.s32 $0x3B100, s4;
	s22 =	sadd.s32 $0x4EC00, s4;
	[dreg:$0x1c] =	wrdreg s5  }
0x34: {  	s5 =	sshrl.u32 s7, $0x2;
	s7 =	sshrl.u32 s28, $0x2;
	s28 =	sadd.s32 $0x2C00, s3  }
0x35: {  	s23 =	sadd.s32 $0x52B00, s4;
	s5 =	sadd.s32 s5, s6;
	[smem:$0x7EC] =	sst s28  }
0x36: {  	s12 =	sadd.s32 $0x42F00, s4;
	s28 =	sadd.s32 $0x8, s14;
	[dreg:$0x1e] =	wrdreg s5  }
0x37: {  	s9 =	simm.s32 $0x2;
	s5 =	sadd.s32 s11, s6;
	[smem:$0x7FC] =	sst s28  }
0x38: {  	s17 =	sadd.s32 $0x2B500, s4;
	s11 =	sadd.s32 s10, s6;
	[dreg:$0x1f] =	wrdreg s5  }
0x39: {  	s25 =	sadd.s32 $0x37200, s4;
	s10 =	sadd.s32 $0xE, s16;
	[smem:$0x7E4] =	sst s11  }
0x3a: {  	s5 =	sshrl.u32 s17, $0x2;
	[smem:$0x7F1] =	sst s10;
	s11 =	sadd.s32 $0x1C, s16  }
0x3b: {  	s17 =	sadd.s32 $0x4AD00, s4;
	s5 =	sadd.s32 s5, s6;
	[smem:$0x7F2] =	sst s11  }
0x3c: {  	s19 =	sshrl.u32 s17, $0x2;
	s17 =	sadd.s32 $0x46, s16;
	[smem:$0x7DF] =	sst s5  }
0x3d: {  	s4 =	sadd.s32 $0x56A00, s4;
	s5 =	sadd.s32 s20, s6;
	[smem:$0x7F5] =	sst s17  }
0x3e: {  	s4 =	sshrl.u32 s4, $0x2;
	s20 =	sadd.s32 s19, s6;
	[smem:$0x7E0] =	sst s5  }
0x3f: {  	s13 =	smul.u32 $0x500, s15;
	s4 =	sadd.s32 s4, s6;
	[smem:$0x7E7] =	sst s20  }
0x40: {  	s10 =	simm.s32 $0x0;
	s19 =	sadd.s32 $0x62, s16;
	[smem:$0x7EA] =	sst s4  }
0x41: {  	s17 =	simm.s32 $0x5;
	s4 =	sadd.s32 $0xE00, s3;
	[smem:$0x7F7] =	sst s19  }
0x42: {  	s5 =	sshrl.u32 s25, $0x2;
	s20 =	sadd.s32 $0x70, s16;
	[smem:$0x7EE] =	sst s4  }
0x43: {  	s25 =	sshrl.u32 s23, $0x2;
	s23 =	sadd.s32 $0x8C, s16;
	[smem:$0x7F8] =	sst s20  }
0x44: {  	s19 =	simm.s32 $0x19790;
	s5 =	sadd.s32 s5, s6;
	[smem:$0x7FA] =	sst s23  }
0x45: {  	s20 =	simm.s32 $0x1;
	[smem:$0x7E2] =	sst s5;
	s5 =	sadd.s32 s7, s6  }
0x46: {  	[smem:$0x7E3] =	sst s5;
	s5 =	sshrl.u32 s12, $0x2;
	s12 =	sadd.s32 $0x2A, s16  }
0x47: {  	s23 =	simm.s32 $0x50;
	s5 =	sadd.s32 s5, s6;
	[smem:$0x7F3] =	sst s12  }
0x48: {  	s4 =	simm.s32 $0x6;
	[smem:$0x7E5] =	sst s5;
	s5 =	sadd.s32 s18, s6  }
0x49: {  	s7 =	sadd.s32 $0x2200, s3;
	s18 =	sadd.s32 $0x54, s16;
	[smem:$0x7E6] =	sst s5  }
0x4a: {  	s5 =	sshrl.u32 s22, $0x2;
	[smem:$0x7F6] =	sst s18;
	s22 =	sadd.s32 $0x7E, s16  }
.Ltmp0:
0x4b: {  	s5 =	sadd.s32 s5, s6;
	[smem:$0x7F9] =	sst s22;
	(pc) =	sbr.rel .LBB2_1-.Ltmp0, $4  }
0x4c: {  	s18 =	simm.s32 $0x19740;
	[smem:$0x7E8] =	sst s5;
	s5 =	sadd.s32 s25, s6  }
0x4d: {  	s22 =	simm.s32 $0x4;
	s25 =	sadd.s32 $0x9A, s16;
	[smem:$0x7E9] =	sst s5  }
0x4e: {  	s16 =	sadd.s32 $0x10, s14;
	s5 =	sadd.s32 $0x16600, s3;
	[smem:$0x7FB] =	sst s25  }
0x4f: {  	vm0 =	vmmov $0xff;
	s25 =	simm.s32 $0x16A40;
	[smem:$0x7EF] =	sst s5;
	s5 =	simm.s32 $0x1BBF0  }
.LBB2_72:
0x50: {  	s10 =	sld [smem:$0x7DD]  }
0x51: {  	s1 =	sld [smem:$0x7EB];
	_ =	sdelay $0x1  }
0x52: {  	s10 =	sadd.s32 $0x1, s10  }
0x53: {  	p1 =	sne.s32 s10, s1  }
.Ltmp1:
0x54: {  	_ = 	snop;
	(pc) =	sbr.rel @!p1 .LBB2_73-.Ltmp1, $1  }
0x55: {  	_ =	sdelay $0x3  }
.LBB2_1:
0x56: {  	[smem:$0x7DD] =	sst s10  }
0x57: {  	s11 =	sld [smem:$0x7EF]  }
0x58: {  	s1 =	rddreg [dreg:$0x13]  }
0x59: {  	s29 =	rddreg [dreg:$0x14];
	s1 =	sshrl.u32 s1, $0x3  }
0x5a: {  	[spmem:s1], [sflag:s29] =	dma.local [hbm:s11], $0x2D48  }
0x5b: {  	_ =	swait.ge [sflag:s17], $0x2D48  }
0x5c: {  	s10 =	simm.s32 $0x16A80;
	s12 =	simm.s32 $0x16AC8;
	[sflag:s17] =	ssyncset.done $0x0  }
0x5d: {  	s11 =	simm.s32 $0x1;
	s1 =	sadd.s32 $0x0, s3;
	[sflag:s17] =	ssyncadd.s32 $0xFFFFD2B8  }
.LBB2_2:
0x5e: {  	[tilespmem:s10], [sflag:$0x5] =	stream.linear.gather [hbm4b:s1+s8], $0x8, $0x38;
	[tilespmem:$0x1BC40] =	vst v63  }
0x5f: {  	s1 =	smov.u32 s11;
	s10 =	smov.u32 s12;
	p1 =	sne.s32 s11, $0x4F  }
.Ltmp2:
0x60: {  	s11 =	sadd.s32 $0x1, s11;
	(pc) =	sbr.rel @p1 .LBB2_2-.Ltmp2, $2  }
0x61: {  	_ =	sdelay $0x2  }
0x62: {  	s12 =	sadd.s32 $0x48, s12;
	s1 =	sadd.s32 s1, s3  }
0x63: {  	[tilespmem:s10], [sflag:$0x5] =	stream.linear.gather [hbm4b:s1+s8], $0x8, $0x38;
	[tilespmem:$0x1BC40] =	vst v63  }
0x64: {  	_ =	swait.ge [sflag:s17], $0x280  }
0x65: {  	s10 =	simm.s32 $0x18100;
	s11 =	simm.s32 $0x1;
	[sflag:s17] =	ssyncset.done $0x0  }
0x66: {  	s1 =	sadd.s32 $0x0, s3;
	s12 =	simm.s32 $0x18148;
	[sflag:s17] =	ssyncadd.s32 $0xFFFFFD80  }
.LBB2_4:
0x67: {  	[tilespmem:s10], [sflag:$0x5] =	stream.linear.gather [hbm4b:s1+s8], $0x8, $0x38;
	[tilespmem:$0x1BC40] =	vst v63  }
0x68: {  	s1 =	smov.u32 s11;
	s10 =	smov.u32 s12;
	p1 =	sne.s32 s11, $0x4F  }
.Ltmp3:
0x69: {  	s11 =	sadd.s32 $0x1, s11;
	(pc) =	sbr.rel @p1 .LBB2_4-.Ltmp3, $2  }
0x6a: {  	_ =	sdelay $0x2  }
0x6b: {  	s12 =	sadd.s32 $0x48, s12;
	s1 =	sadd.s32 s1, s3  }
0x6c: {  	[tilespmem:s10], [sflag:$0x5] =	stream.linear.gather [hbm4b:s1+s8], $0x8, $0x38;
	[tilespmem:$0x1BC40] =	vst v63  }
0x6d: {  	_ =	swait.ge [sflag:s17], $0x280  }
0x6e: {  	[sflag:s17] =	ssyncset.done $0x0  }
0x6f: {  	s10 =	simm.s32 $0x16A40;
	s11 =	simm.s32 $0x10;
	[sflag:s17] =	ssyncadd.s32 $0xFFFFFD80  }
0x70: {  	s1 =	sadd.s32 $0x0, s24;
	s12 =	simm.s32 $0x16A88;
	[bflag:$0x0] =	sbarrier.arrive $0xFFFF  }
.LBB2_6:
0x71: {  	[tilespmem:s10], [sflag:$0x1] =	stream.linear.gather [hbm4b:s1+s8], $0x40, $0x38;
	[tilespmem:$0x1BC40] =	vst v63  }
0x72: {  	s1 =	smov.u32 s11;
	s10 =	smov.u32 s12;
	p1 =	sne.s32 s11, $0x4F0  }
.Ltmp4:
0x73: {  	s11 =	sadd.s32 $0x10, s11;
	(pc) =	sbr.rel @p1 .LBB2_6-.Ltmp4, $2  }
0x74: {  	_ =	sdelay $0x2  }
0x75: {  	s12 =	sadd.s32 $0x48, s12;
	s1 =	sadd.s32 s1, s24  }
.Ltmp5:
0x76: {  	(pc) =	sbr.rel .LBB2_8-.Ltmp5, $4  }
0x77: {  	_ = 	snop  }
0x78: {  	[tilespmem:s10], [sflag:$0x1] =	stream.linear.gather [hbm4b:s1+s8], $0x40, $0x38;
	[tilespmem:$0x1BC40] =	vst v63  }
0x79: {  	s10 =	simm.s32 $0x0;
	s29 =	rddreg [dreg:$0x15]  }
0x7a: {  	[tilespmem:s18], [sflag:$0x1] =	stream.linear.gather [hbm4b:s29+s10], $0x50, $0x38;
	[tilespmem:$0x1BC40] =	vst v63  }
.LBB2_14:
0x7b: {  	_ =	swait.ge [sflag:s20], $0x1400;
	s10 =	sadd.s32 $0x1, s10  }
0x7c: {  	[sflag:s20] =	ssyncset.done $0x0;
	p1 =	sne.s32 s10, $0x7D  }
.Ltmp6:
0x7d: {  	[sflag:s20] =	ssyncadd.s32 $0xFFFFEC00;
	(pc) =	sbr.rel @!p1 .LBB2_15-.Ltmp6, $4  }
0x7e: {  	_ =	swait.ge [sflag:s20], $0x50  }
0x7f: {  	[sflag:s20] =	ssyncset.done $0x0  }
0x80: {  	s1 =	simm.s32 $0x180C0;
	[sflag:s20] =	ssyncadd.s32 $0xFFFFFFB0  }
0x81: {  	[spmem:s6] =	stream.indirect.scatter.add.f32 [tilespmem:s1], [sflag:$0x3], $0x48, s19, s23, $0xb8;
	[tilespmem:$0x1BC40] =	vst v63  }
.LBB2_8:
0x82: {  	s11 =	smul.u32 $0xA0, s10;
	_ =	sdelay $0x1  }
0x83: {  	s12 =	sadd.s32 s11, s26  }
0x84: {  	p1 =	seq.s32 s10, $0x0;
	s14 =	sshll.u32 s12, $0x7  }
0x85: {  	s1 =	simm.s32 @!p1 $0x3;
	s14 =	sor.u32 s21, s14  }
0x86: {  	s29 =	simm.s32 $0x180C0;
	_ =	swait.ge @!p1 [sflag:s1], $0x1680;
	s14 =	sshrl.u32 s14, $0x3  }
0x87: {  	s28 =	simm.s32 $0x10;
	[sflag:s1] =	ssyncset.done @!p1 $0x0;
	s14 =	sadd.s32 s0, s14  }
0x88: {  	[sflag:s1] =	ssyncadd.s32 @!p1 $0xFFFFE980;
	s1 =	simm.s32 $0x18108;
	s15 =	sadd.s32 $0x0, s14  }
.LBB2_9:
0x89: {  	[tilespmem:s29], [sflag:$0x1] =	stream.linear.gather [hbm4b:s15+s8], $0x40, $0x38;
	[tilespmem:$0x1BC40] =	vst v63  }
0x8a: {  	s15 =	smov.u32 s28;
	s29 =	smov.u32 s1;
	p1 =	sne.s32 s28, $0x4F0  }
.Ltmp7:
0x8b: {  	s28 =	sadd.s32 $0x10, s28;
	(pc) =	sbr.rel @p1 .LBB2_9-.Ltmp7, $2  }
0x8c: {  	_ =	sdelay $0x2  }
0x8d: {  	s1 =	sadd.s32 $0x48, s1;
	s15 =	sadd.s32 s15, s14  }
0x8e: {  	[tilespmem:s29], [sflag:$0x1] =	stream.linear.gather [hbm4b:s15+s8], $0x40, $0x38;
	[tilespmem:$0x1BC40] =	vst v63  }
0x8f: {  	s1 =	sshrl.u32 s12, $0x3  }
0x90: {  	s1 =	sadd.s32 s2, s1  }
0x91: {  	[tilespmem:s19], [sflag:$0x1] =	stream.linear.gather [hbm4b:s1+s8], $0x50, $0x38;
	[tilespmem:$0x1BC40] =	vst v63  }
0x92: {  	_ =	swait.ge [sflag:s20], $0x1400  }
0x93: {  	[sflag:s20] =	ssyncset.done $0x0  }
0x94: {  	[sflag:s20] =	ssyncadd.s32 $0xFFFFEC00  }
0x95: {  	_ =	swait.ge [sflag:s20], $0x50  }
0x96: {  	p1 =	seq.s32 s10, $0x7C;
	[sflag:s20] =	ssyncset.done $0x0  }
.Ltmp8:
0x97: {  	[sflag:s20] =	ssyncadd.s32 $0xFFFFFFB0;
	(pc) =	sbr.rel @p1 .LBB2_14-.Ltmp8, $4  }
0x98: {  	[spmem:s6] =	stream.indirect.scatter.add.f32 [tilespmem:s25], [sflag:$0x2], $0x48, s18, s23, $0xb8;
	[tilespmem:$0x1BC40] =	vst v63  }
0x99: {  	_ =	swait.ge [sflag:s9], $0x1680  }
0x9a: {  	[sflag:s9] =	ssyncset.done $0x0  }
0x9b: {  	[sflag:s9] =	ssyncadd.s32 $0xFFFFE980  }
0x9c: {  	s1 =	rddreg [dreg:$0x16]  }
0x9d: {  	s11 =	sadd.s32 s11, s1  }
0x9e: {  	s1 =	sshll.u32 s11, $0x7  }
0x9f: {  	s1 =	sor.u32 s21, s1  }
0xa0: {  	s1 =	sshrl.u32 s1, $0x3  }
0xa1: {  	s14 =	simm.s32 $0x16A40;
	s12 =	sadd.s32 s0, s1  }
0xa2: {  	s28 =	simm.s32 $0x10;
	s1 =	simm.s32 $0x16A88;
	s15 =	sadd.s32 $0x0, s12  }
.LBB2_12:
0xa3: {  	[tilespmem:s14], [sflag:$0x1] =	stream.linear.gather [hbm4b:s15+s8], $0x40, $0x38;
	[tilespmem:$0x1BC40] =	vst v63  }
0xa4: {  	s15 =	smov.u32 s28;
	s14 =	smov.u32 s1;
	p1 =	sne.s32 s28, $0x4F0  }
.Ltmp9:
0xa5: {  	s28 =	sadd.s32 $0x10, s28;
	(pc) =	sbr.rel @p1 .LBB2_12-.Ltmp9, $2  }
0xa6: {  	_ =	sdelay $0x2  }
0xa7: {  	s1 =	sadd.s32 $0x48, s1;
	s15 =	sadd.s32 s15, s12  }
.Ltmp10:
0xa8: {  	(pc) =	sbr.rel .LBB2_14-.Ltmp10, $4  }
0xa9: {  	[tilespmem:s14], [sflag:$0x1] =	stream.linear.gather [hbm4b:s15+s8], $0x40, $0x38;
	[tilespmem:$0x1BC40] =	vst v63  }
0xaa: {  	s1 =	sshrl.u32 s11, $0x3  }
0xab: {  	s1 =	sadd.s32 s2, s1  }
0xac: {  	[tilespmem:s18], [sflag:$0x1] =	stream.linear.gather [hbm4b:s1+s8], $0x50, $0x38;
	[tilespmem:$0x1BC40] =	vst v63  }
.LBB2_15:
0xad: {  	s1 =	simm.s32 $0x3  }
0xae: {  	_ =	swait.ge [sflag:s1], $0x1680  }
0xaf: {  	[sflag:s1] =	ssyncset.done $0x0  }
0xb0: {  	[sflag:s1] =	ssyncadd.s32 $0xFFFFE980  }
0xb1: {  	[bflag:$0x0] =	sbarrier.arrive $0xFFFF  }
0xb2: {  	s15 =	rddreg [dreg:$0x13]  }
0xb3: {  	[tilespmem:s30], [sflag:$0x1] =	stream.linear.gather [spmem:s15], $0xFC0, $0x38;
	[tilespmem:$0x1BC40] =	vst v63  }
0xb4: {  	s28 =	simm.s32 $0x0;
	s11 =	simm.s32 $0x1A7A8;
	s10 =	rddreg [dreg:$0x7]  }
0xb5: {  	[tilespmem:s11], [sflag:$0x4] =	stream.linear.gather [hbm4b:s10+s28], $0x38, $0x38;
	[tilespmem:$0x1BC40] =	vst v63  }
0xb6: {  	_ =	swait.ge [sflag:s20], $0xFC0  }
0xb7: {  	[sflag:s20] =	ssyncset.done $0x0  }
0xb8: {  	[sflag:s20] =	ssyncadd.s32 $0xFFFFF040  }
0xb9: {  	_ =	swait.ge [sflag:s22], $0x38  }
0xba: {  	[sflag:s22] =	ssyncset.done $0x0  }
0xbb: {  	s10 =	simm.s32 $0x19818;
	[sflag:s22] =	ssyncadd.s32 $0xFFFFFFC8  }
0xbc: {  	v0 =	vld [tilespmem:s10+$0x0];
	_ =	sdelay $0x4  }
0xbd: {  	v0 =	vmax.f32 v0, $1.000000000e+00  }
0xbe: {  	(erf) = vrcp.f32 v0;
	_ =	sdelay $0x6  }
0xbf: {  	v0 =	vld [tilespmem:s10+$0xFFFFFFF8]  }
0xc0: {  	v1 =	vld [tilespmem:s10+$0xFFFFFFC8]  }
0xc1: {  	v2 =	vld [tilespmem:s10+$0xFFFFFFD8];
	v3 =	vpop (erf)  }
0xc2: {  	v4 =	vld [tilespmem:s10+$0xFFFFFFE8];
	v3 =	vbroadcast v3, $0x8;
	_ =	sdelay $0x1  }
0xc3: {  	v0 =	vmul.f32 v0, v3  }
0xc4: {  	v1 =	vmul.f32 v3, v1  }
0xc5: {  	v2 =	vmul.f32 v3, v2;
	[tilespmem:s10+$0xFFFFFFF8] =	vst v0  }
0xc6: {  	v0 =	vmul.f32 v4, v3;
	[tilespmem:s10+$0xFFFFFFC8] =	vst v1  }
0xc7: {  	[tilespmem:s10+$0xFFFFFFD8] =	vst v2  }
0xc8: {  	s29 =	simm.s32 $0x0;
	[tilespmem:s10+$0xFFFFFFE8] =	vst v0;
	v0 =	vld [tilespmem:s10+$0x0]  }
0xc9: {  	s12 =	simm.s32 $0x19818;
	s11 =	simm.s32 $0x4;
	v1 =	vld [tilespmem:s29+$0x1A7A0]  }
.LBB2_16:
0xca: {  	_ = 	snop  }
0xcb: {  	p1 =	sne.s32 s11, $0xDC  }
0xcc: {  	s10 =	sadd.s32 $0x48, s10;
	s1 =	smov.u32 s11;
	s11 =	sadd.s32 $0x4, s11  }
0xcd: {  	_ = 	snop  }
0xce: {  	v0 =	vsel vm0, v0, v1  }
0xcf: {  	[tilespmem:s12+$0x0] =	vst v0;
	s12 =	smov.u32 s10  }
0xd0: {  	v0 =	vld [tilespmem:s10+$0x0];
	_ =	sdelay $0x4  }
0xd1: {  	v0 =	vmax.f32 v0, $1.000000000e+00  }
0xd2: {  	(erf) = vrcp.f32 v0;
	_ =	sdelay $0x4  }
0xd3: {  	v0 =	vld [tilespmem:s10+$0xFFFFFFE8]  }
0xd4: {  	v1 =	vld [tilespmem:s10+$0xFFFFFFF8]  }
0xd5: {  	v2 =	vld [tilespmem:s10+$0xFFFFFFC8]  }
0xd6: {  	v3 =	vld [tilespmem:s10+$0xFFFFFFD8]  }
0xd7: {  	v4 =	vpop (erf)  }
0xd8: {  	v4 =	vbroadcast v4, $0x8;
	_ =	sdelay $0x1  }
0xd9: {  	v2 =	vmul.f32 v4, v2;
	v1 =	vmul.f32 v1, v4  }
0xda: {  	v0 =	vmul.f32 v0, v4;
	v3 =	vmul.f32 v4, v3  }
.Ltmp11:
0xdb: {  	[tilespmem:s10+$0xFFFFFFF8] =	vst v1;
	(pc) =	sbr.rel @p1 .LBB2_16-.Ltmp11, $4  }
0xdc: {  	[tilespmem:s10+$0xFFFFFFC8] =	vst v2  }
0xdd: {  	s1 =	sshra.s32 s1, $0x2;
	[tilespmem:s10+$0xFFFFFFD8] =	vst v3  }
0xde: {  	[tilespmem:s10+$0xFFFFFFE8] =	vst v0;
	v0 =	vld [tilespmem:s10+$0x0]  }
0xdf: {  	v1 =	vld [tilespmem:s1+$0x1A7A0]  }
0xe0: {  	_ =	sdelay $0x3  }
0xe1: {  	v0 =	vsel vm0, v0, v1  }
0xe2: {  	s1 =	rddreg [dreg:$0x13];
	[tilespmem:s12+$0x0] =	vst v0  }
0xe3: {  	[spmem:s1] =	stream.linear.scatter [tilespmem:s30], [sflag:$0x5], $0xFC0, $0x38;
	[tilespmem:$0x1BC40] =	vst v63  }
0xe4: {  	_ =	swait.ge [sflag:s17], $0xFC0  }
0xe5: {  	[sflag:s17] =	ssyncset.done $0x0  }
0xe6: {  	s15 =	rddreg [dreg:$0x17];
	[sflag:s17] =	ssyncadd.s32 $0xFFFFF040  }
0xe7: {  	[tilespmem:s30], [sflag:$0x1] =	stream.linear.gather [spmem:s15], $0xFC0, $0x38;
	[tilespmem:$0x1BC40] =	vst v63  }
0xe8: {  	s28 =	simm.s32 $0x0;
	s11 =	simm.s32 $0x1A7A8;
	s10 =	rddreg [dreg:$0x8]  }
0xe9: {  	[tilespmem:s11], [sflag:$0x4] =	stream.linear.gather [hbm4b:s10+s28], $0x38, $0x38;
	[tilespmem:$0x1BC40] =	vst v63  }
0xea: {  	_ =	swait.ge [sflag:s20], $0xFC0  }
0xeb: {  	[sflag:s20] =	ssyncset.done $0x0  }
0xec: {  	[sflag:s20] =	ssyncadd.s32 $0xFFFFF040  }
0xed: {  	_ =	swait.ge [sflag:s22], $0x38  }
0xee: {  	[sflag:s22] =	ssyncset.done $0x0  }
0xef: {  	s10 =	simm.s32 $0x19818;
	[sflag:s22] =	ssyncadd.s32 $0xFFFFFFC8  }
0xf0: {  	v0 =	vld [tilespmem:s10+$0x0];
	_ =	sdelay $0x4  }
0xf1: {  	v0 =	vmax.f32 v0, $1.000000000e+00  }
0xf2: {  	(erf) = vrcp.f32 v0;
	_ =	sdelay $0x6  }
0xf3: {  	v0 =	vld [tilespmem:s10+$0xFFFFFFF8]  }
0xf4: {  	v1 =	vld [tilespmem:s10+$0xFFFFFFC8]  }
0xf5: {  	v2 =	vld [tilespmem:s10+$0xFFFFFFD8];
	v3 =	vpop (erf)  }
0xf6: {  	v4 =	vld [tilespmem:s10+$0xFFFFFFE8];
	v3 =	vbroadcast v3, $0x8;
	_ =	sdelay $0x1  }
0xf7: {  	v0 =	vmul.f32 v0, v3  }
0xf8: {  	v1 =	vmul.f32 v3, v1  }
0xf9: {  	v2 =	vmul.f32 v3, v2;
	[tilespmem:s10+$0xFFFFFFF8] =	vst v0  }
0xfa: {  	v0 =	vmul.f32 v4, v3;
	[tilespmem:s10+$0xFFFFFFC8] =	vst v1  }
0xfb: {  	[tilespmem:s10+$0xFFFFFFD8] =	vst v2  }
0xfc: {  	s29 =	simm.s32 $0x0;
	[tilespmem:s10+$0xFFFFFFE8] =	vst v0;
	v0 =	vld [tilespmem:s10+$0x0]  }
0xfd: {  	s12 =	simm.s32 $0x19818;
	s11 =	simm.s32 $0x4;
	v1 =	vld [tilespmem:s29+$0x1A7A0]  }
.LBB2_18:
0xfe: {  	_ = 	snop  }
0xff: {  	p1 =	sne.s32 s11, $0xDC  }
0x100: {  	s10 =	sadd.s32 $0x48, s10;
	s1 =	smov.u32 s11;
	s11 =	sadd.s32 $0x4, s11  }
0x101: {  	_ = 	snop  }
0x102: {  	v0 =	vsel vm0, v0, v1  }
0x103: {  	[tilespmem:s12+$0x0] =	vst v0;
	s12 =	smov.u32 s10  }
0x104: {  	v0 =	vld [tilespmem:s10+$0x0];
	_ =	sdelay $0x4  }
0x105: {  	v0 =	vmax.f32 v0, $1.000000000e+00  }
0x106: {  	(erf) = vrcp.f32 v0;
	_ =	sdelay $0x4  }
0x107: {  	v0 =	vld [tilespmem:s10+$0xFFFFFFE8]  }
0x108: {  	v1 =	vld [tilespmem:s10+$0xFFFFFFF8]  }
0x109: {  	v2 =	vld [tilespmem:s10+$0xFFFFFFC8]  }
0x10a: {  	v3 =	vld [tilespmem:s10+$0xFFFFFFD8]  }
0x10b: {  	v4 =	vpop (erf)  }
0x10c: {  	v4 =	vbroadcast v4, $0x8;
	_ =	sdelay $0x1  }
0x10d: {  	v2 =	vmul.f32 v4, v2;
	v1 =	vmul.f32 v1, v4  }
0x10e: {  	v0 =	vmul.f32 v0, v4;
	v3 =	vmul.f32 v4, v3  }
.Ltmp12:
0x10f: {  	[tilespmem:s10+$0xFFFFFFF8] =	vst v1;
	(pc) =	sbr.rel @p1 .LBB2_18-.Ltmp12, $4  }
0x110: {  	[tilespmem:s10+$0xFFFFFFC8] =	vst v2  }
0x111: {  	s1 =	sshra.s32 s1, $0x2;
	[tilespmem:s10+$0xFFFFFFD8] =	vst v3  }
0x112: {  	[tilespmem:s10+$0xFFFFFFE8] =	vst v0;
	v0 =	vld [tilespmem:s10+$0x0]  }
0x113: {  	v1 =	vld [tilespmem:s1+$0x1A7A0]  }
0x114: {  	_ =	sdelay $0x3  }
0x115: {  	v0 =	vsel vm0, v0, v1  }
0x116: {  	s1 =	rddreg [dreg:$0x17];
	[tilespmem:s12+$0x0] =	vst v0  }
0x117: {  	[spmem:s1] =	stream.linear.scatter [tilespmem:s30], [sflag:$0x5], $0xFC0, $0x38;
	[tilespmem:$0x1BC40] =	vst v63  }
0x118: {  	_ =	swait.ge [sflag:s17], $0xFC0  }
0x119: {  	[sflag:s17] =	ssyncset.done $0x0;
	s15 =	rddreg [dreg:$0x18]  }
0x11a: {  	s10 =	sld [smem:$0x7F1];
	[sflag:s17] =	ssyncadd.s32 $0xFFFFF040  }
0x11b: {  	[tilespmem:s30], [sflag:$0x1] =	stream.linear.gather [spmem:s15], $0xFC0, $0x38;
	[tilespmem:$0x1BC40] =	vst v63  }
0x11c: {  	s28 =	simm.s32 $0x0;
	s11 =	simm.s32 $0x1A7A8  }
0x11d: {  	[tilespmem:s11], [sflag:$0x4] =	stream.linear.gather [hbm4b:s10+s28], $0x38, $0x38;
	[tilespmem:$0x1BC40] =	vst v63  }
0x11e: {  	_ =	swait.ge [sflag:s20], $0xFC0  }
0x11f: {  	[sflag:s20] =	ssyncset.done $0x0  }
0x120: {  	[sflag:s20] =	ssyncadd.s32 $0xFFFFF040  }
0x121: {  	_ =	swait.ge [sflag:s22], $0x38  }
0x122: {  	[sflag:s22] =	ssyncset.done $0x0  }
0x123: {  	s10 =	simm.s32 $0x19818;
	[sflag:s22] =	ssyncadd.s32 $0xFFFFFFC8  }
0x124: {  	v0 =	vld [tilespmem:s10+$0x0];
	_ =	sdelay $0x4  }
0x125: {  	v0 =	vmax.f32 v0, $1.000000000e+00  }
0x126: {  	(erf) = vrcp.f32 v0;
	_ =	sdelay $0x6  }
0x127: {  	v0 =	vld [tilespmem:s10+$0xFFFFFFF8]  }
0x128: {  	v1 =	vld [tilespmem:s10+$0xFFFFFFC8]  }
0x129: {  	v2 =	vld [tilespmem:s10+$0xFFFFFFD8];
	v3 =	vpop (erf)  }
0x12a: {  	v4 =	vld [tilespmem:s10+$0xFFFFFFE8];
	v3 =	vbroadcast v3, $0x8;
	_ =	sdelay $0x1  }
0x12b: {  	v0 =	vmul.f32 v0, v3  }
0x12c: {  	v1 =	vmul.f32 v3, v1  }
0x12d: {  	v2 =	vmul.f32 v3, v2;
	[tilespmem:s10+$0xFFFFFFF8] =	vst v0  }
0x12e: {  	v0 =	vmul.f32 v4, v3;
	[tilespmem:s10+$0xFFFFFFC8] =	vst v1  }
0x12f: {  	[tilespmem:s10+$0xFFFFFFD8] =	vst v2  }
0x130: {  	s29 =	simm.s32 $0x0;
	[tilespmem:s10+$0xFFFFFFE8] =	vst v0;
	v0 =	vld [tilespmem:s10+$0x0]  }
0x131: {  	s12 =	simm.s32 $0x19818;
	s11 =	simm.s32 $0x4;
	v1 =	vld [tilespmem:s29+$0x1A7A0]  }
.LBB2_20:
0x132: {  	_ = 	snop  }
0x133: {  	p1 =	sne.s32 s11, $0xDC  }
0x134: {  	s10 =	sadd.s32 $0x48, s10;
	s1 =	smov.u32 s11;
	s11 =	sadd.s32 $0x4, s11  }
0x135: {  	_ = 	snop  }
0x136: {  	v0 =	vsel vm0, v0, v1  }
0x137: {  	[tilespmem:s12+$0x0] =	vst v0;
	s12 =	smov.u32 s10  }
0x138: {  	v0 =	vld [tilespmem:s10+$0x0];
	_ =	sdelay $0x4  }
0x139: {  	v0 =	vmax.f32 v0, $1.000000000e+00  }
0x13a: {  	(erf) = vrcp.f32 v0;
	_ =	sdelay $0x4  }
0x13b: {  	v0 =	vld [tilespmem:s10+$0xFFFFFFE8]  }
0x13c: {  	v1 =	vld [tilespmem:s10+$0xFFFFFFF8]  }
0x13d: {  	v2 =	vld [tilespmem:s10+$0xFFFFFFC8]  }
0x13e: {  	v3 =	vld [tilespmem:s10+$0xFFFFFFD8]  }
0x13f: {  	v4 =	vpop (erf)  }
0x140: {  	v4 =	vbroadcast v4, $0x8;
	_ =	sdelay $0x1  }
0x141: {  	v2 =	vmul.f32 v4, v2;
	v1 =	vmul.f32 v1, v4  }
0x142: {  	v0 =	vmul.f32 v0, v4;
	v3 =	vmul.f32 v4, v3  }
.Ltmp13:
0x143: {  	[tilespmem:s10+$0xFFFFFFF8] =	vst v1;
	(pc) =	sbr.rel @p1 .LBB2_20-.Ltmp13, $4  }
0x144: {  	[tilespmem:s10+$0xFFFFFFC8] =	vst v2  }
0x145: {  	s1 =	sshra.s32 s1, $0x2;
	[tilespmem:s10+$0xFFFFFFD8] =	vst v3  }
0x146: {  	[tilespmem:s10+$0xFFFFFFE8] =	vst v0;
	v0 =	vld [tilespmem:s10+$0x0]  }
0x147: {  	v1 =	vld [tilespmem:s1+$0x1A7A0]  }
0x148: {  	_ =	sdelay $0x3  }
0x149: {  	v0 =	vsel vm0, v0, v1  }
0x14a: {  	s1 =	rddreg [dreg:$0x18];
	[tilespmem:s12+$0x0] =	vst v0  }
0x14b: {  	[spmem:s1] =	stream.linear.scatter [tilespmem:s30], [sflag:$0x5], $0xFC0, $0x38;
	[tilespmem:$0x1BC40] =	vst v63  }
0x14c: {  	_ =	swait.ge [sflag:s17], $0xFC0  }
0x14d: {  	[sflag:s17] =	ssyncset.done $0x0  }
0x14e: {  	s15 =	rddreg [dreg:$0x19];
	[sflag:s17] =	ssyncadd.s32 $0xFFFFF040  }
0x14f: {  	[tilespmem:s30], [sflag:$0x1] =	stream.linear.gather [spmem:s15], $0xFC0, $0x38;
	[tilespmem:$0x1BC40] =	vst v63  }
0x150: {  	s28 =	simm.s32 $0x0;
	s11 =	simm.s32 $0x1A7A8;
	s10 =	rddreg [dreg:$0x9]  }
0x151: {  	[tilespmem:s11], [sflag:$0x4] =	stream.linear.gather [hbm4b:s10+s28], $0x38, $0x38;
	[tilespmem:$0x1BC40] =	vst v63  }
0x152: {  	_ =	swait.ge [sflag:s20], $0xFC0  }
0x153: {  	[sflag:s20] =	ssyncset.done $0x0  }
0x154: {  	[sflag:s20] =	ssyncadd.s32 $0xFFFFF040  }
0x155: {  	_ =	swait.ge [sflag:s22], $0x38  }
0x156: {  	[sflag:s22] =	ssyncset.done $0x0  }
0x157: {  	s10 =	simm.s32 $0x19818;
	[sflag:s22] =	ssyncadd.s32 $0xFFFFFFC8  }
0x158: {  	v0 =	vld [tilespmem:s10+$0x0];
	_ =	sdelay $0x4  }
0x159: {  	v0 =	vmax.f32 v0, $1.000000000e+00  }
0x15a: {  	(erf) = vrcp.f32 v0;
	_ =	sdelay $0x6  }
0x15b: {  	v0 =	vld [tilespmem:s10+$0xFFFFFFF8]  }
0x15c: {  	v1 =	vld [tilespmem:s10+$0xFFFFFFC8]  }
0x15d: {  	v2 =	vld [tilespmem:s10+$0xFFFFFFD8];
	v3 =	vpop (erf)  }
0x15e: {  	v4 =	vld [tilespmem:s10+$0xFFFFFFE8];
	v3 =	vbroadcast v3, $0x8;
	_ =	sdelay $0x1  }
0x15f: {  	v0 =	vmul.f32 v0, v3  }
0x160: {  	v1 =	vmul.f32 v3, v1  }
0x161: {  	v2 =	vmul.f32 v3, v2;
	[tilespmem:s10+$0xFFFFFFF8] =	vst v0  }
0x162: {  	v0 =	vmul.f32 v4, v3;
	[tilespmem:s10+$0xFFFFFFC8] =	vst v1  }
0x163: {  	[tilespmem:s10+$0xFFFFFFD8] =	vst v2  }
0x164: {  	s29 =	simm.s32 $0x0;
	[tilespmem:s10+$0xFFFFFFE8] =	vst v0;
	v0 =	vld [tilespmem:s10+$0x0]  }
0x165: {  	s12 =	simm.s32 $0x19818;
	s11 =	simm.s32 $0x4;
	v1 =	vld [tilespmem:s29+$0x1A7A0]  }
.LBB2_22:
0x166: {  	_ = 	snop  }
0x167: {  	p1 =	sne.s32 s11, $0xDC  }
0x168: {  	s10 =	sadd.s32 $0x48, s10;
	s1 =	smov.u32 s11;
	s11 =	sadd.s32 $0x4, s11  }
0x169: {  	_ = 	snop  }
0x16a: {  	v0 =	vsel vm0, v0, v1  }
0x16b: {  	[tilespmem:s12+$0x0] =	vst v0;
	s12 =	smov.u32 s10  }
0x16c: {  	v0 =	vld [tilespmem:s10+$0x0];
	_ =	sdelay $0x4  }
0x16d: {  	v0 =	vmax.f32 v0, $1.000000000e+00  }
0x16e: {  	(erf) = vrcp.f32 v0;
	_ =	sdelay $0x4  }
0x16f: {  	v0 =	vld [tilespmem:s10+$0xFFFFFFE8]  }
0x170: {  	v1 =	vld [tilespmem:s10+$0xFFFFFFF8]  }
0x171: {  	v2 =	vld [tilespmem:s10+$0xFFFFFFC8]  }
0x172: {  	v3 =	vld [tilespmem:s10+$0xFFFFFFD8]  }
0x173: {  	v4 =	vpop (erf)  }
0x174: {  	v4 =	vbroadcast v4, $0x8;
	_ =	sdelay $0x1  }
0x175: {  	v2 =	vmul.f32 v4, v2;
	v1 =	vmul.f32 v1, v4  }
0x176: {  	v0 =	vmul.f32 v0, v4;
	v3 =	vmul.f32 v4, v3  }
.Ltmp14:
0x177: {  	[tilespmem:s10+$0xFFFFFFF8] =	vst v1;
	(pc) =	sbr.rel @p1 .LBB2_22-.Ltmp14, $4  }
0x178: {  	[tilespmem:s10+$0xFFFFFFC8] =	vst v2  }
0x179: {  	s1 =	sshra.s32 s1, $0x2;
	[tilespmem:s10+$0xFFFFFFD8] =	vst v3  }
0x17a: {  	[tilespmem:s10+$0xFFFFFFE8] =	vst v0;
	v0 =	vld [tilespmem:s10+$0x0]  }
0x17b: {  	v1 =	vld [tilespmem:s1+$0x1A7A0]  }
0x17c: {  	_ =	sdelay $0x3  }
0x17d: {  	v0 =	vsel vm0, v0, v1  }
0x17e: {  	s1 =	rddreg [dreg:$0x19];
	[tilespmem:s12+$0x0] =	vst v0  }
0x17f: {  	[spmem:s1] =	stream.linear.scatter [tilespmem:s30], [sflag:$0x5], $0xFC0, $0x38;
	[tilespmem:$0x1BC40] =	vst v63  }
0x180: {  	_ =	swait.ge [sflag:s17], $0xFC0  }
0x181: {  	[sflag:s17] =	ssyncset.done $0x0;
	s15 =	rddreg [dreg:$0x1a]  }
0x182: {  	s10 =	sld [smem:$0x7F2];
	[sflag:s17] =	ssyncadd.s32 $0xFFFFF040  }
0x183: {  	[tilespmem:s30], [sflag:$0x1] =	stream.linear.gather [spmem:s15], $0xFC0, $0x38;
	[tilespmem:$0x1BC40] =	vst v63  }
0x184: {  	s28 =	simm.s32 $0x0;
	s11 =	simm.s32 $0x1A7A8  }
0x185: {  	[tilespmem:s11], [sflag:$0x4] =	stream.linear.gather [hbm4b:s10+s28], $0x38, $0x38;
	[tilespmem:$0x1BC40] =	vst v63  }
0x186: {  	_ =	swait.ge [sflag:s20], $0xFC0  }
0x187: {  	[sflag:s20] =	ssyncset.done $0x0  }
0x188: {  	[sflag:s20] =	ssyncadd.s32 $0xFFFFF040  }
0x189: {  	_ =	swait.ge [sflag:s22], $0x38  }
0x18a: {  	[sflag:s22] =	ssyncset.done $0x0  }
0x18b: {  	s10 =	simm.s32 $0x19818;
	[sflag:s22] =	ssyncadd.s32 $0xFFFFFFC8  }
0x18c: {  	v0 =	vld [tilespmem:s10+$0x0];
	_ =	sdelay $0x4  }
0x18d: {  	v0 =	vmax.f32 v0, $1.000000000e+00  }
0x18e: {  	(erf) = vrcp.f32 v0;
	_ =	sdelay $0x6  }
0x18f: {  	v0 =	vld [tilespmem:s10+$0xFFFFFFF8]  }
0x190: {  	v1 =	vld [tilespmem:s10+$0xFFFFFFC8]  }
0x191: {  	v2 =	vld [tilespmem:s10+$0xFFFFFFD8];
	v3 =	vpop (erf)  }
0x192: {  	v4 =	vld [tilespmem:s10+$0xFFFFFFE8];
	v3 =	vbroadcast v3, $0x8;
	_ =	sdelay $0x1  }
0x193: {  	v0 =	vmul.f32 v0, v3  }
0x194: {  	v1 =	vmul.f32 v3, v1  }
0x195: {  	v2 =	vmul.f32 v3, v2;
	[tilespmem:s10+$0xFFFFFFF8] =	vst v0  }
0x196: {  	v0 =	vmul.f32 v4, v3;
	[tilespmem:s10+$0xFFFFFFC8] =	vst v1  }
0x197: {  	[tilespmem:s10+$0xFFFFFFD8] =	vst v2  }
0x198: {  	s29 =	simm.s32 $0x0;
	[tilespmem:s10+$0xFFFFFFE8] =	vst v0;
	v0 =	vld [tilespmem:s10+$0x0]  }
0x199: {  	s12 =	simm.s32 $0x19818;
	s11 =	simm.s32 $0x4;
	v1 =	vld [tilespmem:s29+$0x1A7A0]  }
.LBB2_24:
0x19a: {  	_ = 	snop  }
0x19b: {  	p1 =	sne.s32 s11, $0xDC  }
0x19c: {  	s10 =	sadd.s32 $0x48, s10;
	s1 =	smov.u32 s11;
	s11 =	sadd.s32 $0x4, s11  }
0x19d: {  	_ = 	snop  }
0x19e: {  	v0 =	vsel vm0, v0, v1  }
0x19f: {  	[tilespmem:s12+$0x0] =	vst v0;
	s12 =	smov.u32 s10  }
0x1a0: {  	v0 =	vld [tilespmem:s10+$0x0];
	_ =	sdelay $0x4  }
0x1a1: {  	v0 =	vmax.f32 v0, $1.000000000e+00  }
0x1a2: {  	(erf) = vrcp.f32 v0;
	_ =	sdelay $0x4  }
0x1a3: {  	v0 =	vld [tilespmem:s10+$0xFFFFFFE8]  }
0x1a4: {  	v1 =	vld [tilespmem:s10+$0xFFFFFFF8]  }
0x1a5: {  	v2 =	vld [tilespmem:s10+$0xFFFFFFC8]  }
0x1a6: {  	v3 =	vld [tilespmem:s10+$0xFFFFFFD8]  }
0x1a7: {  	v4 =	vpop (erf)  }
0x1a8: {  	v4 =	vbroadcast v4, $0x8;
	_ =	sdelay $0x1  }
0x1a9: {  	v2 =	vmul.f32 v4, v2;
	v1 =	vmul.f32 v1, v4  }
0x1aa: {  	v0 =	vmul.f32 v0, v4;
	v3 =	vmul.f32 v4, v3  }
.Ltmp15:
0x1ab: {  	[tilespmem:s10+$0xFFFFFFF8] =	vst v1;
	(pc) =	sbr.rel @p1 .LBB2_24-.Ltmp15, $4  }
0x1ac: {  	[tilespmem:s10+$0xFFFFFFC8] =	vst v2  }
0x1ad: {  	s1 =	sshra.s32 s1, $0x2;
	[tilespmem:s10+$0xFFFFFFD8] =	vst v3  }
0x1ae: {  	[tilespmem:s10+$0xFFFFFFE8] =	vst v0;
	v0 =	vld [tilespmem:s10+$0x0]  }
0x1af: {  	v1 =	vld [tilespmem:s1+$0x1A7A0]  }
0x1b0: {  	_ =	sdelay $0x3  }
0x1b1: {  	v0 =	vsel vm0, v0, v1  }
0x1b2: {  	s1 =	rddreg [dreg:$0x1a];
	[tilespmem:s12+$0x0] =	vst v0  }
0x1b3: {  	[spmem:s1] =	stream.linear.scatter [tilespmem:s30], [sflag:$0x5], $0xFC0, $0x38;
	[tilespmem:$0x1BC40] =	vst v63  }
0x1b4: {  	_ =	swait.ge [sflag:s17], $0xFC0  }
0x1b5: {  	[sflag:s17] =	ssyncset.done $0x0  }
0x1b6: {  	s15 =	rddreg [dreg:$0x1b];
	[sflag:s17] =	ssyncadd.s32 $0xFFFFF040  }
0x1b7: {  	[tilespmem:s30], [sflag:$0x1] =	stream.linear.gather [spmem:s15], $0xFC0, $0x38;
	[tilespmem:$0x1BC40] =	vst v63  }
0x1b8: {  	s28 =	simm.s32 $0x0;
	s11 =	simm.s32 $0x1A7A8;
	s10 =	rddreg [dreg:$0xa]  }
0x1b9: {  	[tilespmem:s11], [sflag:$0x4] =	stream.linear.gather [hbm4b:s10+s28], $0x38, $0x38;
	[tilespmem:$0x1BC40] =	vst v63  }
0x1ba: {  	_ =	swait.ge [sflag:s20], $0xFC0  }
0x1bb: {  	[sflag:s20] =	ssyncset.done $0x0  }
0x1bc: {  	[sflag:s20] =	ssyncadd.s32 $0xFFFFF040  }
0x1bd: {  	_ =	swait.ge [sflag:s22], $0x38  }
0x1be: {  	[sflag:s22] =	ssyncset.done $0x0  }
0x1bf: {  	s10 =	simm.s32 $0x19818;
	[sflag:s22] =	ssyncadd.s32 $0xFFFFFFC8  }
0x1c0: {  	v0 =	vld [tilespmem:s10+$0x0];
	_ =	sdelay $0x4  }
0x1c1: {  	v0 =	vmax.f32 v0, $1.000000000e+00  }
0x1c2: {  	(erf) = vrcp.f32 v0;
	_ =	sdelay $0x6  }
0x1c3: {  	v0 =	vld [tilespmem:s10+$0xFFFFFFF8]  }
0x1c4: {  	v1 =	vld [tilespmem:s10+$0xFFFFFFC8]  }
0x1c5: {  	v2 =	vld [tilespmem:s10+$0xFFFFFFD8];
	v3 =	vpop (erf)  }
0x1c6: {  	v4 =	vld [tilespmem:s10+$0xFFFFFFE8];
	v3 =	vbroadcast v3, $0x8;
	_ =	sdelay $0x1  }
0x1c7: {  	v0 =	vmul.f32 v0, v3  }
0x1c8: {  	v1 =	vmul.f32 v3, v1  }
0x1c9: {  	v2 =	vmul.f32 v3, v2;
	[tilespmem:s10+$0xFFFFFFF8] =	vst v0  }
0x1ca: {  	v0 =	vmul.f32 v4, v3;
	[tilespmem:s10+$0xFFFFFFC8] =	vst v1  }
0x1cb: {  	[tilespmem:s10+$0xFFFFFFD8] =	vst v2  }
0x1cc: {  	s29 =	simm.s32 $0x0;
	[tilespmem:s10+$0xFFFFFFE8] =	vst v0;
	v0 =	vld [tilespmem:s10+$0x0]  }
0x1cd: {  	s12 =	simm.s32 $0x19818;
	s11 =	simm.s32 $0x4;
	v1 =	vld [tilespmem:s29+$0x1A7A0]  }
.LBB2_26:
0x1ce: {  	_ = 	snop  }
0x1cf: {  	p1 =	sne.s32 s11, $0xDC  }
0x1d0: {  	s10 =	sadd.s32 $0x48, s10;
	s1 =	smov.u32 s11;
	s11 =	sadd.s32 $0x4, s11  }
0x1d1: {  	_ = 	snop  }
0x1d2: {  	v0 =	vsel vm0, v0, v1  }
0x1d3: {  	[tilespmem:s12+$0x0] =	vst v0;
	s12 =	smov.u32 s10  }
0x1d4: {  	v0 =	vld [tilespmem:s10+$0x0];
	_ =	sdelay $0x4  }
0x1d5: {  	v0 =	vmax.f32 v0, $1.000000000e+00  }
0x1d6: {  	(erf) = vrcp.f32 v0;
	_ =	sdelay $0x4  }
0x1d7: {  	v0 =	vld [tilespmem:s10+$0xFFFFFFE8]  }
0x1d8: {  	v1 =	vld [tilespmem:s10+$0xFFFFFFF8]  }
0x1d9: {  	v2 =	vld [tilespmem:s10+$0xFFFFFFC8]  }
0x1da: {  	v3 =	vld [tilespmem:s10+$0xFFFFFFD8]  }
0x1db: {  	v4 =	vpop (erf)  }
0x1dc: {  	v4 =	vbroadcast v4, $0x8;
	_ =	sdelay $0x1  }
0x1dd: {  	v2 =	vmul.f32 v4, v2;
	v1 =	vmul.f32 v1, v4  }
0x1de: {  	v0 =	vmul.f32 v0, v4;
	v3 =	vmul.f32 v4, v3  }
.Ltmp16:
0x1df: {  	[tilespmem:s10+$0xFFFFFFF8] =	vst v1;
	(pc) =	sbr.rel @p1 .LBB2_26-.Ltmp16, $4  }
0x1e0: {  	[tilespmem:s10+$0xFFFFFFC8] =	vst v2  }
0x1e1: {  	s1 =	sshra.s32 s1, $0x2;
	[tilespmem:s10+$0xFFFFFFD8] =	vst v3  }
0x1e2: {  	[tilespmem:s10+$0xFFFFFFE8] =	vst v0;
	v0 =	vld [tilespmem:s10+$0x0]  }
0x1e3: {  	v1 =	vld [tilespmem:s1+$0x1A7A0]  }
0x1e4: {  	_ =	sdelay $0x3  }
0x1e5: {  	v0 =	vsel vm0, v0, v1  }
0x1e6: {  	s1 =	rddreg [dreg:$0x1b];
	[tilespmem:s12+$0x0] =	vst v0  }
0x1e7: {  	[spmem:s1] =	stream.linear.scatter [tilespmem:s30], [sflag:$0x5], $0xFC0, $0x38;
	[tilespmem:$0x1BC40] =	vst v63  }
0x1e8: {  	_ =	swait.ge [sflag:s17], $0xFC0  }
0x1e9: {  	[sflag:s17] =	ssyncset.done $0x0;
	s15 =	rddreg [dreg:$0x1c]  }
0x1ea: {  	s10 =	sld [smem:$0x7F3];
	[sflag:s17] =	ssyncadd.s32 $0xFFFFF040  }
0x1eb: {  	[tilespmem:s30], [sflag:$0x1] =	stream.linear.gather [spmem:s15], $0xFC0, $0x38;
	[tilespmem:$0x1BC40] =	vst v63  }
0x1ec: {  	s28 =	simm.s32 $0x0;
	s11 =	simm.s32 $0x1A7A8  }
0x1ed: {  	[tilespmem:s11], [sflag:$0x4] =	stream.linear.gather [hbm4b:s10+s28], $0x38, $0x38;
	[tilespmem:$0x1BC40] =	vst v63  }
0x1ee: {  	_ =	swait.ge [sflag:s20], $0xFC0  }
0x1ef: {  	[sflag:s20] =	ssyncset.done $0x0  }
0x1f0: {  	[sflag:s20] =	ssyncadd.s32 $0xFFFFF040  }
0x1f1: {  	_ =	swait.ge [sflag:s22], $0x38  }
0x1f2: {  	[sflag:s22] =	ssyncset.done $0x0  }
0x1f3: {  	s10 =	simm.s32 $0x19818;
	[sflag:s22] =	ssyncadd.s32 $0xFFFFFFC8  }
0x1f4: {  	v0 =	vld [tilespmem:s10+$0x0];
	_ =	sdelay $0x4  }
0x1f5: {  	v0 =	vmax.f32 v0, $1.000000000e+00  }
0x1f6: {  	(erf) = vrcp.f32 v0;
	_ =	sdelay $0x6  }
0x1f7: {  	v0 =	vld [tilespmem:s10+$0xFFFFFFF8]  }
0x1f8: {  	v1 =	vld [tilespmem:s10+$0xFFFFFFC8]  }
0x1f9: {  	v2 =	vld [tilespmem:s10+$0xFFFFFFD8];
	v3 =	vpop (erf)  }
0x1fa: {  	v4 =	vld [tilespmem:s10+$0xFFFFFFE8];
	v3 =	vbroadcast v3, $0x8;
	_ =	sdelay $0x1  }
0x1fb: {  	v0 =	vmul.f32 v0, v3  }
0x1fc: {  	v1 =	vmul.f32 v3, v1  }
0x1fd: {  	v2 =	vmul.f32 v3, v2;
	[tilespmem:s10+$0xFFFFFFF8] =	vst v0  }
0x1fe: {  	v0 =	vmul.f32 v4, v3;
	[tilespmem:s10+$0xFFFFFFC8] =	vst v1  }
0x1ff: {  	[tilespmem:s10+$0xFFFFFFD8] =	vst v2  }
0x200: {  	s29 =	simm.s32 $0x0;
	[tilespmem:s10+$0xFFFFFFE8] =	vst v0;
	v0 =	vld [tilespmem:s10+$0x0]  }
0x201: {  	s12 =	simm.s32 $0x19818;
	s11 =	simm.s32 $0x4;
	v1 =	vld [tilespmem:s29+$0x1A7A0]  }
.LBB2_28:
0x202: {  	_ = 	snop  }
0x203: {  	p1 =	sne.s32 s11, $0xDC  }
0x204: {  	s10 =	sadd.s32 $0x48, s10;
	s1 =	smov.u32 s11;
	s11 =	sadd.s32 $0x4, s11  }
0x205: {  	_ = 	snop  }
0x206: {  	v0 =	vsel vm0, v0, v1  }
0x207: {  	[tilespmem:s12+$0x0] =	vst v0;
	s12 =	smov.u32 s10  }
0x208: {  	v0 =	vld [tilespmem:s10+$0x0];
	_ =	sdelay $0x4  }
0x209: {  	v0 =	vmax.f32 v0, $1.000000000e+00  }
0x20a: {  	(erf) = vrcp.f32 v0;
	_ =	sdelay $0x4  }
0x20b: {  	v0 =	vld [tilespmem:s10+$0xFFFFFFE8]  }
0x20c: {  	v1 =	vld [tilespmem:s10+$0xFFFFFFF8]  }
0x20d: {  	v2 =	vld [tilespmem:s10+$0xFFFFFFC8]  }
0x20e: {  	v3 =	vld [tilespmem:s10+$0xFFFFFFD8]  }
0x20f: {  	v4 =	vpop (erf)  }
0x210: {  	v4 =	vbroadcast v4, $0x8;
	_ =	sdelay $0x1  }
0x211: {  	v2 =	vmul.f32 v4, v2;
	v1 =	vmul.f32 v1, v4  }
0x212: {  	v0 =	vmul.f32 v0, v4;
	v3 =	vmul.f32 v4, v3  }
.Ltmp17:
0x213: {  	[tilespmem:s10+$0xFFFFFFF8] =	vst v1;
	(pc) =	sbr.rel @p1 .LBB2_28-.Ltmp17, $4  }
0x214: {  	[tilespmem:s10+$0xFFFFFFC8] =	vst v2  }
0x215: {  	s1 =	sshra.s32 s1, $0x2;
	[tilespmem:s10+$0xFFFFFFD8] =	vst v3  }
0x216: {  	[tilespmem:s10+$0xFFFFFFE8] =	vst v0;
	v0 =	vld [tilespmem:s10+$0x0]  }
0x217: {  	v1 =	vld [tilespmem:s1+$0x1A7A0]  }
0x218: {  	_ =	sdelay $0x3  }
0x219: {  	v0 =	vsel vm0, v0, v1  }
0x21a: {  	s1 =	rddreg [dreg:$0x1c];
	[tilespmem:s12+$0x0] =	vst v0  }
0x21b: {  	[spmem:s1] =	stream.linear.scatter [tilespmem:s30], [sflag:$0x5], $0xFC0, $0x38;
	[tilespmem:$0x1BC40] =	vst v63  }
0x21c: {  	_ =	swait.ge [sflag:s17], $0xFC0  }
0x21d: {  	[sflag:s17] =	ssyncset.done $0x0  }
0x21e: {  	s15 =	rddreg [dreg:$0x1d];
	[sflag:s17] =	ssyncadd.s32 $0xFFFFF040  }
0x21f: {  	[tilespmem:s30], [sflag:$0x1] =	stream.linear.gather [spmem:s15], $0xFC0, $0x38;
	[tilespmem:$0x1BC40] =	vst v63  }
0x220: {  	s28 =	simm.s32 $0x0;
	s11 =	simm.s32 $0x1A7A8;
	s10 =	rddreg [dreg:$0xb]  }
0x221: {  	[tilespmem:s11], [sflag:$0x4] =	stream.linear.gather [hbm4b:s10+s28], $0x38, $0x38;
	[tilespmem:$0x1BC40] =	vst v63  }
0x222: {  	_ =	swait.ge [sflag:s20], $0xFC0  }
0x223: {  	[sflag:s20] =	ssyncset.done $0x0  }
0x224: {  	[sflag:s20] =	ssyncadd.s32 $0xFFFFF040  }
0x225: {  	_ =	swait.ge [sflag:s22], $0x38  }
0x226: {  	[sflag:s22] =	ssyncset.done $0x0  }
0x227: {  	s10 =	simm.s32 $0x19818;
	[sflag:s22] =	ssyncadd.s32 $0xFFFFFFC8  }
0x228: {  	v0 =	vld [tilespmem:s10+$0x0];
	_ =	sdelay $0x4  }
0x229: {  	v0 =	vmax.f32 v0, $1.000000000e+00  }
0x22a: {  	(erf) = vrcp.f32 v0;
	_ =	sdelay $0x6  }
0x22b: {  	v0 =	vld [tilespmem:s10+$0xFFFFFFF8]  }
0x22c: {  	v1 =	vld [tilespmem:s10+$0xFFFFFFC8]  }
0x22d: {  	v2 =	vld [tilespmem:s10+$0xFFFFFFD8];
	v3 =	vpop (erf)  }
0x22e: {  	v4 =	vld [tilespmem:s10+$0xFFFFFFE8];
	v3 =	vbroadcast v3, $0x8;
	_ =	sdelay $0x1  }
0x22f: {  	v0 =	vmul.f32 v0, v3  }
0x230: {  	v1 =	vmul.f32 v3, v1  }
0x231: {  	v2 =	vmul.f32 v3, v2;
	[tilespmem:s10+$0xFFFFFFF8] =	vst v0  }
0x232: {  	v0 =	vmul.f32 v4, v3;
	[tilespmem:s10+$0xFFFFFFC8] =	vst v1  }
0x233: {  	[tilespmem:s10+$0xFFFFFFD8] =	vst v2  }
0x234: {  	s29 =	simm.s32 $0x0;
	[tilespmem:s10+$0xFFFFFFE8] =	vst v0;
	v0 =	vld [tilespmem:s10+$0x0]  }
0x235: {  	s12 =	simm.s32 $0x19818;
	s11 =	simm.s32 $0x4;
	v1 =	vld [tilespmem:s29+$0x1A7A0]  }
.LBB2_30:
0x236: {  	_ = 	snop  }
0x237: {  	p1 =	sne.s32 s11, $0xDC  }
0x238: {  	s10 =	sadd.s32 $0x48, s10;
	s1 =	smov.u32 s11;
	s11 =	sadd.s32 $0x4, s11  }
0x239: {  	_ = 	snop  }
0x23a: {  	v0 =	vsel vm0, v0, v1  }
0x23b: {  	[tilespmem:s12+$0x0] =	vst v0;
	s12 =	smov.u32 s10  }
0x23c: {  	v0 =	vld [tilespmem:s10+$0x0];
	_ =	sdelay $0x4  }
0x23d: {  	v0 =	vmax.f32 v0, $1.000000000e+00  }
0x23e: {  	(erf) = vrcp.f32 v0;
	_ =	sdelay $0x4  }
0x23f: {  	v0 =	vld [tilespmem:s10+$0xFFFFFFE8]  }
0x240: {  	v1 =	vld [tilespmem:s10+$0xFFFFFFF8]  }
0x241: {  	v2 =	vld [tilespmem:s10+$0xFFFFFFC8]  }
0x242: {  	v3 =	vld [tilespmem:s10+$0xFFFFFFD8]  }
0x243: {  	v4 =	vpop (erf)  }
0x244: {  	v4 =	vbroadcast v4, $0x8;
	_ =	sdelay $0x1  }
0x245: {  	v2 =	vmul.f32 v4, v2;
	v1 =	vmul.f32 v1, v4  }
0x246: {  	v0 =	vmul.f32 v0, v4;
	v3 =	vmul.f32 v4, v3  }
.Ltmp18:
0x247: {  	[tilespmem:s10+$0xFFFFFFF8] =	vst v1;
	(pc) =	sbr.rel @p1 .LBB2_30-.Ltmp18, $4  }
0x248: {  	[tilespmem:s10+$0xFFFFFFC8] =	vst v2  }
0x249: {  	s1 =	sshra.s32 s1, $0x2;
	[tilespmem:s10+$0xFFFFFFD8] =	vst v3  }
0x24a: {  	[tilespmem:s10+$0xFFFFFFE8] =	vst v0;
	v0 =	vld [tilespmem:s10+$0x0]  }
0x24b: {  	v1 =	vld [tilespmem:s1+$0x1A7A0]  }
0x24c: {  	_ =	sdelay $0x3  }
0x24d: {  	v0 =	vsel vm0, v0, v1  }
0x24e: {  	s1 =	rddreg [dreg:$0x1d];
	[tilespmem:s12+$0x0] =	vst v0  }
0x24f: {  	[spmem:s1] =	stream.linear.scatter [tilespmem:s30], [sflag:$0x5], $0xFC0, $0x38;
	[tilespmem:$0x1BC40] =	vst v63  }
0x250: {  	_ =	swait.ge [sflag:s17], $0xFC0  }
0x251: {  	[sflag:s17] =	ssyncset.done $0x0;
	s15 =	rddreg [dreg:$0x1e]  }
0x252: {  	s10 =	sld [smem:$0x7F4];
	[sflag:s17] =	ssyncadd.s32 $0xFFFFF040  }
0x253: {  	[tilespmem:s30], [sflag:$0x1] =	stream.linear.gather [spmem:s15], $0xFC0, $0x38;
	[tilespmem:$0x1BC40] =	vst v63  }
0x254: {  	s28 =	simm.s32 $0x0;
	s11 =	simm.s32 $0x1A7A8  }
0x255: {  	[tilespmem:s11], [sflag:$0x4] =	stream.linear.gather [hbm4b:s10+s28], $0x38, $0x38;
	[tilespmem:$0x1BC40] =	vst v63  }
0x256: {  	_ =	swait.ge [sflag:s20], $0xFC0  }
0x257: {  	[sflag:s20] =	ssyncset.done $0x0  }
0x258: {  	[sflag:s20] =	ssyncadd.s32 $0xFFFFF040  }
0x259: {  	_ =	swait.ge [sflag:s22], $0x38  }
0x25a: {  	[sflag:s22] =	ssyncset.done $0x0  }
0x25b: {  	s10 =	simm.s32 $0x19818;
	[sflag:s22] =	ssyncadd.s32 $0xFFFFFFC8  }
0x25c: {  	v0 =	vld [tilespmem:s10+$0x0];
	_ =	sdelay $0x4  }
0x25d: {  	v0 =	vmax.f32 v0, $1.000000000e+00  }
0x25e: {  	(erf) = vrcp.f32 v0;
	_ =	sdelay $0x6  }
0x25f: {  	v0 =	vld [tilespmem:s10+$0xFFFFFFF8]  }
0x260: {  	v1 =	vld [tilespmem:s10+$0xFFFFFFC8]  }
0x261: {  	v2 =	vld [tilespmem:s10+$0xFFFFFFD8];
	v3 =	vpop (erf)  }
0x262: {  	v4 =	vld [tilespmem:s10+$0xFFFFFFE8];
	v3 =	vbroadcast v3, $0x8;
	_ =	sdelay $0x1  }
0x263: {  	v0 =	vmul.f32 v0, v3  }
0x264: {  	v1 =	vmul.f32 v3, v1  }
0x265: {  	v2 =	vmul.f32 v3, v2;
	[tilespmem:s10+$0xFFFFFFF8] =	vst v0  }
0x266: {  	v0 =	vmul.f32 v4, v3;
	[tilespmem:s10+$0xFFFFFFC8] =	vst v1  }
0x267: {  	[tilespmem:s10+$0xFFFFFFD8] =	vst v2  }
0x268: {  	s29 =	simm.s32 $0x0;
	[tilespmem:s10+$0xFFFFFFE8] =	vst v0;
	v0 =	vld [tilespmem:s10+$0x0]  }
0x269: {  	s12 =	simm.s32 $0x19818;
	s11 =	simm.s32 $0x4;
	v1 =	vld [tilespmem:s29+$0x1A7A0]  }
.LBB2_32:
0x26a: {  	_ = 	snop  }
0x26b: {  	p1 =	sne.s32 s11, $0xDC  }
0x26c: {  	s10 =	sadd.s32 $0x48, s10;
	s1 =	smov.u32 s11;
	s11 =	sadd.s32 $0x4, s11  }
0x26d: {  	_ = 	snop  }
0x26e: {  	v0 =	vsel vm0, v0, v1  }
0x26f: {  	[tilespmem:s12+$0x0] =	vst v0;
	s12 =	smov.u32 s10  }
0x270: {  	v0 =	vld [tilespmem:s10+$0x0];
	_ =	sdelay $0x4  }
0x271: {  	v0 =	vmax.f32 v0, $1.000000000e+00  }
0x272: {  	(erf) = vrcp.f32 v0;
	_ =	sdelay $0x4  }
0x273: {  	v0 =	vld [tilespmem:s10+$0xFFFFFFE8]  }
0x274: {  	v1 =	vld [tilespmem:s10+$0xFFFFFFF8]  }
0x275: {  	v2 =	vld [tilespmem:s10+$0xFFFFFFC8]  }
0x276: {  	v3 =	vld [tilespmem:s10+$0xFFFFFFD8]  }
0x277: {  	v4 =	vpop (erf)  }
0x278: {  	v4 =	vbroadcast v4, $0x8;
	_ =	sdelay $0x1  }
0x279: {  	v2 =	vmul.f32 v4, v2;
	v1 =	vmul.f32 v1, v4  }
0x27a: {  	v0 =	vmul.f32 v0, v4;
	v3 =	vmul.f32 v4, v3  }
.Ltmp19:
0x27b: {  	[tilespmem:s10+$0xFFFFFFF8] =	vst v1;
	(pc) =	sbr.rel @p1 .LBB2_32-.Ltmp19, $4  }
0x27c: {  	[tilespmem:s10+$0xFFFFFFC8] =	vst v2  }
0x27d: {  	s1 =	sshra.s32 s1, $0x2;
	[tilespmem:s10+$0xFFFFFFD8] =	vst v3  }
0x27e: {  	[tilespmem:s10+$0xFFFFFFE8] =	vst v0;
	v0 =	vld [tilespmem:s10+$0x0]  }
0x27f: {  	v1 =	vld [tilespmem:s1+$0x1A7A0]  }
0x280: {  	_ =	sdelay $0x3  }
0x281: {  	v0 =	vsel vm0, v0, v1  }
0x282: {  	s1 =	rddreg [dreg:$0x1e];
	[tilespmem:s12+$0x0] =	vst v0  }
0x283: {  	[spmem:s1] =	stream.linear.scatter [tilespmem:s30], [sflag:$0x5], $0xFC0, $0x38;
	[tilespmem:$0x1BC40] =	vst v63  }
0x284: {  	_ =	swait.ge [sflag:s17], $0xFC0  }
0x285: {  	[sflag:s17] =	ssyncset.done $0x0  }
0x286: {  	s15 =	rddreg [dreg:$0x1f];
	[sflag:s17] =	ssyncadd.s32 $0xFFFFF040  }
0x287: {  	[tilespmem:s30], [sflag:$0x1] =	stream.linear.gather [spmem:s15], $0xFC0, $0x38;
	[tilespmem:$0x1BC40] =	vst v63  }
0x288: {  	s28 =	simm.s32 $0x0;
	s11 =	simm.s32 $0x1A7A8;
	s10 =	rddreg [dreg:$0xc]  }
0x289: {  	[tilespmem:s11], [sflag:$0x4] =	stream.linear.gather [hbm4b:s10+s28], $0x38, $0x38;
	[tilespmem:$0x1BC40] =	vst v63  }
0x28a: {  	_ =	swait.ge [sflag:s20], $0xFC0  }
0x28b: {  	[sflag:s20] =	ssyncset.done $0x0  }
0x28c: {  	[sflag:s20] =	ssyncadd.s32 $0xFFFFF040  }
0x28d: {  	_ =	swait.ge [sflag:s22], $0x38  }
0x28e: {  	[sflag:s22] =	ssyncset.done $0x0  }
0x28f: {  	s10 =	simm.s32 $0x19818;
	[sflag:s22] =	ssyncadd.s32 $0xFFFFFFC8  }
0x290: {  	v0 =	vld [tilespmem:s10+$0x0];
	_ =	sdelay $0x4  }
0x291: {  	v0 =	vmax.f32 v0, $1.000000000e+00  }
0x292: {  	(erf) = vrcp.f32 v0;
	_ =	sdelay $0x6  }
0x293: {  	v0 =	vld [tilespmem:s10+$0xFFFFFFF8]  }
0x294: {  	v1 =	vld [tilespmem:s10+$0xFFFFFFC8]  }
0x295: {  	v2 =	vld [tilespmem:s10+$0xFFFFFFD8];
	v3 =	vpop (erf)  }
0x296: {  	v4 =	vld [tilespmem:s10+$0xFFFFFFE8];
	v3 =	vbroadcast v3, $0x8;
	_ =	sdelay $0x1  }
0x297: {  	v0 =	vmul.f32 v0, v3  }
0x298: {  	v1 =	vmul.f32 v3, v1  }
0x299: {  	v2 =	vmul.f32 v3, v2;
	[tilespmem:s10+$0xFFFFFFF8] =	vst v0  }
0x29a: {  	v0 =	vmul.f32 v4, v3;
	[tilespmem:s10+$0xFFFFFFC8] =	vst v1  }
0x29b: {  	[tilespmem:s10+$0xFFFFFFD8] =	vst v2  }
0x29c: {  	s29 =	simm.s32 $0x0;
	[tilespmem:s10+$0xFFFFFFE8] =	vst v0;
	v0 =	vld [tilespmem:s10+$0x0]  }
0x29d: {  	s12 =	simm.s32 $0x19818;
	s11 =	simm.s32 $0x4;
	v1 =	vld [tilespmem:s29+$0x1A7A0]  }
.LBB2_34:
0x29e: {  	_ = 	snop  }
0x29f: {  	p1 =	sne.s32 s11, $0xDC  }
0x2a0: {  	s10 =	sadd.s32 $0x48, s10;
	s1 =	smov.u32 s11;
	s11 =	sadd.s32 $0x4, s11  }
0x2a1: {  	_ = 	snop  }
0x2a2: {  	v0 =	vsel vm0, v0, v1  }
0x2a3: {  	[tilespmem:s12+$0x0] =	vst v0;
	s12 =	smov.u32 s10  }
0x2a4: {  	v0 =	vld [tilespmem:s10+$0x0];
	_ =	sdelay $0x4  }
0x2a5: {  	v0 =	vmax.f32 v0, $1.000000000e+00  }
0x2a6: {  	(erf) = vrcp.f32 v0;
	_ =	sdelay $0x4  }
0x2a7: {  	v0 =	vld [tilespmem:s10+$0xFFFFFFE8]  }
0x2a8: {  	v1 =	vld [tilespmem:s10+$0xFFFFFFF8]  }
0x2a9: {  	v2 =	vld [tilespmem:s10+$0xFFFFFFC8]  }
0x2aa: {  	v3 =	vld [tilespmem:s10+$0xFFFFFFD8]  }
0x2ab: {  	v4 =	vpop (erf)  }
0x2ac: {  	v4 =	vbroadcast v4, $0x8;
	_ =	sdelay $0x1  }
0x2ad: {  	v2 =	vmul.f32 v4, v2;
	v1 =	vmul.f32 v1, v4  }
0x2ae: {  	v0 =	vmul.f32 v0, v4;
	v3 =	vmul.f32 v4, v3  }
.Ltmp20:
0x2af: {  	[tilespmem:s10+$0xFFFFFFF8] =	vst v1;
	(pc) =	sbr.rel @p1 .LBB2_34-.Ltmp20, $4  }
0x2b0: {  	[tilespmem:s10+$0xFFFFFFC8] =	vst v2  }
0x2b1: {  	s1 =	sshra.s32 s1, $0x2;
	[tilespmem:s10+$0xFFFFFFD8] =	vst v3  }
0x2b2: {  	[tilespmem:s10+$0xFFFFFFE8] =	vst v0;
	v0 =	vld [tilespmem:s10+$0x0]  }
0x2b3: {  	v1 =	vld [tilespmem:s1+$0x1A7A0]  }
0x2b4: {  	_ =	sdelay $0x3  }
0x2b5: {  	v0 =	vsel vm0, v0, v1  }
0x2b6: {  	s1 =	rddreg [dreg:$0x1f];
	[tilespmem:s12+$0x0] =	vst v0  }
0x2b7: {  	[spmem:s1] =	stream.linear.scatter [tilespmem:s30], [sflag:$0x5], $0xFC0, $0x38;
	[tilespmem:$0x1BC40] =	vst v63  }
0x2b8: {  	_ =	swait.ge [sflag:s17], $0xFC0  }
0x2b9: {  	s15 =	sld [smem:$0x7DE]  }
0x2ba: {  	[sflag:s17] =	ssyncset.done $0x0  }
0x2bb: {  	s10 =	sld [smem:$0x7F5];
	[sflag:s17] =	ssyncadd.s32 $0xFFFFF040  }
0x2bc: {  	[tilespmem:s30], [sflag:$0x1] =	stream.linear.gather [spmem:s15], $0xFC0, $0x38;
	[tilespmem:$0x1BC40] =	vst v63  }
0x2bd: {  	s28 =	simm.s32 $0x0;
	s11 =	simm.s32 $0x1A7A8  }
0x2be: {  	[tilespmem:s11], [sflag:$0x4] =	stream.linear.gather [hbm4b:s10+s28], $0x38, $0x38;
	[tilespmem:$0x1BC40] =	vst v63  }
0x2bf: {  	_ =	swait.ge [sflag:s20], $0xFC0  }
0x2c0: {  	[sflag:s20] =	ssyncset.done $0x0  }
0x2c1: {  	[sflag:s20] =	ssyncadd.s32 $0xFFFFF040  }
0x2c2: {  	_ =	swait.ge [sflag:s22], $0x38  }
0x2c3: {  	[sflag:s22] =	ssyncset.done $0x0  }
0x2c4: {  	s10 =	simm.s32 $0x19818;
	[sflag:s22] =	ssyncadd.s32 $0xFFFFFFC8  }
0x2c5: {  	v0 =	vld [tilespmem:s10+$0x0];
	_ =	sdelay $0x4  }
0x2c6: {  	v0 =	vmax.f32 v0, $1.000000000e+00  }
0x2c7: {  	(erf) = vrcp.f32 v0;
	_ =	sdelay $0x6  }
0x2c8: {  	v0 =	vld [tilespmem:s10+$0xFFFFFFF8]  }
0x2c9: {  	v1 =	vld [tilespmem:s10+$0xFFFFFFC8]  }
0x2ca: {  	v2 =	vld [tilespmem:s10+$0xFFFFFFD8];
	v3 =	vpop (erf)  }
0x2cb: {  	v4 =	vld [tilespmem:s10+$0xFFFFFFE8];
	v3 =	vbroadcast v3, $0x8;
	_ =	sdelay $0x1  }
0x2cc: {  	v0 =	vmul.f32 v0, v3  }
0x2cd: {  	v1 =	vmul.f32 v3, v1  }
0x2ce: {  	v2 =	vmul.f32 v3, v2;
	[tilespmem:s10+$0xFFFFFFF8] =	vst v0  }
0x2cf: {  	v0 =	vmul.f32 v4, v3;
	[tilespmem:s10+$0xFFFFFFC8] =	vst v1  }
0x2d0: {  	[tilespmem:s10+$0xFFFFFFD8] =	vst v2  }
0x2d1: {  	s29 =	simm.s32 $0x0;
	[tilespmem:s10+$0xFFFFFFE8] =	vst v0;
	v0 =	vld [tilespmem:s10+$0x0]  }
0x2d2: {  	s12 =	simm.s32 $0x19818;
	s11 =	simm.s32 $0x4;
	v1 =	vld [tilespmem:s29+$0x1A7A0]  }
.LBB2_36:
0x2d3: {  	_ = 	snop  }
0x2d4: {  	p1 =	sne.s32 s11, $0xDC  }
0x2d5: {  	s10 =	sadd.s32 $0x48, s10;
	s1 =	smov.u32 s11;
	s11 =	sadd.s32 $0x4, s11  }
0x2d6: {  	_ = 	snop  }
0x2d7: {  	v0 =	vsel vm0, v0, v1  }
0x2d8: {  	[tilespmem:s12+$0x0] =	vst v0;
	s12 =	smov.u32 s10  }
0x2d9: {  	v0 =	vld [tilespmem:s10+$0x0];
	_ =	sdelay $0x4  }
0x2da: {  	v0 =	vmax.f32 v0, $1.000000000e+00  }
0x2db: {  	(erf) = vrcp.f32 v0;
	_ =	sdelay $0x4  }
0x2dc: {  	v0 =	vld [tilespmem:s10+$0xFFFFFFE8]  }
0x2dd: {  	v1 =	vld [tilespmem:s10+$0xFFFFFFF8]  }
0x2de: {  	v2 =	vld [tilespmem:s10+$0xFFFFFFC8]  }
0x2df: {  	v3 =	vld [tilespmem:s10+$0xFFFFFFD8]  }
0x2e0: {  	v4 =	vpop (erf)  }
0x2e1: {  	v4 =	vbroadcast v4, $0x8;
	_ =	sdelay $0x1  }
0x2e2: {  	v2 =	vmul.f32 v4, v2;
	v1 =	vmul.f32 v1, v4  }
0x2e3: {  	v0 =	vmul.f32 v0, v4;
	v3 =	vmul.f32 v4, v3  }
.Ltmp21:
0x2e4: {  	[tilespmem:s10+$0xFFFFFFF8] =	vst v1;
	(pc) =	sbr.rel @p1 .LBB2_36-.Ltmp21, $4  }
0x2e5: {  	[tilespmem:s10+$0xFFFFFFC8] =	vst v2  }
0x2e6: {  	s1 =	sshra.s32 s1, $0x2;
	[tilespmem:s10+$0xFFFFFFD8] =	vst v3  }
0x2e7: {  	[tilespmem:s10+$0xFFFFFFE8] =	vst v0;
	v0 =	vld [tilespmem:s10+$0x0]  }
0x2e8: {  	v1 =	vld [tilespmem:s1+$0x1A7A0]  }
0x2e9: {  	_ =	sdelay $0x2  }
0x2ea: {  	s1 =	sld [smem:$0x7DE]  }
0x2eb: {  	v0 =	vsel vm0, v0, v1  }
0x2ec: {  	[tilespmem:s12+$0x0] =	vst v0  }
0x2ed: {  	[spmem:s1] =	stream.linear.scatter [tilespmem:s30], [sflag:$0x5], $0xFC0, $0x38;
	[tilespmem:$0x1BC40] =	vst v63  }
0x2ee: {  	_ =	swait.ge [sflag:s17], $0xFC0  }
0x2ef: {  	s15 =	sld [smem:$0x7DF]  }
0x2f0: {  	[sflag:s17] =	ssyncset.done $0x0  }
0x2f1: {  	[sflag:s17] =	ssyncadd.s32 $0xFFFFF040  }
0x2f2: {  	[tilespmem:s30], [sflag:$0x1] =	stream.linear.gather [spmem:s15], $0xFC0, $0x38;
	[tilespmem:$0x1BC40] =	vst v63  }
0x2f3: {  	s28 =	simm.s32 $0x0;
	s11 =	simm.s32 $0x1A7A8;
	s10 =	rddreg [dreg:$0xd]  }
0x2f4: {  	[tilespmem:s11], [sflag:$0x4] =	stream.linear.gather [hbm4b:s10+s28], $0x38, $0x38;
	[tilespmem:$0x1BC40] =	vst v63  }
0x2f5: {  	_ =	swait.ge [sflag:s20], $0xFC0  }
0x2f6: {  	[sflag:s20] =	ssyncset.done $0x0  }
0x2f7: {  	[sflag:s20] =	ssyncadd.s32 $0xFFFFF040  }
0x2f8: {  	_ =	swait.ge [sflag:s22], $0x38  }
0x2f9: {  	[sflag:s22] =	ssyncset.done $0x0  }
0x2fa: {  	s10 =	simm.s32 $0x19818;
	[sflag:s22] =	ssyncadd.s32 $0xFFFFFFC8  }
0x2fb: {  	v0 =	vld [tilespmem:s10+$0x0];
	_ =	sdelay $0x4  }
0x2fc: {  	v0 =	vmax.f32 v0, $1.000000000e+00  }
0x2fd: {  	(erf) = vrcp.f32 v0;
	_ =	sdelay $0x6  }
0x2fe: {  	v0 =	vld [tilespmem:s10+$0xFFFFFFF8]  }
0x2ff: {  	v1 =	vld [tilespmem:s10+$0xFFFFFFC8]  }
0x300: {  	v2 =	vld [tilespmem:s10+$0xFFFFFFD8];
	v3 =	vpop (erf)  }
0x301: {  	v4 =	vld [tilespmem:s10+$0xFFFFFFE8];
	v3 =	vbroadcast v3, $0x8;
	_ =	sdelay $0x1  }
0x302: {  	v0 =	vmul.f32 v0, v3  }
0x303: {  	v1 =	vmul.f32 v3, v1  }
0x304: {  	v2 =	vmul.f32 v3, v2;
	[tilespmem:s10+$0xFFFFFFF8] =	vst v0  }
0x305: {  	v0 =	vmul.f32 v4, v3;
	[tilespmem:s10+$0xFFFFFFC8] =	vst v1  }
0x306: {  	[tilespmem:s10+$0xFFFFFFD8] =	vst v2  }
0x307: {  	s29 =	simm.s32 $0x0;
	[tilespmem:s10+$0xFFFFFFE8] =	vst v0;
	v0 =	vld [tilespmem:s10+$0x0]  }
0x308: {  	s12 =	simm.s32 $0x19818;
	s11 =	simm.s32 $0x4;
	v1 =	vld [tilespmem:s29+$0x1A7A0]  }
.LBB2_38:
0x309: {  	_ = 	snop  }
0x30a: {  	p1 =	sne.s32 s11, $0xDC  }
0x30b: {  	s10 =	sadd.s32 $0x48, s10;
	s1 =	smov.u32 s11;
	s11 =	sadd.s32 $0x4, s11  }
0x30c: {  	_ = 	snop  }
0x30d: {  	v0 =	vsel vm0, v0, v1  }
0x30e: {  	[tilespmem:s12+$0x0] =	vst v0;
	s12 =	smov.u32 s10  }
0x30f: {  	v0 =	vld [tilespmem:s10+$0x0];
	_ =	sdelay $0x4  }
0x310: {  	v0 =	vmax.f32 v0, $1.000000000e+00  }
0x311: {  	(erf) = vrcp.f32 v0;
	_ =	sdelay $0x4  }
0x312: {  	v0 =	vld [tilespmem:s10+$0xFFFFFFE8]  }
0x313: {  	v1 =	vld [tilespmem:s10+$0xFFFFFFF8]  }
0x314: {  	v2 =	vld [tilespmem:s10+$0xFFFFFFC8]  }
0x315: {  	v3 =	vld [tilespmem:s10+$0xFFFFFFD8]  }
0x316: {  	v4 =	vpop (erf)  }
0x317: {  	v4 =	vbroadcast v4, $0x8;
	_ =	sdelay $0x1  }
0x318: {  	v2 =	vmul.f32 v4, v2;
	v1 =	vmul.f32 v1, v4  }
0x319: {  	v0 =	vmul.f32 v0, v4;
	v3 =	vmul.f32 v4, v3  }
.Ltmp22:
0x31a: {  	[tilespmem:s10+$0xFFFFFFF8] =	vst v1;
	(pc) =	sbr.rel @p1 .LBB2_38-.Ltmp22, $4  }
0x31b: {  	[tilespmem:s10+$0xFFFFFFC8] =	vst v2  }
0x31c: {  	s1 =	sshra.s32 s1, $0x2;
	[tilespmem:s10+$0xFFFFFFD8] =	vst v3  }
0x31d: {  	[tilespmem:s10+$0xFFFFFFE8] =	vst v0;
	v0 =	vld [tilespmem:s10+$0x0]  }
0x31e: {  	v1 =	vld [tilespmem:s1+$0x1A7A0]  }
0x31f: {  	_ =	sdelay $0x2  }
0x320: {  	s1 =	sld [smem:$0x7DF]  }
0x321: {  	v0 =	vsel vm0, v0, v1  }
0x322: {  	[tilespmem:s12+$0x0] =	vst v0  }
0x323: {  	[spmem:s1] =	stream.linear.scatter [tilespmem:s30], [sflag:$0x5], $0xFC0, $0x38;
	[tilespmem:$0x1BC40] =	vst v63  }
0x324: {  	_ =	swait.ge [sflag:s17], $0xFC0  }
0x325: {  	s15 =	sld [smem:$0x7E0]  }
0x326: {  	[sflag:s17] =	ssyncset.done $0x0  }
0x327: {  	s10 =	sld [smem:$0x7F6];
	[sflag:s17] =	ssyncadd.s32 $0xFFFFF040  }
0x328: {  	[tilespmem:s30], [sflag:$0x1] =	stream.linear.gather [spmem:s15], $0xFC0, $0x38;
	[tilespmem:$0x1BC40] =	vst v63  }
0x329: {  	s28 =	simm.s32 $0x0;
	s11 =	simm.s32 $0x1A7A8  }
0x32a: {  	[tilespmem:s11], [sflag:$0x4] =	stream.linear.gather [hbm4b:s10+s28], $0x38, $0x38;
	[tilespmem:$0x1BC40] =	vst v63  }
0x32b: {  	_ =	swait.ge [sflag:s20], $0xFC0  }
0x32c: {  	[sflag:s20] =	ssyncset.done $0x0  }
0x32d: {  	[sflag:s20] =	ssyncadd.s32 $0xFFFFF040  }
0x32e: {  	_ =	swait.ge [sflag:s22], $0x38  }
0x32f: {  	[sflag:s22] =	ssyncset.done $0x0  }
0x330: {  	s10 =	simm.s32 $0x19818;
	[sflag:s22] =	ssyncadd.s32 $0xFFFFFFC8  }
0x331: {  	v0 =	vld [tilespmem:s10+$0x0];
	_ =	sdelay $0x4  }
0x332: {  	v0 =	vmax.f32 v0, $1.000000000e+00  }
0x333: {  	(erf) = vrcp.f32 v0;
	_ =	sdelay $0x6  }
0x334: {  	v0 =	vld [tilespmem:s10+$0xFFFFFFF8]  }
0x335: {  	v1 =	vld [tilespmem:s10+$0xFFFFFFC8]  }
0x336: {  	v2 =	vld [tilespmem:s10+$0xFFFFFFD8];
	v3 =	vpop (erf)  }
0x337: {  	v4 =	vld [tilespmem:s10+$0xFFFFFFE8];
	v3 =	vbroadcast v3, $0x8;
	_ =	sdelay $0x1  }
0x338: {  	v0 =	vmul.f32 v0, v3  }
0x339: {  	v1 =	vmul.f32 v3, v1  }
0x33a: {  	v2 =	vmul.f32 v3, v2;
	[tilespmem:s10+$0xFFFFFFF8] =	vst v0  }
0x33b: {  	v0 =	vmul.f32 v4, v3;
	[tilespmem:s10+$0xFFFFFFC8] =	vst v1  }
0x33c: {  	[tilespmem:s10+$0xFFFFFFD8] =	vst v2  }
0x33d: {  	s29 =	simm.s32 $0x0;
	[tilespmem:s10+$0xFFFFFFE8] =	vst v0;
	v0 =	vld [tilespmem:s10+$0x0]  }
0x33e: {  	s12 =	simm.s32 $0x19818;
	s11 =	simm.s32 $0x4;
	v1 =	vld [tilespmem:s29+$0x1A7A0]  }
.LBB2_40:
0x33f: {  	_ = 	snop  }
0x340: {  	p1 =	sne.s32 s11, $0xDC  }
0x341: {  	s10 =	sadd.s32 $0x48, s10;
	s1 =	smov.u32 s11;
	s11 =	sadd.s32 $0x4, s11  }
0x342: {  	_ = 	snop  }
0x343: {  	v0 =	vsel vm0, v0, v1  }
0x344: {  	[tilespmem:s12+$0x0] =	vst v0;
	s12 =	smov.u32 s10  }
0x345: {  	v0 =	vld [tilespmem:s10+$0x0];
	_ =	sdelay $0x4  }
0x346: {  	v0 =	vmax.f32 v0, $1.000000000e+00  }
0x347: {  	(erf) = vrcp.f32 v0;
	_ =	sdelay $0x4  }
0x348: {  	v0 =	vld [tilespmem:s10+$0xFFFFFFE8]  }
0x349: {  	v1 =	vld [tilespmem:s10+$0xFFFFFFF8]  }
0x34a: {  	v2 =	vld [tilespmem:s10+$0xFFFFFFC8]  }
0x34b: {  	v3 =	vld [tilespmem:s10+$0xFFFFFFD8]  }
0x34c: {  	v4 =	vpop (erf)  }
0x34d: {  	v4 =	vbroadcast v4, $0x8;
	_ =	sdelay $0x1  }
0x34e: {  	v2 =	vmul.f32 v4, v2;
	v1 =	vmul.f32 v1, v4  }
0x34f: {  	v0 =	vmul.f32 v0, v4;
	v3 =	vmul.f32 v4, v3  }
.Ltmp23:
0x350: {  	[tilespmem:s10+$0xFFFFFFF8] =	vst v1;
	(pc) =	sbr.rel @p1 .LBB2_40-.Ltmp23, $4  }
0x351: {  	[tilespmem:s10+$0xFFFFFFC8] =	vst v2  }
0x352: {  	s1 =	sshra.s32 s1, $0x2;
	[tilespmem:s10+$0xFFFFFFD8] =	vst v3  }
0x353: {  	[tilespmem:s10+$0xFFFFFFE8] =	vst v0;
	v0 =	vld [tilespmem:s10+$0x0]  }
0x354: {  	v1 =	vld [tilespmem:s1+$0x1A7A0]  }
0x355: {  	_ =	sdelay $0x2  }
0x356: {  	s1 =	sld [smem:$0x7E0]  }
0x357: {  	v0 =	vsel vm0, v0, v1  }
0x358: {  	[tilespmem:s12+$0x0] =	vst v0  }
0x359: {  	[spmem:s1] =	stream.linear.scatter [tilespmem:s30], [sflag:$0x5], $0xFC0, $0x38;
	[tilespmem:$0x1BC40] =	vst v63  }
0x35a: {  	_ =	swait.ge [sflag:s17], $0xFC0  }
0x35b: {  	s15 =	sld [smem:$0x7E1]  }
0x35c: {  	[sflag:s17] =	ssyncset.done $0x0  }
0x35d: {  	[sflag:s17] =	ssyncadd.s32 $0xFFFFF040  }
0x35e: {  	[tilespmem:s30], [sflag:$0x1] =	stream.linear.gather [spmem:s15], $0xFC0, $0x38;
	[tilespmem:$0x1BC40] =	vst v63  }
0x35f: {  	s28 =	simm.s32 $0x0;
	s11 =	simm.s32 $0x1A7A8;
	s10 =	rddreg [dreg:$0xe]  }
0x360: {  	[tilespmem:s11], [sflag:$0x4] =	stream.linear.gather [hbm4b:s10+s28], $0x38, $0x38;
	[tilespmem:$0x1BC40] =	vst v63  }
0x361: {  	_ =	swait.ge [sflag:s20], $0xFC0  }
0x362: {  	[sflag:s20] =	ssyncset.done $0x0  }
0x363: {  	[sflag:s20] =	ssyncadd.s32 $0xFFFFF040  }
0x364: {  	_ =	swait.ge [sflag:s22], $0x38  }
0x365: {  	[sflag:s22] =	ssyncset.done $0x0  }
0x366: {  	s10 =	simm.s32 $0x19818;
	[sflag:s22] =	ssyncadd.s32 $0xFFFFFFC8  }
0x367: {  	v0 =	vld [tilespmem:s10+$0x0];
	_ =	sdelay $0x4  }
0x368: {  	v0 =	vmax.f32 v0, $1.000000000e+00  }
0x369: {  	(erf) = vrcp.f32 v0;
	_ =	sdelay $0x6  }
0x36a: {  	v0 =	vld [tilespmem:s10+$0xFFFFFFF8]  }
0x36b: {  	v1 =	vld [tilespmem:s10+$0xFFFFFFC8]  }
0x36c: {  	v2 =	vld [tilespmem:s10+$0xFFFFFFD8];
	v3 =	vpop (erf)  }
0x36d: {  	v4 =	vld [tilespmem:s10+$0xFFFFFFE8];
	v3 =	vbroadcast v3, $0x8;
	_ =	sdelay $0x1  }
0x36e: {  	v0 =	vmul.f32 v0, v3  }
0x36f: {  	v1 =	vmul.f32 v3, v1  }
0x370: {  	v2 =	vmul.f32 v3, v2;
	[tilespmem:s10+$0xFFFFFFF8] =	vst v0  }
0x371: {  	v0 =	vmul.f32 v4, v3;
	[tilespmem:s10+$0xFFFFFFC8] =	vst v1  }
0x372: {  	[tilespmem:s10+$0xFFFFFFD8] =	vst v2  }
0x373: {  	s29 =	simm.s32 $0x0;
	[tilespmem:s10+$0xFFFFFFE8] =	vst v0;
	v0 =	vld [tilespmem:s10+$0x0]  }
0x374: {  	s12 =	simm.s32 $0x19818;
	s11 =	simm.s32 $0x4;
	v1 =	vld [tilespmem:s29+$0x1A7A0]  }
.LBB2_42:
0x375: {  	_ = 	snop  }
0x376: {  	p1 =	sne.s32 s11, $0xDC  }
0x377: {  	s10 =	sadd.s32 $0x48, s10;
	s1 =	smov.u32 s11;
	s11 =	sadd.s32 $0x4, s11  }
0x378: {  	_ = 	snop  }
0x379: {  	v0 =	vsel vm0, v0, v1  }
0x37a: {  	[tilespmem:s12+$0x0] =	vst v0;
	s12 =	smov.u32 s10  }
0x37b: {  	v0 =	vld [tilespmem:s10+$0x0];
	_ =	sdelay $0x4  }
0x37c: {  	v0 =	vmax.f32 v0, $1.000000000e+00  }
0x37d: {  	(erf) = vrcp.f32 v0;
	_ =	sdelay $0x4  }
0x37e: {  	v0 =	vld [tilespmem:s10+$0xFFFFFFE8]  }
0x37f: {  	v1 =	vld [tilespmem:s10+$0xFFFFFFF8]  }
0x380: {  	v2 =	vld [tilespmem:s10+$0xFFFFFFC8]  }
0x381: {  	v3 =	vld [tilespmem:s10+$0xFFFFFFD8]  }
0x382: {  	v4 =	vpop (erf)  }
0x383: {  	v4 =	vbroadcast v4, $0x8;
	_ =	sdelay $0x1  }
0x384: {  	v2 =	vmul.f32 v4, v2;
	v1 =	vmul.f32 v1, v4  }
0x385: {  	v0 =	vmul.f32 v0, v4;
	v3 =	vmul.f32 v4, v3  }
.Ltmp24:
0x386: {  	[tilespmem:s10+$0xFFFFFFF8] =	vst v1;
	(pc) =	sbr.rel @p1 .LBB2_42-.Ltmp24, $4  }
0x387: {  	[tilespmem:s10+$0xFFFFFFC8] =	vst v2  }
0x388: {  	s1 =	sshra.s32 s1, $0x2;
	[tilespmem:s10+$0xFFFFFFD8] =	vst v3  }
0x389: {  	[tilespmem:s10+$0xFFFFFFE8] =	vst v0;
	v0 =	vld [tilespmem:s10+$0x0]  }
0x38a: {  	v1 =	vld [tilespmem:s1+$0x1A7A0]  }
0x38b: {  	_ =	sdelay $0x2  }
0x38c: {  	s1 =	sld [smem:$0x7E1]  }
0x38d: {  	v0 =	vsel vm0, v0, v1  }
0x38e: {  	[tilespmem:s12+$0x0] =	vst v0  }
0x38f: {  	[spmem:s1] =	stream.linear.scatter [tilespmem:s30], [sflag:$0x5], $0xFC0, $0x38;
	[tilespmem:$0x1BC40] =	vst v63  }
0x390: {  	_ =	swait.ge [sflag:s17], $0xFC0  }
0x391: {  	s15 =	sld [smem:$0x7E2]  }
0x392: {  	[sflag:s17] =	ssyncset.done $0x0  }
0x393: {  	s10 =	sld [smem:$0x7F7];
	[sflag:s17] =	ssyncadd.s32 $0xFFFFF040  }
0x394: {  	[tilespmem:s30], [sflag:$0x1] =	stream.linear.gather [spmem:s15], $0xFC0, $0x38;
	[tilespmem:$0x1BC40] =	vst v63  }
0x395: {  	s28 =	simm.s32 $0x0;
	s11 =	simm.s32 $0x1A7A8  }
0x396: {  	[tilespmem:s11], [sflag:$0x4] =	stream.linear.gather [hbm4b:s10+s28], $0x38, $0x38;
	[tilespmem:$0x1BC40] =	vst v63  }
0x397: {  	_ =	swait.ge [sflag:s20], $0xFC0  }
0x398: {  	[sflag:s20] =	ssyncset.done $0x0  }
0x399: {  	[sflag:s20] =	ssyncadd.s32 $0xFFFFF040  }
0x39a: {  	_ =	swait.ge [sflag:s22], $0x38  }
0x39b: {  	[sflag:s22] =	ssyncset.done $0x0  }
0x39c: {  	s10 =	simm.s32 $0x19818;
	[sflag:s22] =	ssyncadd.s32 $0xFFFFFFC8  }
0x39d: {  	v0 =	vld [tilespmem:s10+$0x0];
	_ =	sdelay $0x4  }
0x39e: {  	v0 =	vmax.f32 v0, $1.000000000e+00  }
0x39f: {  	(erf) = vrcp.f32 v0;
	_ =	sdelay $0x6  }
0x3a0: {  	v0 =	vld [tilespmem:s10+$0xFFFFFFF8]  }
0x3a1: {  	v1 =	vld [tilespmem:s10+$0xFFFFFFC8]  }
0x3a2: {  	v2 =	vld [tilespmem:s10+$0xFFFFFFD8];
	v3 =	vpop (erf)  }
0x3a3: {  	v4 =	vld [tilespmem:s10+$0xFFFFFFE8];
	v3 =	vbroadcast v3, $0x8;
	_ =	sdelay $0x1  }
0x3a4: {  	v0 =	vmul.f32 v0, v3  }
0x3a5: {  	v1 =	vmul.f32 v3, v1  }
0x3a6: {  	v2 =	vmul.f32 v3, v2;
	[tilespmem:s10+$0xFFFFFFF8] =	vst v0  }
0x3a7: {  	v0 =	vmul.f32 v4, v3;
	[tilespmem:s10+$0xFFFFFFC8] =	vst v1  }
0x3a8: {  	[tilespmem:s10+$0xFFFFFFD8] =	vst v2  }
0x3a9: {  	s29 =	simm.s32 $0x0;
	[tilespmem:s10+$0xFFFFFFE8] =	vst v0;
	v0 =	vld [tilespmem:s10+$0x0]  }
0x3aa: {  	s12 =	simm.s32 $0x19818;
	s11 =	simm.s32 $0x4;
	v1 =	vld [tilespmem:s29+$0x1A7A0]  }
.LBB2_44:
0x3ab: {  	_ = 	snop  }
0x3ac: {  	p1 =	sne.s32 s11, $0xDC  }
0x3ad: {  	s10 =	sadd.s32 $0x48, s10;
	s1 =	smov.u32 s11;
	s11 =	sadd.s32 $0x4, s11  }
0x3ae: {  	_ = 	snop  }
0x3af: {  	v0 =	vsel vm0, v0, v1  }
0x3b0: {  	[tilespmem:s12+$0x0] =	vst v0;
	s12 =	smov.u32 s10  }
0x3b1: {  	v0 =	vld [tilespmem:s10+$0x0];
	_ =	sdelay $0x4  }
0x3b2: {  	v0 =	vmax.f32 v0, $1.000000000e+00  }
0x3b3: {  	(erf) = vrcp.f32 v0;
	_ =	sdelay $0x4  }
0x3b4: {  	v0 =	vld [tilespmem:s10+$0xFFFFFFE8]  }
0x3b5: {  	v1 =	vld [tilespmem:s10+$0xFFFFFFF8]  }
0x3b6: {  	v2 =	vld [tilespmem:s10+$0xFFFFFFC8]  }
0x3b7: {  	v3 =	vld [tilespmem:s10+$0xFFFFFFD8]  }
0x3b8: {  	v4 =	vpop (erf)  }
0x3b9: {  	v4 =	vbroadcast v4, $0x8;
	_ =	sdelay $0x1  }
0x3ba: {  	v2 =	vmul.f32 v4, v2;
	v1 =	vmul.f32 v1, v4  }
0x3bb: {  	v0 =	vmul.f32 v0, v4;
	v3 =	vmul.f32 v4, v3  }
.Ltmp25:
0x3bc: {  	[tilespmem:s10+$0xFFFFFFF8] =	vst v1;
	(pc) =	sbr.rel @p1 .LBB2_44-.Ltmp25, $4  }
0x3bd: {  	[tilespmem:s10+$0xFFFFFFC8] =	vst v2  }
0x3be: {  	s1 =	sshra.s32 s1, $0x2;
	[tilespmem:s10+$0xFFFFFFD8] =	vst v3  }
0x3bf: {  	[tilespmem:s10+$0xFFFFFFE8] =	vst v0;
	v0 =	vld [tilespmem:s10+$0x0]  }
0x3c0: {  	v1 =	vld [tilespmem:s1+$0x1A7A0]  }
0x3c1: {  	_ =	sdelay $0x2  }
0x3c2: {  	s1 =	sld [smem:$0x7E2]  }
0x3c3: {  	v0 =	vsel vm0, v0, v1  }
0x3c4: {  	[tilespmem:s12+$0x0] =	vst v0  }
0x3c5: {  	[spmem:s1] =	stream.linear.scatter [tilespmem:s30], [sflag:$0x5], $0xFC0, $0x38;
	[tilespmem:$0x1BC40] =	vst v63  }
0x3c6: {  	_ =	swait.ge [sflag:s17], $0xFC0  }
0x3c7: {  	s15 =	sld [smem:$0x7E3]  }
0x3c8: {  	[sflag:s17] =	ssyncset.done $0x0  }
0x3c9: {  	[sflag:s17] =	ssyncadd.s32 $0xFFFFF040  }
0x3ca: {  	[tilespmem:s30], [sflag:$0x1] =	stream.linear.gather [spmem:s15], $0xFC0, $0x38;
	[tilespmem:$0x1BC40] =	vst v63  }
0x3cb: {  	s28 =	simm.s32 $0x0;
	s11 =	simm.s32 $0x1A7A8;
	s10 =	rddreg [dreg:$0xf]  }
0x3cc: {  	[tilespmem:s11], [sflag:$0x4] =	stream.linear.gather [hbm4b:s10+s28], $0x38, $0x38;
	[tilespmem:$0x1BC40] =	vst v63  }
0x3cd: {  	_ =	swait.ge [sflag:s20], $0xFC0  }
0x3ce: {  	[sflag:s20] =	ssyncset.done $0x0  }
0x3cf: {  	[sflag:s20] =	ssyncadd.s32 $0xFFFFF040  }
0x3d0: {  	_ =	swait.ge [sflag:s22], $0x38  }
0x3d1: {  	[sflag:s22] =	ssyncset.done $0x0  }
0x3d2: {  	s10 =	simm.s32 $0x19818;
	[sflag:s22] =	ssyncadd.s32 $0xFFFFFFC8  }
0x3d3: {  	v0 =	vld [tilespmem:s10+$0x0];
	_ =	sdelay $0x4  }
0x3d4: {  	v0 =	vmax.f32 v0, $1.000000000e+00  }
0x3d5: {  	(erf) = vrcp.f32 v0;
	_ =	sdelay $0x6  }
0x3d6: {  	v0 =	vld [tilespmem:s10+$0xFFFFFFF8]  }
0x3d7: {  	v1 =	vld [tilespmem:s10+$0xFFFFFFC8]  }
0x3d8: {  	v2 =	vld [tilespmem:s10+$0xFFFFFFD8];
	v3 =	vpop (erf)  }
0x3d9: {  	v4 =	vld [tilespmem:s10+$0xFFFFFFE8];
	v3 =	vbroadcast v3, $0x8;
	_ =	sdelay $0x1  }
0x3da: {  	v0 =	vmul.f32 v0, v3  }
0x3db: {  	v1 =	vmul.f32 v3, v1  }
0x3dc: {  	v2 =	vmul.f32 v3, v2;
	[tilespmem:s10+$0xFFFFFFF8] =	vst v0  }
0x3dd: {  	v0 =	vmul.f32 v4, v3;
	[tilespmem:s10+$0xFFFFFFC8] =	vst v1  }
0x3de: {  	[tilespmem:s10+$0xFFFFFFD8] =	vst v2  }
0x3df: {  	s29 =	simm.s32 $0x0;
	[tilespmem:s10+$0xFFFFFFE8] =	vst v0;
	v0 =	vld [tilespmem:s10+$0x0]  }
0x3e0: {  	s12 =	simm.s32 $0x19818;
	s11 =	simm.s32 $0x4;
	v1 =	vld [tilespmem:s29+$0x1A7A0]  }
.LBB2_46:
0x3e1: {  	_ = 	snop  }
0x3e2: {  	p1 =	sne.s32 s11, $0xDC  }
0x3e3: {  	s10 =	sadd.s32 $0x48, s10;
	s1 =	smov.u32 s11;
	s11 =	sadd.s32 $0x4, s11  }
0x3e4: {  	_ = 	snop  }
0x3e5: {  	v0 =	vsel vm0, v0, v1  }
0x3e6: {  	[tilespmem:s12+$0x0] =	vst v0;
	s12 =	smov.u32 s10  }
0x3e7: {  	v0 =	vld [tilespmem:s10+$0x0];
	_ =	sdelay $0x4  }
0x3e8: {  	v0 =	vmax.f32 v0, $1.000000000e+00  }
0x3e9: {  	(erf) = vrcp.f32 v0;
	_ =	sdelay $0x4  }
0x3ea: {  	v0 =	vld [tilespmem:s10+$0xFFFFFFE8]  }
0x3eb: {  	v1 =	vld [tilespmem:s10+$0xFFFFFFF8]  }
0x3ec: {  	v2 =	vld [tilespmem:s10+$0xFFFFFFC8]  }
0x3ed: {  	v3 =	vld [tilespmem:s10+$0xFFFFFFD8]  }
0x3ee: {  	v4 =	vpop (erf)  }
0x3ef: {  	v4 =	vbroadcast v4, $0x8;
	_ =	sdelay $0x1  }
0x3f0: {  	v2 =	vmul.f32 v4, v2;
	v1 =	vmul.f32 v1, v4  }
0x3f1: {  	v0 =	vmul.f32 v0, v4;
	v3 =	vmul.f32 v4, v3  }
.Ltmp26:
0x3f2: {  	[tilespmem:s10+$0xFFFFFFF8] =	vst v1;
	(pc) =	sbr.rel @p1 .LBB2_46-.Ltmp26, $4  }
0x3f3: {  	[tilespmem:s10+$0xFFFFFFC8] =	vst v2  }
0x3f4: {  	s1 =	sshra.s32 s1, $0x2;
	[tilespmem:s10+$0xFFFFFFD8] =	vst v3  }
0x3f5: {  	[tilespmem:s10+$0xFFFFFFE8] =	vst v0;
	v0 =	vld [tilespmem:s10+$0x0]  }
0x3f6: {  	v1 =	vld [tilespmem:s1+$0x1A7A0]  }
0x3f7: {  	_ =	sdelay $0x2  }
0x3f8: {  	s1 =	sld [smem:$0x7E3]  }
0x3f9: {  	v0 =	vsel vm0, v0, v1  }
0x3fa: {  	[tilespmem:s12+$0x0] =	vst v0  }
0x3fb: {  	[spmem:s1] =	stream.linear.scatter [tilespmem:s30], [sflag:$0x5], $0xFC0, $0x38;
	[tilespmem:$0x1BC40] =	vst v63  }
0x3fc: {  	_ =	swait.ge [sflag:s17], $0xFC0  }
0x3fd: {  	s15 =	sld [smem:$0x7E4]  }
0x3fe: {  	[sflag:s17] =	ssyncset.done $0x0  }
0x3ff: {  	s10 =	sld [smem:$0x7F8];
	[sflag:s17] =	ssyncadd.s32 $0xFFFFF040  }
0x400: {  	[tilespmem:s30], [sflag:$0x1] =	stream.linear.gather [spmem:s15], $0xFC0, $0x38;
	[tilespmem:$0x1BC40] =	vst v63  }
0x401: {  	s28 =	simm.s32 $0x0;
	s11 =	simm.s32 $0x1A7A8  }
0x402: {  	[tilespmem:s11], [sflag:$0x4] =	stream.linear.gather [hbm4b:s10+s28], $0x38, $0x38;
	[tilespmem:$0x1BC40] =	vst v63  }
0x403: {  	_ =	swait.ge [sflag:s20], $0xFC0  }
0x404: {  	[sflag:s20] =	ssyncset.done $0x0  }
0x405: {  	[sflag:s20] =	ssyncadd.s32 $0xFFFFF040  }
0x406: {  	_ =	swait.ge [sflag:s22], $0x38  }
0x407: {  	[sflag:s22] =	ssyncset.done $0x0  }
0x408: {  	s10 =	simm.s32 $0x19818;
	[sflag:s22] =	ssyncadd.s32 $0xFFFFFFC8  }
0x409: {  	v0 =	vld [tilespmem:s10+$0x0];
	_ =	sdelay $0x4  }
0x40a: {  	v0 =	vmax.f32 v0, $1.000000000e+00  }
0x40b: {  	(erf) = vrcp.f32 v0;
	_ =	sdelay $0x6  }
0x40c: {  	v0 =	vld [tilespmem:s10+$0xFFFFFFF8]  }
0x40d: {  	v1 =	vld [tilespmem:s10+$0xFFFFFFC8]  }
0x40e: {  	v2 =	vld [tilespmem:s10+$0xFFFFFFD8];
	v3 =	vpop (erf)  }
0x40f: {  	v4 =	vld [tilespmem:s10+$0xFFFFFFE8];
	v3 =	vbroadcast v3, $0x8;
	_ =	sdelay $0x1  }
0x410: {  	v0 =	vmul.f32 v0, v3  }
0x411: {  	v1 =	vmul.f32 v3, v1  }
0x412: {  	v2 =	vmul.f32 v3, v2;
	[tilespmem:s10+$0xFFFFFFF8] =	vst v0  }
0x413: {  	v0 =	vmul.f32 v4, v3;
	[tilespmem:s10+$0xFFFFFFC8] =	vst v1  }
0x414: {  	[tilespmem:s10+$0xFFFFFFD8] =	vst v2  }
0x415: {  	s29 =	simm.s32 $0x0;
	[tilespmem:s10+$0xFFFFFFE8] =	vst v0;
	v0 =	vld [tilespmem:s10+$0x0]  }
0x416: {  	s12 =	simm.s32 $0x19818;
	s11 =	simm.s32 $0x4;
	v1 =	vld [tilespmem:s29+$0x1A7A0]  }
.LBB2_48:
0x417: {  	_ = 	snop  }
0x418: {  	p1 =	sne.s32 s11, $0xDC  }
0x419: {  	s10 =	sadd.s32 $0x48, s10;
	s1 =	smov.u32 s11;
	s11 =	sadd.s32 $0x4, s11  }
0x41a: {  	_ = 	snop  }
0x41b: {  	v0 =	vsel vm0, v0, v1  }
0x41c: {  	[tilespmem:s12+$0x0] =	vst v0;
	s12 =	smov.u32 s10  }
0x41d: {  	v0 =	vld [tilespmem:s10+$0x0];
	_ =	sdelay $0x4  }
0x41e: {  	v0 =	vmax.f32 v0, $1.000000000e+00  }
0x41f: {  	(erf) = vrcp.f32 v0;
	_ =	sdelay $0x4  }
0x420: {  	v0 =	vld [tilespmem:s10+$0xFFFFFFE8]  }
0x421: {  	v1 =	vld [tilespmem:s10+$0xFFFFFFF8]  }
0x422: {  	v2 =	vld [tilespmem:s10+$0xFFFFFFC8]  }
0x423: {  	v3 =	vld [tilespmem:s10+$0xFFFFFFD8]  }
0x424: {  	v4 =	vpop (erf)  }
0x425: {  	v4 =	vbroadcast v4, $0x8;
	_ =	sdelay $0x1  }
0x426: {  	v2 =	vmul.f32 v4, v2;
	v1 =	vmul.f32 v1, v4  }
0x427: {  	v0 =	vmul.f32 v0, v4;
	v3 =	vmul.f32 v4, v3  }
.Ltmp27:
0x428: {  	[tilespmem:s10+$0xFFFFFFF8] =	vst v1;
	(pc) =	sbr.rel @p1 .LBB2_48-.Ltmp27, $4  }
0x429: {  	[tilespmem:s10+$0xFFFFFFC8] =	vst v2  }
0x42a: {  	s1 =	sshra.s32 s1, $0x2;
	[tilespmem:s10+$0xFFFFFFD8] =	vst v3  }
0x42b: {  	[tilespmem:s10+$0xFFFFFFE8] =	vst v0;
	v0 =	vld [tilespmem:s10+$0x0]  }
0x42c: {  	v1 =	vld [tilespmem:s1+$0x1A7A0]  }
0x42d: {  	_ =	sdelay $0x2  }
0x42e: {  	s1 =	sld [smem:$0x7E4]  }
0x42f: {  	v0 =	vsel vm0, v0, v1  }
0x430: {  	[tilespmem:s12+$0x0] =	vst v0  }
0x431: {  	[spmem:s1] =	stream.linear.scatter [tilespmem:s30], [sflag:$0x5], $0xFC0, $0x38;
	[tilespmem:$0x1BC40] =	vst v63  }
0x432: {  	_ =	swait.ge [sflag:s17], $0xFC0  }
0x433: {  	s15 =	sld [smem:$0x7E5]  }
0x434: {  	[sflag:s17] =	ssyncset.done $0x0  }
0x435: {  	[sflag:s17] =	ssyncadd.s32 $0xFFFFF040  }
0x436: {  	[tilespmem:s30], [sflag:$0x1] =	stream.linear.gather [spmem:s15], $0xFC0, $0x38;
	[tilespmem:$0x1BC40] =	vst v63  }
0x437: {  	s28 =	simm.s32 $0x0;
	s11 =	simm.s32 $0x1A7A8;
	s10 =	rddreg [dreg:$0x10]  }
0x438: {  	[tilespmem:s11], [sflag:$0x4] =	stream.linear.gather [hbm4b:s10+s28], $0x38, $0x38;
	[tilespmem:$0x1BC40] =	vst v63  }
0x439: {  	_ =	swait.ge [sflag:s20], $0xFC0  }
0x43a: {  	[sflag:s20] =	ssyncset.done $0x0  }
0x43b: {  	[sflag:s20] =	ssyncadd.s32 $0xFFFFF040  }
0x43c: {  	_ =	swait.ge [sflag:s22], $0x38  }
0x43d: {  	[sflag:s22] =	ssyncset.done $0x0  }
0x43e: {  	s10 =	simm.s32 $0x19818;
	[sflag:s22] =	ssyncadd.s32 $0xFFFFFFC8  }
0x43f: {  	v0 =	vld [tilespmem:s10+$0x0];
	_ =	sdelay $0x4  }
0x440: {  	v0 =	vmax.f32 v0, $1.000000000e+00  }
0x441: {  	(erf) = vrcp.f32 v0;
	_ =	sdelay $0x6  }
0x442: {  	v0 =	vld [tilespmem:s10+$0xFFFFFFF8]  }
0x443: {  	v1 =	vld [tilespmem:s10+$0xFFFFFFC8]  }
0x444: {  	v2 =	vld [tilespmem:s10+$0xFFFFFFD8];
	v3 =	vpop (erf)  }
0x445: {  	v4 =	vld [tilespmem:s10+$0xFFFFFFE8];
	v3 =	vbroadcast v3, $0x8;
	_ =	sdelay $0x1  }
0x446: {  	v0 =	vmul.f32 v0, v3  }
0x447: {  	v1 =	vmul.f32 v3, v1  }
0x448: {  	v2 =	vmul.f32 v3, v2;
	[tilespmem:s10+$0xFFFFFFF8] =	vst v0  }
0x449: {  	v0 =	vmul.f32 v4, v3;
	[tilespmem:s10+$0xFFFFFFC8] =	vst v1  }
0x44a: {  	[tilespmem:s10+$0xFFFFFFD8] =	vst v2  }
0x44b: {  	s29 =	simm.s32 $0x0;
	[tilespmem:s10+$0xFFFFFFE8] =	vst v0;
	v0 =	vld [tilespmem:s10+$0x0]  }
0x44c: {  	s12 =	simm.s32 $0x19818;
	s11 =	simm.s32 $0x4;
	v1 =	vld [tilespmem:s29+$0x1A7A0]  }
.LBB2_50:
0x44d: {  	_ = 	snop  }
0x44e: {  	p1 =	sne.s32 s11, $0xDC  }
0x44f: {  	s10 =	sadd.s32 $0x48, s10;
	s1 =	smov.u32 s11;
	s11 =	sadd.s32 $0x4, s11  }
0x450: {  	_ = 	snop  }
0x451: {  	v0 =	vsel vm0, v0, v1  }
0x452: {  	[tilespmem:s12+$0x0] =	vst v0;
	s12 =	smov.u32 s10  }
0x453: {  	v0 =	vld [tilespmem:s10+$0x0];
	_ =	sdelay $0x4  }
0x454: {  	v0 =	vmax.f32 v0, $1.000000000e+00  }
0x455: {  	(erf) = vrcp.f32 v0;
	_ =	sdelay $0x4  }
0x456: {  	v0 =	vld [tilespmem:s10+$0xFFFFFFE8]  }
0x457: {  	v1 =	vld [tilespmem:s10+$0xFFFFFFF8]  }
0x458: {  	v2 =	vld [tilespmem:s10+$0xFFFFFFC8]  }
0x459: {  	v3 =	vld [tilespmem:s10+$0xFFFFFFD8]  }
0x45a: {  	v4 =	vpop (erf)  }
0x45b: {  	v4 =	vbroadcast v4, $0x8;
	_ =	sdelay $0x1  }
0x45c: {  	v2 =	vmul.f32 v4, v2;
	v1 =	vmul.f32 v1, v4  }
0x45d: {  	v0 =	vmul.f32 v0, v4;
	v3 =	vmul.f32 v4, v3  }
.Ltmp28:
0x45e: {  	[tilespmem:s10+$0xFFFFFFF8] =	vst v1;
	(pc) =	sbr.rel @p1 .LBB2_50-.Ltmp28, $4  }
0x45f: {  	[tilespmem:s10+$0xFFFFFFC8] =	vst v2  }
0x460: {  	s1 =	sshra.s32 s1, $0x2;
	[tilespmem:s10+$0xFFFFFFD8] =	vst v3  }
0x461: {  	[tilespmem:s10+$0xFFFFFFE8] =	vst v0;
	v0 =	vld [tilespmem:s10+$0x0]  }
0x462: {  	v1 =	vld [tilespmem:s1+$0x1A7A0]  }
0x463: {  	_ =	sdelay $0x2  }
0x464: {  	s1 =	sld [smem:$0x7E5]  }
0x465: {  	v0 =	vsel vm0, v0, v1  }
0x466: {  	[tilespmem:s12+$0x0] =	vst v0  }
0x467: {  	[spmem:s1] =	stream.linear.scatter [tilespmem:s30], [sflag:$0x5], $0xFC0, $0x38;
	[tilespmem:$0x1BC40] =	vst v63  }
0x468: {  	_ =	swait.ge [sflag:s17], $0xFC0  }
0x469: {  	s15 =	sld [smem:$0x7E6]  }
0x46a: {  	[sflag:s17] =	ssyncset.done $0x0  }
0x46b: {  	s10 =	sld [smem:$0x7F9];
	[sflag:s17] =	ssyncadd.s32 $0xFFFFF040  }
0x46c: {  	[tilespmem:s30], [sflag:$0x1] =	stream.linear.gather [spmem:s15], $0xFC0, $0x38;
	[tilespmem:$0x1BC40] =	vst v63  }
0x46d: {  	s28 =	simm.s32 $0x0;
	s11 =	simm.s32 $0x1A7A8  }
0x46e: {  	[tilespmem:s11], [sflag:$0x4] =	stream.linear.gather [hbm4b:s10+s28], $0x38, $0x38;
	[tilespmem:$0x1BC40] =	vst v63  }
0x46f: {  	_ =	swait.ge [sflag:s20], $0xFC0  }
0x470: {  	[sflag:s20] =	ssyncset.done $0x0  }
0x471: {  	[sflag:s20] =	ssyncadd.s32 $0xFFFFF040  }
0x472: {  	_ =	swait.ge [sflag:s22], $0x38  }
0x473: {  	[sflag:s22] =	ssyncset.done $0x0  }
0x474: {  	s10 =	simm.s32 $0x19818;
	[sflag:s22] =	ssyncadd.s32 $0xFFFFFFC8  }
0x475: {  	v0 =	vld [tilespmem:s10+$0x0];
	_ =	sdelay $0x4  }
0x476: {  	v0 =	vmax.f32 v0, $1.000000000e+00  }
0x477: {  	(erf) = vrcp.f32 v0;
	_ =	sdelay $0x6  }
0x478: {  	v0 =	vld [tilespmem:s10+$0xFFFFFFF8]  }
0x479: {  	v1 =	vld [tilespmem:s10+$0xFFFFFFC8]  }
0x47a: {  	v2 =	vld [tilespmem:s10+$0xFFFFFFD8];
	v3 =	vpop (erf)  }
0x47b: {  	v4 =	vld [tilespmem:s10+$0xFFFFFFE8];
	v3 =	vbroadcast v3, $0x8;
	_ =	sdelay $0x1  }
0x47c: {  	v0 =	vmul.f32 v0, v3  }
0x47d: {  	v1 =	vmul.f32 v3, v1  }
0x47e: {  	v2 =	vmul.f32 v3, v2;
	[tilespmem:s10+$0xFFFFFFF8] =	vst v0  }
0x47f: {  	v0 =	vmul.f32 v4, v3;
	[tilespmem:s10+$0xFFFFFFC8] =	vst v1  }
0x480: {  	[tilespmem:s10+$0xFFFFFFD8] =	vst v2  }
0x481: {  	s29 =	simm.s32 $0x0;
	[tilespmem:s10+$0xFFFFFFE8] =	vst v0;
	v0 =	vld [tilespmem:s10+$0x0]  }
0x482: {  	s12 =	simm.s32 $0x19818;
	s11 =	simm.s32 $0x4;
	v1 =	vld [tilespmem:s29+$0x1A7A0]  }
.LBB2_52:
0x483: {  	_ = 	snop  }
0x484: {  	p1 =	sne.s32 s11, $0xDC  }
0x485: {  	s10 =	sadd.s32 $0x48, s10;
	s1 =	smov.u32 s11;
	s11 =	sadd.s32 $0x4, s11  }
0x486: {  	_ = 	snop  }
0x487: {  	v0 =	vsel vm0, v0, v1  }
0x488: {  	[tilespmem:s12+$0x0] =	vst v0;
	s12 =	smov.u32 s10  }
0x489: {  	v0 =	vld [tilespmem:s10+$0x0];
	_ =	sdelay $0x4  }
0x48a: {  	v0 =	vmax.f32 v0, $1.000000000e+00  }
0x48b: {  	(erf) = vrcp.f32 v0;
	_ =	sdelay $0x4  }
0x48c: {  	v0 =	vld [tilespmem:s10+$0xFFFFFFE8]  }
0x48d: {  	v1 =	vld [tilespmem:s10+$0xFFFFFFF8]  }
0x48e: {  	v2 =	vld [tilespmem:s10+$0xFFFFFFC8]  }
0x48f: {  	v3 =	vld [tilespmem:s10+$0xFFFFFFD8]  }
0x490: {  	v4 =	vpop (erf)  }
0x491: {  	v4 =	vbroadcast v4, $0x8;
	_ =	sdelay $0x1  }
0x492: {  	v2 =	vmul.f32 v4, v2;
	v1 =	vmul.f32 v1, v4  }
0x493: {  	v0 =	vmul.f32 v0, v4;
	v3 =	vmul.f32 v4, v3  }
.Ltmp29:
0x494: {  	[tilespmem:s10+$0xFFFFFFF8] =	vst v1;
	(pc) =	sbr.rel @p1 .LBB2_52-.Ltmp29, $4  }
0x495: {  	[tilespmem:s10+$0xFFFFFFC8] =	vst v2  }
0x496: {  	s1 =	sshra.s32 s1, $0x2;
	[tilespmem:s10+$0xFFFFFFD8] =	vst v3  }
0x497: {  	[tilespmem:s10+$0xFFFFFFE8] =	vst v0;
	v0 =	vld [tilespmem:s10+$0x0]  }
0x498: {  	v1 =	vld [tilespmem:s1+$0x1A7A0]  }
0x499: {  	_ =	sdelay $0x2  }
0x49a: {  	s1 =	sld [smem:$0x7E6]  }
0x49b: {  	v0 =	vsel vm0, v0, v1  }
0x49c: {  	[tilespmem:s12+$0x0] =	vst v0  }
0x49d: {  	[spmem:s1] =	stream.linear.scatter [tilespmem:s30], [sflag:$0x5], $0xFC0, $0x38;
	[tilespmem:$0x1BC40] =	vst v63  }
0x49e: {  	_ =	swait.ge [sflag:s17], $0xFC0  }
0x49f: {  	s15 =	sld [smem:$0x7E7]  }
0x4a0: {  	[sflag:s17] =	ssyncset.done $0x0  }
0x4a1: {  	[sflag:s17] =	ssyncadd.s32 $0xFFFFF040  }
0x4a2: {  	[tilespmem:s30], [sflag:$0x1] =	stream.linear.gather [spmem:s15], $0xFC0, $0x38;
	[tilespmem:$0x1BC40] =	vst v63  }
0x4a3: {  	s28 =	simm.s32 $0x0;
	s11 =	simm.s32 $0x1A7A8;
	s10 =	rddreg [dreg:$0x11]  }
0x4a4: {  	[tilespmem:s11], [sflag:$0x4] =	stream.linear.gather [hbm4b:s10+s28], $0x38, $0x38;
	[tilespmem:$0x1BC40] =	vst v63  }
0x4a5: {  	_ =	swait.ge [sflag:s20], $0xFC0  }
0x4a6: {  	[sflag:s20] =	ssyncset.done $0x0  }
0x4a7: {  	[sflag:s20] =	ssyncadd.s32 $0xFFFFF040  }
0x4a8: {  	_ =	swait.ge [sflag:s22], $0x38  }
0x4a9: {  	[sflag:s22] =	ssyncset.done $0x0  }
0x4aa: {  	s10 =	simm.s32 $0x19818;
	[sflag:s22] =	ssyncadd.s32 $0xFFFFFFC8  }
0x4ab: {  	v0 =	vld [tilespmem:s10+$0x0];
	_ =	sdelay $0x4  }
0x4ac: {  	v0 =	vmax.f32 v0, $1.000000000e+00  }
0x4ad: {  	(erf) = vrcp.f32 v0;
	_ =	sdelay $0x6  }
0x4ae: {  	v0 =	vld [tilespmem:s10+$0xFFFFFFF8]  }
0x4af: {  	v1 =	vld [tilespmem:s10+$0xFFFFFFC8]  }
0x4b0: {  	v2 =	vld [tilespmem:s10+$0xFFFFFFD8];
	v3 =	vpop (erf)  }
0x4b1: {  	v4 =	vld [tilespmem:s10+$0xFFFFFFE8];
	v3 =	vbroadcast v3, $0x8;
	_ =	sdelay $0x1  }
0x4b2: {  	v0 =	vmul.f32 v0, v3  }
0x4b3: {  	v1 =	vmul.f32 v3, v1  }
0x4b4: {  	v2 =	vmul.f32 v3, v2;
	[tilespmem:s10+$0xFFFFFFF8] =	vst v0  }
0x4b5: {  	v0 =	vmul.f32 v4, v3;
	[tilespmem:s10+$0xFFFFFFC8] =	vst v1  }
0x4b6: {  	[tilespmem:s10+$0xFFFFFFD8] =	vst v2  }
0x4b7: {  	s29 =	simm.s32 $0x0;
	[tilespmem:s10+$0xFFFFFFE8] =	vst v0;
	v0 =	vld [tilespmem:s10+$0x0]  }
0x4b8: {  	s12 =	simm.s32 $0x19818;
	s11 =	simm.s32 $0x4;
	v1 =	vld [tilespmem:s29+$0x1A7A0]  }
.LBB2_54:
0x4b9: {  	_ = 	snop  }
0x4ba: {  	p1 =	sne.s32 s11, $0xDC  }
0x4bb: {  	s10 =	sadd.s32 $0x48, s10;
	s1 =	smov.u32 s11;
	s11 =	sadd.s32 $0x4, s11  }
0x4bc: {  	_ = 	snop  }
0x4bd: {  	v0 =	vsel vm0, v0, v1  }
0x4be: {  	[tilespmem:s12+$0x0] =	vst v0;
	s12 =	smov.u32 s10  }
0x4bf: {  	v0 =	vld [tilespmem:s10+$0x0];
	_ =	sdelay $0x4  }
0x4c0: {  	v0 =	vmax.f32 v0, $1.000000000e+00  }
0x4c1: {  	(erf) = vrcp.f32 v0;
	_ =	sdelay $0x4  }
0x4c2: {  	v0 =	vld [tilespmem:s10+$0xFFFFFFE8]  }
0x4c3: {  	v1 =	vld [tilespmem:s10+$0xFFFFFFF8]  }
0x4c4: {  	v2 =	vld [tilespmem:s10+$0xFFFFFFC8]  }
0x4c5: {  	v3 =	vld [tilespmem:s10+$0xFFFFFFD8]  }
0x4c6: {  	v4 =	vpop (erf)  }
0x4c7: {  	v4 =	vbroadcast v4, $0x8;
	_ =	sdelay $0x1  }
0x4c8: {  	v2 =	vmul.f32 v4, v2;
	v1 =	vmul.f32 v1, v4  }
0x4c9: {  	v0 =	vmul.f32 v0, v4;
	v3 =	vmul.f32 v4, v3  }
.Ltmp30:
0x4ca: {  	[tilespmem:s10+$0xFFFFFFF8] =	vst v1;
	(pc) =	sbr.rel @p1 .LBB2_54-.Ltmp30, $4  }
0x4cb: {  	[tilespmem:s10+$0xFFFFFFC8] =	vst v2  }
0x4cc: {  	s1 =	sshra.s32 s1, $0x2;
	[tilespmem:s10+$0xFFFFFFD8] =	vst v3  }
0x4cd: {  	[tilespmem:s10+$0xFFFFFFE8] =	vst v0;
	v0 =	vld [tilespmem:s10+$0x0]  }
0x4ce: {  	v1 =	vld [tilespmem:s1+$0x1A7A0]  }
0x4cf: {  	_ =	sdelay $0x2  }
0x4d0: {  	s1 =	sld [smem:$0x7E7]  }
0x4d1: {  	v0 =	vsel vm0, v0, v1  }
0x4d2: {  	[tilespmem:s12+$0x0] =	vst v0  }
0x4d3: {  	[spmem:s1] =	stream.linear.scatter [tilespmem:s30], [sflag:$0x5], $0xFC0, $0x38;
	[tilespmem:$0x1BC40] =	vst v63  }
0x4d4: {  	_ =	swait.ge [sflag:s17], $0xFC0  }
0x4d5: {  	s15 =	sld [smem:$0x7E8]  }
0x4d6: {  	[sflag:s17] =	ssyncset.done $0x0  }
0x4d7: {  	s10 =	sld [smem:$0x7FA];
	[sflag:s17] =	ssyncadd.s32 $0xFFFFF040  }
0x4d8: {  	[tilespmem:s30], [sflag:$0x1] =	stream.linear.gather [spmem:s15], $0xFC0, $0x38;
	[tilespmem:$0x1BC40] =	vst v63  }
0x4d9: {  	s28 =	simm.s32 $0x0;
	s11 =	simm.s32 $0x1A7A8  }
0x4da: {  	[tilespmem:s11], [sflag:$0x4] =	stream.linear.gather [hbm4b:s10+s28], $0x38, $0x38;
	[tilespmem:$0x1BC40] =	vst v63  }
0x4db: {  	_ =	swait.ge [sflag:s20], $0xFC0  }
0x4dc: {  	[sflag:s20] =	ssyncset.done $0x0  }
0x4dd: {  	[sflag:s20] =	ssyncadd.s32 $0xFFFFF040  }
0x4de: {  	_ =	swait.ge [sflag:s22], $0x38  }
0x4df: {  	[sflag:s22] =	ssyncset.done $0x0  }
0x4e0: {  	s10 =	simm.s32 $0x19818;
	[sflag:s22] =	ssyncadd.s32 $0xFFFFFFC8  }
0x4e1: {  	v0 =	vld [tilespmem:s10+$0x0];
	_ =	sdelay $0x4  }
0x4e2: {  	v0 =	vmax.f32 v0, $1.000000000e+00  }
0x4e3: {  	(erf) = vrcp.f32 v0;
	_ =	sdelay $0x6  }
0x4e4: {  	v0 =	vld [tilespmem:s10+$0xFFFFFFF8]  }
0x4e5: {  	v1 =	vld [tilespmem:s10+$0xFFFFFFC8]  }
0x4e6: {  	v2 =	vld [tilespmem:s10+$0xFFFFFFD8];
	v3 =	vpop (erf)  }
0x4e7: {  	v4 =	vld [tilespmem:s10+$0xFFFFFFE8];
	v3 =	vbroadcast v3, $0x8;
	_ =	sdelay $0x1  }
0x4e8: {  	v0 =	vmul.f32 v0, v3  }
0x4e9: {  	v1 =	vmul.f32 v3, v1  }
0x4ea: {  	v2 =	vmul.f32 v3, v2;
	[tilespmem:s10+$0xFFFFFFF8] =	vst v0  }
0x4eb: {  	v0 =	vmul.f32 v4, v3;
	[tilespmem:s10+$0xFFFFFFC8] =	vst v1  }
0x4ec: {  	[tilespmem:s10+$0xFFFFFFD8] =	vst v2  }
0x4ed: {  	s29 =	simm.s32 $0x0;
	[tilespmem:s10+$0xFFFFFFE8] =	vst v0;
	v0 =	vld [tilespmem:s10+$0x0]  }
0x4ee: {  	s12 =	simm.s32 $0x19818;
	s11 =	simm.s32 $0x4;
	v1 =	vld [tilespmem:s29+$0x1A7A0]  }
.LBB2_56:
0x4ef: {  	_ = 	snop  }
0x4f0: {  	p1 =	sne.s32 s11, $0xDC  }
0x4f1: {  	s10 =	sadd.s32 $0x48, s10;
	s1 =	smov.u32 s11;
	s11 =	sadd.s32 $0x4, s11  }
0x4f2: {  	_ = 	snop  }
0x4f3: {  	v0 =	vsel vm0, v0, v1  }
0x4f4: {  	[tilespmem:s12+$0x0] =	vst v0;
	s12 =	smov.u32 s10  }
0x4f5: {  	v0 =	vld [tilespmem:s10+$0x0];
	_ =	sdelay $0x4  }
0x4f6: {  	v0 =	vmax.f32 v0, $1.000000000e+00  }
0x4f7: {  	(erf) = vrcp.f32 v0;
	_ =	sdelay $0x4  }
0x4f8: {  	v0 =	vld [tilespmem:s10+$0xFFFFFFE8]  }
0x4f9: {  	v1 =	vld [tilespmem:s10+$0xFFFFFFF8]  }
0x4fa: {  	v2 =	vld [tilespmem:s10+$0xFFFFFFC8]  }
0x4fb: {  	v3 =	vld [tilespmem:s10+$0xFFFFFFD8]  }
0x4fc: {  	v4 =	vpop (erf)  }
0x4fd: {  	v4 =	vbroadcast v4, $0x8;
	_ =	sdelay $0x1  }
0x4fe: {  	v2 =	vmul.f32 v4, v2;
	v1 =	vmul.f32 v1, v4  }
0x4ff: {  	v0 =	vmul.f32 v0, v4;
	v3 =	vmul.f32 v4, v3  }
.Ltmp31:
0x500: {  	[tilespmem:s10+$0xFFFFFFF8] =	vst v1;
	(pc) =	sbr.rel @p1 .LBB2_56-.Ltmp31, $4  }
0x501: {  	[tilespmem:s10+$0xFFFFFFC8] =	vst v2  }
0x502: {  	s1 =	sshra.s32 s1, $0x2;
	[tilespmem:s10+$0xFFFFFFD8] =	vst v3  }
0x503: {  	[tilespmem:s10+$0xFFFFFFE8] =	vst v0;
	v0 =	vld [tilespmem:s10+$0x0]  }
0x504: {  	v1 =	vld [tilespmem:s1+$0x1A7A0]  }
0x505: {  	_ =	sdelay $0x2  }
0x506: {  	s1 =	sld [smem:$0x7E8]  }
0x507: {  	v0 =	vsel vm0, v0, v1  }
0x508: {  	[tilespmem:s12+$0x0] =	vst v0  }
0x509: {  	[spmem:s1] =	stream.linear.scatter [tilespmem:s30], [sflag:$0x5], $0xFC0, $0x38;
	[tilespmem:$0x1BC40] =	vst v63  }
0x50a: {  	_ =	swait.ge [sflag:s17], $0xFC0  }
0x50b: {  	s15 =	sld [smem:$0x7E9]  }
0x50c: {  	[sflag:s17] =	ssyncset.done $0x0  }
0x50d: {  	[sflag:s17] =	ssyncadd.s32 $0xFFFFF040  }
0x50e: {  	[tilespmem:s30], [sflag:$0x1] =	stream.linear.gather [spmem:s15], $0xFC0, $0x38;
	[tilespmem:$0x1BC40] =	vst v63  }
0x50f: {  	s28 =	simm.s32 $0x0;
	s11 =	simm.s32 $0x1A7A8;
	s10 =	rddreg [dreg:$0x12]  }
0x510: {  	[tilespmem:s11], [sflag:$0x4] =	stream.linear.gather [hbm4b:s10+s28], $0x38, $0x38;
	[tilespmem:$0x1BC40] =	vst v63  }
0x511: {  	_ =	swait.ge [sflag:s20], $0xFC0  }
0x512: {  	[sflag:s20] =	ssyncset.done $0x0  }
0x513: {  	[sflag:s20] =	ssyncadd.s32 $0xFFFFF040  }
0x514: {  	_ =	swait.ge [sflag:s22], $0x38  }
0x515: {  	[sflag:s22] =	ssyncset.done $0x0  }
0x516: {  	s10 =	simm.s32 $0x19818;
	[sflag:s22] =	ssyncadd.s32 $0xFFFFFFC8  }
0x517: {  	v0 =	vld [tilespmem:s10+$0x0];
	_ =	sdelay $0x4  }
0x518: {  	v0 =	vmax.f32 v0, $1.000000000e+00  }
0x519: {  	(erf) = vrcp.f32 v0;
	_ =	sdelay $0x6  }
0x51a: {  	v0 =	vld [tilespmem:s10+$0xFFFFFFF8]  }
0x51b: {  	v1 =	vld [tilespmem:s10+$0xFFFFFFC8]  }
0x51c: {  	v2 =	vld [tilespmem:s10+$0xFFFFFFD8];
	v3 =	vpop (erf)  }
0x51d: {  	v4 =	vld [tilespmem:s10+$0xFFFFFFE8];
	v3 =	vbroadcast v3, $0x8;
	_ =	sdelay $0x1  }
0x51e: {  	v0 =	vmul.f32 v0, v3  }
0x51f: {  	v1 =	vmul.f32 v3, v1  }
0x520: {  	v2 =	vmul.f32 v3, v2;
	[tilespmem:s10+$0xFFFFFFF8] =	vst v0  }
0x521: {  	v0 =	vmul.f32 v4, v3;
	[tilespmem:s10+$0xFFFFFFC8] =	vst v1  }
0x522: {  	[tilespmem:s10+$0xFFFFFFD8] =	vst v2  }
0x523: {  	s29 =	simm.s32 $0x0;
	[tilespmem:s10+$0xFFFFFFE8] =	vst v0;
	v0 =	vld [tilespmem:s10+$0x0]  }
0x524: {  	s12 =	simm.s32 $0x19818;
	s11 =	simm.s32 $0x4;
	v1 =	vld [tilespmem:s29+$0x1A7A0]  }
.LBB2_58:
0x525: {  	_ = 	snop  }
0x526: {  	p1 =	sne.s32 s11, $0xDC  }
0x527: {  	s10 =	sadd.s32 $0x48, s10;
	s1 =	smov.u32 s11;
	s11 =	sadd.s32 $0x4, s11  }
0x528: {  	_ = 	snop  }
0x529: {  	v0 =	vsel vm0, v0, v1  }
0x52a: {  	[tilespmem:s12+$0x0] =	vst v0;
	s12 =	smov.u32 s10  }
0x52b: {  	v0 =	vld [tilespmem:s10+$0x0];
	_ =	sdelay $0x4  }
0x52c: {  	v0 =	vmax.f32 v0, $1.000000000e+00  }
0x52d: {  	(erf) = vrcp.f32 v0;
	_ =	sdelay $0x4  }
0x52e: {  	v0 =	vld [tilespmem:s10+$0xFFFFFFE8]  }
0x52f: {  	v1 =	vld [tilespmem:s10+$0xFFFFFFF8]  }
0x530: {  	v2 =	vld [tilespmem:s10+$0xFFFFFFC8]  }
0x531: {  	v3 =	vld [tilespmem:s10+$0xFFFFFFD8]  }
0x532: {  	v4 =	vpop (erf)  }
0x533: {  	v4 =	vbroadcast v4, $0x8;
	_ =	sdelay $0x1  }
0x534: {  	v2 =	vmul.f32 v4, v2;
	v1 =	vmul.f32 v1, v4  }
0x535: {  	v0 =	vmul.f32 v0, v4;
	v3 =	vmul.f32 v4, v3  }
.Ltmp32:
0x536: {  	[tilespmem:s10+$0xFFFFFFF8] =	vst v1;
	(pc) =	sbr.rel @p1 .LBB2_58-.Ltmp32, $4  }
0x537: {  	[tilespmem:s10+$0xFFFFFFC8] =	vst v2  }
0x538: {  	s1 =	sshra.s32 s1, $0x2;
	[tilespmem:s10+$0xFFFFFFD8] =	vst v3  }
0x539: {  	[tilespmem:s10+$0xFFFFFFE8] =	vst v0;
	v0 =	vld [tilespmem:s10+$0x0]  }
0x53a: {  	v1 =	vld [tilespmem:s1+$0x1A7A0]  }
0x53b: {  	_ =	sdelay $0x2  }
0x53c: {  	s1 =	sld [smem:$0x7E9]  }
0x53d: {  	v0 =	vsel vm0, v0, v1  }
0x53e: {  	[tilespmem:s12+$0x0] =	vst v0  }
0x53f: {  	[spmem:s1] =	stream.linear.scatter [tilespmem:s30], [sflag:$0x5], $0xFC0, $0x38;
	[tilespmem:$0x1BC40] =	vst v63  }
0x540: {  	_ =	swait.ge [sflag:s17], $0xFC0  }
0x541: {  	s15 =	sld [smem:$0x7EA]  }
0x542: {  	[sflag:s17] =	ssyncset.done $0x0  }
0x543: {  	s10 =	sld [smem:$0x7FB];
	[sflag:s17] =	ssyncadd.s32 $0xFFFFF040  }
0x544: {  	[tilespmem:s30], [sflag:$0x1] =	stream.linear.gather [spmem:s15], $0xFC0, $0x38;
	[tilespmem:$0x1BC40] =	vst v63  }
0x545: {  	s28 =	simm.s32 $0x0;
	s11 =	simm.s32 $0x1A7A8  }
0x546: {  	[tilespmem:s11], [sflag:$0x4] =	stream.linear.gather [hbm4b:s10+s28], $0x38, $0x38;
	[tilespmem:$0x1BC40] =	vst v63  }
0x547: {  	_ =	swait.ge [sflag:s20], $0xFC0  }
0x548: {  	[sflag:s20] =	ssyncset.done $0x0  }
0x549: {  	[sflag:s20] =	ssyncadd.s32 $0xFFFFF040  }
0x54a: {  	_ =	swait.ge [sflag:s22], $0x38  }
0x54b: {  	[sflag:s22] =	ssyncset.done $0x0  }
0x54c: {  	s10 =	simm.s32 $0x19818;
	[sflag:s22] =	ssyncadd.s32 $0xFFFFFFC8  }
0x54d: {  	v0 =	vld [tilespmem:s10+$0x0];
	_ =	sdelay $0x4  }
0x54e: {  	v0 =	vmax.f32 v0, $1.000000000e+00  }
0x54f: {  	(erf) = vrcp.f32 v0;
	_ =	sdelay $0x6  }
0x550: {  	v0 =	vld [tilespmem:s10+$0xFFFFFFF8]  }
0x551: {  	v1 =	vld [tilespmem:s10+$0xFFFFFFC8]  }
0x552: {  	v2 =	vld [tilespmem:s10+$0xFFFFFFD8];
	v3 =	vpop (erf)  }
0x553: {  	v4 =	vld [tilespmem:s10+$0xFFFFFFE8];
	v3 =	vbroadcast v3, $0x8;
	_ =	sdelay $0x1  }
0x554: {  	v0 =	vmul.f32 v0, v3  }
0x555: {  	v1 =	vmul.f32 v3, v1  }
0x556: {  	v2 =	vmul.f32 v3, v2;
	[tilespmem:s10+$0xFFFFFFF8] =	vst v0  }
0x557: {  	v0 =	vmul.f32 v4, v3;
	[tilespmem:s10+$0xFFFFFFC8] =	vst v1  }
0x558: {  	[tilespmem:s10+$0xFFFFFFD8] =	vst v2  }
0x559: {  	s29 =	simm.s32 $0x0;
	[tilespmem:s10+$0xFFFFFFE8] =	vst v0;
	v0 =	vld [tilespmem:s10+$0x0]  }
0x55a: {  	s12 =	simm.s32 $0x19818;
	s11 =	simm.s32 $0x4;
	v1 =	vld [tilespmem:s29+$0x1A7A0]  }
.LBB2_60:
0x55b: {  	_ = 	snop  }
0x55c: {  	p1 =	sne.s32 s11, $0xDC  }
0x55d: {  	s10 =	sadd.s32 $0x48, s10;
	s1 =	smov.u32 s11;
	s11 =	sadd.s32 $0x4, s11  }
0x55e: {  	_ = 	snop  }
0x55f: {  	v0 =	vsel vm0, v0, v1  }
0x560: {  	[tilespmem:s12+$0x0] =	vst v0;
	s12 =	smov.u32 s10  }
0x561: {  	v0 =	vld [tilespmem:s10+$0x0];
	_ =	sdelay $0x4  }
0x562: {  	v0 =	vmax.f32 v0, $1.000000000e+00  }
0x563: {  	(erf) = vrcp.f32 v0;
	_ =	sdelay $0x4  }
0x564: {  	v0 =	vld [tilespmem:s10+$0xFFFFFFE8]  }
0x565: {  	v1 =	vld [tilespmem:s10+$0xFFFFFFF8]  }
0x566: {  	v2 =	vld [tilespmem:s10+$0xFFFFFFC8]  }
0x567: {  	v3 =	vld [tilespmem:s10+$0xFFFFFFD8]  }
0x568: {  	v4 =	vpop (erf)  }
0x569: {  	v4 =	vbroadcast v4, $0x8;
	_ =	sdelay $0x1  }
0x56a: {  	v2 =	vmul.f32 v4, v2;
	v1 =	vmul.f32 v1, v4  }
0x56b: {  	v0 =	vmul.f32 v0, v4;
	v3 =	vmul.f32 v4, v3  }
.Ltmp33:
0x56c: {  	[tilespmem:s10+$0xFFFFFFF8] =	vst v1;
	(pc) =	sbr.rel @p1 .LBB2_60-.Ltmp33, $4  }
0x56d: {  	[tilespmem:s10+$0xFFFFFFC8] =	vst v2  }
0x56e: {  	s1 =	sshra.s32 s1, $0x2;
	[tilespmem:s10+$0xFFFFFFD8] =	vst v3  }
0x56f: {  	[tilespmem:s10+$0xFFFFFFE8] =	vst v0;
	v0 =	vld [tilespmem:s10+$0x0]  }
0x570: {  	v1 =	vld [tilespmem:s1+$0x1A7A0]  }
0x571: {  	_ =	sdelay $0x2  }
0x572: {  	s1 =	sld [smem:$0x7EA]  }
0x573: {  	v0 =	vsel vm0, v0, v1  }
0x574: {  	[tilespmem:s12+$0x0] =	vst v0  }
0x575: {  	[spmem:s1] =	stream.linear.scatter [tilespmem:s30], [sflag:$0x5], $0xFC0, $0x38;
	[tilespmem:$0x1BC40] =	vst v63  }
.Ltmp34:
0x576: {  	_ =	swait.ge [sflag:s17], $0xFC0;
	(pc) =	sbr.rel .LBB2_62-.Ltmp34, $4  }
0x577: {  	[sflag:s17] =	ssyncset.done $0x0  }
0x578: {  	[sflag:s17] =	ssyncadd.s32 $0xFFFFF040  }
0x579: {  	[bflag:$0x0] =	sbarrier.arrive $0xFFFF  }
0x57a: {  	s10 =	simm.s32 $0x0  }
.LBB2_71:
0x57b: {  	_ =	swait.ge [sflag:s22], $0x1400;
	s1 =	sadd.s32 s11, s1;
	s10 =	sadd.s32 $0x1, s10  }
0x57c: {  	s29 =	simm.s32 $0x40;
	[sflag:s22] =	ssyncset.done $0x0;
	p1 =	sne.s32 s10, $0x10  }
.Ltmp35:
0x57d: {  	s14 =	simm.s32 $0x100;
	[sflag:s22] =	ssyncadd.s32 $0xFFFFEC00;
	(pc) =	sbr.rel @!p1 .LBB2_72-.Ltmp35, $4  }
0x57e: {  	[hbm4b:s1+s29] =	stream.strided.scatter [tilespmem:s31], [sflag:s12], $0x1400, s14, s29, $0x38;
	[tilespmem:$0x1BC40] =	vst v63  }
0x57f: {  	_ =	swait.ge [sflag:s12], $0x1400  }
0x580: {  	[sflag:s12] =	ssyncset.done $0x0  }
0x581: {  	[sflag:s12] =	ssyncadd.s32 $0xFFFFEC00  }
.LBB2_62:
0x582: {  	s1 =	smul.u32 $0x50, s10;
	_ =	sdelay $0x1  }
0x583: {  	s12 =	sadd.s32 s13, s1  }
0x584: {  	s1 =	sshrl.u32 s12, $0x3  }
0x585: {  	s11 =	sadd.s32 s7, s1  }
0x586: {  	[tilespmem:s18], [sflag:$0x6] =	stream.linear.gather [hbm4b:s11+s8], $0x50, $0x38;
	[tilespmem:$0x1BC40] =	vst v63  }
.Ltmp36:
0x587: {  	_ = 	snop;
	(pc) =	sbr.rel @!p0 .LBB2_63-.Ltmp36, $4  }
0x588: {  	_ =	swait.ge [sflag:s4], $0x50  }
0x589: {  	[sflag:s4] =	ssyncset.done $0x0  }
0x58a: {  	s11 =	sshll.u32 s12, $0x5;
	[sflag:s4] =	ssyncadd.s32 $0xFFFFFFB0  }
0x58b: {  	[tilespmem:s25], [sflag:$0x1] =	stream.indirect.gather [spmem:s6], $0x48, s18, s23, $0xb8;
	[tilespmem:$0x1BC40] =	vst v63  }
0x58c: {  	s14 =	sld [smem:$0x7ED];
	_ =	sdelay $0x2  }
0x58d: {  	s15 =	simm.s32 $0x0;
	s1 =	sadd.s32 s14, s1  }
0x58e: {  	[tilespmem:s5], [sflag:$0x6] =	stream.linear.gather [hbm4b:s1+s15], $0x50, $0x38;
	[tilespmem:$0x1BC40] =	vst v63  }
0x58f: {  	_ =	swait.ge [sflag:s4], $0x50  }
0x590: {  	s14 =	sld [smem:$0x7EC]  }
0x591: {  	[sflag:s4] =	ssyncset.done $0x0  }
0x592: {  	[sflag:s4] =	ssyncadd.s32 $0xFFFFFFB0  }
0x593: {  	[tilespmem:s31], [sflag:$0x4] =	stream.indirect.gather [hbm4b:s14+s23], $0x40, s5, s23, $0xb8;
	[tilespmem:$0x1BC40] =	vst v63  }
0x594: {  	_ =	swait.ge [sflag:s20], $0x1680  }
0x595: {  	[sflag:s20] =	ssyncset.done $0x0  }
0x596: {  	[sflag:s20] =	ssyncadd.s32 $0xFFFFE980  }
0x597: {  	s15 =	rddreg [dreg:$0x4]  }
0x598: {  	s29 =	simm.s32 $0x16A40;
	s14 =	sadd.s32 s15, s11  }
0x599: {  	s28 =	simm.s32 $0x20;
	s1 =	simm.s32 $0x16A88;
	s15 =	sadd.s32 $0x0, s14  }
.LBB2_67:
0x59a: {  	[hbm4b:s15+s8] =	stream.linear.scatter [tilespmem:s29], [sflag:$0x6], $0x40, $0x38;
	[tilespmem:$0x1BC40] =	vst v63  }
0x59b: {  	s15 =	smov.u32 s28;
	s29 =	smov.u32 s1;
	p1 =	sne.s32 s28, $0x9E0  }
.Ltmp37:
0x59c: {  	s28 =	sadd.s32 $0x20, s28;
	(pc) =	sbr.rel @p1 .LBB2_67-.Ltmp37, $2  }
0x59d: {  	_ =	sdelay $0x2  }
0x59e: {  	s1 =	sadd.s32 $0x48, s1;
	s15 =	sadd.s32 s15, s14  }
0x59f: {  	[hbm4b:s15+s8] =	stream.linear.scatter [tilespmem:s29], [sflag:$0x6], $0x40, $0x38;
	[tilespmem:$0x1BC40] =	vst v63  }
0x5a0: {  	_ =	swait.ge [sflag:s4], $0x1400  }
0x5a1: {  	s1 =	sld [smem:$0x7F0];
	_ =	sdelay $0x1  }
0x5a2: {  	s14 =	simm.s32 $0x16A80  }
0x5a3: {  	s28 =	simm.s32 $0x1;
	[sflag:s4] =	ssyncset.done $0x0;
	s12 =	sadd.s32 s1, s12  }
0x5a4: {  	[sflag:s4] =	ssyncadd.s32 $0xFFFFEC00;
	s1 =	simm.s32 $0x16AC8;
	s15 =	sadd.s32 $0x0, s12  }
.LBB2_69:
0x5a5: {  	[hbm4b:s15+s8] =	stream.linear.scatter [tilespmem:s14], [sflag:$0x6], $0x1, $0x38;
	[tilespmem:$0x1BC40] =	vst v63  }
0x5a6: {  	s15 =	smov.u32 s28;
	s14 =	smov.u32 s1;
	p1 =	sne.s32 s28, $0x4F  }
.Ltmp38:
0x5a7: {  	s28 =	sadd.s32 $0x1, s28;
	(pc) =	sbr.rel @p1 .LBB2_69-.Ltmp38, $2  }
0x5a8: {  	_ =	sdelay $0x2  }
0x5a9: {  	s1 =	sadd.s32 $0x48, s1;
	s15 =	sadd.s32 s15, s12  }
0x5aa: {  	[hbm4b:s15+s8] =	stream.linear.scatter [tilespmem:s14], [sflag:$0x6], $0x1, $0x38;
	[tilespmem:$0x1BC40] =	vst v63  }
.Ltmp39:
0x5ab: {  	_ = 	snop;
	(pc) =	sbr.rel .LBB2_71-.Ltmp39, $4  }
0x5ac: {  	s12 =	simm.s32 $0x6  }
0x5ad: {  	_ =	swait.ge [sflag:s12], $0x50  }
0x5ae: {  	[sflag:s12] =	ssyncset.done $0x0  }
0x5af: {  	s1 =	smov.u32 s16;
	[sflag:s12] =	ssyncadd.s32 $0xFFFFFFB0  }
.LBB2_63:
0x5b0: {  	s12 =	sld [smem:$0x7EE];
	_ =	sdelay $0x2  }
0x5b1: {  	s14 =	simm.s32 $0x0;
	s1 =	sadd.s32 s12, s1  }
0x5b2: {  	[tilespmem:s5], [sflag:$0x6] =	stream.linear.gather [hbm4b:s1+s14], $0x50, $0x38;
	[tilespmem:$0x1BC40] =	vst v63  }
0x5b3: {  	_ =	swait.ge [sflag:s4], $0x50  }
0x5b4: {  	[sflag:s4] =	ssyncset.done $0x0  }
0x5b5: {  	[sflag:s4] =	ssyncadd.s32 $0xFFFFFFB0  }
0x5b6: {  	s15 =	rddreg [dreg:$0x3]  }
0x5b7: {  	[tilespmem:s31], [sflag:$0x4] =	stream.indirect.gather [hbm4b:s15+s23], $0x40, s5, s23, $0xb8;
	[tilespmem:$0x1BC40] =	vst v63  }
0x5b8: {  	_ =	swait.ge [sflag:s20], $0x1680  }
0x5b9: {  	s29 =	sld [smem:$0x7FC];
	_ =	sdelay $0x1  }
0x5ba: {  	s28 =	simm.s32 $0x20  }
0x5bb: {  	s14 =	simm.s32 $0x16A40;
	[sflag:s20] =	ssyncset.done $0x0;
	s12 =	sadd.s32 s11, s29  }
0x5bc: {  	s1 =	simm.s32 $0x16A88;
	[sflag:s20] =	ssyncadd.s32 $0xFFFFE980;
	s15 =	sadd.s32 $0x0, s12  }
.LBB2_64:
0x5bd: {  	[hbm4b:s15+s8] =	stream.linear.scatter [tilespmem:s14], [sflag:$0x6], $0x40, $0x38;
	[tilespmem:$0x1BC40] =	vst v63  }
0x5be: {  	s15 =	smov.u32 s28;
	s14 =	smov.u32 s1;
	p1 =	sne.s32 s28, $0x9E0  }
.Ltmp40:
0x5bf: {  	s28 =	sadd.s32 $0x20, s28;
	(pc) =	sbr.rel @p1 .LBB2_64-.Ltmp40, $2  }
0x5c0: {  	_ =	sdelay $0x2  }
0x5c1: {  	s1 =	sadd.s32 $0x48, s1;
	s15 =	sadd.s32 s15, s12  }
0x5c2: {  	[hbm4b:s15+s8] =	stream.linear.scatter [tilespmem:s14], [sflag:$0x6], $0x40, $0x38;
	[tilespmem:$0x1BC40] =	vst v63  }
.Ltmp41:
0x5c3: {  	_ = 	snop;
	(pc) =	sbr.rel .LBB2_71-.Ltmp41, $4  }
0x5c4: {  	_ =	swait.ge [sflag:s4], $0x1400  }
0x5c5: {  	s1 =	sld [smem:$0x7FD]  }
0x5c6: {  	[sflag:s4] =	ssyncset.done $0x0  }
0x5c7: {  	s12 =	simm.s32 $0x5;
	[sflag:s4] =	ssyncadd.s32 $0xFFFFEC00  }
.LBB2_73:
0x5c8: {  	_ =	sfence.sel $0x180000  }
0x5c9: {  	[bflag:$0x0] =	sbarrier.arrive $0xFFFF  }
0x5ca: {  	_ =	strace $0x90000047  }
0x5cb: {  	s0 =	stileid.u32;
	[bflag:$0x2] =	sbarrier.arrive $0xFFFF  }
0x5cc: {  	p0 =	sne.s32 s0, $0x0;
	s0 =	rddreg [dreg:$0x6]  }
0x5cd: {  	s0 =	sadd.s32 @!p0 $0x100000, s0  }
0x5ce: {  	[sflag:s0] =	ssyncadd.tile.s32 @!p0 $0x1;
	_ =	shalt  }
.Lfunc_end2:
_tile_overlayer_lowered:
.L_overlay_start_2:
0x5cf: {  	(tag) =	ssettag $0x2  }
0x5d0: {  	s0 =	rddreg [dreg:$0x0];
	s2 =	stileid.u32  }
0x5d1: {  	s1 =	rddreg [dreg:$0x1];
	p0 =	sne.s32 s2, $0x0  }
0x5d2: {  	s3 =	rddreg [dreg:$0x2];
	[bflag:$0x3] =	sbarrier.arrive $0xFFFF;
	s2 =	simm.s32 @!p0 $0x1C05  }
0x5d3: {  	[timem:s3], [sflag:s2] =	dma.local @!p0 [hbm:s0], s1  }
0x5d4: {  	s0 =	simm.s32 @!p0 $0x5  }
0x5d5: {  	_ =	swait.ge @!p0 [sflag:s0], s1  }
0x5d6: {  	s1 =	ssub.s32 @!p0 $0x0, s1;
	[sflag:s0] =	ssyncset.done @!p0 $0x0  }
0x5d7: {  	[sflag:s0] =	ssyncadd.s32 @!p0 s1  }
0x5d8: {  	[bflag:$0x3] =	sbarrier.arrive $0xFFFF  }
0x5d9: {  	_ =	shalt  }

</sc_bundles>
